<compile_context>
chip_gen: v7x
topology: tpu7x:2x2x1
jax: 0.10.2.dev20260603
libtpu: 0.0.44.dev20260713+nightly
codegen_flags: <defaults>
</compile_context>

<pallas_src>
import functools

import jax
import jax.numpy as jnp
from jax import lax
from jax.experimental import pallas as pl
from jax.experimental.pallas import tpu as pltpu
from jax.experimental.pallas import tpu_sc as plsc

N = 4096
NC = 2
NS = 16
NW = NC * NS
L = 16
NSC = 1280
ROWS = NSC // NW
ROWS_TAIL = ROWS % L
CHUNKS = N // L
TC_BR = 256


def _sc_body(e_hbm, t_hbm, est_hbm, out_hbm, e_v, t_v, est_v, k_v, part_v):
    cid = lax.axis_index("c")
    sid = lax.axis_index("s")
    wid = sid * NC + cid

    pltpu.sync_copy(e_hbm, e_v)
    pltpu.sync_copy(t_hbm, t_v)
    pltpu.sync_copy(est_hbm, est_v)

    def _key_chunk(i, carry):
        sl = pl.ds(i * L, L)
        kb = lax.bitcast_convert_type(jnp.exp(t_v[sl]), jnp.int32)
        k_v[sl] = kb + (1 - e_v[sl])
        return carry

    lax.fori_loop(0, CHUNKS, _key_chunk, 0)

    zeros = jnp.zeros((L,), jnp.float32)
    ones = jnp.ones((L,), jnp.float32)

    part_v[0, :] = zeros
    part_v[1, :] = zeros
    part_v[2, :] = zeros

    def _process_rows(base, nrows):
        rowk = k_v[pl.ds(base, L)]
        rowe = e_v[pl.ds(base, L)]
        rowest = est_v[pl.ds(base, L)]
        for r in range(nrows):
            ka_s = rowk[r]
            esta_s = rowest[r]
            ea_s = rowe[r]

            @pl.when(ea_s > 0)
            def _do_row(ka_s=ka_s, esta_s=esta_s):
                ka = jnp.full((L,), ka_s, jnp.int32)
                esta = jnp.full((L,), esta_s, jnp.float32)

                def _chunk(c, carry):
                    acc_t, acc_c, acc_e = carry
                    off = c * L
                    kb = k_v[pl.ds(off, L)]
                    estb = est_v[pl.ds(off, L)]
                    m1 = kb > ka
                    m_con = estb < esta
                    m_tie = jnp.abs(estb - esta) <= 1e-8
                    acc_t = acc_t + jnp.where(m1, ones, zeros)
                    acc_c = acc_c + jnp.where(m1 & m_con, ones, zeros)
                    acc_e = acc_e + jnp.where(m1 & m_tie, ones, zeros)
                    return acc_t, acc_c, acc_e

                acc_t, acc_c, acc_e = lax.fori_loop(
                    0, CHUNKS, _chunk, (zeros, zeros, zeros), unroll=4)
                part_v[0, :] = part_v[0, :] + acc_t
                part_v[1, :] = part_v[1, :] + acc_c
                part_v[2, :] = part_v[2, :] + acc_e

    def _row_chunk(rc, carry0):
        _process_rows(wid * ROWS + rc * L, L)
        return carry0

    lax.fori_loop(0, ROWS // L, _row_chunk, 0)
    if ROWS_TAIL:
        _process_rows(wid * ROWS + (ROWS // L) * L, ROWS_TAIL)
    pltpu.sync_copy(part_v, out_hbm.at[wid])


@jax.jit
def _sc_counts(e, t, est):
    mesh = plsc.VectorSubcoreMesh(core_axis_name="c", subcore_axis_name="s")
    f = functools.partial(
        pl.kernel,
        mesh=mesh,
        out_type=jax.ShapeDtypeStruct((NW, 3, L), jnp.float32),
        scratch_types=[
            pltpu.VMEM((N,), jnp.int32),
            pltpu.VMEM((N,), jnp.float32),
            pltpu.VMEM((N,), jnp.float32),
            pltpu.VMEM((N,), jnp.int32),
            pltpu.VMEM((3, L), jnp.float32),
        ],
    )(_sc_body)
    return f(e, t, est)


def _tc_body(tr_ref, er_ref, estr_ref, tc_ref, ec_ref, estc_ref, out_ref):
    i = pl.program_id(0)
    ka = lax.bitcast_convert_type(
        jnp.exp(jnp.reshape(tr_ref[...], (TC_BR, 1))), jnp.int32)
    ea = jnp.reshape(er_ref[...], (TC_BR, 1))
    esta = jnp.reshape(estr_ref[...], (TC_BR, 1))
    kb = lax.bitcast_convert_type(jnp.exp(tc_ref[...]), jnp.int32)
    kb = kb + (1 - ec_ref[...])
    estb = estc_ref[...]
    comp = (ea > 0) & (kb > ka)
    comp_f = jnp.where(comp, 1.0, 0.0)
    con_f = jnp.where(estb < esta, comp_f, 0.0)
    tie_f = jnp.where(jnp.abs(estb - esta) <= 1e-8, comp_f, 0.0)

    @pl.when(i == 0)
    def _init():
        out_ref[0] = 0.0
        out_ref[1] = 0.0
        out_ref[2] = 0.0

    ones_col = jnp.ones((N, 1), jnp.float32)
    out_ref[0] += jnp.sum(jnp.dot(comp_f, ones_col,
                                  preferred_element_type=jnp.float32))
    out_ref[1] += jnp.sum(jnp.dot(con_f, ones_col,
                                  preferred_element_type=jnp.float32))
    out_ref[2] += jnp.sum(jnp.dot(tie_f, ones_col,
                                  preferred_element_type=jnp.float32))


@jax.jit
def _tc_counts(t, e, est):
    grid = (N - NSC) // TC_BR
    off = NSC // TC_BR
    row_spec = pl.BlockSpec((1, TC_BR), lambda i: (0, i + off))
    col_spec = pl.BlockSpec((1, N), lambda i: (0, 0))
    return pl.pallas_call(
        _tc_body,
        grid=(grid,),
        in_specs=[row_spec, row_spec, row_spec, col_spec, col_spec, col_spec],
        out_specs=pl.BlockSpec(memory_space=pltpu.SMEM),
        out_shape=jax.ShapeDtypeStruct((3,), jnp.float32),
    )(t, e, est, t, e, est)


def kernel(event_indicator, event_time, estimate):
    e = jnp.reshape(event_indicator, (-1,)).astype(jnp.int32)
    t = jnp.reshape(event_time, (-1,)).astype(jnp.float32)
    est = jnp.reshape(estimate, (-1,)).astype(jnp.float32)
    parts = _sc_counts(e, t, est)
    tc = _tc_counts(t.reshape(1, -1), e.reshape(1, -1), est.reshape(1, -1))
    total = jnp.sum(parts[:, 0, :]) + tc[0]
    con = jnp.sum(parts[:, 1, :]) + tc[1]
    tie = jnp.sum(parts[:, 2, :]) + tc[2]
    disc = total - con - tie
    loss = (disc + 0.5 * tie) / (disc + con + tie + 1e-07)
    return 1.0 - loss

# --- scband reference (transcript-rebuilt; emitter-appended) ---
"""Pipeline reference for scband-concordance-loss-1692217114660 (READ-ONLY COPY).

The authoritative reference and input builder live on the scoring server;
editing this copy changes nothing except your own understanding.
"""

import jax, jax.numpy as jnp
import numpy as np


def setup_inputs(seed: int = 0) -> dict:
    key = jax.random.key(seed)
    k1, k2, k3 = jax.random.split(key, 3)
    n = 4096
    event_indicator = jax.random.randint(k1, (n,), 0, 2).astype(bool)
    event_time = jax.random.normal(k2, (n,), dtype=jnp.float32)
    estimate = jax.random.normal(k3, (n,), dtype=jnp.float32)
    return {"event_indicator": event_indicator, "event_time": event_time, "estimate": estimate}


def reference(event_indicator, event_time, estimate):
    # event_time = exp(event_time), squeeze
    t = jnp.exp(jnp.squeeze(event_time))
    est = jnp.squeeze(estimate)
    n = t.shape[0]
    order = jnp.argsort(t)
    t_s = t[order]
    e_s = event_indicator[order]
    est_s = est[order]

    i_idx = jnp.arange(n)[:, None]
    k_idx = jnp.arange(n)[None, :]
    later = k_idx > i_idx                      # k strictly after i in sorted order
    same_time = t_s[None, :] == t_s[:, None]   # tied event times
    tied_later = later & same_time
    strictly_later = later & (~same_time)

    e_i = e_s[:, None]
    e_k = e_s[None, :]

    # If event at i: comparable = all strictly-later times, plus tied samples WITHOUT an event
    mask_event = strictly_later | (tied_later & (~e_k))
    # If no event at i: comparable only when tied samples WITH an event exist
    mask_noevent = tied_later & e_k
    C = jnp.where(e_i, mask_event, mask_noevent)

    est_i = est_s[:, None]
    est_k = est_s[None, :]
    con_pair = jnp.where(e_i, est_k < est_i, est_k > est_i)
    con = jnp.sum(con_pair & C)
    tie = jnp.sum((jnp.abs(est_k - est_i) <= 1e-08) & C)
    total = jnp.sum(C)

    concordant = con.astype(jnp.float32)
    tied_risk = tie.astype(jnp.float32)
    discordant = total.astype(jnp.float32) - concordant - tied_risk

    loss = (discordant + 0.5 * tied_risk) / (discordant + concordant + tied_risk + 1e-07)
    return 1.0 - loss

if __name__ == "__main__":
    import jax
    _d = setup_inputs()
    print(jax.jit(kernel)(*tuple(_d.values())))

</pallas_src>

<mosaic_0001>
#map = affine_map<(d0, d1) -> (0)>
#map1 = affine_map<(d0, d1) -> (0, 0, 0)>
module attributes {stable_mosaic.version = 14 : i64} {
  func.func @_sc_body(%arg0: i32, %arg1: i32, %arg2: memref<4096xi32, #tpu.memory_space<hbm>>, %arg3: memref<4096xf32, #tpu.memory_space<hbm>>, %arg4: memref<4096xf32, #tpu.memory_space<hbm>>, %arg5: memref<32x3x16xf32, #tpu.memory_space<hbm>>, %arg6: memref<4096xi32, #tpu.memory_space<vmem>>, %arg7: memref<4096xf32, #tpu.memory_space<vmem>>, %arg8: memref<4096xf32, #tpu.memory_space<vmem>>, %arg9: memref<4096xi32, #tpu.memory_space<vmem>>, %arg10: memref<3x16xf32, #tpu.memory_space<vmem>>) attributes {dimension_semantics = [#tpu.dimension_semantics<core_parallel>, #tpu.dimension_semantics<subcore_parallel>], iteration_bounds = array<i64: 2, 16>, scalar_prefetch = 0 : i64, scratch_operands = 5 : i64, tpu.core_type = #tpu.core_type<sc_vector_subcore>, window_params = [{transform_indices = #map}, {transform_indices = #map}, {transform_indices = #map}, {transform_indices = #map1}]} {
    %mul3A = arith.constant 2 : i32
    %mul3A_0 = arith.muli %arg1, %mul3A : i32
    %add3A = arith.addi %mul3A_0, %arg0 : i32
    "tpu.region"() ({
      %run_scoped3A = tpu.sem_alloc : memref<!tpu.dma_semaphore, #tpu.memory_space<semaphore_mem>>
      tpu.enqueue_dma source(%arg2 : memref<4096xi32, #tpu.memory_space<hbm>>) target(%arg6 : memref<4096xi32, #tpu.memory_space<vmem>>) target_semaphore(%run_scoped3A : memref<!tpu.dma_semaphore, #tpu.memory_space<semaphore_mem>>)
      tpu.wait_dma2 semaphore(%run_scoped3A : memref<!tpu.dma_semaphore, #tpu.memory_space<semaphore_mem>>) src(%arg2 : memref<4096xi32, #tpu.memory_space<hbm>>) dst(%arg6 : memref<4096xi32, #tpu.memory_space<vmem>>)
      tpu.yield
    }) : () -> ()
    "tpu.region"() ({
      %run_scoped3A = tpu.sem_alloc : memref<!tpu.dma_semaphore, #tpu.memory_space<semaphore_mem>>
      tpu.enqueue_dma source(%arg3 : memref<4096xf32, #tpu.memory_space<hbm>>) target(%arg7 : memref<4096xf32, #tpu.memory_space<vmem>>) target_semaphore(%run_scoped3A : memref<!tpu.dma_semaphore, #tpu.memory_space<semaphore_mem>>)
      tpu.wait_dma2 semaphore(%run_scoped3A : memref<!tpu.dma_semaphore, #tpu.memory_space<semaphore_mem>>) src(%arg3 : memref<4096xf32, #tpu.memory_space<hbm>>) dst(%arg7 : memref<4096xf32, #tpu.memory_space<vmem>>)
      tpu.yield
    }) : () -> ()
    "tpu.region"() ({
      %run_scoped3A = tpu.sem_alloc : memref<!tpu.dma_semaphore, #tpu.memory_space<semaphore_mem>>
      tpu.enqueue_dma source(%arg4 : memref<4096xf32, #tpu.memory_space<hbm>>) target(%arg8 : memref<4096xf32, #tpu.memory_space<vmem>>) target_semaphore(%run_scoped3A : memref<!tpu.dma_semaphore, #tpu.memory_space<semaphore_mem>>)
      tpu.wait_dma2 semaphore(%run_scoped3A : memref<!tpu.dma_semaphore, #tpu.memory_space<semaphore_mem>>) src(%arg4 : memref<4096xf32, #tpu.memory_space<hbm>>) dst(%arg8 : memref<4096xf32, #tpu.memory_space<vmem>>)
      tpu.yield
    }) : () -> ()
    %scan3A = arith.constant 0 : i32
    %scan3A_1 = arith.constant 0 : i32
    %scan3A_2 = arith.constant 256 : i32
    %scan3A_3 = arith.addi %scan3A_1, %scan3A_2 : i32
    %scan3A_4 = arith.constant 1 : i32
    scf.for %scan3A_127 = %scan3A_1 to %scan3A_3 step %scan3A_4  : i32 {
      %mul3A_128 = arith.constant 16 : i32
      %mul3A_129 = arith.muli %scan3A_127, %mul3A_128 : i32
      %get3A_130 = arith.index_cast %mul3A_129 : i32 to index
      %get3A_131 = tpu.vector_load %arg7[%get3A_130] {strides = array<i32>} : memref<4096xf32, #tpu.memory_space<vmem>>, vector<16xf32>,
      %get3A_132 = vector.shape_cast %get3A_131 : vector<16xf32> to vector<16xf32>
      %exp3A = math.exp %get3A_132 : vector<16xf32>
      %bitcast_convert_type3A = tpu.bitcast %exp3A : vector<16xf32> -> vector<16xi32>
      %get3A_133 = arith.index_cast %mul3A_129 : i32 to index
      %get3A_134 = tpu.vector_load %arg6[%get3A_133] {strides = array<i32>} : memref<4096xi32, #tpu.memory_space<vmem>>, vector<16xi32>,
      %get3A_135 = vector.shape_cast %get3A_134 : vector<16xi32> to vector<16xi32>
      %sub3A = arith.constant 1 : i32
      %sub3A_136 = vector.broadcast %sub3A : i32 to vector<16xi32>
      %sub3A_137 = arith.subi %sub3A_136, %get3A_135 : vector<16xi32>
      %add3A_138 = arith.addi %bitcast_convert_type3A, %sub3A_137 : vector<16xi32>
      %swap3A_139 = arith.index_cast %mul3A_129 : i32 to index
      %swap3A_140 = tpu.vector_load %arg9[%swap3A_139] {strides = array<i32>} : memref<4096xi32, #tpu.memory_space<vmem>>, vector<16xi32>,
      %swap3A_141 = vector.shape_cast %swap3A_140 : vector<16xi32> to vector<16xi32>
      %swap3A_142 = vector.shape_cast %add3A_138 : vector<16xi32> to vector<16xi32>
      tpu.vector_store %arg9[%swap3A_139], %swap3A_142 {strides = array<i32>} : memref<4096xi32, #tpu.memory_space<vmem>>, vector<16xi32>,
    }
    %scan3A_5 = arith.constant 256 : i32
    %broadcast_in_dim3A = arith.constant 0.000000e+00 : f32
    %broadcast_in_dim3A_6 = vector.broadcast %broadcast_in_dim3A : f32 to vector<16xf32>
    %broadcast_in_dim3A_7 = arith.constant 1.000000e+00 : f32
    %broadcast_in_dim3A_8 = vector.broadcast %broadcast_in_dim3A_7 : f32 to vector<16xf32>
    %swap3A = arith.constant 0 : i32
    %swap3A_9 = arith.index_cast %swap3A : i32 to index
    %swap3A_10 = arith.constant 0 : index
    %swap3A_11 = tpu.vector_load %arg10[%swap3A_9, %swap3A_10] {strides = array<i32>} : memref<3x16xf32, #tpu.memory_space<vmem>>, vector<1x16xf32>,
    %swap3A_12 = vector.shape_cast %swap3A_11 : vector<1x16xf32> to vector<16xf32>
    %swap3A_13 = vector.shape_cast %broadcast_in_dim3A_6 : vector<16xf32> to vector<1x16xf32>
    tpu.vector_store %arg10[%swap3A_9, %swap3A_10], %swap3A_13 {strides = array<i32>} : memref<3x16xf32, #tpu.memory_space<vmem>>, vector<1x16xf32>,
    %swap3A_14 = arith.constant 1 : i32
    %swap3A_15 = arith.index_cast %swap3A_14 : i32 to index
    %swap3A_16 = arith.constant 0 : index
    %swap3A_17 = tpu.vector_load %arg10[%swap3A_15, %swap3A_16] {strides = array<i32>} : memref<3x16xf32, #tpu.memory_space<vmem>>, vector<1x16xf32>,
    %swap3A_18 = vector.shape_cast %swap3A_17 : vector<1x16xf32> to vector<16xf32>
    %swap3A_19 = vector.shape_cast %broadcast_in_dim3A_6 : vector<16xf32> to vector<1x16xf32>
    tpu.vector_store %arg10[%swap3A_15, %swap3A_16], %swap3A_19 {strides = array<i32>} : memref<3x16xf32, #tpu.memory_space<vmem>>, vector<1x16xf32>,
    %swap3A_20 = arith.constant 2 : i32
    %swap3A_21 = arith.index_cast %swap3A_20 : i32 to index
    %swap3A_22 = arith.constant 0 : index
    %swap3A_23 = tpu.vector_load %arg10[%swap3A_21, %swap3A_22] {strides = array<i32>} : memref<3x16xf32, #tpu.memory_space<vmem>>, vector<1x16xf32>,
    %swap3A_24 = vector.shape_cast %swap3A_23 : vector<1x16xf32> to vector<16xf32>
    %swap3A_25 = vector.shape_cast %broadcast_in_dim3A_6 : vector<16xf32> to vector<1x16xf32>
    tpu.vector_store %arg10[%swap3A_21, %swap3A_22], %swap3A_25 {strides = array<i32>} : memref<3x16xf32, #tpu.memory_space<vmem>>, vector<1x16xf32>,
    %scan3A_26 = arith.constant 0 : i32
    %scan3A_27 = arith.constant 0 : i32
    %scan3A_28 = arith.constant 2 : i32
    %scan3A_29 = arith.addi %scan3A_27, %scan3A_28 : i32
    %scan3A_30 = arith.constant 1 : i32
    scf.for %scan3A_127 = %scan3A_27 to %scan3A_29 step %scan3A_30  : i32 {
      %mul3A_128 = arith.constant 40 : i32
      %mul3A_129 = arith.muli %add3A, %mul3A_128 : i32
      %mul3A_130 = arith.constant 16 : i32
      %mul3A_131 = arith.muli %scan3A_127, %mul3A_130 : i32
      %add3A_132 = arith.addi %mul3A_129, %mul3A_131 : i32
      %get3A_133 = arith.index_cast %add3A_132 : i32 to index
      %get3A_134 = tpu.vector_load %arg9[%get3A_133] {strides = array<i32>} : memref<4096xi32, #tpu.memory_space<vmem>>, vector<16xi32>,
      %get3A_135 = vector.shape_cast %get3A_134 : vector<16xi32> to vector<16xi32>
      %get3A_136 = arith.index_cast %add3A_132 : i32 to index
      %get3A_137 = tpu.vector_load %arg6[%get3A_136] {strides = array<i32>} : memref<4096xi32, #tpu.memory_space<vmem>>, vector<16xi32>,
      %get3A_138 = vector.shape_cast %get3A_137 : vector<16xi32> to vector<16xi32>
      %get3A_139 = arith.index_cast %add3A_132 : i32 to index
      %get3A_140 = tpu.vector_load %arg8[%get3A_139] {strides = array<i32>} : memref<4096xf32, #tpu.memory_space<vmem>>, vector<16xf32>,
      %get3A_141 = vector.shape_cast %get3A_140 : vector<16xf32> to vector<16xf32>
      %slice3A_142 = vector.extract_strided_slice %get3A_135 {offsets = [0], sizes = [1], strides = [1]} : vector<16xi32> to vector<1xi32>
      %squeeze3A_143 = vector.extract %slice3A_142[0] : i32 from vector<1xi32>
      %slice3A_144 = vector.extract_strided_slice %get3A_141 {offsets = [0], sizes = [1], strides = [1]} : vector<16xf32> to vector<1xf32>
      %squeeze3A_145 = vector.extract %slice3A_144[0] : f32 from vector<1xf32>
      %slice3A_146 = vector.extract_strided_slice %get3A_138 {offsets = [0], sizes = [1], strides = [1]} : vector<16xi32> to vector<1xi32>
      %squeeze3A_147 = vector.extract %slice3A_146[0] : i32 from vector<1xi32>
      %gt3A_148 = arith.constant 0 : i32
      %gt3A_149 = arith.cmpi sgt, %squeeze3A_147, %gt3A_148 : i32
      %convert_element_type3A_150 = arith.extui %gt3A_149 : i1 to i32
      %cond3A_151 = arith.constant 0 : i32
      %cond3A_152 = arith.cmpi ne, %convert_element_type3A_150, %cond3A_151 : i32
      scf.if %cond3A_152 {
        %broadcast_in_dim3A_318 = vector.broadcast %squeeze3A_143 : i32 to vector<16xi32>
        %broadcast_in_dim3A_319 = vector.broadcast %squeeze3A_145 : f32 to vector<16xf32>
        %scan3A_320 = arith.constant 0 : i32
        %scan3A_321 = arith.constant 256 : i32
        %scan3A_322 = arith.addi %scan3A_320, %scan3A_321 : i32
        %scan3A_323 = arith.constant 4 : i32
        %scan3A_324:3 = scf.for %scan3A_362 = %scan3A_320 to %scan3A_322 step %scan3A_323 iter_args(%scan3A_363 = %broadcast_in_dim3A_6, %scan3A_364 = %broadcast_in_dim3A_6, %scan3A_365 = %broadcast_in_dim3A_6) -> (vector<16xf32>, vector<16xf32>, vector<16xf32>)  : i32 {
          %mul3A_366 = arith.constant 16 : i32
          %mul3A_367 = arith.muli %scan3A_362, %mul3A_366 : i32
          %get3A_368 = arith.index_cast %mul3A_367 : i32 to index
          %get3A_369 = tpu.vector_load %arg9[%get3A_368] {strides = array<i32>} : memref<4096xi32, #tpu.memory_space<vmem>>, vector<16xi32>,
          %get3A_370 = vector.shape_cast %get3A_369 : vector<16xi32> to vector<16xi32>
          %get3A_371 = arith.index_cast %mul3A_367 : i32 to index
          %get3A_372 = tpu.vector_load %arg8[%get3A_371] {strides = array<i32>} : memref<4096xf32, #tpu.memory_space<vmem>>, vector<16xf32>,
          %get3A_373 = vector.shape_cast %get3A_372 : vector<16xf32> to vector<16xf32>
          %gt3A_374 = arith.cmpi sgt, %get3A_370, %broadcast_in_dim3A_318 : vector<16xi32>
          %lt3A = arith.cmpf olt, %get3A_373, %broadcast_in_dim3A_319 : vector<16xf32>
          %sub3A = arith.subf %get3A_373, %broadcast_in_dim3A_319 : vector<16xf32>
          %abs3A = math.absf %sub3A : vector<16xf32>
          %le3A = arith.constant 9.99999993E-9 : f32
          %le3A_375 = vector.broadcast %le3A : f32 to vector<16xf32>
          %le3A_376 = arith.cmpf ole, %abs3A, %le3A_375 : vector<16xf32>
          %select_n3A = arith.select %gt3A_374, %broadcast_in_dim3A_8, %broadcast_in_dim3A_6 : vector<16xi1>, vector<16xf32>
          %add3A_377 = arith.addf %scan3A_363, %select_n3A : vector<16xf32>
          %and3A = arith.andi %gt3A_374, %lt3A : vector<16xi1>
          %select_n3A_378 = arith.select %and3A, %broadcast_in_dim3A_8, %broadcast_in_dim3A_6 : vector<16xi1>, vector<16xf32>
          %add3A_379 = arith.addf %scan3A_364, %select_n3A_378 : vector<16xf32>
          %and3A_380 = arith.andi %gt3A_374, %le3A_376 : vector<16xi1>
          %select_n3A_381 = arith.select %and3A_380, %broadcast_in_dim3A_8, %broadcast_in_dim3A_6 : vector<16xi1>, vector<16xf32>
          %add3A_382 = arith.addf %scan3A_365, %select_n3A_381 : vector<16xf32>
          %scan3A_383 = arith.constant 1 : i32
          %scan3A_384 = arith.addi %scan3A_362, %scan3A_383 : i32
          %mul3A_385 = arith.constant 16 : i32
          %mul3A_386 = arith.muli %scan3A_384, %mul3A_385 : i32
          %get3A_387 = arith.index_cast %mul3A_386 : i32 to index
          %get3A_388 = tpu.vector_load %arg9[%get3A_387] {strides = array<i32>} : memref<4096xi32, #tpu.memory_space<vmem>>, vector<16xi32>,
          %get3A_389 = vector.shape_cast %get3A_388 : vector<16xi32> to vector<16xi32>
          %get3A_390 = arith.index_cast %mul3A_386 : i32 to index
          %get3A_391 = tpu.vector_load %arg8[%get3A_390] {strides = array<i32>} : memref<4096xf32, #tpu.memory_space<vmem>>, vector<16xf32>,
          %get3A_392 = vector.shape_cast %get3A_391 : vector<16xf32> to vector<16xf32>
          %gt3A_393 = arith.cmpi sgt, %get3A_389, %broadcast_in_dim3A_318 : vector<16xi32>
          %lt3A_394 = arith.cmpf olt, %get3A_392, %broadcast_in_dim3A_319 : vector<16xf32>
          %sub3A_395 = arith.subf %get3A_392, %broadcast_in_dim3A_319 : vector<16xf32>
          %abs3A_396 = math.absf %sub3A_395 : vector<16xf32>
          %le3A_397 = arith.constant 9.99999993E-9 : f32
          %le3A_398 = vector.broadcast %le3A_397 : f32 to vector<16xf32>
          %le3A_399 = arith.cmpf ole, %abs3A_396, %le3A_398 : vector<16xf32>
          %select_n3A_400 = arith.select %gt3A_393, %broadcast_in_dim3A_8, %broadcast_in_dim3A_6 : vector<16xi1>, vector<16xf32>
          %add3A_401 = arith.addf %add3A_377, %select_n3A_400 : vector<16xf32>
          %and3A_402 = arith.andi %gt3A_393, %lt3A_394 : vector<16xi1>
          %select_n3A_403 = arith.select %and3A_402, %broadcast_in_dim3A_8, %broadcast_in_dim3A_6 : vector<16xi1>, vector<16xf32>
          %add3A_404 = arith.addf %add3A_379, %select_n3A_403 : vector<16xf32>
          %and3A_405 = arith.andi %gt3A_393, %le3A_399 : vector<16xi1>
          %select_n3A_406 = arith.select %and3A_405, %broadcast_in_dim3A_8, %broadcast_in_dim3A_6 : vector<16xi1>, vector<16xf32>
          %add3A_407 = arith.addf %add3A_382, %select_n3A_406 : vector<16xf32>
          %scan3A_408 = arith.constant 2 : i32
          %scan3A_409 = arith.addi %scan3A_362, %scan3A_408 : i32
          %mul3A_410 = arith.constant 16 : i32
          %mul3A_411 = arith.muli %scan3A_409, %mul3A_410 : i32
          %get3A_412 = arith.index_cast %mul3A_411 : i32 to index
          %get3A_413 = tpu.vector_load %arg9[%get3A_412] {strides = array<i32>} : memref<4096xi32, #tpu.memory_space<vmem>>, vector<16xi32>,
          %get3A_414 = vector.shape_cast %get3A_413 : vector<16xi32> to vector<16xi32>
          %get3A_415 = arith.index_cast %mul3A_411 : i32 to index
          %get3A_416 = tpu.vector_load %arg8[%get3A_415] {strides = array<i32>} : memref<4096xf32, #tpu.memory_space<vmem>>, vector<16xf32>,
          %get3A_417 = vector.shape_cast %get3A_416 : vector<16xf32> to vector<16xf32>
          %gt3A_418 = arith.cmpi sgt, %get3A_414, %broadcast_in_dim3A_318 : vector<16xi32>
          %lt3A_419 = arith.cmpf olt, %get3A_417, %broadcast_in_dim3A_319 : vector<16xf32>
          %sub3A_420 = arith.subf %get3A_417, %broadcast_in_dim3A_319 : vector<16xf32>
          %abs3A_421 = math.absf %sub3A_420 : vector<16xf32>
          %le3A_422 = arith.constant 9.99999993E-9 : f32
          %le3A_423 = vector.broadcast %le3A_422 : f32 to vector<16xf32>
          %le3A_424 = arith.cmpf ole, %abs3A_421, %le3A_423 : vector<16xf32>
          %select_n3A_425 = arith.select %gt3A_418, %broadcast_in_dim3A_8, %broadcast_in_dim3A_6 : vector<16xi1>, vector<16xf32>
          %add3A_426 = arith.addf %add3A_401, %select_n3A_425 : vector<16xf32>
          %and3A_427 = arith.andi %gt3A_418, %lt3A_419 : vector<16xi1>
          %select_n3A_428 = arith.select %and3A_427, %broadcast_in_dim3A_8, %broadcast_in_dim3A_6 : vector<16xi1>, vector<16xf32>
          %add3A_429 = arith.addf %add3A_404, %select_n3A_428 : vector<16xf32>
          %and3A_430 = arith.andi %gt3A_418, %le3A_424 : vector<16xi1>
          %select_n3A_431 = arith.select %and3A_430, %broadcast_in_dim3A_8, %broadcast_in_dim3A_6 : vector<16xi1>, vector<16xf32>
          %add3A_432 = arith.addf %add3A_407, %select_n3A_431 : vector<16xf32>
          %scan3A_433 = arith.constant 3 : i32
          %scan3A_434 = arith.addi %scan3A_362, %scan3A_433 : i32
          %mul3A_435 = arith.constant 16 : i32
          %mul3A_436 = arith.muli %scan3A_434, %mul3A_435 : i32
          %get3A_437 = arith.index_cast %mul3A_436 : i32 to index
          %get3A_438 = tpu.vector_load %arg9[%get3A_437] {strides = array<i32>} : memref<4096xi32, #tpu.memory_space<vmem>>, vector<16xi32>,
          %get3A_439 = vector.shape_cast %get3A_438 : vector<16xi32> to vector<16xi32>
          %get3A_440 = arith.index_cast %mul3A_436 : i32 to index
          %get3A_441 = tpu.vector_load %arg8[%get3A_440] {strides = array<i32>} : memref<4096xf32, #tpu.memory_space<vmem>>, vector<16xf32>,
          %get3A_442 = vector.shape_cast %get3A_441 : vector<16xf32> to vector<16xf32>
          %gt3A_443 = arith.cmpi sgt, %get3A_439, %broadcast_in_dim3A_318 : vector<16xi32>
          %lt3A_444 = arith.cmpf olt, %get3A_442, %broadcast_in_dim3A_319 : vector<16xf32>
          %sub3A_445 = arith.subf %get3A_442, %broadcast_in_dim3A_319 : vector<16xf32>
          %abs3A_446 = math.absf %sub3A_445 : vector<16xf32>
          %le3A_447 = arith.constant 9.99999993E-9 : f32
          %le3A_448 = vector.broadcast %le3A_447 : f32 to vector<16xf32>
          %le3A_449 = arith.cmpf ole, %abs3A_446, %le3A_448 : vector<16xf32>
          %select_n3A_450 = arith.select %gt3A_443, %broadcast_in_dim3A_8, %broadcast_in_dim3A_6 : vector<16xi1>, vector<16xf32>
          %add3A_451 = arith.addf %add3A_426, %select_n3A_450 : vector<16xf32>
          %and3A_452 = arith.andi %gt3A_443, %lt3A_444 : vector<16xi1>
          %select_n3A_453 = arith.select %and3A_452, %broadcast_in_dim3A_8, %broadcast_in_dim3A_6 : vector<16xi1>, vector<16xf32>
          %add3A_454 = arith.addf %add3A_429, %select_n3A_453 : vector<16xf32>
          %and3A_455 = arith.andi %gt3A_443, %le3A_449 : vector<16xi1>
          %select_n3A_456 = arith.select %and3A_455, %broadcast_in_dim3A_8, %broadcast_in_dim3A_6 : vector<16xi1>, vector<16xf32>
          %add3A_457 = arith.addf %add3A_432, %select_n3A_456 : vector<16xf32>
          scf.yield %add3A_451, %add3A_454, %add3A_457 : vector<16xf32>, vector<16xf32>, vector<16xf32>
        }
        %scan3A_325 = arith.constant 256 : i32
        %get3A_326 = arith.constant 0 : i32
        %get3A_327 = arith.index_cast %get3A_326 : i32 to index
        %get3A_328 = arith.constant 0 : index
        %get3A_329 = tpu.vector_load %arg10[%get3A_327, %get3A_328] {strides = array<i32>} : memref<3x16xf32, #tpu.memory_space<vmem>>, vector<1x16xf32>,
        %get3A_330 = vector.shape_cast %get3A_329 : vector<1x16xf32> to vector<16xf32>
        %add3A_331 = arith.addf %get3A_330, %scan3A_324#0 : vector<16xf32>
        %swap3A_332 = arith.constant 0 : i32
        %swap3A_333 = arith.index_cast %swap3A_332 : i32 to index
        %swap3A_334 = arith.constant 0 : index
        %swap3A_335 = tpu.vector_load %arg10[%swap3A_333, %swap3A_334] {strides = array<i32>} : memref<3x16xf32, #tpu.memory_space<vmem>>, vector<1x16xf32>,
        %swap3A_336 = vector.shape_cast %swap3A_335 : vector<1x16xf32> to vector<16xf32>
        %swap3A_337 = vector.shape_cast %add3A_331 : vector<16xf32> to vector<1x16xf32>
        tpu.vector_store %arg10[%swap3A_333, %swap3A_334], %swap3A_337 {strides = array<i32>} : memref<3x16xf32, #tpu.memory_space<vmem>>, vector<1x16xf32>,
        %get3A_338 = arith.constant 1 : i32
        %get3A_339 = arith.index_cast %get3A_338 : i32 to index
        %get3A_340 = arith.constant 0 : index
        %get3A_341 = tpu.vector_load %arg10[%get3A_339, %get3A_340] {strides = array<i32>} : memref<3x16xf32, #tpu.memory_space<vmem>>, vector<1x16xf32>,
        %get3A_342 = vector.shape_cast %get3A_341 : vector<1x16xf32> to vector<16xf32>
        %add3A_343 = arith.addf %get3A_342, %scan3A_324#1 : vector<16xf32>
        %swap3A_344 = arith.constant 1 : i32
        %swap3A_345 = arith.index_cast %swap3A_344 : i32 to index
        %swap3A_346 = arith.constant 0 : index
        %swap3A_347 = tpu.vector_load %arg10[%swap3A_345, %swap3A_346] {strides = array<i32>} : memref<3x16xf32, #tpu.memory_space<vmem>>, vector<1x16xf32>,
        %swap3A_348 = vector.shape_cast %swap3A_347 : vector<1x16xf32> to vector<16xf32>
        %swap3A_349 = vector.shape_cast %add3A_343 : vector<16xf32> to vector<1x16xf32>
        tpu.vector_store %arg10[%swap3A_345, %swap3A_346], %swap3A_349 {strides = array<i32>} : memref<3x16xf32, #tpu.memory_space<vmem>>, vector<1x16xf32>,
        %get3A_350 = arith.constant 2 : i32
        %get3A_351 = arith.index_cast %get3A_350 : i32 to index
        %get3A_352 = arith.constant 0 : index
        %get3A_353 = tpu.vector_load %arg10[%get3A_351, %get3A_352] {strides = array<i32>} : memref<3x16xf32, #tpu.memory_space<vmem>>, vector<1x16xf32>,
        %get3A_354 = vector.shape_cast %get3A_353 : vector<1x16xf32> to vector<16xf32>
        %add3A_355 = arith.addf %get3A_354, %scan3A_324#2 : vector<16xf32>
        %swap3A_356 = arith.constant 2 : i32
        %swap3A_357 = arith.index_cast %swap3A_356 : i32 to index
        %swap3A_358 = arith.constant 0 : index
        %swap3A_359 = tpu.vector_load %arg10[%swap3A_357, %swap3A_358] {strides = array<i32>} : memref<3x16xf32, #tpu.memory_space<vmem>>, vector<1x16xf32>,
        %swap3A_360 = vector.shape_cast %swap3A_359 : vector<1x16xf32> to vector<16xf32>
        %swap3A_361 = vector.shape_cast %add3A_355 : vector<16xf32> to vector<1x16xf32>
        tpu.vector_store %arg10[%swap3A_357, %swap3A_358], %swap3A_361 {strides = array<i32>} : memref<3x16xf32, #tpu.memory_space<vmem>>, vector<1x16xf32>,
      } else {
      }
      %slice3A_153 = vector.extract_strided_slice %get3A_135 {offsets = [1], sizes = [1], strides = [1]} : vector<16xi32> to vector<1xi32>
      %squeeze3A_154 = vector.extract %slice3A_153[0] : i32 from vector<1xi32>
      %slice3A_155 = vector.extract_strided_slice %get3A_141 {offsets = [1], sizes = [1], strides = [1]} : vector<16xf32> to vector<1xf32>
      %squeeze3A_156 = vector.extract %slice3A_155[0] : f32 from vector<1xf32>
      %slice3A_157 = vector.extract_strided_slice %get3A_138 {offsets = [1], sizes = [1], strides = [1]} : vector<16xi32> to vector<1xi32>
      %squeeze3A_158 = vector.extract %slice3A_157[0] : i32 from vector<1xi32>
      %gt3A_159 = arith.constant 0 : i32
      %gt3A_160 = arith.cmpi sgt, %squeeze3A_158, %gt3A_159 : i32
      %convert_element_type3A_161 = arith.extui %gt3A_160 : i1 to i32
      %cond3A_162 = arith.constant 0 : i32
      %cond3A_163 = arith.cmpi ne, %convert_element_type3A_161, %cond3A_162 : i32
      scf.if %cond3A_163 {
        %broadcast_in_dim3A_318 = vector.broadcast %squeeze3A_154 : i32 to vector<16xi32>
        %broadcast_in_dim3A_319 = vector.broadcast %squeeze3A_156 : f32 to vector<16xf32>
        %scan3A_320 = arith.constant 0 : i32
        %scan3A_321 = arith.constant 256 : i32
        %scan3A_322 = arith.addi %scan3A_320, %scan3A_321 : i32
        %scan3A_323 = arith.constant 4 : i32
        %scan3A_324:3 = scf.for %scan3A_362 = %scan3A_320 to %scan3A_322 step %scan3A_323 iter_args(%scan3A_363 = %broadcast_in_dim3A_6, %scan3A_364 = %broadcast_in_dim3A_6, %scan3A_365 = %broadcast_in_dim3A_6) -> (vector<16xf32>, vector<16xf32>, vector<16xf32>)  : i32 {
          %mul3A_366 = arith.constant 16 : i32
          %mul3A_367 = arith.muli %scan3A_362, %mul3A_366 : i32
          %get3A_368 = arith.index_cast %mul3A_367 : i32 to index
          %get3A_369 = tpu.vector_load %arg9[%get3A_368] {strides = array<i32>} : memref<4096xi32, #tpu.memory_space<vmem>>, vector<16xi32>,
          %get3A_370 = vector.shape_cast %get3A_369 : vector<16xi32> to vector<16xi32>
          %get3A_371 = arith.index_cast %mul3A_367 : i32 to index
          %get3A_372 = tpu.vector_load %arg8[%get3A_371] {strides = array<i32>} : memref<4096xf32, #tpu.memory_space<vmem>>, vector<16xf32>,
          %get3A_373 = vector.shape_cast %get3A_372 : vector<16xf32> to vector<16xf32>
          %gt3A_374 = arith.cmpi sgt, %get3A_370, %broadcast_in_dim3A_318 : vector<16xi32>
          %lt3A = arith.cmpf olt, %get3A_373, %broadcast_in_dim3A_319 : vector<16xf32>
          %sub3A = arith.subf %get3A_373, %broadcast_in_dim3A_319 : vector<16xf32>
          %abs3A = math.absf %sub3A : vector<16xf32>
          %le3A = arith.constant 9.99999993E-9 : f32
          %le3A_375 = vector.broadcast %le3A : f32 to vector<16xf32>
          %le3A_376 = arith.cmpf ole, %abs3A, %le3A_375 : vector<16xf32>
          %select_n3A = arith.select %gt3A_374, %broadcast_in_dim3A_8, %broadcast_in_dim3A_6 : vector<16xi1>, vector<16xf32>
          %add3A_377 = arith.addf %scan3A_363, %select_n3A : vector<16xf32>
          %and3A = arith.andi %gt3A_374, %lt3A : vector<16xi1>
          %select_n3A_378 = arith.select %and3A, %broadcast_in_dim3A_8, %broadcast_in_dim3A_6 : vector<16xi1>, vector<16xf32>
          %add3A_379 = arith.addf %scan3A_364, %select_n3A_378 : vector<16xf32>
          %and3A_380 = arith.andi %gt3A_374, %le3A_376 : vector<16xi1>
          %select_n3A_381 = arith.select %and3A_380, %broadcast_in_dim3A_8, %broadcast_in_dim3A_6 : vector<16xi1>, vector<16xf32>
          %add3A_382 = arith.addf %scan3A_365, %select_n3A_381 : vector<16xf32>
          %scan3A_383 = arith.constant 1 : i32
          %scan3A_384 = arith.addi %scan3A_362, %scan3A_383 : i32
          %mul3A_385 = arith.constant 16 : i32
          %mul3A_386 = arith.muli %scan3A_384, %mul3A_385 : i32
          %get3A_387 = arith.index_cast %mul3A_386 : i32 to index
          %get3A_388 = tpu.vector_load %arg9[%get3A_387] {strides = array<i32>} : memref<4096xi32, #tpu.memory_space<vmem>>, vector<16xi32>,
          %get3A_389 = vector.shape_cast %get3A_388 : vector<16xi32> to vector<16xi32>
          %get3A_390 = arith.index_cast %mul3A_386 : i32 to index
          %get3A_391 = tpu.vector_load %arg8[%get3A_390] {strides = array<i32>} : memref<4096xf32, #tpu.memory_space<vmem>>, vector<16xf32>,
          %get3A_392 = vector.shape_cast %get3A_391 : vector<16xf32> to vector<16xf32>
          %gt3A_393 = arith.cmpi sgt, %get3A_389, %broadcast_in_dim3A_318 : vector<16xi32>
          %lt3A_394 = arith.cmpf olt, %get3A_392, %broadcast_in_dim3A_319 : vector<16xf32>
          %sub3A_395 = arith.subf %get3A_392, %broadcast_in_dim3A_319 : vector<16xf32>
          %abs3A_396 = math.absf %sub3A_395 : vector<16xf32>
          %le3A_397 = arith.constant 9.99999993E-9 : f32
          %le3A_398 = vector.broadcast %le3A_397 : f32 to vector<16xf32>
          %le3A_399 = arith.cmpf ole, %abs3A_396, %le3A_398 : vector<16xf32>
          %select_n3A_400 = arith.select %gt3A_393, %broadcast_in_dim3A_8, %broadcast_in_dim3A_6 : vector<16xi1>, vector<16xf32>
          %add3A_401 = arith.addf %add3A_377, %select_n3A_400 : vector<16xf32>
          %and3A_402 = arith.andi %gt3A_393, %lt3A_394 : vector<16xi1>
          %select_n3A_403 = arith.select %and3A_402, %broadcast_in_dim3A_8, %broadcast_in_dim3A_6 : vector<16xi1>, vector<16xf32>
          %add3A_404 = arith.addf %add3A_379, %select_n3A_403 : vector<16xf32>
          %and3A_405 = arith.andi %gt3A_393, %le3A_399 : vector<16xi1>
          %select_n3A_406 = arith.select %and3A_405, %broadcast_in_dim3A_8, %broadcast_in_dim3A_6 : vector<16xi1>, vector<16xf32>
          %add3A_407 = arith.addf %add3A_382, %select_n3A_406 : vector<16xf32>
          %scan3A_408 = arith.constant 2 : i32
          %scan3A_409 = arith.addi %scan3A_362, %scan3A_408 : i32
          %mul3A_410 = arith.constant 16 : i32
          %mul3A_411 = arith.muli %scan3A_409, %mul3A_410 : i32
          %get3A_412 = arith.index_cast %mul3A_411 : i32 to index
          %get3A_413 = tpu.vector_load %arg9[%get3A_412] {strides = array<i32>} : memref<4096xi32, #tpu.memory_space<vmem>>, vector<16xi32>,
          %get3A_414 = vector.shape_cast %get3A_413 : vector<16xi32> to vector<16xi32>
          %get3A_415 = arith.index_cast %mul3A_411 : i32 to index
          %get3A_416 = tpu.vector_load %arg8[%get3A_415] {strides = array<i32>} : memref<4096xf32, #tpu.memory_space<vmem>>, vector<16xf32>,
          %get3A_417 = vector.shape_cast %get3A_416 : vector<16xf32> to vector<16xf32>
          %gt3A_418 = arith.cmpi sgt, %get3A_414, %broadcast_in_dim3A_318 : vector<16xi32>
          %lt3A_419 = arith.cmpf olt, %get3A_417, %broadcast_in_dim3A_319 : vector<16xf32>
          %sub3A_420 = arith.subf %get3A_417, %broadcast_in_dim3A_319 : vector<16xf32>
          %abs3A_421 = math.absf %sub3A_420 : vector<16xf32>
          %le3A_422 = arith.constant 9.99999993E-9 : f32
          %le3A_423 = vector.broadcast %le3A_422 : f32 to vector<16xf32>
          %le3A_424 = arith.cmpf ole, %abs3A_421, %le3A_423 : vector<16xf32>
          %select_n3A_425 = arith.select %gt3A_418, %broadcast_in_dim3A_8, %broadcast_in_dim3A_6 : vector<16xi1>, vector<16xf32>
          %add3A_426 = arith.addf %add3A_401, %select_n3A_425 : vector<16xf32>
          %and3A_427 = arith.andi %gt3A_418, %lt3A_419 : vector<16xi1>
          %select_n3A_428 = arith.select %and3A_427, %broadcast_in_dim3A_8, %broadcast_in_dim3A_6 : vector<16xi1>, vector<16xf32>
          %add3A_429 = arith.addf %add3A_404, %select_n3A_428 : vector<16xf32>
          %and3A_430 = arith.andi %gt3A_418, %le3A_424 : vector<16xi1>
          %select_n3A_431 = arith.select %and3A_430, %broadcast_in_dim3A_8, %broadcast_in_dim3A_6 : vector<16xi1>, vector<16xf32>
          %add3A_432 = arith.addf %add3A_407, %select_n3A_431 : vector<16xf32>
          %scan3A_433 = arith.constant 3 : i32
          %scan3A_434 = arith.addi %scan3A_362, %scan3A_433 : i32
          %mul3A_435 = arith.constant 16 : i32
          %mul3A_436 = arith.muli %scan3A_434, %mul3A_435 : i32
          %get3A_437 = arith.index_cast %mul3A_436 : i32 to index
          %get3A_438 = tpu.vector_load %arg9[%get3A_437] {strides = array<i32>} : memref<4096xi32, #tpu.memory_space<vmem>>, vector<16xi32>,
          %get3A_439 = vector.shape_cast %get3A_438 : vector<16xi32> to vector<16xi32>
          %get3A_440 = arith.index_cast %mul3A_436 : i32 to index
          %get3A_441 = tpu.vector_load %arg8[%get3A_440] {strides = array<i32>} : memref<4096xf32, #tpu.memory_space<vmem>>, vector<16xf32>,
          %get3A_442 = vector.shape_cast %get3A_441 : vector<16xf32> to vector<16xf32>
          %gt3A_443 = arith.cmpi sgt, %get3A_439, %broadcast_in_dim3A_318 : vector<16xi32>
          %lt3A_444 = arith.cmpf olt, %get3A_442, %broadcast_in_dim3A_319 : vector<16xf32>
          %sub3A_445 = arith.subf %get3A_442, %broadcast_in_dim3A_319 : vector<16xf32>
          %abs3A_446 = math.absf %sub3A_445 : vector<16xf32>
          %le3A_447 = arith.constant 9.99999993E-9 : f32
          %le3A_448 = vector.broadcast %le3A_447 : f32 to vector<16xf32>
          %le3A_449 = arith.cmpf ole, %abs3A_446, %le3A_448 : vector<16xf32>
          %select_n3A_450 = arith.select %gt3A_443, %broadcast_in_dim3A_8, %broadcast_in_dim3A_6 : vector<16xi1>, vector<16xf32>
          %add3A_451 = arith.addf %add3A_426, %select_n3A_450 : vector<16xf32>
          %and3A_452 = arith.andi %gt3A_443, %lt3A_444 : vector<16xi1>
          %select_n3A_453 = arith.select %and3A_452, %broadcast_in_dim3A_8, %broadcast_in_dim3A_6 : vector<16xi1>, vector<16xf32>
          %add3A_454 = arith.addf %add3A_429, %select_n3A_453 : vector<16xf32>
          %and3A_455 = arith.andi %gt3A_443, %le3A_449 : vector<16xi1>
          %select_n3A_456 = arith.select %and3A_455, %broadcast_in_dim3A_8, %broadcast_in_dim3A_6 : vector<16xi1>, vector<16xf32>
          %add3A_457 = arith.addf %add3A_432, %select_n3A_456 : vector<16xf32>
          scf.yield %add3A_451, %add3A_454, %add3A_457 : vector<16xf32>, vector<16xf32>, vector<16xf32>
        }
        %scan3A_325 = arith.constant 256 : i32
        %get3A_326 = arith.constant 0 : i32
        %get3A_327 = arith.index_cast %get3A_326 : i32 to index
        %get3A_328 = arith.constant 0 : index
        %get3A_329 = tpu.vector_load %arg10[%get3A_327, %get3A_328] {strides = array<i32>} : memref<3x16xf32, #tpu.memory_space<vmem>>, vector<1x16xf32>,
        %get3A_330 = vector.shape_cast %get3A_329 : vector<1x16xf32> to vector<16xf32>
        %add3A_331 = arith.addf %get3A_330, %scan3A_324#0 : vector<16xf32>
        %swap3A_332 = arith.constant 0 : i32
        %swap3A_333 = arith.index_cast %swap3A_332 : i32 to index
        %swap3A_334 = arith.constant 0 : index
        %swap3A_335 = tpu.vector_load %arg10[%swap3A_333, %swap3A_334] {strides = array<i32>} : memref<3x16xf32, #tpu.memory_space<vmem>>, vector<1x16xf32>,
        %swap3A_336 = vector.shape_cast %swap3A_335 : vector<1x16xf32> to vector<16xf32>
        %swap3A_337 = vector.shape_cast %add3A_331 : vector<16xf32> to vector<1x16xf32>
        tpu.vector_store %arg10[%swap3A_333, %swap3A_334], %swap3A_337 {strides = array<i32>} : memref<3x16xf32, #tpu.memory_space<vmem>>, vector<1x16xf32>,
        %get3A_338 = arith.constant 1 : i32
        %get3A_339 = arith.index_cast %get3A_338 : i32 to index
        %get3A_340 = arith.constant 0 : index
        %get3A_341 = tpu.vector_load %arg10[%get3A_339, %get3A_340] {strides = array<i32>} : memref<3x16xf32, #tpu.memory_space<vmem>>, vector<1x16xf32>,
        %get3A_342 = vector.shape_cast %get3A_341 : vector<1x16xf32> to vector<16xf32>
        %add3A_343 = arith.addf %get3A_342, %scan3A_324#1 : vector<16xf32>
        %swap3A_344 = arith.constant 1 : i32
        %swap3A_345 = arith.index_cast %swap3A_344 : i32 to index
        %swap3A_346 = arith.constant 0 : index
        %swap3A_347 = tpu.vector_load %arg10[%swap3A_345, %swap3A_346] {strides = array<i32>} : memref<3x16xf32, #tpu.memory_space<vmem>>, vector<1x16xf32>,
        %swap3A_348 = vector.shape_cast %swap3A_347 : vector<1x16xf32> to vector<16xf32>
        %swap3A_349 = vector.shape_cast %add3A_343 : vector<16xf32> to vector<1x16xf32>
        tpu.vector_store %arg10[%swap3A_345, %swap3A_346], %swap3A_349 {strides = array<i32>} : memref<3x16xf32, #tpu.memory_space<vmem>>, vector<1x16xf32>,
        %get3A_350 = arith.constant 2 : i32
        %get3A_351 = arith.index_cast %get3A_350 : i32 to index
        %get3A_352 = arith.constant 0 : index
        %get3A_353 = tpu.vector_load %arg10[%get3A_351, %get3A_352] {strides = array<i32>} : memref<3x16xf32, #tpu.memory_space<vmem>>, vector<1x16xf32>,
        %get3A_354 = vector.shape_cast %get3A_353 : vector<1x16xf32> to vector<16xf32>
        %add3A_355 = arith.addf %get3A_354, %scan3A_324#2 : vector<16xf32>
        %swap3A_356 = arith.constant 2 : i32
        %swap3A_357 = arith.index_cast %swap3A_356 : i32 to index
        %swap3A_358 = arith.constant 0 : index
        %swap3A_359 = tpu.vector_load %arg10[%swap3A_357, %swap3A_358] {strides = array<i32>} : memref<3x16xf32, #tpu.memory_space<vmem>>, vector<1x16xf32>,
        %swap3A_360 = vector.shape_cast %swap3A_359 : vector<1x16xf32> to vector<16xf32>
        %swap3A_361 = vector.shape_cast %add3A_355 : vector<16xf32> to vector<1x16xf32>
        tpu.vector_store %arg10[%swap3A_357, %swap3A_358], %swap3A_361 {strides = array<i32>} : memref<3x16xf32, #tpu.memory_space<vmem>>, vector<1x16xf32>,
      } else {
      }
      %slice3A_164 = vector.extract_strided_slice %get3A_135 {offsets = [2], sizes = [1], strides = [1]} : vector<16xi32> to vector<1xi32>
      %squeeze3A_165 = vector.extract %slice3A_164[0] : i32 from vector<1xi32>
      %slice3A_166 = vector.extract_strided_slice %get3A_141 {offsets = [2], sizes = [1], strides = [1]} : vector<16xf32> to vector<1xf32>
      %squeeze3A_167 = vector.extract %slice3A_166[0] : f32 from vector<1xf32>
      %slice3A_168 = vector.extract_strided_slice %get3A_138 {offsets = [2], sizes = [1], strides = [1]} : vector<16xi32> to vector<1xi32>
      %squeeze3A_169 = vector.extract %slice3A_168[0] : i32 from vector<1xi32>
      %gt3A_170 = arith.constant 0 : i32
      %gt3A_171 = arith.cmpi sgt, %squeeze3A_169, %gt3A_170 : i32
      %convert_element_type3A_172 = arith.extui %gt3A_171 : i1 to i32
      %cond3A_173 = arith.constant 0 : i32
      %cond3A_174 = arith.cmpi ne, %convert_element_type3A_172, %cond3A_173 : i32
      scf.if %cond3A_174 {
        %broadcast_in_dim3A_318 = vector.broadcast %squeeze3A_165 : i32 to vector<16xi32>
        %broadcast_in_dim3A_319 = vector.broadcast %squeeze3A_167 : f32 to vector<16xf32>
        %scan3A_320 = arith.constant 0 : i32
        %scan3A_321 = arith.constant 256 : i32
        %scan3A_322 = arith.addi %scan3A_320, %scan3A_321 : i32
        %scan3A_323 = arith.constant 4 : i32
        %scan3A_324:3 = scf.for %scan3A_362 = %scan3A_320 to %scan3A_322 step %scan3A_323 iter_args(%scan3A_363 = %broadcast_in_dim3A_6, %scan3A_364 = %broadcast_in_dim3A_6, %scan3A_365 = %broadcast_in_dim3A_6) -> (vector<16xf32>, vector<16xf32>, vector<16xf32>)  : i32 {
          %mul3A_366 = arith.constant 16 : i32
          %mul3A_367 = arith.muli %scan3A_362, %mul3A_366 : i32
          %get3A_368 = arith.index_cast %mul3A_367 : i32 to index
          %get3A_369 = tpu.vector_load %arg9[%get3A_368] {strides = array<i32>} : memref<4096xi32, #tpu.memory_space<vmem>>, vector<16xi32>,
          %get3A_370 = vector.shape_cast %get3A_369 : vector<16xi32> to vector<16xi32>
          %get3A_371 = arith.index_cast %mul3A_367 : i32 to index
          %get3A_372 = tpu.vector_load %arg8[%get3A_371] {strides = array<i32>} : memref<4096xf32, #tpu.memory_space<vmem>>, vector<16xf32>,
          %get3A_373 = vector.shape_cast %get3A_372 : vector<16xf32> to vector<16xf32>
          %gt3A_374 = arith.cmpi sgt, %get3A_370, %broadcast_in_dim3A_318 : vector<16xi32>
          %lt3A = arith.cmpf olt, %get3A_373, %broadcast_in_dim3A_319 : vector<16xf32>
          %sub3A = arith.subf %get3A_373, %broadcast_in_dim3A_319 : vector<16xf32>
          %abs3A = math.absf %sub3A : vector<16xf32>
          %le3A = arith.constant 9.99999993E-9 : f32
          %le3A_375 = vector.broadcast %le3A : f32 to vector<16xf32>
          %le3A_376 = arith.cmpf ole, %abs3A, %le3A_375 : vector<16xf32>
          %select_n3A = arith.select %gt3A_374, %broadcast_in_dim3A_8, %broadcast_in_dim3A_6 : vector<16xi1>, vector<16xf32>
          %add3A_377 = arith.addf %scan3A_363, %select_n3A : vector<16xf32>
          %and3A = arith.andi %gt3A_374, %lt3A : vector<16xi1>
          %select_n3A_378 = arith.select %and3A, %broadcast_in_dim3A_8, %broadcast_in_dim3A_6 : vector<16xi1>, vector<16xf32>
          %add3A_379 = arith.addf %scan3A_364, %select_n3A_378 : vector<16xf32>
          %and3A_380 = arith.andi %gt3A_374, %le3A_376 : vector<16xi1>
          %select_n3A_381 = arith.select %and3A_380, %broadcast_in_dim3A_8, %broadcast_in_dim3A_6 : vector<16xi1>, vector<16xf32>
          %add3A_382 = arith.addf %scan3A_365, %select_n3A_381 : vector<16xf32>
          %scan3A_383 = arith.constant 1 : i32
          %scan3A_384 = arith.addi %scan3A_362, %scan3A_383 : i32
          %mul3A_385 = arith.constant 16 : i32
          %mul3A_386 = arith.muli %scan3A_384, %mul3A_385 : i32
          %get3A_387 = arith.index_cast %mul3A_386 : i32 to index
          %get3A_388 = tpu.vector_load %arg9[%get3A_387] {strides = array<i32>} : memref<4096xi32, #tpu.memory_space<vmem>>, vector<16xi32>,
          %get3A_389 = vector.shape_cast %get3A_388 : vector<16xi32> to vector<16xi32>
          %get3A_390 = arith.index_cast %mul3A_386 : i32 to index
          %get3A_391 = tpu.vector_load %arg8[%get3A_390] {strides = array<i32>} : memref<4096xf32, #tpu.memory_space<vmem>>, vector<16xf32>,
          %get3A_392 = vector.shape_cast %get3A_391 : vector<16xf32> to vector<16xf32>
          %gt3A_393 = arith.cmpi sgt, %get3A_389, %broadcast_in_dim3A_318 : vector<16xi32>
          %lt3A_394 = arith.cmpf olt, %get3A_392, %broadcast_in_dim3A_319 : vector<16xf32>
          %sub3A_395 = arith.subf %get3A_392, %broadcast_in_dim3A_319 : vector<16xf32>
          %abs3A_396 = math.absf %sub3A_395 : vector<16xf32>
          %le3A_397 = arith.constant 9.99999993E-9 : f32
          %le3A_398 = vector.broadcast %le3A_397 : f32 to vector<16xf32>
          %le3A_399 = arith.cmpf ole, %abs3A_396, %le3A_398 : vector<16xf32>
          %select_n3A_400 = arith.select %gt3A_393, %broadcast_in_dim3A_8, %broadcast_in_dim3A_6 : vector<16xi1>, vector<16xf32>
          %add3A_401 = arith.addf %add3A_377, %select_n3A_400 : vector<16xf32>
          %and3A_402 = arith.andi %gt3A_393, %lt3A_394 : vector<16xi1>
          %select_n3A_403 = arith.select %and3A_402, %broadcast_in_dim3A_8, %broadcast_in_dim3A_6 : vector<16xi1>, vector<16xf32>
          %add3A_404 = arith.addf %add3A_379, %select_n3A_403 : vector<16xf32>
          %and3A_405 = arith.andi %gt3A_393, %le3A_399 : vector<16xi1>
          %select_n3A_406 = arith.select %and3A_405, %broadcast_in_dim3A_8, %broadcast_in_dim3A_6 : vector<16xi1>, vector<16xf32>
          %add3A_407 = arith.addf %add3A_382, %select_n3A_406 : vector<16xf32>
          %scan3A_408 = arith.constant 2 : i32
          %scan3A_409 = arith.addi %scan3A_362, %scan3A_408 : i32
          %mul3A_410 = arith.constant 16 : i32
          %mul3A_411 = arith.muli %scan3A_409, %mul3A_410 : i32
          %get3A_412 = arith.index_cast %mul3A_411 : i32 to index
          %get3A_413 = tpu.vector_load %arg9[%get3A_412] {strides = array<i32>} : memref<4096xi32, #tpu.memory_space<vmem>>, vector<16xi32>,
          %get3A_414 = vector.shape_cast %get3A_413 : vector<16xi32> to vector<16xi32>
          %get3A_415 = arith.index_cast %mul3A_411 : i32 to index
          %get3A_416 = tpu.vector_load %arg8[%get3A_415] {strides = array<i32>} : memref<4096xf32, #tpu.memory_space<vmem>>, vector<16xf32>,
          %get3A_417 = vector.shape_cast %get3A_416 : vector<16xf32> to vector<16xf32>
          %gt3A_418 = arith.cmpi sgt, %get3A_414, %broadcast_in_dim3A_318 : vector<16xi32>
          %lt3A_419 = arith.cmpf olt, %get3A_417, %broadcast_in_dim3A_319 : vector<16xf32>
          %sub3A_420 = arith.subf %get3A_417, %broadcast_in_dim3A_319 : vector<16xf32>
          %abs3A_421 = math.absf %sub3A_420 : vector<16xf32>
          %le3A_422 = arith.constant 9.99999993E-9 : f32
          %le3A_423 = vector.broadcast %le3A_422 : f32 to vector<16xf32>
          %le3A_424 = arith.cmpf ole, %abs3A_421, %le3A_423 : vector<16xf32>
          %select_n3A_425 = arith.select %gt3A_418, %broadcast_in_dim3A_8, %broadcast_in_dim3A_6 : vector<16xi1>, vector<16xf32>
          %add3A_426 = arith.addf %add3A_401, %select_n3A_425 : vector<16xf32>
          %and3A_427 = arith.andi %gt3A_418, %lt3A_419 : vector<16xi1>
          %select_n3A_428 = arith.select %and3A_427, %broadcast_in_dim3A_8, %broadcast_in_dim3A_6 : vector<16xi1>, vector<16xf32>
          %add3A_429 = arith.addf %add3A_404, %select_n3A_428 : vector<16xf32>
          %and3A_430 = arith.andi %gt3A_418, %le3A_424 : vector<16xi1>
          %select_n3A_431 = arith.select %and3A_430, %broadcast_in_dim3A_8, %broadcast_in_dim3A_6 : vector<16xi1>, vector<16xf32>
          %add3A_432 = arith.addf %add3A_407, %select_n3A_431 : vector<16xf32>
          %scan3A_433 = arith.constant 3 : i32
          %scan3A_434 = arith.addi %scan3A_362, %scan3A_433 : i32
          %mul3A_435 = arith.constant 16 : i32
          %mul3A_436 = arith.muli %scan3A_434, %mul3A_435 : i32
          %get3A_437 = arith.index_cast %mul3A_436 : i32 to index
          %get3A_438 = tpu.vector_load %arg9[%get3A_437] {strides = array<i32>} : memref<4096xi32, #tpu.memory_space<vmem>>, vector<16xi32>,
          %get3A_439 = vector.shape_cast %get3A_438 : vector<16xi32> to vector<16xi32>
          %get3A_440 = arith.index_cast %mul3A_436 : i32 to index
          %get3A_441 = tpu.vector_load %arg8[%get3A_440] {strides = array<i32>} : memref<4096xf32, #tpu.memory_space<vmem>>, vector<16xf32>,
          %get3A_442 = vector.shape_cast %get3A_441 : vector<16xf32> to vector<16xf32>
          %gt3A_443 = arith.cmpi sgt, %get3A_439, %broadcast_in_dim3A_318 : vector<16xi32>
          %lt3A_444 = arith.cmpf olt, %get3A_442, %broadcast_in_dim3A_319 : vector<16xf32>
          %sub3A_445 = arith.subf %get3A_442, %broadcast_in_dim3A_319 : vector<16xf32>
          %abs3A_446 = math.absf %sub3A_445 : vector<16xf32>
          %le3A_447 = arith.constant 9.99999993E-9 : f32
          %le3A_448 = vector.broadcast %le3A_447 : f32 to vector<16xf32>
          %le3A_449 = arith.cmpf ole, %abs3A_446, %le3A_448 : vector<16xf32>
          %select_n3A_450 = arith.select %gt3A_443, %broadcast_in_dim3A_8, %broadcast_in_dim3A_6 : vector<16xi1>, vector<16xf32>
          %add3A_451 = arith.addf %add3A_426, %select_n3A_450 : vector<16xf32>
          %and3A_452 = arith.andi %gt3A_443, %lt3A_444 : vector<16xi1>
          %select_n3A_453 = arith.select %and3A_452, %broadcast_in_dim3A_8, %broadcast_in_dim3A_6 : vector<16xi1>, vector<16xf32>
          %add3A_454 = arith.addf %add3A_429, %select_n3A_453 : vector<16xf32>
          %and3A_455 = arith.andi %gt3A_443, %le3A_449 : vector<16xi1>
          %select_n3A_456 = arith.select %and3A_455, %broadcast_in_dim3A_8, %broadcast_in_dim3A_6 : vector<16xi1>, vector<16xf32>
          %add3A_457 = arith.addf %add3A_432, %select_n3A_456 : vector<16xf32>
          scf.yield %add3A_451, %add3A_454, %add3A_457 : vector<16xf32>, vector<16xf32>, vector<16xf32>
        }
        %scan3A_325 = arith.constant 256 : i32
        %get3A_326 = arith.constant 0 : i32
        %get3A_327 = arith.index_cast %get3A_326 : i32 to index
        %get3A_328 = arith.constant 0 : index
        %get3A_329 = tpu.vector_load %arg10[%get3A_327, %get3A_328] {strides = array<i32>} : memref<3x16xf32, #tpu.memory_space<vmem>>, vector<1x16xf32>,
        %get3A_330 = vector.shape_cast %get3A_329 : vector<1x16xf32> to vector<16xf32>
        %add3A_331 = arith.addf %get3A_330, %scan3A_324#0 : vector<16xf32>
        %swap3A_332 = arith.constant 0 : i32
        %swap3A_333 = arith.index_cast %swap3A_332 : i32 to index
        %swap3A_334 = arith.constant 0 : index
        %swap3A_335 = tpu.vector_load %arg10[%swap3A_333, %swap3A_334] {strides = array<i32>} : memref<3x16xf32, #tpu.memory_space<vmem>>, vector<1x16xf32>,
        %swap3A_336 = vector.shape_cast %swap3A_335 : vector<1x16xf32> to vector<16xf32>
        %swap3A_337 = vector.shape_cast %add3A_331 : vector<16xf32> to vector<1x16xf32>
        tpu.vector_store %arg10[%swap3A_333, %swap3A_334], %swap3A_337 {strides = array<i32>} : memref<3x16xf32, #tpu.memory_space<vmem>>, vector<1x16xf32>,
        %get3A_338 = arith.constant 1 : i32
        %get3A_339 = arith.index_cast %get3A_338 : i32 to index
        %get3A_340 = arith.constant 0 : index
        %get3A_341 = tpu.vector_load %arg10[%get3A_339, %get3A_340] {strides = array<i32>} : memref<3x16xf32, #tpu.memory_space<vmem>>, vector<1x16xf32>,
        %get3A_342 = vector.shape_cast %get3A_341 : vector<1x16xf32> to vector<16xf32>
        %add3A_343 = arith.addf %get3A_342, %scan3A_324#1 : vector<16xf32>
        %swap3A_344 = arith.constant 1 : i32
        %swap3A_345 = arith.index_cast %swap3A_344 : i32 to index
        %swap3A_346 = arith.constant 0 : index
        %swap3A_347 = tpu.vector_load %arg10[%swap3A_345, %swap3A_346] {strides = array<i32>} : memref<3x16xf32, #tpu.memory_space<vmem>>, vector<1x16xf32>,
        %swap3A_348 = vector.shape_cast %swap3A_347 : vector<1x16xf32> to vector<16xf32>
        %swap3A_349 = vector.shape_cast %add3A_343 : vector<16xf32> to vector<1x16xf32>
        tpu.vector_store %arg10[%swap3A_345, %swap3A_346], %swap3A_349 {strides = array<i32>} : memref<3x16xf32, #tpu.memory_space<vmem>>, vector<1x16xf32>,
        %get3A_350 = arith.constant 2 : i32
        %get3A_351 = arith.index_cast %get3A_350 : i32 to index
        %get3A_352 = arith.constant 0 : index
        %get3A_353 = tpu.vector_load %arg10[%get3A_351, %get3A_352] {strides = array<i32>} : memref<3x16xf32, #tpu.memory_space<vmem>>, vector<1x16xf32>,
        %get3A_354 = vector.shape_cast %get3A_353 : vector<1x16xf32> to vector<16xf32>
        %add3A_355 = arith.addf %get3A_354, %scan3A_324#2 : vector<16xf32>
        %swap3A_356 = arith.constant 2 : i32
        %swap3A_357 = arith.index_cast %swap3A_356 : i32 to index
        %swap3A_358 = arith.constant 0 : index
        %swap3A_359 = tpu.vector_load %arg10[%swap3A_357, %swap3A_358] {strides = array<i32>} : memref<3x16xf32, #tpu.memory_space<vmem>>, vector<1x16xf32>,
        %swap3A_360 = vector.shape_cast %swap3A_359 : vector<1x16xf32> to vector<16xf32>
        %swap3A_361 = vector.shape_cast %add3A_355 : vector<16xf32> to vector<1x16xf32>
        tpu.vector_store %arg10[%swap3A_357, %swap3A_358], %swap3A_361 {strides = array<i32>} : memref<3x16xf32, #tpu.memory_space<vmem>>, vector<1x16xf32>,
      } else {
      }
      %slice3A_175 = vector.extract_strided_slice %get3A_135 {offsets = [3], sizes = [1], strides = [1]} : vector<16xi32> to vector<1xi32>
      %squeeze3A_176 = vector.extract %slice3A_175[0] : i32 from vector<1xi32>
      %slice3A_177 = vector.extract_strided_slice %get3A_141 {offsets = [3], sizes = [1], strides = [1]} : vector<16xf32> to vector<1xf32>
      %squeeze3A_178 = vector.extract %slice3A_177[0] : f32 from vector<1xf32>
      %slice3A_179 = vector.extract_strided_slice %get3A_138 {offsets = [3], sizes = [1], strides = [1]} : vector<16xi32> to vector<1xi32>
      %squeeze3A_180 = vector.extract %slice3A_179[0] : i32 from vector<1xi32>
      %gt3A_181 = arith.constant 0 : i32
      %gt3A_182 = arith.cmpi sgt, %squeeze3A_180, %gt3A_181 : i32
      %convert_element_type3A_183 = arith.extui %gt3A_182 : i1 to i32
      %cond3A_184 = arith.constant 0 : i32
      %cond3A_185 = arith.cmpi ne, %convert_element_type3A_183, %cond3A_184 : i32
      scf.if %cond3A_185 {
        %broadcast_in_dim3A_318 = vector.broadcast %squeeze3A_176 : i32 to vector<16xi32>
        %broadcast_in_dim3A_319 = vector.broadcast %squeeze3A_178 : f32 to vector<16xf32>
        %scan3A_320 = arith.constant 0 : i32
        %scan3A_321 = arith.constant 256 : i32
        %scan3A_322 = arith.addi %scan3A_320, %scan3A_321 : i32
        %scan3A_323 = arith.constant 4 : i32
        %scan3A_324:3 = scf.for %scan3A_362 = %scan3A_320 to %scan3A_322 step %scan3A_323 iter_args(%scan3A_363 = %broadcast_in_dim3A_6, %scan3A_364 = %broadcast_in_dim3A_6, %scan3A_365 = %broadcast_in_dim3A_6) -> (vector<16xf32>, vector<16xf32>, vector<16xf32>)  : i32 {
          %mul3A_366 = arith.constant 16 : i32
          %mul3A_367 = arith.muli %scan3A_362, %mul3A_366 : i32
          %get3A_368 = arith.index_cast %mul3A_367 : i32 to index
          %get3A_369 = tpu.vector_load %arg9[%get3A_368] {strides = array<i32>} : memref<4096xi32, #tpu.memory_space<vmem>>, vector<16xi32>,
          %get3A_370 = vector.shape_cast %get3A_369 : vector<16xi32> to vector<16xi32>
          %get3A_371 = arith.index_cast %mul3A_367 : i32 to index
          %get3A_372 = tpu.vector_load %arg8[%get3A_371] {strides = array<i32>} : memref<4096xf32, #tpu.memory_space<vmem>>, vector<16xf32>,
          %get3A_373 = vector.shape_cast %get3A_372 : vector<16xf32> to vector<16xf32>
          %gt3A_374 = arith.cmpi sgt, %get3A_370, %broadcast_in_dim3A_318 : vector<16xi32>
          %lt3A = arith.cmpf olt, %get3A_373, %broadcast_in_dim3A_319 : vector<16xf32>
          %sub3A = arith.subf %get3A_373, %broadcast_in_dim3A_319 : vector<16xf32>
          %abs3A = math.absf %sub3A : vector<16xf32>
          %le3A = arith.constant 9.99999993E-9 : f32
          %le3A_375 = vector.broadcast %le3A : f32 to vector<16xf32>
          %le3A_376 = arith.cmpf ole, %abs3A, %le3A_375 : vector<16xf32>
          %select_n3A = arith.select %gt3A_374, %broadcast_in_dim3A_8, %broadcast_in_dim3A_6 : vector<16xi1>, vector<16xf32>
          %add3A_377 = arith.addf %scan3A_363, %select_n3A : vector<16xf32>
          %and3A = arith.andi %gt3A_374, %lt3A : vector<16xi1>
          %select_n3A_378 = arith.select %and3A, %broadcast_in_dim3A_8, %broadcast_in_dim3A_6 : vector<16xi1>, vector<16xf32>
          %add3A_379 = arith.addf %scan3A_364, %select_n3A_378 : vector<16xf32>
          %and3A_380 = arith.andi %gt3A_374, %le3A_376 : vector<16xi1>
          %select_n3A_381 = arith.select %and3A_380, %broadcast_in_dim3A_8, %broadcast_in_dim3A_6 : vector<16xi1>, vector<16xf32>
          %add3A_382 = arith.addf %scan3A_365, %select_n3A_381 : vector<16xf32>
          %scan3A_383 = arith.constant 1 : i32
          %scan3A_384 = arith.addi %scan3A_362, %scan3A_383 : i32
          %mul3A_385 = arith.constant 16 : i32
          %mul3A_386 = arith.muli %scan3A_384, %mul3A_385 : i32
          %get3A_387 = arith.index_cast %mul3A_386 : i32 to index
          %get3A_388 = tpu.vector_load %arg9[%get3A_387] {strides = array<i32>} : memref<4096xi32, #tpu.memory_space<vmem>>, vector<16xi32>,
          %get3A_389 = vector.shape_cast %get3A_388 : vector<16xi32> to vector<16xi32>
          %get3A_390 = arith.index_cast %mul3A_386 : i32 to index
          %get3A_391 = tpu.vector_load %arg8[%get3A_390] {strides = array<i32>} : memref<4096xf32, #tpu.memory_space<vmem>>, vector<16xf32>,
          %get3A_392 = vector.shape_cast %get3A_391 : vector<16xf32> to vector<16xf32>
          %gt3A_393 = arith.cmpi sgt, %get3A_389, %broadcast_in_dim3A_318 : vector<16xi32>
          %lt3A_394 = arith.cmpf olt, %get3A_392, %broadcast_in_dim3A_319 : vector<16xf32>
          %sub3A_395 = arith.subf %get3A_392, %broadcast_in_dim3A_319 : vector<16xf32>
          %abs3A_396 = math.absf %sub3A_395 : vector<16xf32>
          %le3A_397 = arith.constant 9.99999993E-9 : f32
          %le3A_398 = vector.broadcast %le3A_397 : f32 to vector<16xf32>
          %le3A_399 = arith.cmpf ole, %abs3A_396, %le3A_398 : vector<16xf32>
          %select_n3A_400 = arith.select %gt3A_393, %broadcast_in_dim3A_8, %broadcast_in_dim3A_6 : vector<16xi1>, vector<16xf32>
          %add3A_401 = arith.addf %add3A_377, %select_n3A_400 : vector<16xf32>
          %and3A_402 = arith.andi %gt3A_393, %lt3A_394 : vector<16xi1>
          %select_n3A_403 = arith.select %and3A_402, %broadcast_in_dim3A_8, %broadcast_in_dim3A_6 : vector<16xi1>, vector<16xf32>
          %add3A_404 = arith.addf %add3A_379, %select_n3A_403 : vector<16xf32>
          %and3A_405 = arith.andi %gt3A_393, %le3A_399 : vector<16xi1>
          %select_n3A_406 = arith.select %and3A_405, %broadcast_in_dim3A_8, %broadcast_in_dim3A_6 : vector<16xi1>, vector<16xf32>
          %add3A_407 = arith.addf %add3A_382, %select_n3A_406 : vector<16xf32>
          %scan3A_408 = arith.constant 2 : i32
          %scan3A_409 = arith.addi %scan3A_362, %scan3A_408 : i32
          %mul3A_410 = arith.constant 16 : i32
          %mul3A_411 = arith.muli %scan3A_409, %mul3A_410 : i32
          %get3A_412 = arith.index_cast %mul3A_411 : i32 to index
          %get3A_413 = tpu.vector_load %arg9[%get3A_412] {strides = array<i32>} : memref<4096xi32, #tpu.memory_space<vmem>>, vector<16xi32>,
          %get3A_414 = vector.shape_cast %get3A_413 : vector<16xi32> to vector<16xi32>
          %get3A_415 = arith.index_cast %mul3A_411 : i32 to index
          %get3A_416 = tpu.vector_load %arg8[%get3A_415] {strides = array<i32>} : memref<4096xf32, #tpu.memory_space<vmem>>, vector<16xf32>,
          %get3A_417 = vector.shape_cast %get3A_416 : vector<16xf32> to vector<16xf32>
          %gt3A_418 = arith.cmpi sgt, %get3A_414, %broadcast_in_dim3A_318 : vector<16xi32>
          %lt3A_419 = arith.cmpf olt, %get3A_417, %broadcast_in_dim3A_319 : vector<16xf32>
          %sub3A_420 = arith.subf %get3A_417, %broadcast_in_dim3A_319 : vector<16xf32>
          %abs3A_421 = math.absf %sub3A_420 : vector<16xf32>
          %le3A_422 = arith.constant 9.99999993E-9 : f32
          %le3A_423 = vector.broadcast %le3A_422 : f32 to vector<16xf32>
          %le3A_424 = arith.cmpf ole, %abs3A_421, %le3A_423 : vector<16xf32>
          %select_n3A_425 = arith.select %gt3A_418, %broadcast_in_dim3A_8, %broadcast_in_dim3A_6 : vector<16xi1>, vector<16xf32>
          %add3A_426 = arith.addf %add3A_401, %select_n3A_425 : vector<16xf32>
          %and3A_427 = arith.andi %gt3A_418, %lt3A_419 : vector<16xi1>
          %select_n3A_428 = arith.select %and3A_427, %broadcast_in_dim3A_8, %broadcast_in_dim3A_6 : vector<16xi1>, vector<16xf32>
          %add3A_429 = arith.addf %add3A_404, %select_n3A_428 : vector<16xf32>
          %and3A_430 = arith.andi %gt3A_418, %le3A_424 : vector<16xi1>
          %select_n3A_431 = arith.select %and3A_430, %broadcast_in_dim3A_8, %broadcast_in_dim3A_6 : vector<16xi1>, vector<16xf32>
          %add3A_432 = arith.addf %add3A_407, %select_n3A_431 : vector<16xf32>
          %scan3A_433 = arith.constant 3 : i32
          %scan3A_434 = arith.addi %scan3A_362, %scan3A_433 : i32
          %mul3A_435 = arith.constant 16 : i32
          %mul3A_436 = arith.muli %scan3A_434, %mul3A_435 : i32
          %get3A_437 = arith.index_cast %mul3A_436 : i32 to index
          %get3A_438 = tpu.vector_load %arg9[%get3A_437] {strides = array<i32>} : memref<4096xi32, #tpu.memory_space<vmem>>, vector<16xi32>,
          %get3A_439 = vector.shape_cast %get3A_438 : vector<16xi32> to vector<16xi32>
          %get3A_440 = arith.index_cast %mul3A_436 : i32 to index
          %get3A_441 = tpu.vector_load %arg8[%get3A_440] {strides = array<i32>} : memref<4096xf32, #tpu.memory_space<vmem>>, vector<16xf32>,
          %get3A_442 = vector.shape_cast %get3A_441 : vector<16xf32> to vector<16xf32>
          %gt3A_443 = arith.cmpi sgt, %get3A_439, %broadcast_in_dim3A_318 : vector<16xi32>
          %lt3A_444 = arith.cmpf olt, %get3A_442, %broadcast_in_dim3A_319 : vector<16xf32>
          %sub3A_445 = arith.subf %get3A_442, %broadcast_in_dim3A_319 : vector<16xf32>
          %abs3A_446 = math.absf %sub3A_445 : vector<16xf32>
          %le3A_447 = arith.constant 9.99999993E-9 : f32
          %le3A_448 = vector.broadcast %le3A_447 : f32 to vector<16xf32>
          %le3A_449 = arith.cmpf ole, %abs3A_446, %le3A_448 : vector<16xf32>
          %select_n3A_450 = arith.select %gt3A_443, %broadcast_in_dim3A_8, %broadcast_in_dim3A_6 : vector<16xi1>, vector<16xf32>
          %add3A_451 = arith.addf %add3A_426, %select_n3A_450 : vector<16xf32>
          %and3A_452 = arith.andi %gt3A_443, %lt3A_444 : vector<16xi1>
          %select_n3A_453 = arith.select %and3A_452, %broadcast_in_dim3A_8, %broadcast_in_dim3A_6 : vector<16xi1>, vector<16xf32>
          %add3A_454 = arith.addf %add3A_429, %select_n3A_453 : vector<16xf32>
          %and3A_455 = arith.andi %gt3A_443, %le3A_449 : vector<16xi1>
          %select_n3A_456 = arith.select %and3A_455, %broadcast_in_dim3A_8, %broadcast_in_dim3A_6 : vector<16xi1>, vector<16xf32>
          %add3A_457 = arith.addf %add3A_432, %select_n3A_456 : vector<16xf32>
          scf.yield %add3A_451, %add3A_454, %add3A_457 : vector<16xf32>, vector<16xf32>, vector<16xf32>
        }
        %scan3A_325 = arith.constant 256 : i32
        %get3A_326 = arith.constant 0 : i32
        %get3A_327 = arith.index_cast %get3A_326 : i32 to index
        %get3A_328 = arith.constant 0 : index
        %get3A_329 = tpu.vector_load %arg10[%get3A_327, %get3A_328] {strides = array<i32>} : memref<3x16xf32, #tpu.memory_space<vmem>>, vector<1x16xf32>,
        %get3A_330 = vector.shape_cast %get3A_329 : vector<1x16xf32> to vector<16xf32>
        %add3A_331 = arith.addf %get3A_330, %scan3A_324#0 : vector<16xf32>
        %swap3A_332 = arith.constant 0 : i32
        %swap3A_333 = arith.index_cast %swap3A_332 : i32 to index
        %swap3A_334 = arith.constant 0 : index
        %swap3A_335 = tpu.vector_load %arg10[%swap3A_333, %swap3A_334] {strides = array<i32>} : memref<3x16xf32, #tpu.memory_space<vmem>>, vector<1x16xf32>,
        %swap3A_336 = vector.shape_cast %swap3A_335 : vector<1x16xf32> to vector<16xf32>
        %swap3A_337 = vector.shape_cast %add3A_331 : vector<16xf32> to vector<1x16xf32>
        tpu.vector_store %arg10[%swap3A_333, %swap3A_334], %swap3A_337 {strides = array<i32>} : memref<3x16xf32, #tpu.memory_space<vmem>>, vector<1x16xf32>,
        %get3A_338 = arith.constant 1 : i32
        %get3A_339 = arith.index_cast %get3A_338 : i32 to index
        %get3A_340 = arith.constant 0 : index
        %get3A_341 = tpu.vector_load %arg10[%get3A_339, %get3A_340] {strides = array<i32>} : memref<3x16xf32, #tpu.memory_space<vmem>>, vector<1x16xf32>,
        %get3A_342 = vector.shape_cast %get3A_341 : vector<1x16xf32> to vector<16xf32>
        %add3A_343 = arith.addf %get3A_342, %scan3A_324#1 : vector<16xf32>
        %swap3A_344 = arith.constant 1 : i32
        %swap3A_345 = arith.index_cast %swap3A_344 : i32 to index
        %swap3A_346 = arith.constant 0 : index
        %swap3A_347 = tpu.vector_load %arg10[%swap3A_345, %swap3A_346] {strides = array<i32>} : memref<3x16xf32, #tpu.memory_space<vmem>>, vector<1x16xf32>,
        %swap3A_348 = vector.shape_cast %swap3A_347 : vector<1x16xf32> to vector<16xf32>
        %swap3A_349 = vector.shape_cast %add3A_343 : vector<16xf32> to vector<1x16xf32>
        tpu.vector_store %arg10[%swap3A_345, %swap3A_346], %swap3A_349 {strides = array<i32>} : memref<3x16xf32, #tpu.memory_space<vmem>>, vector<1x16xf32>,
        %get3A_350 = arith.constant 2 : i32
        %get3A_351 = arith.index_cast %get3A_350 : i32 to index
        %get3A_352 = arith.constant 0 : index
        %get3A_353 = tpu.vector_load %arg10[%get3A_351, %get3A_352] {strides = array<i32>} : memref<3x16xf32, #tpu.memory_space<vmem>>, vector<1x16xf32>,
        %get3A_354 = vector.shape_cast %get3A_353 : vector<1x16xf32> to vector<16xf32>
        %add3A_355 = arith.addf %get3A_354, %scan3A_324#2 : vector<16xf32>
        %swap3A_356 = arith.constant 2 : i32
        %swap3A_357 = arith.index_cast %swap3A_356 : i32 to index
        %swap3A_358 = arith.constant 0 : index
        %swap3A_359 = tpu.vector_load %arg10[%swap3A_357, %swap3A_358] {strides = array<i32>} : memref<3x16xf32, #tpu.memory_space<vmem>>, vector<1x16xf32>,
        %swap3A_360 = vector.shape_cast %swap3A_359 : vector<1x16xf32> to vector<16xf32>
        %swap3A_361 = vector.shape_cast %add3A_355 : vector<16xf32> to vector<1x16xf32>
        tpu.vector_store %arg10[%swap3A_357, %swap3A_358], %swap3A_361 {strides = array<i32>} : memref<3x16xf32, #tpu.memory_space<vmem>>, vector<1x16xf32>,
      } else {
      }
      %slice3A_186 = vector.extract_strided_slice %get3A_135 {offsets = [4], sizes = [1], strides = [1]} : vector<16xi32> to vector<1xi32>
      %squeeze3A_187 = vector.extract %slice3A_186[0] : i32 from vector<1xi32>
      %slice3A_188 = vector.extract_strided_slice %get3A_141 {offsets = [4], sizes = [1], strides = [1]} : vector<16xf32> to vector<1xf32>
      %squeeze3A_189 = vector.extract %slice3A_188[0] : f32 from vector<1xf32>
      %slice3A_190 = vector.extract_strided_slice %get3A_138 {offsets = [4], sizes = [1], strides = [1]} : vector<16xi32> to vector<1xi32>
      %squeeze3A_191 = vector.extract %slice3A_190[0] : i32 from vector<1xi32>
      %gt3A_192 = arith.constant 0 : i32
      %gt3A_193 = arith.cmpi sgt, %squeeze3A_191, %gt3A_192 : i32
      %convert_element_type3A_194 = arith.extui %gt3A_193 : i1 to i32
      %cond3A_195 = arith.constant 0 : i32
      %cond3A_196 = arith.cmpi ne, %convert_element_type3A_194, %cond3A_195 : i32
      scf.if %cond3A_196 {
        %broadcast_in_dim3A_318 = vector.broadcast %squeeze3A_187 : i32 to vector<16xi32>
        %broadcast_in_dim3A_319 = vector.broadcast %squeeze3A_189 : f32 to vector<16xf32>
        %scan3A_320 = arith.constant 0 : i32
        %scan3A_321 = arith.constant 256 : i32
        %scan3A_322 = arith.addi %scan3A_320, %scan3A_321 : i32
        %scan3A_323 = arith.constant 4 : i32
        %scan3A_324:3 = scf.for %scan3A_362 = %scan3A_320 to %scan3A_322 step %scan3A_323 iter_args(%scan3A_363 = %broadcast_in_dim3A_6, %scan3A_364 = %broadcast_in_dim3A_6, %scan3A_365 = %broadcast_in_dim3A_6) -> (vector<16xf32>, vector<16xf32>, vector<16xf32>)  : i32 {
          %mul3A_366 = arith.constant 16 : i32
          %mul3A_367 = arith.muli %scan3A_362, %mul3A_366 : i32
          %get3A_368 = arith.index_cast %mul3A_367 : i32 to index
          %get3A_369 = tpu.vector_load %arg9[%get3A_368] {strides = array<i32>} : memref<4096xi32, #tpu.memory_space<vmem>>, vector<16xi32>,
          %get3A_370 = vector.shape_cast %get3A_369 : vector<16xi32> to vector<16xi32>
          %get3A_371 = arith.index_cast %mul3A_367 : i32 to index
          %get3A_372 = tpu.vector_load %arg8[%get3A_371] {strides = array<i32>} : memref<4096xf32, #tpu.memory_space<vmem>>, vector<16xf32>,
          %get3A_373 = vector.shape_cast %get3A_372 : vector<16xf32> to vector<16xf32>
          %gt3A_374 = arith.cmpi sgt, %get3A_370, %broadcast_in_dim3A_318 : vector<16xi32>
          %lt3A = arith.cmpf olt, %get3A_373, %broadcast_in_dim3A_319 : vector<16xf32>
          %sub3A = arith.subf %get3A_373, %broadcast_in_dim3A_319 : vector<16xf32>
          %abs3A = math.absf %sub3A : vector<16xf32>
          %le3A = arith.constant 9.99999993E-9 : f32
          %le3A_375 = vector.broadcast %le3A : f32 to vector<16xf32>
          %le3A_376 = arith.cmpf ole, %abs3A, %le3A_375 : vector<16xf32>
          %select_n3A = arith.select %gt3A_374, %broadcast_in_dim3A_8, %broadcast_in_dim3A_6 : vector<16xi1>, vector<16xf32>
          %add3A_377 = arith.addf %scan3A_363, %select_n3A : vector<16xf32>
          %and3A = arith.andi %gt3A_374, %lt3A : vector<16xi1>
          %select_n3A_378 = arith.select %and3A, %broadcast_in_dim3A_8, %broadcast_in_dim3A_6 : vector<16xi1>, vector<16xf32>
          %add3A_379 = arith.addf %scan3A_364, %select_n3A_378 : vector<16xf32>
          %and3A_380 = arith.andi %gt3A_374, %le3A_376 : vector<16xi1>
          %select_n3A_381 = arith.select %and3A_380, %broadcast_in_dim3A_8, %broadcast_in_dim3A_6 : vector<16xi1>, vector<16xf32>
          %add3A_382 = arith.addf %scan3A_365, %select_n3A_381 : vector<16xf32>
          %scan3A_383 = arith.constant 1 : i32
          %scan3A_384 = arith.addi %scan3A_362, %scan3A_383 : i32
          %mul3A_385 = arith.constant 16 : i32
          %mul3A_386 = arith.muli %scan3A_384, %mul3A_385 : i32
          %get3A_387 = arith.index_cast %mul3A_386 : i32 to index
          %get3A_388 = tpu.vector_load %arg9[%get3A_387] {strides = array<i32>} : memref<4096xi32, #tpu.memory_space<vmem>>, vector<16xi32>,
          %get3A_389 = vector.shape_cast %get3A_388 : vector<16xi32> to vector<16xi32>
          %get3A_390 = arith.index_cast %mul3A_386 : i32 to index
          %get3A_391 = tpu.vector_load %arg8[%get3A_390] {strides = array<i32>} : memref<4096xf32, #tpu.memory_space<vmem>>, vector<16xf32>,
          %get3A_392 = vector.shape_cast %get3A_391 : vector<16xf32> to vector<16xf32>
          %gt3A_393 = arith.cmpi sgt, %get3A_389, %broadcast_in_dim3A_318 : vector<16xi32>
          %lt3A_394 = arith.cmpf olt, %get3A_392, %broadcast_in_dim3A_319 : vector<16xf32>
          %sub3A_395 = arith.subf %get3A_392, %broadcast_in_dim3A_319 : vector<16xf32>
          %abs3A_396 = math.absf %sub3A_395 : vector<16xf32>
          %le3A_397 = arith.constant 9.99999993E-9 : f32
          %le3A_398 = vector.broadcast %le3A_397 : f32 to vector<16xf32>
          %le3A_399 = arith.cmpf ole, %abs3A_396, %le3A_398 : vector<16xf32>
          %select_n3A_400 = arith.select %gt3A_393, %broadcast_in_dim3A_8, %broadcast_in_dim3A_6 : vector<16xi1>, vector<16xf32>
          %add3A_401 = arith.addf %add3A_377, %select_n3A_400 : vector<16xf32>
          %and3A_402 = arith.andi %gt3A_393, %lt3A_394 : vector<16xi1>
          %select_n3A_403 = arith.select %and3A_402, %broadcast_in_dim3A_8, %broadcast_in_dim3A_6 : vector<16xi1>, vector<16xf32>
          %add3A_404 = arith.addf %add3A_379, %select_n3A_403 : vector<16xf32>
          %and3A_405 = arith.andi %gt3A_393, %le3A_399 : vector<16xi1>
          %select_n3A_406 = arith.select %and3A_405, %broadcast_in_dim3A_8, %broadcast_in_dim3A_6 : vector<16xi1>, vector<16xf32>
          %add3A_407 = arith.addf %add3A_382, %select_n3A_406 : vector<16xf32>
          %scan3A_408 = arith.constant 2 : i32
          %scan3A_409 = arith.addi %scan3A_362, %scan3A_408 : i32
          %mul3A_410 = arith.constant 16 : i32
          %mul3A_411 = arith.muli %scan3A_409, %mul3A_410 : i32
          %get3A_412 = arith.index_cast %mul3A_411 : i32 to index
          %get3A_413 = tpu.vector_load %arg9[%get3A_412] {strides = array<i32>} : memref<4096xi32, #tpu.memory_space<vmem>>, vector<16xi32>,
          %get3A_414 = vector.shape_cast %get3A_413 : vector<16xi32> to vector<16xi32>
          %get3A_415 = arith.index_cast %mul3A_411 : i32 to index
          %get3A_416 = tpu.vector_load %arg8[%get3A_415] {strides = array<i32>} : memref<4096xf32, #tpu.memory_space<vmem>>, vector<16xf32>,
          %get3A_417 = vector.shape_cast %get3A_416 : vector<16xf32> to vector<16xf32>
          %gt3A_418 = arith.cmpi sgt, %get3A_414, %broadcast_in_dim3A_318 : vector<16xi32>
          %lt3A_419 = arith.cmpf olt, %get3A_417, %broadcast_in_dim3A_319 : vector<16xf32>
          %sub3A_420 = arith.subf %get3A_417, %broadcast_in_dim3A_319 : vector<16xf32>
          %abs3A_421 = math.absf %sub3A_420 : vector<16xf32>
          %le3A_422 = arith.constant 9.99999993E-9 : f32
          %le3A_423 = vector.broadcast %le3A_422 : f32 to vector<16xf32>
          %le3A_424 = arith.cmpf ole, %abs3A_421, %le3A_423 : vector<16xf32>
          %select_n3A_425 = arith.select %gt3A_418, %broadcast_in_dim3A_8, %broadcast_in_dim3A_6 : vector<16xi1>, vector<16xf32>
          %add3A_426 = arith.addf %add3A_401, %select_n3A_425 : vector<16xf32>
          %and3A_427 = arith.andi %gt3A_418, %lt3A_419 : vector<16xi1>
          %select_n3A_428 = arith.select %and3A_427, %broadcast_in_dim3A_8, %broadcast_in_dim3A_6 : vector<16xi1>, vector<16xf32>
          %add3A_429 = arith.addf %add3A_404, %select_n3A_428 : vector<16xf32>
          %and3A_430 = arith.andi %gt3A_418, %le3A_424 : vector<16xi1>
          %select_n3A_431 = arith.select %and3A_430, %broadcast_in_dim3A_8, %broadcast_in_dim3A_6 : vector<16xi1>, vector<16xf32>
          %add3A_432 = arith.addf %add3A_407, %select_n3A_431 : vector<16xf32>
          %scan3A_433 = arith.constant 3 : i32
          %scan3A_434 = arith.addi %scan3A_362, %scan3A_433 : i32
          %mul3A_435 = arith.constant 16 : i32
          %mul3A_436 = arith.muli %scan3A_434, %mul3A_435 : i32
          %get3A_437 = arith.index_cast %mul3A_436 : i32 to index
          %get3A_438 = tpu.vector_load %arg9[%get3A_437] {strides = array<i32>} : memref<4096xi32, #tpu.memory_space<vmem>>, vector<16xi32>,
          %get3A_439 = vector.shape_cast %get3A_438 : vector<16xi32> to vector<16xi32>
          %get3A_440 = arith.index_cast %mul3A_436 : i32 to index
          %get3A_441 = tpu.vector_load %arg8[%get3A_440] {strides = array<i32>} : memref<4096xf32, #tpu.memory_space<vmem>>, vector<16xf32>,
          %get3A_442 = vector.shape_cast %get3A_441 : vector<16xf32> to vector<16xf32>
          %gt3A_443 = arith.cmpi sgt, %get3A_439, %broadcast_in_dim3A_318 : vector<16xi32>
          %lt3A_444 = arith.cmpf olt, %get3A_442, %broadcast_in_dim3A_319 : vector<16xf32>
          %sub3A_445 = arith.subf %get3A_442, %broadcast_in_dim3A_319 : vector<16xf32>
          %abs3A_446 = math.absf %sub3A_445 : vector<16xf32>
          %le3A_447 = arith.constant 9.99999993E-9 : f32
          %le3A_448 = vector.broadcast %le3A_447 : f32 to vector<16xf32>
          %le3A_449 = arith.cmpf ole, %abs3A_446, %le3A_448 : vector<16xf32>
          %select_n3A_450 = arith.select %gt3A_443, %broadcast_in_dim3A_8, %broadcast_in_dim3A_6 : vector<16xi1>, vector<16xf32>
          %add3A_451 = arith.addf %add3A_426, %select_n3A_450 : vector<16xf32>
          %and3A_452 = arith.andi %gt3A_443, %lt3A_444 : vector<16xi1>
          %select_n3A_453 = arith.select %and3A_452, %broadcast_in_dim3A_8, %broadcast_in_dim3A_6 : vector<16xi1>, vector<16xf32>
          %add3A_454 = arith.addf %add3A_429, %select_n3A_453 : vector<16xf32>
          %and3A_455 = arith.andi %gt3A_443, %le3A_449 : vector<16xi1>
          %select_n3A_456 = arith.select %and3A_455, %broadcast_in_dim3A_8, %broadcast_in_dim3A_6 : vector<16xi1>, vector<16xf32>
          %add3A_457 = arith.addf %add3A_432, %select_n3A_456 : vector<16xf32>
          scf.yield %add3A_451, %add3A_454, %add3A_457 : vector<16xf32>, vector<16xf32>, vector<16xf32>
        }
        %scan3A_325 = arith.constant 256 : i32
        %get3A_326 = arith.constant 0 : i32
        %get3A_327 = arith.index_cast %get3A_326 : i32 to index
        %get3A_328 = arith.constant 0 : index
        %get3A_329 = tpu.vector_load %arg10[%get3A_327, %get3A_328] {strides = array<i32>} : memref<3x16xf32, #tpu.memory_space<vmem>>, vector<1x16xf32>,
        %get3A_330 = vector.shape_cast %get3A_329 : vector<1x16xf32> to vector<16xf32>
        %add3A_331 = arith.addf %get3A_330, %scan3A_324#0 : vector<16xf32>
        %swap3A_332 = arith.constant 0 : i32
        %swap3A_333 = arith.index_cast %swap3A_332 : i32 to index
        %swap3A_334 = arith.constant 0 : index
        %swap3A_335 = tpu.vector_load %arg10[%swap3A_333, %swap3A_334] {strides = array<i32>} : memref<3x16xf32, #tpu.memory_space<vmem>>, vector<1x16xf32>,
        %swap3A_336 = vector.shape_cast %swap3A_335 : vector<1x16xf32> to vector<16xf32>
        %swap3A_337 = vector.shape_cast %add3A_331 : vector<16xf32> to vector<1x16xf32>
        tpu.vector_store %arg10[%swap3A_333, %swap3A_334], %swap3A_337 {strides = array<i32>} : memref<3x16xf32, #tpu.memory_space<vmem>>, vector<1x16xf32>,
        %get3A_338 = arith.constant 1 : i32
        %get3A_339 = arith.index_cast %get3A_338 : i32 to index
        %get3A_340 = arith.constant 0 : index
        %get3A_341 = tpu.vector_load %arg10[%get3A_339, %get3A_340] {strides = array<i32>} : memref<3x16xf32, #tpu.memory_space<vmem>>, vector<1x16xf32>,
        %get3A_342 = vector.shape_cast %get3A_341 : vector<1x16xf32> to vector<16xf32>
        %add3A_343 = arith.addf %get3A_342, %scan3A_324#1 : vector<16xf32>
        %swap3A_344 = arith.constant 1 : i32
        %swap3A_345 = arith.index_cast %swap3A_344 : i32 to index
        %swap3A_346 = arith.constant 0 : index
        %swap3A_347 = tpu.vector_load %arg10[%swap3A_345, %swap3A_346] {strides = array<i32>} : memref<3x16xf32, #tpu.memory_space<vmem>>, vector<1x16xf32>,
        %swap3A_348 = vector.shape_cast %swap3A_347 : vector<1x16xf32> to vector<16xf32>
        %swap3A_349 = vector.shape_cast %add3A_343 : vector<16xf32> to vector<1x16xf32>
        tpu.vector_store %arg10[%swap3A_345, %swap3A_346], %swap3A_349 {strides = array<i32>} : memref<3x16xf32, #tpu.memory_space<vmem>>, vector<1x16xf32>,
        %get3A_350 = arith.constant 2 : i32
        %get3A_351 = arith.index_cast %get3A_350 : i32 to index
        %get3A_352 = arith.constant 0 : index
        %get3A_353 = tpu.vector_load %arg10[%get3A_351, %get3A_352] {strides = array<i32>} : memref<3x16xf32, #tpu.memory_space<vmem>>, vector<1x16xf32>,
        %get3A_354 = vector.shape_cast %get3A_353 : vector<1x16xf32> to vector<16xf32>
        %add3A_355 = arith.addf %get3A_354, %scan3A_324#2 : vector<16xf32>
        %swap3A_356 = arith.constant 2 : i32
        %swap3A_357 = arith.index_cast %swap3A_356 : i32 to index
        %swap3A_358 = arith.constant 0 : index
        %swap3A_359 = tpu.vector_load %arg10[%swap3A_357, %swap3A_358] {strides = array<i32>} : memref<3x16xf32, #tpu.memory_space<vmem>>, vector<1x16xf32>,
        %swap3A_360 = vector.shape_cast %swap3A_359 : vector<1x16xf32> to vector<16xf32>
        %swap3A_361 = vector.shape_cast %add3A_355 : vector<16xf32> to vector<1x16xf32>
        tpu.vector_store %arg10[%swap3A_357, %swap3A_358], %swap3A_361 {strides = array<i32>} : memref<3x16xf32, #tpu.memory_space<vmem>>, vector<1x16xf32>,
      } else {
      }
      %slice3A_197 = vector.extract_strided_slice %get3A_135 {offsets = [5], sizes = [1], strides = [1]} : vector<16xi32> to vector<1xi32>
      %squeeze3A_198 = vector.extract %slice3A_197[0] : i32 from vector<1xi32>
      %slice3A_199 = vector.extract_strided_slice %get3A_141 {offsets = [5], sizes = [1], strides = [1]} : vector<16xf32> to vector<1xf32>
      %squeeze3A_200 = vector.extract %slice3A_199[0] : f32 from vector<1xf32>
      %slice3A_201 = vector.extract_strided_slice %get3A_138 {offsets = [5], sizes = [1], strides = [1]} : vector<16xi32> to vector<1xi32>
      %squeeze3A_202 = vector.extract %slice3A_201[0] : i32 from vector<1xi32>
      %gt3A_203 = arith.constant 0 : i32
      %gt3A_204 = arith.cmpi sgt, %squeeze3A_202, %gt3A_203 : i32
      %convert_element_type3A_205 = arith.extui %gt3A_204 : i1 to i32
      %cond3A_206 = arith.constant 0 : i32
      %cond3A_207 = arith.cmpi ne, %convert_element_type3A_205, %cond3A_206 : i32
      scf.if %cond3A_207 {
        %broadcast_in_dim3A_318 = vector.broadcast %squeeze3A_198 : i32 to vector<16xi32>
        %broadcast_in_dim3A_319 = vector.broadcast %squeeze3A_200 : f32 to vector<16xf32>
        %scan3A_320 = arith.constant 0 : i32
        %scan3A_321 = arith.constant 256 : i32
        %scan3A_322 = arith.addi %scan3A_320, %scan3A_321 : i32
        %scan3A_323 = arith.constant 4 : i32
        %scan3A_324:3 = scf.for %scan3A_362 = %scan3A_320 to %scan3A_322 step %scan3A_323 iter_args(%scan3A_363 = %broadcast_in_dim3A_6, %scan3A_364 = %broadcast_in_dim3A_6, %scan3A_365 = %broadcast_in_dim3A_6) -> (vector<16xf32>, vector<16xf32>, vector<16xf32>)  : i32 {
          %mul3A_366 = arith.constant 16 : i32
          %mul3A_367 = arith.muli %scan3A_362, %mul3A_366 : i32
          %get3A_368 = arith.index_cast %mul3A_367 : i32 to index
          %get3A_369 = tpu.vector_load %arg9[%get3A_368] {strides = array<i32>} : memref<4096xi32, #tpu.memory_space<vmem>>, vector<16xi32>,
          %get3A_370 = vector.shape_cast %get3A_369 : vector<16xi32> to vector<16xi32>
          %get3A_371 = arith.index_cast %mul3A_367 : i32 to index
          %get3A_372 = tpu.vector_load %arg8[%get3A_371] {strides = array<i32>} : memref<4096xf32, #tpu.memory_space<vmem>>, vector<16xf32>,
          %get3A_373 = vector.shape_cast %get3A_372 : vector<16xf32> to vector<16xf32>
          %gt3A_374 = arith.cmpi sgt, %get3A_370, %broadcast_in_dim3A_318 : vector<16xi32>
          %lt3A = arith.cmpf olt, %get3A_373, %broadcast_in_dim3A_319 : vector<16xf32>
          %sub3A = arith.subf %get3A_373, %broadcast_in_dim3A_319 : vector<16xf32>
          %abs3A = math.absf %sub3A : vector<16xf32>
          %le3A = arith.constant 9.99999993E-9 : f32
          %le3A_375 = vector.broadcast %le3A : f32 to vector<16xf32>
          %le3A_376 = arith.cmpf ole, %abs3A, %le3A_375 : vector<16xf32>
          %select_n3A = arith.select %gt3A_374, %broadcast_in_dim3A_8, %broadcast_in_dim3A_6 : vector<16xi1>, vector<16xf32>
          %add3A_377 = arith.addf %scan3A_363, %select_n3A : vector<16xf32>
          %and3A = arith.andi %gt3A_374, %lt3A : vector<16xi1>
          %select_n3A_378 = arith.select %and3A, %broadcast_in_dim3A_8, %broadcast_in_dim3A_6 : vector<16xi1>, vector<16xf32>
          %add3A_379 = arith.addf %scan3A_364, %select_n3A_378 : vector<16xf32>
          %and3A_380 = arith.andi %gt3A_374, %le3A_376 : vector<16xi1>
          %select_n3A_381 = arith.select %and3A_380, %broadcast_in_dim3A_8, %broadcast_in_dim3A_6 : vector<16xi1>, vector<16xf32>
          %add3A_382 = arith.addf %scan3A_365, %select_n3A_381 : vector<16xf32>
          %scan3A_383 = arith.constant 1 : i32
          %scan3A_384 = arith.addi %scan3A_362, %scan3A_383 : i32
          %mul3A_385 = arith.constant 16 : i32
          %mul3A_386 = arith.muli %scan3A_384, %mul3A_385 : i32
          %get3A_387 = arith.index_cast %mul3A_386 : i32 to index
          %get3A_388 = tpu.vector_load %arg9[%get3A_387] {strides = array<i32>} : memref<4096xi32, #tpu.memory_space<vmem>>, vector<16xi32>,
          %get3A_389 = vector.shape_cast %get3A_388 : vector<16xi32> to vector<16xi32>
          %get3A_390 = arith.index_cast %mul3A_386 : i32 to index
          %get3A_391 = tpu.vector_load %arg8[%get3A_390] {strides = array<i32>} : memref<4096xf32, #tpu.memory_space<vmem>>, vector<16xf32>,
          %get3A_392 = vector.shape_cast %get3A_391 : vector<16xf32> to vector<16xf32>
          %gt3A_393 = arith.cmpi sgt, %get3A_389, %broadcast_in_dim3A_318 : vector<16xi32>
          %lt3A_394 = arith.cmpf olt, %get3A_392, %broadcast_in_dim3A_319 : vector<16xf32>
          %sub3A_395 = arith.subf %get3A_392, %broadcast_in_dim3A_319 : vector<16xf32>
          %abs3A_396 = math.absf %sub3A_395 : vector<16xf32>
          %le3A_397 = arith.constant 9.99999993E-9 : f32
          %le3A_398 = vector.broadcast %le3A_397 : f32 to vector<16xf32>
          %le3A_399 = arith.cmpf ole, %abs3A_396, %le3A_398 : vector<16xf32>
          %select_n3A_400 = arith.select %gt3A_393, %broadcast_in_dim3A_8, %broadcast_in_dim3A_6 : vector<16xi1>, vector<16xf32>
          %add3A_401 = arith.addf %add3A_377, %select_n3A_400 : vector<16xf32>
          %and3A_402 = arith.andi %gt3A_393, %lt3A_394 : vector<16xi1>
          %select_n3A_403 = arith.select %and3A_402, %broadcast_in_dim3A_8, %broadcast_in_dim3A_6 : vector<16xi1>, vector<16xf32>
          %add3A_404 = arith.addf %add3A_379, %select_n3A_403 : vector<16xf32>
          %and3A_405 = arith.andi %gt3A_393, %le3A_399 : vector<16xi1>
          %select_n3A_406 = arith.select %and3A_405, %broadcast_in_dim3A_8, %broadcast_in_dim3A_6 : vector<16xi1>, vector<16xf32>
          %add3A_407 = arith.addf %add3A_382, %select_n3A_406 : vector<16xf32>
          %scan3A_408 = arith.constant 2 : i32
          %scan3A_409 = arith.addi %scan3A_362, %scan3A_408 : i32
          %mul3A_410 = arith.constant 16 : i32
          %mul3A_411 = arith.muli %scan3A_409, %mul3A_410 : i32
          %get3A_412 = arith.index_cast %mul3A_411 : i32 to index
          %get3A_413 = tpu.vector_load %arg9[%get3A_412] {strides = array<i32>} : memref<4096xi32, #tpu.memory_space<vmem>>, vector<16xi32>,
          %get3A_414 = vector.shape_cast %get3A_413 : vector<16xi32> to vector<16xi32>
          %get3A_415 = arith.index_cast %mul3A_411 : i32 to index
          %get3A_416 = tpu.vector_load %arg8[%get3A_415] {strides = array<i32>} : memref<4096xf32, #tpu.memory_space<vmem>>, vector<16xf32>,
          %get3A_417 = vector.shape_cast %get3A_416 : vector<16xf32> to vector<16xf32>
          %gt3A_418 = arith.cmpi sgt, %get3A_414, %broadcast_in_dim3A_318 : vector<16xi32>
          %lt3A_419 = arith.cmpf olt, %get3A_417, %broadcast_in_dim3A_319 : vector<16xf32>
          %sub3A_420 = arith.subf %get3A_417, %broadcast_in_dim3A_319 : vector<16xf32>
          %abs3A_421 = math.absf %sub3A_420 : vector<16xf32>
          %le3A_422 = arith.constant 9.99999993E-9 : f32
          %le3A_423 = vector.broadcast %le3A_422 : f32 to vector<16xf32>
          %le3A_424 = arith.cmpf ole, %abs3A_421, %le3A_423 : vector<16xf32>
          %select_n3A_425 = arith.select %gt3A_418, %broadcast_in_dim3A_8, %broadcast_in_dim3A_6 : vector<16xi1>, vector<16xf32>
          %add3A_426 = arith.addf %add3A_401, %select_n3A_425 : vector<16xf32>
          %and3A_427 = arith.andi %gt3A_418, %lt3A_419 : vector<16xi1>
          %select_n3A_428 = arith.select %and3A_427, %broadcast_in_dim3A_8, %broadcast_in_dim3A_6 : vector<16xi1>, vector<16xf32>
          %add3A_429 = arith.addf %add3A_404, %select_n3A_428 : vector<16xf32>
          %and3A_430 = arith.andi %gt3A_418, %le3A_424 : vector<16xi1>
          %select_n3A_431 = arith.select %and3A_430, %broadcast_in_dim3A_8, %broadcast_in_dim3A_6 : vector<16xi1>, vector<16xf32>
          %add3A_432 = arith.addf %add3A_407, %select_n3A_431 : vector<16xf32>
          %scan3A_433 = arith.constant 3 : i32
          %scan3A_434 = arith.addi %scan3A_362, %scan3A_433 : i32
          %mul3A_435 = arith.constant 16 : i32
          %mul3A_436 = arith.muli %scan3A_434, %mul3A_435 : i32
          %get3A_437 = arith.index_cast %mul3A_436 : i32 to index
          %get3A_438 = tpu.vector_load %arg9[%get3A_437] {strides = array<i32>} : memref<4096xi32, #tpu.memory_space<vmem>>, vector<16xi32>,
          %get3A_439 = vector.shape_cast %get3A_438 : vector<16xi32> to vector<16xi32>
          %get3A_440 = arith.index_cast %mul3A_436 : i32 to index
          %get3A_441 = tpu.vector_load %arg8[%get3A_440] {strides = array<i32>} : memref<4096xf32, #tpu.memory_space<vmem>>, vector<16xf32>,
          %get3A_442 = vector.shape_cast %get3A_441 : vector<16xf32> to vector<16xf32>
          %gt3A_443 = arith.cmpi sgt, %get3A_439, %broadcast_in_dim3A_318 : vector<16xi32>
          %lt3A_444 = arith.cmpf olt, %get3A_442, %broadcast_in_dim3A_319 : vector<16xf32>
          %sub3A_445 = arith.subf %get3A_442, %broadcast_in_dim3A_319 : vector<16xf32>
          %abs3A_446 = math.absf %sub3A_445 : vector<16xf32>
          %le3A_447 = arith.constant 9.99999993E-9 : f32
          %le3A_448 = vector.broadcast %le3A_447 : f32 to vector<16xf32>
          %le3A_449 = arith.cmpf ole, %abs3A_446, %le3A_448 : vector<16xf32>
          %select_n3A_450 = arith.select %gt3A_443, %broadcast_in_dim3A_8, %broadcast_in_dim3A_6 : vector<16xi1>, vector<16xf32>
          %add3A_451 = arith.addf %add3A_426, %select_n3A_450 : vector<16xf32>
          %and3A_452 = arith.andi %gt3A_443, %lt3A_444 : vector<16xi1>
          %select_n3A_453 = arith.select %and3A_452, %broadcast_in_dim3A_8, %broadcast_in_dim3A_6 : vector<16xi1>, vector<16xf32>
          %add3A_454 = arith.addf %add3A_429, %select_n3A_453 : vector<16xf32>
          %and3A_455 = arith.andi %gt3A_443, %le3A_449 : vector<16xi1>
          %select_n3A_456 = arith.select %and3A_455, %broadcast_in_dim3A_8, %broadcast_in_dim3A_6 : vector<16xi1>, vector<16xf32>
          %add3A_457 = arith.addf %add3A_432, %select_n3A_456 : vector<16xf32>
          scf.yield %add3A_451, %add3A_454, %add3A_457 : vector<16xf32>, vector<16xf32>, vector<16xf32>
        }
        %scan3A_325 = arith.constant 256 : i32
        %get3A_326 = arith.constant 0 : i32
        %get3A_327 = arith.index_cast %get3A_326 : i32 to index
        %get3A_328 = arith.constant 0 : index
        %get3A_329 = tpu.vector_load %arg10[%get3A_327, %get3A_328] {strides = array<i32>} : memref<3x16xf32, #tpu.memory_space<vmem>>, vector<1x16xf32>,
        %get3A_330 = vector.shape_cast %get3A_329 : vector<1x16xf32> to vector<16xf32>
        %add3A_331 = arith.addf %get3A_330, %scan3A_324#0 : vector<16xf32>
        %swap3A_332 = arith.constant 0 : i32
        %swap3A_333 = arith.index_cast %swap3A_332 : i32 to index
        %swap3A_334 = arith.constant 0 : index
        %swap3A_335 = tpu.vector_load %arg10[%swap3A_333, %swap3A_334] {strides = array<i32>} : memref<3x16xf32, #tpu.memory_space<vmem>>, vector<1x16xf32>,
        %swap3A_336 = vector.shape_cast %swap3A_335 : vector<1x16xf32> to vector<16xf32>
        %swap3A_337 = vector.shape_cast %add3A_331 : vector<16xf32> to vector<1x16xf32>
        tpu.vector_store %arg10[%swap3A_333, %swap3A_334], %swap3A_337 {strides = array<i32>} : memref<3x16xf32, #tpu.memory_space<vmem>>, vector<1x16xf32>,
        %get3A_338 = arith.constant 1 : i32
        %get3A_339 = arith.index_cast %get3A_338 : i32 to index
        %get3A_340 = arith.constant 0 : index
        %get3A_341 = tpu.vector_load %arg10[%get3A_339, %get3A_340] {strides = array<i32>} : memref<3x16xf32, #tpu.memory_space<vmem>>, vector<1x16xf32>,
        %get3A_342 = vector.shape_cast %get3A_341 : vector<1x16xf32> to vector<16xf32>
        %add3A_343 = arith.addf %get3A_342, %scan3A_324#1 : vector<16xf32>
        %swap3A_344 = arith.constant 1 : i32
        %swap3A_345 = arith.index_cast %swap3A_344 : i32 to index
        %swap3A_346 = arith.constant 0 : index
        %swap3A_347 = tpu.vector_load %arg10[%swap3A_345, %swap3A_346] {strides = array<i32>} : memref<3x16xf32, #tpu.memory_space<vmem>>, vector<1x16xf32>,
        %swap3A_348 = vector.shape_cast %swap3A_347 : vector<1x16xf32> to vector<16xf32>
        %swap3A_349 = vector.shape_cast %add3A_343 : vector<16xf32> to vector<1x16xf32>
        tpu.vector_store %arg10[%swap3A_345, %swap3A_346], %swap3A_349 {strides = array<i32>} : memref<3x16xf32, #tpu.memory_space<vmem>>, vector<1x16xf32>,
        %get3A_350 = arith.constant 2 : i32
        %get3A_351 = arith.index_cast %get3A_350 : i32 to index
        %get3A_352 = arith.constant 0 : index
        %get3A_353 = tpu.vector_load %arg10[%get3A_351, %get3A_352] {strides = array<i32>} : memref<3x16xf32, #tpu.memory_space<vmem>>, vector<1x16xf32>,
        %get3A_354 = vector.shape_cast %get3A_353 : vector<1x16xf32> to vector<16xf32>
        %add3A_355 = arith.addf %get3A_354, %scan3A_324#2 : vector<16xf32>
        %swap3A_356 = arith.constant 2 : i32
        %swap3A_357 = arith.index_cast %swap3A_356 : i32 to index
        %swap3A_358 = arith.constant 0 : index
        %swap3A_359 = tpu.vector_load %arg10[%swap3A_357, %swap3A_358] {strides = array<i32>} : memref<3x16xf32, #tpu.memory_space<vmem>>, vector<1x16xf32>,
        %swap3A_360 = vector.shape_cast %swap3A_359 : vector<1x16xf32> to vector<16xf32>
        %swap3A_361 = vector.shape_cast %add3A_355 : vector<16xf32> to vector<1x16xf32>
        tpu.vector_store %arg10[%swap3A_357, %swap3A_358], %swap3A_361 {strides = array<i32>} : memref<3x16xf32, #tpu.memory_space<vmem>>, vector<1x16xf32>,
      } else {
      }
      %slice3A_208 = vector.extract_strided_slice %get3A_135 {offsets = [6], sizes = [1], strides = [1]} : vector<16xi32> to vector<1xi32>
      %squeeze3A_209 = vector.extract %slice3A_208[0] : i32 from vector<1xi32>
      %slice3A_210 = vector.extract_strided_slice %get3A_141 {offsets = [6], sizes = [1], strides = [1]} : vector<16xf32> to vector<1xf32>
      %squeeze3A_211 = vector.extract %slice3A_210[0] : f32 from vector<1xf32>
      %slice3A_212 = vector.extract_strided_slice %get3A_138 {offsets = [6], sizes = [1], strides = [1]} : vector<16xi32> to vector<1xi32>
      %squeeze3A_213 = vector.extract %slice3A_212[0] : i32 from vector<1xi32>
      %gt3A_214 = arith.constant 0 : i32
      %gt3A_215 = arith.cmpi sgt, %squeeze3A_213, %gt3A_214 : i32
      %convert_element_type3A_216 = arith.extui %gt3A_215 : i1 to i32
      %cond3A_217 = arith.constant 0 : i32
      %cond3A_218 = arith.cmpi ne, %convert_element_type3A_216, %cond3A_217 : i32
      scf.if %cond3A_218 {
        %broadcast_in_dim3A_318 = vector.broadcast %squeeze3A_209 : i32 to vector<16xi32>
        %broadcast_in_dim3A_319 = vector.broadcast %squeeze3A_211 : f32 to vector<16xf32>
        %scan3A_320 = arith.constant 0 : i32
        %scan3A_321 = arith.constant 256 : i32
        %scan3A_322 = arith.addi %scan3A_320, %scan3A_321 : i32
        %scan3A_323 = arith.constant 4 : i32
        %scan3A_324:3 = scf.for %scan3A_362 = %scan3A_320 to %scan3A_322 step %scan3A_323 iter_args(%scan3A_363 = %broadcast_in_dim3A_6, %scan3A_364 = %broadcast_in_dim3A_6, %scan3A_365 = %broadcast_in_dim3A_6) -> (vector<16xf32>, vector<16xf32>, vector<16xf32>)  : i32 {
          %mul3A_366 = arith.constant 16 : i32
          %mul3A_367 = arith.muli %scan3A_362, %mul3A_366 : i32
          %get3A_368 = arith.index_cast %mul3A_367 : i32 to index
          %get3A_369 = tpu.vector_load %arg9[%get3A_368] {strides = array<i32>} : memref<4096xi32, #tpu.memory_space<vmem>>, vector<16xi32>,
          %get3A_370 = vector.shape_cast %get3A_369 : vector<16xi32> to vector<16xi32>
          %get3A_371 = arith.index_cast %mul3A_367 : i32 to index
          %get3A_372 = tpu.vector_load %arg8[%get3A_371] {strides = array<i32>} : memref<4096xf32, #tpu.memory_space<vmem>>, vector<16xf32>,
          %get3A_373 = vector.shape_cast %get3A_372 : vector<16xf32> to vector<16xf32>
          %gt3A_374 = arith.cmpi sgt, %get3A_370, %broadcast_in_dim3A_318 : vector<16xi32>
          %lt3A = arith.cmpf olt, %get3A_373, %broadcast_in_dim3A_319 : vector<16xf32>
          %sub3A = arith.subf %get3A_373, %broadcast_in_dim3A_319 : vector<16xf32>
          %abs3A = math.absf %sub3A : vector<16xf32>
          %le3A = arith.constant 9.99999993E-9 : f32
          %le3A_375 = vector.broadcast %le3A : f32 to vector<16xf32>
          %le3A_376 = arith.cmpf ole, %abs3A, %le3A_375 : vector<16xf32>
          %select_n3A = arith.select %gt3A_374, %broadcast_in_dim3A_8, %broadcast_in_dim3A_6 : vector<16xi1>, vector<16xf32>
          %add3A_377 = arith.addf %scan3A_363, %select_n3A : vector<16xf32>
          %and3A = arith.andi %gt3A_374, %lt3A : vector<16xi1>
          %select_n3A_378 = arith.select %and3A, %broadcast_in_dim3A_8, %broadcast_in_dim3A_6 : vector<16xi1>, vector<16xf32>
          %add3A_379 = arith.addf %scan3A_364, %select_n3A_378 : vector<16xf32>
          %and3A_380 = arith.andi %gt3A_374, %le3A_376 : vector<16xi1>
          %select_n3A_381 = arith.select %and3A_380, %broadcast_in_dim3A_8, %broadcast_in_dim3A_6 : vector<16xi1>, vector<16xf32>
          %add3A_382 = arith.addf %scan3A_365, %select_n3A_381 : vector<16xf32>
          %scan3A_383 = arith.constant 1 : i32
          %scan3A_384 = arith.addi %scan3A_362, %scan3A_383 : i32
          %mul3A_385 = arith.constant 16 : i32
          %mul3A_386 = arith.muli %scan3A_384, %mul3A_385 : i32
          %get3A_387 = arith.index_cast %mul3A_386 : i32 to index
          %get3A_388 = tpu.vector_load %arg9[%get3A_387] {strides = array<i32>} : memref<4096xi32, #tpu.memory_space<vmem>>, vector<16xi32>,
          %get3A_389 = vector.shape_cast %get3A_388 : vector<16xi32> to vector<16xi32>
          %get3A_390 = arith.index_cast %mul3A_386 : i32 to index
          %get3A_391 = tpu.vector_load %arg8[%get3A_390] {strides = array<i32>} : memref<4096xf32, #tpu.memory_space<vmem>>, vector<16xf32>,
          %get3A_392 = vector.shape_cast %get3A_391 : vector<16xf32> to vector<16xf32>
          %gt3A_393 = arith.cmpi sgt, %get3A_389, %broadcast_in_dim3A_318 : vector<16xi32>
          %lt3A_394 = arith.cmpf olt, %get3A_392, %broadcast_in_dim3A_319 : vector<16xf32>
          %sub3A_395 = arith.subf %get3A_392, %broadcast_in_dim3A_319 : vector<16xf32>
          %abs3A_396 = math.absf %sub3A_395 : vector<16xf32>
          %le3A_397 = arith.constant 9.99999993E-9 : f32
          %le3A_398 = vector.broadcast %le3A_397 : f32 to vector<16xf32>
          %le3A_399 = arith.cmpf ole, %abs3A_396, %le3A_398 : vector<16xf32>
          %select_n3A_400 = arith.select %gt3A_393, %broadcast_in_dim3A_8, %broadcast_in_dim3A_6 : vector<16xi1>, vector<16xf32>
          %add3A_401 = arith.addf %add3A_377, %select_n3A_400 : vector<16xf32>
          %and3A_402 = arith.andi %gt3A_393, %lt3A_394 : vector<16xi1>
          %select_n3A_403 = arith.select %and3A_402, %broadcast_in_dim3A_8, %broadcast_in_dim3A_6 : vector<16xi1>, vector<16xf32>
          %add3A_404 = arith.addf %add3A_379, %select_n3A_403 : vector<16xf32>
          %and3A_405 = arith.andi %gt3A_393, %le3A_399 : vector<16xi1>
          %select_n3A_406 = arith.select %and3A_405, %broadcast_in_dim3A_8, %broadcast_in_dim3A_6 : vector<16xi1>, vector<16xf32>
          %add3A_407 = arith.addf %add3A_382, %select_n3A_406 : vector<16xf32>
          %scan3A_408 = arith.constant 2 : i32
          %scan3A_409 = arith.addi %scan3A_362, %scan3A_408 : i32
          %mul3A_410 = arith.constant 16 : i32
          %mul3A_411 = arith.muli %scan3A_409, %mul3A_410 : i32
          %get3A_412 = arith.index_cast %mul3A_411 : i32 to index
          %get3A_413 = tpu.vector_load %arg9[%get3A_412] {strides = array<i32>} : memref<4096xi32, #tpu.memory_space<vmem>>, vector<16xi32>,
          %get3A_414 = vector.shape_cast %get3A_413 : vector<16xi32> to vector<16xi32>
          %get3A_415 = arith.index_cast %mul3A_411 : i32 to index
          %get3A_416 = tpu.vector_load %arg8[%get3A_415] {strides = array<i32>} : memref<4096xf32, #tpu.memory_space<vmem>>, vector<16xf32>,
          %get3A_417 = vector.shape_cast %get3A_416 : vector<16xf32> to vector<16xf32>
          %gt3A_418 = arith.cmpi sgt, %get3A_414, %broadcast_in_dim3A_318 : vector<16xi32>
          %lt3A_419 = arith.cmpf olt, %get3A_417, %broadcast_in_dim3A_319 : vector<16xf32>
          %sub3A_420 = arith.subf %get3A_417, %broadcast_in_dim3A_319 : vector<16xf32>
          %abs3A_421 = math.absf %sub3A_420 : vector<16xf32>
          %le3A_422 = arith.constant 9.99999993E-9 : f32
          %le3A_423 = vector.broadcast %le3A_422 : f32 to vector<16xf32>
          %le3A_424 = arith.cmpf ole, %abs3A_421, %le3A_423 : vector<16xf32>
          %select_n3A_425 = arith.select %gt3A_418, %broadcast_in_dim3A_8, %broadcast_in_dim3A_6 : vector<16xi1>, vector<16xf32>
          %add3A_426 = arith.addf %add3A_401, %select_n3A_425 : vector<16xf32>
          %and3A_427 = arith.andi %gt3A_418, %lt3A_419 : vector<16xi1>
          %select_n3A_428 = arith.select %and3A_427, %broadcast_in_dim3A_8, %broadcast_in_dim3A_6 : vector<16xi1>, vector<16xf32>
          %add3A_429 = arith.addf %add3A_404, %select_n3A_428 : vector<16xf32>
          %and3A_430 = arith.andi %gt3A_418, %le3A_424 : vector<16xi1>
          %select_n3A_431 = arith.select %and3A_430, %broadcast_in_dim3A_8, %broadcast_in_dim3A_6 : vector<16xi1>, vector<16xf32>
          %add3A_432 = arith.addf %add3A_407, %select_n3A_431 : vector<16xf32>
          %scan3A_433 = arith.constant 3 : i32
          %scan3A_434 = arith.addi %scan3A_362, %scan3A_433 : i32
          %mul3A_435 = arith.constant 16 : i32
          %mul3A_436 = arith.muli %scan3A_434, %mul3A_435 : i32
          %get3A_437 = arith.index_cast %mul3A_436 : i32 to index
          %get3A_438 = tpu.vector_load %arg9[%get3A_437] {strides = array<i32>} : memref<4096xi32, #tpu.memory_space<vmem>>, vector<16xi32>,
          %get3A_439 = vector.shape_cast %get3A_438 : vector<16xi32> to vector<16xi32>
          %get3A_440 = arith.index_cast %mul3A_436 : i32 to index
          %get3A_441 = tpu.vector_load %arg8[%get3A_440] {strides = array<i32>} : memref<4096xf32, #tpu.memory_space<vmem>>, vector<16xf32>,
          %get3A_442 = vector.shape_cast %get3A_441 : vector<16xf32> to vector<16xf32>
          %gt3A_443 = arith.cmpi sgt, %get3A_439, %broadcast_in_dim3A_318 : vector<16xi32>
          %lt3A_444 = arith.cmpf olt, %get3A_442, %broadcast_in_dim3A_319 : vector<16xf32>
          %sub3A_445 = arith.subf %get3A_442, %broadcast_in_dim3A_319 : vector<16xf32>
          %abs3A_446 = math.absf %sub3A_445 : vector<16xf32>
          %le3A_447 = arith.constant 9.99999993E-9 : f32
          %le3A_448 = vector.broadcast %le3A_447 : f32 to vector<16xf32>
          %le3A_449 = arith.cmpf ole, %abs3A_446, %le3A_448 : vector<16xf32>
          %select_n3A_450 = arith.select %gt3A_443, %broadcast_in_dim3A_8, %broadcast_in_dim3A_6 : vector<16xi1>, vector<16xf32>
          %add3A_451 = arith.addf %add3A_426, %select_n3A_450 : vector<16xf32>
          %and3A_452 = arith.andi %gt3A_443, %lt3A_444 : vector<16xi1>
          %select_n3A_453 = arith.select %and3A_452, %broadcast_in_dim3A_8, %broadcast_in_dim3A_6 : vector<16xi1>, vector<16xf32>
          %add3A_454 = arith.addf %add3A_429, %select_n3A_453 : vector<16xf32>
          %and3A_455 = arith.andi %gt3A_443, %le3A_449 : vector<16xi1>
          %select_n3A_456 = arith.select %and3A_455, %broadcast_in_dim3A_8, %broadcast_in_dim3A_6 : vector<16xi1>, vector<16xf32>
          %add3A_457 = arith.addf %add3A_432, %select_n3A_456 : vector<16xf32>
          scf.yield %add3A_451, %add3A_454, %add3A_457 : vector<16xf32>, vector<16xf32>, vector<16xf32>
        }
        %scan3A_325 = arith.constant 256 : i32
        %get3A_326 = arith.constant 0 : i32
        %get3A_327 = arith.index_cast %get3A_326 : i32 to index
        %get3A_328 = arith.constant 0 : index
        %get3A_329 = tpu.vector_load %arg10[%get3A_327, %get3A_328] {strides = array<i32>} : memref<3x16xf32, #tpu.memory_space<vmem>>, vector<1x16xf32>,
        %get3A_330 = vector.shape_cast %get3A_329 : vector<1x16xf32> to vector<16xf32>
        %add3A_331 = arith.addf %get3A_330, %scan3A_324#0 : vector<16xf32>
        %swap3A_332 = arith.constant 0 : i32
        %swap3A_333 = arith.index_cast %swap3A_332 : i32 to index
        %swap3A_334 = arith.constant 0 : index
        %swap3A_335 = tpu.vector_load %arg10[%swap3A_333, %swap3A_334] {strides = array<i32>} : memref<3x16xf32, #tpu.memory_space<vmem>>, vector<1x16xf32>,
        %swap3A_336 = vector.shape_cast %swap3A_335 : vector<1x16xf32> to vector<16xf32>
        %swap3A_337 = vector.shape_cast %add3A_331 : vector<16xf32> to vector<1x16xf32>
        tpu.vector_store %arg10[%swap3A_333, %swap3A_334], %swap3A_337 {strides = array<i32>} : memref<3x16xf32, #tpu.memory_space<vmem>>, vector<1x16xf32>,
        %get3A_338 = arith.constant 1 : i32
        %get3A_339 = arith.index_cast %get3A_338 : i32 to index
        %get3A_340 = arith.constant 0 : index
        %get3A_341 = tpu.vector_load %arg10[%get3A_339, %get3A_340] {strides = array<i32>} : memref<3x16xf32, #tpu.memory_space<vmem>>, vector<1x16xf32>,
        %get3A_342 = vector.shape_cast %get3A_341 : vector<1x16xf32> to vector<16xf32>
        %add3A_343 = arith.addf %get3A_342, %scan3A_324#1 : vector<16xf32>
        %swap3A_344 = arith.constant 1 : i32
        %swap3A_345 = arith.index_cast %swap3A_344 : i32 to index
        %swap3A_346 = arith.constant 0 : index
        %swap3A_347 = tpu.vector_load %arg10[%swap3A_345, %swap3A_346] {strides = array<i32>} : memref<3x16xf32, #tpu.memory_space<vmem>>, vector<1x16xf32>,
        %swap3A_348 = vector.shape_cast %swap3A_347 : vector<1x16xf32> to vector<16xf32>
        %swap3A_349 = vector.shape_cast %add3A_343 : vector<16xf32> to vector<1x16xf32>
        tpu.vector_store %arg10[%swap3A_345, %swap3A_346], %swap3A_349 {strides = array<i32>} : memref<3x16xf32, #tpu.memory_space<vmem>>, vector<1x16xf32>,
        %get3A_350 = arith.constant 2 : i32
        %get3A_351 = arith.index_cast %get3A_350 : i32 to index
        %get3A_352 = arith.constant 0 : index
        %get3A_353 = tpu.vector_load %arg10[%get3A_351, %get3A_352] {strides = array<i32>} : memref<3x16xf32, #tpu.memory_space<vmem>>, vector<1x16xf32>,
        %get3A_354 = vector.shape_cast %get3A_353 : vector<1x16xf32> to vector<16xf32>
        %add3A_355 = arith.addf %get3A_354, %scan3A_324#2 : vector<16xf32>
        %swap3A_356 = arith.constant 2 : i32
        %swap3A_357 = arith.index_cast %swap3A_356 : i32 to index
        %swap3A_358 = arith.constant 0 : index
        %swap3A_359 = tpu.vector_load %arg10[%swap3A_357, %swap3A_358] {strides = array<i32>} : memref<3x16xf32, #tpu.memory_space<vmem>>, vector<1x16xf32>,
        %swap3A_360 = vector.shape_cast %swap3A_359 : vector<1x16xf32> to vector<16xf32>
        %swap3A_361 = vector.shape_cast %add3A_355 : vector<16xf32> to vector<1x16xf32>
        tpu.vector_store %arg10[%swap3A_357, %swap3A_358], %swap3A_361 {strides = array<i32>} : memref<3x16xf32, #tpu.memory_space<vmem>>, vector<1x16xf32>,
      } else {
      }
      %slice3A_219 = vector.extract_strided_slice %get3A_135 {offsets = [7], sizes = [1], strides = [1]} : vector<16xi32> to vector<1xi32>
      %squeeze3A_220 = vector.extract %slice3A_219[0] : i32 from vector<1xi32>
      %slice3A_221 = vector.extract_strided_slice %get3A_141 {offsets = [7], sizes = [1], strides = [1]} : vector<16xf32> to vector<1xf32>
      %squeeze3A_222 = vector.extract %slice3A_221[0] : f32 from vector<1xf32>
      %slice3A_223 = vector.extract_strided_slice %get3A_138 {offsets = [7], sizes = [1], strides = [1]} : vector<16xi32> to vector<1xi32>
      %squeeze3A_224 = vector.extract %slice3A_223[0] : i32 from vector<1xi32>
      %gt3A_225 = arith.constant 0 : i32
      %gt3A_226 = arith.cmpi sgt, %squeeze3A_224, %gt3A_225 : i32
      %convert_element_type3A_227 = arith.extui %gt3A_226 : i1 to i32
      %cond3A_228 = arith.constant 0 : i32
      %cond3A_229 = arith.cmpi ne, %convert_element_type3A_227, %cond3A_228 : i32
      scf.if %cond3A_229 {
        %broadcast_in_dim3A_318 = vector.broadcast %squeeze3A_220 : i32 to vector<16xi32>
        %broadcast_in_dim3A_319 = vector.broadcast %squeeze3A_222 : f32 to vector<16xf32>
        %scan3A_320 = arith.constant 0 : i32
        %scan3A_321 = arith.constant 256 : i32
        %scan3A_322 = arith.addi %scan3A_320, %scan3A_321 : i32
        %scan3A_323 = arith.constant 4 : i32
        %scan3A_324:3 = scf.for %scan3A_362 = %scan3A_320 to %scan3A_322 step %scan3A_323 iter_args(%scan3A_363 = %broadcast_in_dim3A_6, %scan3A_364 = %broadcast_in_dim3A_6, %scan3A_365 = %broadcast_in_dim3A_6) -> (vector<16xf32>, vector<16xf32>, vector<16xf32>)  : i32 {
          %mul3A_366 = arith.constant 16 : i32
          %mul3A_367 = arith.muli %scan3A_362, %mul3A_366 : i32
          %get3A_368 = arith.index_cast %mul3A_367 : i32 to index
          %get3A_369 = tpu.vector_load %arg9[%get3A_368] {strides = array<i32>} : memref<4096xi32, #tpu.memory_space<vmem>>, vector<16xi32>,
          %get3A_370 = vector.shape_cast %get3A_369 : vector<16xi32> to vector<16xi32>
          %get3A_371 = arith.index_cast %mul3A_367 : i32 to index
          %get3A_372 = tpu.vector_load %arg8[%get3A_371] {strides = array<i32>} : memref<4096xf32, #tpu.memory_space<vmem>>, vector<16xf32>,
          %get3A_373 = vector.shape_cast %get3A_372 : vector<16xf32> to vector<16xf32>
          %gt3A_374 = arith.cmpi sgt, %get3A_370, %broadcast_in_dim3A_318 : vector<16xi32>
          %lt3A = arith.cmpf olt, %get3A_373, %broadcast_in_dim3A_319 : vector<16xf32>
          %sub3A = arith.subf %get3A_373, %broadcast_in_dim3A_319 : vector<16xf32>
          %abs3A = math.absf %sub3A : vector<16xf32>
          %le3A = arith.constant 9.99999993E-9 : f32
          %le3A_375 = vector.broadcast %le3A : f32 to vector<16xf32>
          %le3A_376 = arith.cmpf ole, %abs3A, %le3A_375 : vector<16xf32>
          %select_n3A = arith.select %gt3A_374, %broadcast_in_dim3A_8, %broadcast_in_dim3A_6 : vector<16xi1>, vector<16xf32>
          %add3A_377 = arith.addf %scan3A_363, %select_n3A : vector<16xf32>
          %and3A = arith.andi %gt3A_374, %lt3A : vector<16xi1>
          %select_n3A_378 = arith.select %and3A, %broadcast_in_dim3A_8, %broadcast_in_dim3A_6 : vector<16xi1>, vector<16xf32>
          %add3A_379 = arith.addf %scan3A_364, %select_n3A_378 : vector<16xf32>
          %and3A_380 = arith.andi %gt3A_374, %le3A_376 : vector<16xi1>
          %select_n3A_381 = arith.select %and3A_380, %broadcast_in_dim3A_8, %broadcast_in_dim3A_6 : vector<16xi1>, vector<16xf32>
          %add3A_382 = arith.addf %scan3A_365, %select_n3A_381 : vector<16xf32>
          %scan3A_383 = arith.constant 1 : i32
          %scan3A_384 = arith.addi %scan3A_362, %scan3A_383 : i32
          %mul3A_385 = arith.constant 16 : i32
          %mul3A_386 = arith.muli %scan3A_384, %mul3A_385 : i32
          %get3A_387 = arith.index_cast %mul3A_386 : i32 to index
          %get3A_388 = tpu.vector_load %arg9[%get3A_387] {strides = array<i32>} : memref<4096xi32, #tpu.memory_space<vmem>>, vector<16xi32>,
          %get3A_389 = vector.shape_cast %get3A_388 : vector<16xi32> to vector<16xi32>
          %get3A_390 = arith.index_cast %mul3A_386 : i32 to index
          %get3A_391 = tpu.vector_load %arg8[%get3A_390] {strides = array<i32>} : memref<4096xf32, #tpu.memory_space<vmem>>, vector<16xf32>,
          %get3A_392 = vector.shape_cast %get3A_391 : vector<16xf32> to vector<16xf32>
          %gt3A_393 = arith.cmpi sgt, %get3A_389, %broadcast_in_dim3A_318 : vector<16xi32>
          %lt3A_394 = arith.cmpf olt, %get3A_392, %broadcast_in_dim3A_319 : vector<16xf32>
          %sub3A_395 = arith.subf %get3A_392, %broadcast_in_dim3A_319 : vector<16xf32>
          %abs3A_396 = math.absf %sub3A_395 : vector<16xf32>
          %le3A_397 = arith.constant 9.99999993E-9 : f32
          %le3A_398 = vector.broadcast %le3A_397 : f32 to vector<16xf32>
          %le3A_399 = arith.cmpf ole, %abs3A_396, %le3A_398 : vector<16xf32>
          %select_n3A_400 = arith.select %gt3A_393, %broadcast_in_dim3A_8, %broadcast_in_dim3A_6 : vector<16xi1>, vector<16xf32>
          %add3A_401 = arith.addf %add3A_377, %select_n3A_400 : vector<16xf32>
          %and3A_402 = arith.andi %gt3A_393, %lt3A_394 : vector<16xi1>
          %select_n3A_403 = arith.select %and3A_402, %broadcast_in_dim3A_8, %broadcast_in_dim3A_6 : vector<16xi1>, vector<16xf32>
          %add3A_404 = arith.addf %add3A_379, %select_n3A_403 : vector<16xf32>
          %and3A_405 = arith.andi %gt3A_393, %le3A_399 : vector<16xi1>
          %select_n3A_406 = arith.select %and3A_405, %broadcast_in_dim3A_8, %broadcast_in_dim3A_6 : vector<16xi1>, vector<16xf32>
          %add3A_407 = arith.addf %add3A_382, %select_n3A_406 : vector<16xf32>
          %scan3A_408 = arith.constant 2 : i32
          %scan3A_409 = arith.addi %scan3A_362, %scan3A_408 : i32
          %mul3A_410 = arith.constant 16 : i32
          %mul3A_411 = arith.muli %scan3A_409, %mul3A_410 : i32
          %get3A_412 = arith.index_cast %mul3A_411 : i32 to index
          %get3A_413 = tpu.vector_load %arg9[%get3A_412] {strides = array<i32>} : memref<4096xi32, #tpu.memory_space<vmem>>, vector<16xi32>,
          %get3A_414 = vector.shape_cast %get3A_413 : vector<16xi32> to vector<16xi32>
          %get3A_415 = arith.index_cast %mul3A_411 : i32 to index
          %get3A_416 = tpu.vector_load %arg8[%get3A_415] {strides = array<i32>} : memref<4096xf32, #tpu.memory_space<vmem>>, vector<16xf32>,
          %get3A_417 = vector.shape_cast %get3A_416 : vector<16xf32> to vector<16xf32>
          %gt3A_418 = arith.cmpi sgt, %get3A_414, %broadcast_in_dim3A_318 : vector<16xi32>
          %lt3A_419 = arith.cmpf olt, %get3A_417, %broadcast_in_dim3A_319 : vector<16xf32>
          %sub3A_420 = arith.subf %get3A_417, %broadcast_in_dim3A_319 : vector<16xf32>
          %abs3A_421 = math.absf %sub3A_420 : vector<16xf32>
          %le3A_422 = arith.constant 9.99999993E-9 : f32
          %le3A_423 = vector.broadcast %le3A_422 : f32 to vector<16xf32>
          %le3A_424 = arith.cmpf ole, %abs3A_421, %le3A_423 : vector<16xf32>
          %select_n3A_425 = arith.select %gt3A_418, %broadcast_in_dim3A_8, %broadcast_in_dim3A_6 : vector<16xi1>, vector<16xf32>
          %add3A_426 = arith.addf %add3A_401, %select_n3A_425 : vector<16xf32>
          %and3A_427 = arith.andi %gt3A_418, %lt3A_419 : vector<16xi1>
          %select_n3A_428 = arith.select %and3A_427, %broadcast_in_dim3A_8, %broadcast_in_dim3A_6 : vector<16xi1>, vector<16xf32>
          %add3A_429 = arith.addf %add3A_404, %select_n3A_428 : vector<16xf32>
          %and3A_430 = arith.andi %gt3A_418, %le3A_424 : vector<16xi1>
          %select_n3A_431 = arith.select %and3A_430, %broadcast_in_dim3A_8, %broadcast_in_dim3A_6 : vector<16xi1>, vector<16xf32>
          %add3A_432 = arith.addf %add3A_407, %select_n3A_431 : vector<16xf32>
          %scan3A_433 = arith.constant 3 : i32
          %scan3A_434 = arith.addi %scan3A_362, %scan3A_433 : i32
          %mul3A_435 = arith.constant 16 : i32
          %mul3A_436 = arith.muli %scan3A_434, %mul3A_435 : i32
          %get3A_437 = arith.index_cast %mul3A_436 : i32 to index
          %get3A_438 = tpu.vector_load %arg9[%get3A_437] {strides = array<i32>} : memref<4096xi32, #tpu.memory_space<vmem>>, vector<16xi32>,
          %get3A_439 = vector.shape_cast %get3A_438 : vector<16xi32> to vector<16xi32>
          %get3A_440 = arith.index_cast %mul3A_436 : i32 to index
          %get3A_441 = tpu.vector_load %arg8[%get3A_440] {strides = array<i32>} : memref<4096xf32, #tpu.memory_space<vmem>>, vector<16xf32>,
          %get3A_442 = vector.shape_cast %get3A_441 : vector<16xf32> to vector<16xf32>
          %gt3A_443 = arith.cmpi sgt, %get3A_439, %broadcast_in_dim3A_318 : vector<16xi32>
          %lt3A_444 = arith.cmpf olt, %get3A_442, %broadcast_in_dim3A_319 : vector<16xf32>
          %sub3A_445 = arith.subf %get3A_442, %broadcast_in_dim3A_319 : vector<16xf32>
          %abs3A_446 = math.absf %sub3A_445 : vector<16xf32>
          %le3A_447 = arith.constant 9.99999993E-9 : f32
          %le3A_448 = vector.broadcast %le3A_447 : f32 to vector<16xf32>
          %le3A_449 = arith.cmpf ole, %abs3A_446, %le3A_448 : vector<16xf32>
          %select_n3A_450 = arith.select %gt3A_443, %broadcast_in_dim3A_8, %broadcast_in_dim3A_6 : vector<16xi1>, vector<16xf32>
          %add3A_451 = arith.addf %add3A_426, %select_n3A_450 : vector<16xf32>
          %and3A_452 = arith.andi %gt3A_443, %lt3A_444 : vector<16xi1>
          %select_n3A_453 = arith.select %and3A_452, %broadcast_in_dim3A_8, %broadcast_in_dim3A_6 : vector<16xi1>, vector<16xf32>
          %add3A_454 = arith.addf %add3A_429, %select_n3A_453 : vector<16xf32>
          %and3A_455 = arith.andi %gt3A_443, %le3A_449 : vector<16xi1>
          %select_n3A_456 = arith.select %and3A_455, %broadcast_in_dim3A_8, %broadcast_in_dim3A_6 : vector<16xi1>, vector<16xf32>
          %add3A_457 = arith.addf %add3A_432, %select_n3A_456 : vector<16xf32>
          scf.yield %add3A_451, %add3A_454, %add3A_457 : vector<16xf32>, vector<16xf32>, vector<16xf32>
        }
        %scan3A_325 = arith.constant 256 : i32
        %get3A_326 = arith.constant 0 : i32
        %get3A_327 = arith.index_cast %get3A_326 : i32 to index
        %get3A_328 = arith.constant 0 : index
        %get3A_329 = tpu.vector_load %arg10[%get3A_327, %get3A_328] {strides = array<i32>} : memref<3x16xf32, #tpu.memory_space<vmem>>, vector<1x16xf32>,
        %get3A_330 = vector.shape_cast %get3A_329 : vector<1x16xf32> to vector<16xf32>
        %add3A_331 = arith.addf %get3A_330, %scan3A_324#0 : vector<16xf32>
        %swap3A_332 = arith.constant 0 : i32
        %swap3A_333 = arith.index_cast %swap3A_332 : i32 to index
        %swap3A_334 = arith.constant 0 : index
        %swap3A_335 = tpu.vector_load %arg10[%swap3A_333, %swap3A_334] {strides = array<i32>} : memref<3x16xf32, #tpu.memory_space<vmem>>, vector<1x16xf32>,
        %swap3A_336 = vector.shape_cast %swap3A_335 : vector<1x16xf32> to vector<16xf32>
        %swap3A_337 = vector.shape_cast %add3A_331 : vector<16xf32> to vector<1x16xf32>
        tpu.vector_store %arg10[%swap3A_333, %swap3A_334], %swap3A_337 {strides = array<i32>} : memref<3x16xf32, #tpu.memory_space<vmem>>, vector<1x16xf32>,
        %get3A_338 = arith.constant 1 : i32
        %get3A_339 = arith.index_cast %get3A_338 : i32 to index
        %get3A_340 = arith.constant 0 : index
        %get3A_341 = tpu.vector_load %arg10[%get3A_339, %get3A_340] {strides = array<i32>} : memref<3x16xf32, #tpu.memory_space<vmem>>, vector<1x16xf32>,
        %get3A_342 = vector.shape_cast %get3A_341 : vector<1x16xf32> to vector<16xf32>
        %add3A_343 = arith.addf %get3A_342, %scan3A_324#1 : vector<16xf32>
        %swap3A_344 = arith.constant 1 : i32
        %swap3A_345 = arith.index_cast %swap3A_344 : i32 to index
        %swap3A_346 = arith.constant 0 : index
        %swap3A_347 = tpu.vector_load %arg10[%swap3A_345, %swap3A_346] {strides = array<i32>} : memref<3x16xf32, #tpu.memory_space<vmem>>, vector<1x16xf32>,
        %swap3A_348 = vector.shape_cast %swap3A_347 : vector<1x16xf32> to vector<16xf32>
        %swap3A_349 = vector.shape_cast %add3A_343 : vector<16xf32> to vector<1x16xf32>
        tpu.vector_store %arg10[%swap3A_345, %swap3A_346], %swap3A_349 {strides = array<i32>} : memref<3x16xf32, #tpu.memory_space<vmem>>, vector<1x16xf32>,
        %get3A_350 = arith.constant 2 : i32
        %get3A_351 = arith.index_cast %get3A_350 : i32 to index
        %get3A_352 = arith.constant 0 : index
        %get3A_353 = tpu.vector_load %arg10[%get3A_351, %get3A_352] {strides = array<i32>} : memref<3x16xf32, #tpu.memory_space<vmem>>, vector<1x16xf32>,
        %get3A_354 = vector.shape_cast %get3A_353 : vector<1x16xf32> to vector<16xf32>
        %add3A_355 = arith.addf %get3A_354, %scan3A_324#2 : vector<16xf32>
        %swap3A_356 = arith.constant 2 : i32
        %swap3A_357 = arith.index_cast %swap3A_356 : i32 to index
        %swap3A_358 = arith.constant 0 : index
        %swap3A_359 = tpu.vector_load %arg10[%swap3A_357, %swap3A_358] {strides = array<i32>} : memref<3x16xf32, #tpu.memory_space<vmem>>, vector<1x16xf32>,
        %swap3A_360 = vector.shape_cast %swap3A_359 : vector<1x16xf32> to vector<16xf32>
        %swap3A_361 = vector.shape_cast %add3A_355 : vector<16xf32> to vector<1x16xf32>
        tpu.vector_store %arg10[%swap3A_357, %swap3A_358], %swap3A_361 {strides = array<i32>} : memref<3x16xf32, #tpu.memory_space<vmem>>, vector<1x16xf32>,
      } else {
      }
      %slice3A_230 = vector.extract_strided_slice %get3A_135 {offsets = [8], sizes = [1], strides = [1]} : vector<16xi32> to vector<1xi32>
      %squeeze3A_231 = vector.extract %slice3A_230[0] : i32 from vector<1xi32>
      %slice3A_232 = vector.extract_strided_slice %get3A_141 {offsets = [8], sizes = [1], strides = [1]} : vector<16xf32> to vector<1xf32>
      %squeeze3A_233 = vector.extract %slice3A_232[0] : f32 from vector<1xf32>
      %slice3A_234 = vector.extract_strided_slice %get3A_138 {offsets = [8], sizes = [1], strides = [1]} : vector<16xi32> to vector<1xi32>
      %squeeze3A_235 = vector.extract %slice3A_234[0] : i32 from vector<1xi32>
      %gt3A_236 = arith.constant 0 : i32
      %gt3A_237 = arith.cmpi sgt, %squeeze3A_235, %gt3A_236 : i32
      %convert_element_type3A_238 = arith.extui %gt3A_237 : i1 to i32
      %cond3A_239 = arith.constant 0 : i32
      %cond3A_240 = arith.cmpi ne, %convert_element_type3A_238, %cond3A_239 : i32
      scf.if %cond3A_240 {
        %broadcast_in_dim3A_318 = vector.broadcast %squeeze3A_231 : i32 to vector<16xi32>
        %broadcast_in_dim3A_319 = vector.broadcast %squeeze3A_233 : f32 to vector<16xf32>
        %scan3A_320 = arith.constant 0 : i32
        %scan3A_321 = arith.constant 256 : i32
        %scan3A_322 = arith.addi %scan3A_320, %scan3A_321 : i32
        %scan3A_323 = arith.constant 4 : i32
        %scan3A_324:3 = scf.for %scan3A_362 = %scan3A_320 to %scan3A_322 step %scan3A_323 iter_args(%scan3A_363 = %broadcast_in_dim3A_6, %scan3A_364 = %broadcast_in_dim3A_6, %scan3A_365 = %broadcast_in_dim3A_6) -> (vector<16xf32>, vector<16xf32>, vector<16xf32>)  : i32 {
          %mul3A_366 = arith.constant 16 : i32
          %mul3A_367 = arith.muli %scan3A_362, %mul3A_366 : i32
          %get3A_368 = arith.index_cast %mul3A_367 : i32 to index
          %get3A_369 = tpu.vector_load %arg9[%get3A_368] {strides = array<i32>} : memref<4096xi32, #tpu.memory_space<vmem>>, vector<16xi32>,
          %get3A_370 = vector.shape_cast %get3A_369 : vector<16xi32> to vector<16xi32>
          %get3A_371 = arith.index_cast %mul3A_367 : i32 to index
          %get3A_372 = tpu.vector_load %arg8[%get3A_371] {strides = array<i32>} : memref<4096xf32, #tpu.memory_space<vmem>>, vector<16xf32>,
          %get3A_373 = vector.shape_cast %get3A_372 : vector<16xf32> to vector<16xf32>
          %gt3A_374 = arith.cmpi sgt, %get3A_370, %broadcast_in_dim3A_318 : vector<16xi32>
          %lt3A = arith.cmpf olt, %get3A_373, %broadcast_in_dim3A_319 : vector<16xf32>
          %sub3A = arith.subf %get3A_373, %broadcast_in_dim3A_319 : vector<16xf32>
          %abs3A = math.absf %sub3A : vector<16xf32>
          %le3A = arith.constant 9.99999993E-9 : f32
          %le3A_375 = vector.broadcast %le3A : f32 to vector<16xf32>
          %le3A_376 = arith.cmpf ole, %abs3A, %le3A_375 : vector<16xf32>
          %select_n3A = arith.select %gt3A_374, %broadcast_in_dim3A_8, %broadcast_in_dim3A_6 : vector<16xi1>, vector<16xf32>
          %add3A_377 = arith.addf %scan3A_363, %select_n3A : vector<16xf32>
          %and3A = arith.andi %gt3A_374, %lt3A : vector<16xi1>
          %select_n3A_378 = arith.select %and3A, %broadcast_in_dim3A_8, %broadcast_in_dim3A_6 : vector<16xi1>, vector<16xf32>
          %add3A_379 = arith.addf %scan3A_364, %select_n3A_378 : vector<16xf32>
          %and3A_380 = arith.andi %gt3A_374, %le3A_376 : vector<16xi1>
          %select_n3A_381 = arith.select %and3A_380, %broadcast_in_dim3A_8, %broadcast_in_dim3A_6 : vector<16xi1>, vector<16xf32>
          %add3A_382 = arith.addf %scan3A_365, %select_n3A_381 : vector<16xf32>
          %scan3A_383 = arith.constant 1 : i32
          %scan3A_384 = arith.addi %scan3A_362, %scan3A_383 : i32
          %mul3A_385 = arith.constant 16 : i32
          %mul3A_386 = arith.muli %scan3A_384, %mul3A_385 : i32
          %get3A_387 = arith.index_cast %mul3A_386 : i32 to index
          %get3A_388 = tpu.vector_load %arg9[%get3A_387] {strides = array<i32>} : memref<4096xi32, #tpu.memory_space<vmem>>, vector<16xi32>,
          %get3A_389 = vector.shape_cast %get3A_388 : vector<16xi32> to vector<16xi32>
          %get3A_390 = arith.index_cast %mul3A_386 : i32 to index
          %get3A_391 = tpu.vector_load %arg8[%get3A_390] {strides = array<i32>} : memref<4096xf32, #tpu.memory_space<vmem>>, vector<16xf32>,
          %get3A_392 = vector.shape_cast %get3A_391 : vector<16xf32> to vector<16xf32>
          %gt3A_393 = arith.cmpi sgt, %get3A_389, %broadcast_in_dim3A_318 : vector<16xi32>
          %lt3A_394 = arith.cmpf olt, %get3A_392, %broadcast_in_dim3A_319 : vector<16xf32>
          %sub3A_395 = arith.subf %get3A_392, %broadcast_in_dim3A_319 : vector<16xf32>
          %abs3A_396 = math.absf %sub3A_395 : vector<16xf32>
          %le3A_397 = arith.constant 9.99999993E-9 : f32
          %le3A_398 = vector.broadcast %le3A_397 : f32 to vector<16xf32>
          %le3A_399 = arith.cmpf ole, %abs3A_396, %le3A_398 : vector<16xf32>
          %select_n3A_400 = arith.select %gt3A_393, %broadcast_in_dim3A_8, %broadcast_in_dim3A_6 : vector<16xi1>, vector<16xf32>
          %add3A_401 = arith.addf %add3A_377, %select_n3A_400 : vector<16xf32>
          %and3A_402 = arith.andi %gt3A_393, %lt3A_394 : vector<16xi1>
          %select_n3A_403 = arith.select %and3A_402, %broadcast_in_dim3A_8, %broadcast_in_dim3A_6 : vector<16xi1>, vector<16xf32>
          %add3A_404 = arith.addf %add3A_379, %select_n3A_403 : vector<16xf32>
          %and3A_405 = arith.andi %gt3A_393, %le3A_399 : vector<16xi1>
          %select_n3A_406 = arith.select %and3A_405, %broadcast_in_dim3A_8, %broadcast_in_dim3A_6 : vector<16xi1>, vector<16xf32>
          %add3A_407 = arith.addf %add3A_382, %select_n3A_406 : vector<16xf32>
          %scan3A_408 = arith.constant 2 : i32
          %scan3A_409 = arith.addi %scan3A_362, %scan3A_408 : i32
          %mul3A_410 = arith.constant 16 : i32
          %mul3A_411 = arith.muli %scan3A_409, %mul3A_410 : i32
          %get3A_412 = arith.index_cast %mul3A_411 : i32 to index
          %get3A_413 = tpu.vector_load %arg9[%get3A_412] {strides = array<i32>} : memref<4096xi32, #tpu.memory_space<vmem>>, vector<16xi32>,
          %get3A_414 = vector.shape_cast %get3A_413 : vector<16xi32> to vector<16xi32>
          %get3A_415 = arith.index_cast %mul3A_411 : i32 to index
          %get3A_416 = tpu.vector_load %arg8[%get3A_415] {strides = array<i32>} : memref<4096xf32, #tpu.memory_space<vmem>>, vector<16xf32>,
          %get3A_417 = vector.shape_cast %get3A_416 : vector<16xf32> to vector<16xf32>
          %gt3A_418 = arith.cmpi sgt, %get3A_414, %broadcast_in_dim3A_318 : vector<16xi32>
          %lt3A_419 = arith.cmpf olt, %get3A_417, %broadcast_in_dim3A_319 : vector<16xf32>
          %sub3A_420 = arith.subf %get3A_417, %broadcast_in_dim3A_319 : vector<16xf32>
          %abs3A_421 = math.absf %sub3A_420 : vector<16xf32>
          %le3A_422 = arith.constant 9.99999993E-9 : f32
          %le3A_423 = vector.broadcast %le3A_422 : f32 to vector<16xf32>
          %le3A_424 = arith.cmpf ole, %abs3A_421, %le3A_423 : vector<16xf32>
          %select_n3A_425 = arith.select %gt3A_418, %broadcast_in_dim3A_8, %broadcast_in_dim3A_6 : vector<16xi1>, vector<16xf32>
          %add3A_426 = arith.addf %add3A_401, %select_n3A_425 : vector<16xf32>
          %and3A_427 = arith.andi %gt3A_418, %lt3A_419 : vector<16xi1>
          %select_n3A_428 = arith.select %and3A_427, %broadcast_in_dim3A_8, %broadcast_in_dim3A_6 : vector<16xi1>, vector<16xf32>
          %add3A_429 = arith.addf %add3A_404, %select_n3A_428 : vector<16xf32>
          %and3A_430 = arith.andi %gt3A_418, %le3A_424 : vector<16xi1>
          %select_n3A_431 = arith.select %and3A_430, %broadcast_in_dim3A_8, %broadcast_in_dim3A_6 : vector<16xi1>, vector<16xf32>
          %add3A_432 = arith.addf %add3A_407, %select_n3A_431 : vector<16xf32>
          %scan3A_433 = arith.constant 3 : i32
          %scan3A_434 = arith.addi %scan3A_362, %scan3A_433 : i32
          %mul3A_435 = arith.constant 16 : i32
          %mul3A_436 = arith.muli %scan3A_434, %mul3A_435 : i32
          %get3A_437 = arith.index_cast %mul3A_436 : i32 to index
          %get3A_438 = tpu.vector_load %arg9[%get3A_437] {strides = array<i32>} : memref<4096xi32, #tpu.memory_space<vmem>>, vector<16xi32>,
          %get3A_439 = vector.shape_cast %get3A_438 : vector<16xi32> to vector<16xi32>
          %get3A_440 = arith.index_cast %mul3A_436 : i32 to index
          %get3A_441 = tpu.vector_load %arg8[%get3A_440] {strides = array<i32>} : memref<4096xf32, #tpu.memory_space<vmem>>, vector<16xf32>,
          %get3A_442 = vector.shape_cast %get3A_441 : vector<16xf32> to vector<16xf32>
          %gt3A_443 = arith.cmpi sgt, %get3A_439, %broadcast_in_dim3A_318 : vector<16xi32>
          %lt3A_444 = arith.cmpf olt, %get3A_442, %broadcast_in_dim3A_319 : vector<16xf32>
          %sub3A_445 = arith.subf %get3A_442, %broadcast_in_dim3A_319 : vector<16xf32>
          %abs3A_446 = math.absf %sub3A_445 : vector<16xf32>
          %le3A_447 = arith.constant 9.99999993E-9 : f32
          %le3A_448 = vector.broadcast %le3A_447 : f32 to vector<16xf32>
          %le3A_449 = arith.cmpf ole, %abs3A_446, %le3A_448 : vector<16xf32>
          %select_n3A_450 = arith.select %gt3A_443, %broadcast_in_dim3A_8, %broadcast_in_dim3A_6 : vector<16xi1>, vector<16xf32>
          %add3A_451 = arith.addf %add3A_426, %select_n3A_450 : vector<16xf32>
          %and3A_452 = arith.andi %gt3A_443, %lt3A_444 : vector<16xi1>
          %select_n3A_453 = arith.select %and3A_452, %broadcast_in_dim3A_8, %broadcast_in_dim3A_6 : vector<16xi1>, vector<16xf32>
          %add3A_454 = arith.addf %add3A_429, %select_n3A_453 : vector<16xf32>
          %and3A_455 = arith.andi %gt3A_443, %le3A_449 : vector<16xi1>
          %select_n3A_456 = arith.select %and3A_455, %broadcast_in_dim3A_8, %broadcast_in_dim3A_6 : vector<16xi1>, vector<16xf32>
          %add3A_457 = arith.addf %add3A_432, %select_n3A_456 : vector<16xf32>
          scf.yield %add3A_451, %add3A_454, %add3A_457 : vector<16xf32>, vector<16xf32>, vector<16xf32>
        }
        %scan3A_325 = arith.constant 256 : i32
        %get3A_326 = arith.constant 0 : i32
        %get3A_327 = arith.index_cast %get3A_326 : i32 to index
        %get3A_328 = arith.constant 0 : index
        %get3A_329 = tpu.vector_load %arg10[%get3A_327, %get3A_328] {strides = array<i32>} : memref<3x16xf32, #tpu.memory_space<vmem>>, vector<1x16xf32>,
        %get3A_330 = vector.shape_cast %get3A_329 : vector<1x16xf32> to vector<16xf32>
        %add3A_331 = arith.addf %get3A_330, %scan3A_324#0 : vector<16xf32>
        %swap3A_332 = arith.constant 0 : i32
        %swap3A_333 = arith.index_cast %swap3A_332 : i32 to index
        %swap3A_334 = arith.constant 0 : index
        %swap3A_335 = tpu.vector_load %arg10[%swap3A_333, %swap3A_334] {strides = array<i32>} : memref<3x16xf32, #tpu.memory_space<vmem>>, vector<1x16xf32>,
        %swap3A_336 = vector.shape_cast %swap3A_335 : vector<1x16xf32> to vector<16xf32>
        %swap3A_337 = vector.shape_cast %add3A_331 : vector<16xf32> to vector<1x16xf32>
        tpu.vector_store %arg10[%swap3A_333, %swap3A_334], %swap3A_337 {strides = array<i32>} : memref<3x16xf32, #tpu.memory_space<vmem>>, vector<1x16xf32>,
        %get3A_338 = arith.constant 1 : i32
        %get3A_339 = arith.index_cast %get3A_338 : i32 to index
        %get3A_340 = arith.constant 0 : index
        %get3A_341 = tpu.vector_load %arg10[%get3A_339, %get3A_340] {strides = array<i32>} : memref<3x16xf32, #tpu.memory_space<vmem>>, vector<1x16xf32>,
        %get3A_342 = vector.shape_cast %get3A_341 : vector<1x16xf32> to vector<16xf32>
        %add3A_343 = arith.addf %get3A_342, %scan3A_324#1 : vector<16xf32>
        %swap3A_344 = arith.constant 1 : i32
        %swap3A_345 = arith.index_cast %swap3A_344 : i32 to index
        %swap3A_346 = arith.constant 0 : index
        %swap3A_347 = tpu.vector_load %arg10[%swap3A_345, %swap3A_346] {strides = array<i32>} : memref<3x16xf32, #tpu.memory_space<vmem>>, vector<1x16xf32>,
        %swap3A_348 = vector.shape_cast %swap3A_347 : vector<1x16xf32> to vector<16xf32>
        %swap3A_349 = vector.shape_cast %add3A_343 : vector<16xf32> to vector<1x16xf32>
        tpu.vector_store %arg10[%swap3A_345, %swap3A_346], %swap3A_349 {strides = array<i32>} : memref<3x16xf32, #tpu.memory_space<vmem>>, vector<1x16xf32>,
        %get3A_350 = arith.constant 2 : i32
        %get3A_351 = arith.index_cast %get3A_350 : i32 to index
        %get3A_352 = arith.constant 0 : index
        %get3A_353 = tpu.vector_load %arg10[%get3A_351, %get3A_352] {strides = array<i32>} : memref<3x16xf32, #tpu.memory_space<vmem>>, vector<1x16xf32>,
        %get3A_354 = vector.shape_cast %get3A_353 : vector<1x16xf32> to vector<16xf32>
        %add3A_355 = arith.addf %get3A_354, %scan3A_324#2 : vector<16xf32>
        %swap3A_356 = arith.constant 2 : i32
        %swap3A_357 = arith.index_cast %swap3A_356 : i32 to index
        %swap3A_358 = arith.constant 0 : index
        %swap3A_359 = tpu.vector_load %arg10[%swap3A_357, %swap3A_358] {strides = array<i32>} : memref<3x16xf32, #tpu.memory_space<vmem>>, vector<1x16xf32>,
        %swap3A_360 = vector.shape_cast %swap3A_359 : vector<1x16xf32> to vector<16xf32>
        %swap3A_361 = vector.shape_cast %add3A_355 : vector<16xf32> to vector<1x16xf32>
        tpu.vector_store %arg10[%swap3A_357, %swap3A_358], %swap3A_361 {strides = array<i32>} : memref<3x16xf32, #tpu.memory_space<vmem>>, vector<1x16xf32>,
      } else {
      }
      %slice3A_241 = vector.extract_strided_slice %get3A_135 {offsets = [9], sizes = [1], strides = [1]} : vector<16xi32> to vector<1xi32>
      %squeeze3A_242 = vector.extract %slice3A_241[0] : i32 from vector<1xi32>
      %slice3A_243 = vector.extract_strided_slice %get3A_141 {offsets = [9], sizes = [1], strides = [1]} : vector<16xf32> to vector<1xf32>
      %squeeze3A_244 = vector.extract %slice3A_243[0] : f32 from vector<1xf32>
      %slice3A_245 = vector.extract_strided_slice %get3A_138 {offsets = [9], sizes = [1], strides = [1]} : vector<16xi32> to vector<1xi32>
      %squeeze3A_246 = vector.extract %slice3A_245[0] : i32 from vector<1xi32>
      %gt3A_247 = arith.constant 0 : i32
      %gt3A_248 = arith.cmpi sgt, %squeeze3A_246, %gt3A_247 : i32
      %convert_element_type3A_249 = arith.extui %gt3A_248 : i1 to i32
      %cond3A_250 = arith.constant 0 : i32
      %cond3A_251 = arith.cmpi ne, %convert_element_type3A_249, %cond3A_250 : i32
      scf.if %cond3A_251 {
        %broadcast_in_dim3A_318 = vector.broadcast %squeeze3A_242 : i32 to vector<16xi32>
        %broadcast_in_dim3A_319 = vector.broadcast %squeeze3A_244 : f32 to vector<16xf32>
        %scan3A_320 = arith.constant 0 : i32
        %scan3A_321 = arith.constant 256 : i32
        %scan3A_322 = arith.addi %scan3A_320, %scan3A_321 : i32
        %scan3A_323 = arith.constant 4 : i32
        %scan3A_324:3 = scf.for %scan3A_362 = %scan3A_320 to %scan3A_322 step %scan3A_323 iter_args(%scan3A_363 = %broadcast_in_dim3A_6, %scan3A_364 = %broadcast_in_dim3A_6, %scan3A_365 = %broadcast_in_dim3A_6) -> (vector<16xf32>, vector<16xf32>, vector<16xf32>)  : i32 {
          %mul3A_366 = arith.constant 16 : i32
          %mul3A_367 = arith.muli %scan3A_362, %mul3A_366 : i32
          %get3A_368 = arith.index_cast %mul3A_367 : i32 to index
          %get3A_369 = tpu.vector_load %arg9[%get3A_368] {strides = array<i32>} : memref<4096xi32, #tpu.memory_space<vmem>>, vector<16xi32>,
          %get3A_370 = vector.shape_cast %get3A_369 : vector<16xi32> to vector<16xi32>
          %get3A_371 = arith.index_cast %mul3A_367 : i32 to index
          %get3A_372 = tpu.vector_load %arg8[%get3A_371] {strides = array<i32>} : memref<4096xf32, #tpu.memory_space<vmem>>, vector<16xf32>,
          %get3A_373 = vector.shape_cast %get3A_372 : vector<16xf32> to vector<16xf32>
          %gt3A_374 = arith.cmpi sgt, %get3A_370, %broadcast_in_dim3A_318 : vector<16xi32>
          %lt3A = arith.cmpf olt, %get3A_373, %broadcast_in_dim3A_319 : vector<16xf32>
          %sub3A = arith.subf %get3A_373, %broadcast_in_dim3A_319 : vector<16xf32>
          %abs3A = math.absf %sub3A : vector<16xf32>
          %le3A = arith.constant 9.99999993E-9 : f32
          %le3A_375 = vector.broadcast %le3A : f32 to vector<16xf32>
          %le3A_376 = arith.cmpf ole, %abs3A, %le3A_375 : vector<16xf32>
          %select_n3A = arith.select %gt3A_374, %broadcast_in_dim3A_8, %broadcast_in_dim3A_6 : vector<16xi1>, vector<16xf32>
          %add3A_377 = arith.addf %scan3A_363, %select_n3A : vector<16xf32>
          %and3A = arith.andi %gt3A_374, %lt3A : vector<16xi1>
          %select_n3A_378 = arith.select %and3A, %broadcast_in_dim3A_8, %broadcast_in_dim3A_6 : vector<16xi1>, vector<16xf32>
          %add3A_379 = arith.addf %scan3A_364, %select_n3A_378 : vector<16xf32>
          %and3A_380 = arith.andi %gt3A_374, %le3A_376 : vector<16xi1>
          %select_n3A_381 = arith.select %and3A_380, %broadcast_in_dim3A_8, %broadcast_in_dim3A_6 : vector<16xi1>, vector<16xf32>
          %add3A_382 = arith.addf %scan3A_365, %select_n3A_381 : vector<16xf32>
          %scan3A_383 = arith.constant 1 : i32
          %scan3A_384 = arith.addi %scan3A_362, %scan3A_383 : i32
          %mul3A_385 = arith.constant 16 : i32
          %mul3A_386 = arith.muli %scan3A_384, %mul3A_385 : i32
          %get3A_387 = arith.index_cast %mul3A_386 : i32 to index
          %get3A_388 = tpu.vector_load %arg9[%get3A_387] {strides = array<i32>} : memref<4096xi32, #tpu.memory_space<vmem>>, vector<16xi32>,
          %get3A_389 = vector.shape_cast %get3A_388 : vector<16xi32> to vector<16xi32>
          %get3A_390 = arith.index_cast %mul3A_386 : i32 to index
          %get3A_391 = tpu.vector_load %arg8[%get3A_390] {strides = array<i32>} : memref<4096xf32, #tpu.memory_space<vmem>>, vector<16xf32>,
          %get3A_392 = vector.shape_cast %get3A_391 : vector<16xf32> to vector<16xf32>
          %gt3A_393 = arith.cmpi sgt, %get3A_389, %broadcast_in_dim3A_318 : vector<16xi32>
          %lt3A_394 = arith.cmpf olt, %get3A_392, %broadcast_in_dim3A_319 : vector<16xf32>
          %sub3A_395 = arith.subf %get3A_392, %broadcast_in_dim3A_319 : vector<16xf32>
          %abs3A_396 = math.absf %sub3A_395 : vector<16xf32>
          %le3A_397 = arith.constant 9.99999993E-9 : f32
          %le3A_398 = vector.broadcast %le3A_397 : f32 to vector<16xf32>
          %le3A_399 = arith.cmpf ole, %abs3A_396, %le3A_398 : vector<16xf32>
          %select_n3A_400 = arith.select %gt3A_393, %broadcast_in_dim3A_8, %broadcast_in_dim3A_6 : vector<16xi1>, vector<16xf32>
          %add3A_401 = arith.addf %add3A_377, %select_n3A_400 : vector<16xf32>
          %and3A_402 = arith.andi %gt3A_393, %lt3A_394 : vector<16xi1>
          %select_n3A_403 = arith.select %and3A_402, %broadcast_in_dim3A_8, %broadcast_in_dim3A_6 : vector<16xi1>, vector<16xf32>
          %add3A_404 = arith.addf %add3A_379, %select_n3A_403 : vector<16xf32>
          %and3A_405 = arith.andi %gt3A_393, %le3A_399 : vector<16xi1>
          %select_n3A_406 = arith.select %and3A_405, %broadcast_in_dim3A_8, %broadcast_in_dim3A_6 : vector<16xi1>, vector<16xf32>
          %add3A_407 = arith.addf %add3A_382, %select_n3A_406 : vector<16xf32>
          %scan3A_408 = arith.constant 2 : i32
          %scan3A_409 = arith.addi %scan3A_362, %scan3A_408 : i32
          %mul3A_410 = arith.constant 16 : i32
          %mul3A_411 = arith.muli %scan3A_409, %mul3A_410 : i32
          %get3A_412 = arith.index_cast %mul3A_411 : i32 to index
          %get3A_413 = tpu.vector_load %arg9[%get3A_412] {strides = array<i32>} : memref<4096xi32, #tpu.memory_space<vmem>>, vector<16xi32>,
          %get3A_414 = vector.shape_cast %get3A_413 : vector<16xi32> to vector<16xi32>
          %get3A_415 = arith.index_cast %mul3A_411 : i32 to index
          %get3A_416 = tpu.vector_load %arg8[%get3A_415] {strides = array<i32>} : memref<4096xf32, #tpu.memory_space<vmem>>, vector<16xf32>,
          %get3A_417 = vector.shape_cast %get3A_416 : vector<16xf32> to vector<16xf32>
          %gt3A_418 = arith.cmpi sgt, %get3A_414, %broadcast_in_dim3A_318 : vector<16xi32>
          %lt3A_419 = arith.cmpf olt, %get3A_417, %broadcast_in_dim3A_319 : vector<16xf32>
          %sub3A_420 = arith.subf %get3A_417, %broadcast_in_dim3A_319 : vector<16xf32>
          %abs3A_421 = math.absf %sub3A_420 : vector<16xf32>
          %le3A_422 = arith.constant 9.99999993E-9 : f32
          %le3A_423 = vector.broadcast %le3A_422 : f32 to vector<16xf32>
          %le3A_424 = arith.cmpf ole, %abs3A_421, %le3A_423 : vector<16xf32>
          %select_n3A_425 = arith.select %gt3A_418, %broadcast_in_dim3A_8, %broadcast_in_dim3A_6 : vector<16xi1>, vector<16xf32>
          %add3A_426 = arith.addf %add3A_401, %select_n3A_425 : vector<16xf32>
          %and3A_427 = arith.andi %gt3A_418, %lt3A_419 : vector<16xi1>
          %select_n3A_428 = arith.select %and3A_427, %broadcast_in_dim3A_8, %broadcast_in_dim3A_6 : vector<16xi1>, vector<16xf32>
          %add3A_429 = arith.addf %add3A_404, %select_n3A_428 : vector<16xf32>
          %and3A_430 = arith.andi %gt3A_418, %le3A_424 : vector<16xi1>
          %select_n3A_431 = arith.select %and3A_430, %broadcast_in_dim3A_8, %broadcast_in_dim3A_6 : vector<16xi1>, vector<16xf32>
          %add3A_432 = arith.addf %add3A_407, %select_n3A_431 : vector<16xf32>
          %scan3A_433 = arith.constant 3 : i32
          %scan3A_434 = arith.addi %scan3A_362, %scan3A_433 : i32
          %mul3A_435 = arith.constant 16 : i32
          %mul3A_436 = arith.muli %scan3A_434, %mul3A_435 : i32
          %get3A_437 = arith.index_cast %mul3A_436 : i32 to index
          %get3A_438 = tpu.vector_load %arg9[%get3A_437] {strides = array<i32>} : memref<4096xi32, #tpu.memory_space<vmem>>, vector<16xi32>,
          %get3A_439 = vector.shape_cast %get3A_438 : vector<16xi32> to vector<16xi32>
          %get3A_440 = arith.index_cast %mul3A_436 : i32 to index
          %get3A_441 = tpu.vector_load %arg8[%get3A_440] {strides = array<i32>} : memref<4096xf32, #tpu.memory_space<vmem>>, vector<16xf32>,
          %get3A_442 = vector.shape_cast %get3A_441 : vector<16xf32> to vector<16xf32>
          %gt3A_443 = arith.cmpi sgt, %get3A_439, %broadcast_in_dim3A_318 : vector<16xi32>
          %lt3A_444 = arith.cmpf olt, %get3A_442, %broadcast_in_dim3A_319 : vector<16xf32>
          %sub3A_445 = arith.subf %get3A_442, %broadcast_in_dim3A_319 : vector<16xf32>
          %abs3A_446 = math.absf %sub3A_445 : vector<16xf32>
          %le3A_447 = arith.constant 9.99999993E-9 : f32
          %le3A_448 = vector.broadcast %le3A_447 : f32 to vector<16xf32>
          %le3A_449 = arith.cmpf ole, %abs3A_446, %le3A_448 : vector<16xf32>
          %select_n3A_450 = arith.select %gt3A_443, %broadcast_in_dim3A_8, %broadcast_in_dim3A_6 : vector<16xi1>, vector<16xf32>
          %add3A_451 = arith.addf %add3A_426, %select_n3A_450 : vector<16xf32>
          %and3A_452 = arith.andi %gt3A_443, %lt3A_444 : vector<16xi1>
          %select_n3A_453 = arith.select %and3A_452, %broadcast_in_dim3A_8, %broadcast_in_dim3A_6 : vector<16xi1>, vector<16xf32>
          %add3A_454 = arith.addf %add3A_429, %select_n3A_453 : vector<16xf32>
          %and3A_455 = arith.andi %gt3A_443, %le3A_449 : vector<16xi1>
          %select_n3A_456 = arith.select %and3A_455, %broadcast_in_dim3A_8, %broadcast_in_dim3A_6 : vector<16xi1>, vector<16xf32>
          %add3A_457 = arith.addf %add3A_432, %select_n3A_456 : vector<16xf32>
          scf.yield %add3A_451, %add3A_454, %add3A_457 : vector<16xf32>, vector<16xf32>, vector<16xf32>
        }
        %scan3A_325 = arith.constant 256 : i32
        %get3A_326 = arith.constant 0 : i32
        %get3A_327 = arith.index_cast %get3A_326 : i32 to index
        %get3A_328 = arith.constant 0 : index
        %get3A_329 = tpu.vector_load %arg10[%get3A_327, %get3A_328] {strides = array<i32>} : memref<3x16xf32, #tpu.memory_space<vmem>>, vector<1x16xf32>,
        %get3A_330 = vector.shape_cast %get3A_329 : vector<1x16xf32> to vector<16xf32>
        %add3A_331 = arith.addf %get3A_330, %scan3A_324#0 : vector<16xf32>
        %swap3A_332 = arith.constant 0 : i32
        %swap3A_333 = arith.index_cast %swap3A_332 : i32 to index
        %swap3A_334 = arith.constant 0 : index
        %swap3A_335 = tpu.vector_load %arg10[%swap3A_333, %swap3A_334] {strides = array<i32>} : memref<3x16xf32, #tpu.memory_space<vmem>>, vector<1x16xf32>,
        %swap3A_336 = vector.shape_cast %swap3A_335 : vector<1x16xf32> to vector<16xf32>
        %swap3A_337 = vector.shape_cast %add3A_331 : vector<16xf32> to vector<1x16xf32>
        tpu.vector_store %arg10[%swap3A_333, %swap3A_334], %swap3A_337 {strides = array<i32>} : memref<3x16xf32, #tpu.memory_space<vmem>>, vector<1x16xf32>,
        %get3A_338 = arith.constant 1 : i32
        %get3A_339 = arith.index_cast %get3A_338 : i32 to index
        %get3A_340 = arith.constant 0 : index
        %get3A_341 = tpu.vector_load %arg10[%get3A_339, %get3A_340] {strides = array<i32>} : memref<3x16xf32, #tpu.memory_space<vmem>>, vector<1x16xf32>,
        %get3A_342 = vector.shape_cast %get3A_341 : vector<1x16xf32> to vector<16xf32>
        %add3A_343 = arith.addf %get3A_342, %scan3A_324#1 : vector<16xf32>
        %swap3A_344 = arith.constant 1 : i32
        %swap3A_345 = arith.index_cast %swap3A_344 : i32 to index
        %swap3A_346 = arith.constant 0 : index
        %swap3A_347 = tpu.vector_load %arg10[%swap3A_345, %swap3A_346] {strides = array<i32>} : memref<3x16xf32, #tpu.memory_space<vmem>>, vector<1x16xf32>,
        %swap3A_348 = vector.shape_cast %swap3A_347 : vector<1x16xf32> to vector<16xf32>
        %swap3A_349 = vector.shape_cast %add3A_343 : vector<16xf32> to vector<1x16xf32>
        tpu.vector_store %arg10[%swap3A_345, %swap3A_346], %swap3A_349 {strides = array<i32>} : memref<3x16xf32, #tpu.memory_space<vmem>>, vector<1x16xf32>,
        %get3A_350 = arith.constant 2 : i32
        %get3A_351 = arith.index_cast %get3A_350 : i32 to index
        %get3A_352 = arith.constant 0 : index
        %get3A_353 = tpu.vector_load %arg10[%get3A_351, %get3A_352] {strides = array<i32>} : memref<3x16xf32, #tpu.memory_space<vmem>>, vector<1x16xf32>,
        %get3A_354 = vector.shape_cast %get3A_353 : vector<1x16xf32> to vector<16xf32>
        %add3A_355 = arith.addf %get3A_354, %scan3A_324#2 : vector<16xf32>
        %swap3A_356 = arith.constant 2 : i32
        %swap3A_357 = arith.index_cast %swap3A_356 : i32 to index
        %swap3A_358 = arith.constant 0 : index
        %swap3A_359 = tpu.vector_load %arg10[%swap3A_357, %swap3A_358] {strides = array<i32>} : memref<3x16xf32, #tpu.memory_space<vmem>>, vector<1x16xf32>,
        %swap3A_360 = vector.shape_cast %swap3A_359 : vector<1x16xf32> to vector<16xf32>
        %swap3A_361 = vector.shape_cast %add3A_355 : vector<16xf32> to vector<1x16xf32>
        tpu.vector_store %arg10[%swap3A_357, %swap3A_358], %swap3A_361 {strides = array<i32>} : memref<3x16xf32, #tpu.memory_space<vmem>>, vector<1x16xf32>,
      } else {
      }
      %slice3A_252 = vector.extract_strided_slice %get3A_135 {offsets = [10], sizes = [1], strides = [1]} : vector<16xi32> to vector<1xi32>
      %squeeze3A_253 = vector.extract %slice3A_252[0] : i32 from vector<1xi32>
      %slice3A_254 = vector.extract_strided_slice %get3A_141 {offsets = [10], sizes = [1], strides = [1]} : vector<16xf32> to vector<1xf32>
      %squeeze3A_255 = vector.extract %slice3A_254[0] : f32 from vector<1xf32>
      %slice3A_256 = vector.extract_strided_slice %get3A_138 {offsets = [10], sizes = [1], strides = [1]} : vector<16xi32> to vector<1xi32>
      %squeeze3A_257 = vector.extract %slice3A_256[0] : i32 from vector<1xi32>
      %gt3A_258 = arith.constant 0 : i32
      %gt3A_259 = arith.cmpi sgt, %squeeze3A_257, %gt3A_258 : i32
      %convert_element_type3A_260 = arith.extui %gt3A_259 : i1 to i32
      %cond3A_261 = arith.constant 0 : i32
      %cond3A_262 = arith.cmpi ne, %convert_element_type3A_260, %cond3A_261 : i32
      scf.if %cond3A_262 {
        %broadcast_in_dim3A_318 = vector.broadcast %squeeze3A_253 : i32 to vector<16xi32>
        %broadcast_in_dim3A_319 = vector.broadcast %squeeze3A_255 : f32 to vector<16xf32>
        %scan3A_320 = arith.constant 0 : i32
        %scan3A_321 = arith.constant 256 : i32
        %scan3A_322 = arith.addi %scan3A_320, %scan3A_321 : i32
        %scan3A_323 = arith.constant 4 : i32
        %scan3A_324:3 = scf.for %scan3A_362 = %scan3A_320 to %scan3A_322 step %scan3A_323 iter_args(%scan3A_363 = %broadcast_in_dim3A_6, %scan3A_364 = %broadcast_in_dim3A_6, %scan3A_365 = %broadcast_in_dim3A_6) -> (vector<16xf32>, vector<16xf32>, vector<16xf32>)  : i32 {
          %mul3A_366 = arith.constant 16 : i32
          %mul3A_367 = arith.muli %scan3A_362, %mul3A_366 : i32
          %get3A_368 = arith.index_cast %mul3A_367 : i32 to index
          %get3A_369 = tpu.vector_load %arg9[%get3A_368] {strides = array<i32>} : memref<4096xi32, #tpu.memory_space<vmem>>, vector<16xi32>,
          %get3A_370 = vector.shape_cast %get3A_369 : vector<16xi32> to vector<16xi32>
          %get3A_371 = arith.index_cast %mul3A_367 : i32 to index
          %get3A_372 = tpu.vector_load %arg8[%get3A_371] {strides = array<i32>} : memref<4096xf32, #tpu.memory_space<vmem>>, vector<16xf32>,
          %get3A_373 = vector.shape_cast %get3A_372 : vector<16xf32> to vector<16xf32>
          %gt3A_374 = arith.cmpi sgt, %get3A_370, %broadcast_in_dim3A_318 : vector<16xi32>
          %lt3A = arith.cmpf olt, %get3A_373, %broadcast_in_dim3A_319 : vector<16xf32>
          %sub3A = arith.subf %get3A_373, %broadcast_in_dim3A_319 : vector<16xf32>
          %abs3A = math.absf %sub3A : vector<16xf32>
          %le3A = arith.constant 9.99999993E-9 : f32
          %le3A_375 = vector.broadcast %le3A : f32 to vector<16xf32>
          %le3A_376 = arith.cmpf ole, %abs3A, %le3A_375 : vector<16xf32>
          %select_n3A = arith.select %gt3A_374, %broadcast_in_dim3A_8, %broadcast_in_dim3A_6 : vector<16xi1>, vector<16xf32>
          %add3A_377 = arith.addf %scan3A_363, %select_n3A : vector<16xf32>
          %and3A = arith.andi %gt3A_374, %lt3A : vector<16xi1>
          %select_n3A_378 = arith.select %and3A, %broadcast_in_dim3A_8, %broadcast_in_dim3A_6 : vector<16xi1>, vector<16xf32>
          %add3A_379 = arith.addf %scan3A_364, %select_n3A_378 : vector<16xf32>
          %and3A_380 = arith.andi %gt3A_374, %le3A_376 : vector<16xi1>
          %select_n3A_381 = arith.select %and3A_380, %broadcast_in_dim3A_8, %broadcast_in_dim3A_6 : vector<16xi1>, vector<16xf32>
          %add3A_382 = arith.addf %scan3A_365, %select_n3A_381 : vector<16xf32>
          %scan3A_383 = arith.constant 1 : i32
          %scan3A_384 = arith.addi %scan3A_362, %scan3A_383 : i32
          %mul3A_385 = arith.constant 16 : i32
          %mul3A_386 = arith.muli %scan3A_384, %mul3A_385 : i32
          %get3A_387 = arith.index_cast %mul3A_386 : i32 to index
          %get3A_388 = tpu.vector_load %arg9[%get3A_387] {strides = array<i32>} : memref<4096xi32, #tpu.memory_space<vmem>>, vector<16xi32>,
          %get3A_389 = vector.shape_cast %get3A_388 : vector<16xi32> to vector<16xi32>
          %get3A_390 = arith.index_cast %mul3A_386 : i32 to index
          %get3A_391 = tpu.vector_load %arg8[%get3A_390] {strides = array<i32>} : memref<4096xf32, #tpu.memory_space<vmem>>, vector<16xf32>,
          %get3A_392 = vector.shape_cast %get3A_391 : vector<16xf32> to vector<16xf32>
          %gt3A_393 = arith.cmpi sgt, %get3A_389, %broadcast_in_dim3A_318 : vector<16xi32>
          %lt3A_394 = arith.cmpf olt, %get3A_392, %broadcast_in_dim3A_319 : vector<16xf32>
          %sub3A_395 = arith.subf %get3A_392, %broadcast_in_dim3A_319 : vector<16xf32>
          %abs3A_396 = math.absf %sub3A_395 : vector<16xf32>
          %le3A_397 = arith.constant 9.99999993E-9 : f32
          %le3A_398 = vector.broadcast %le3A_397 : f32 to vector<16xf32>
          %le3A_399 = arith.cmpf ole, %abs3A_396, %le3A_398 : vector<16xf32>
          %select_n3A_400 = arith.select %gt3A_393, %broadcast_in_dim3A_8, %broadcast_in_dim3A_6 : vector<16xi1>, vector<16xf32>
          %add3A_401 = arith.addf %add3A_377, %select_n3A_400 : vector<16xf32>
          %and3A_402 = arith.andi %gt3A_393, %lt3A_394 : vector<16xi1>
          %select_n3A_403 = arith.select %and3A_402, %broadcast_in_dim3A_8, %broadcast_in_dim3A_6 : vector<16xi1>, vector<16xf32>
          %add3A_404 = arith.addf %add3A_379, %select_n3A_403 : vector<16xf32>
          %and3A_405 = arith.andi %gt3A_393, %le3A_399 : vector<16xi1>
          %select_n3A_406 = arith.select %and3A_405, %broadcast_in_dim3A_8, %broadcast_in_dim3A_6 : vector<16xi1>, vector<16xf32>
          %add3A_407 = arith.addf %add3A_382, %select_n3A_406 : vector<16xf32>
          %scan3A_408 = arith.constant 2 : i32
          %scan3A_409 = arith.addi %scan3A_362, %scan3A_408 : i32
          %mul3A_410 = arith.constant 16 : i32
          %mul3A_411 = arith.muli %scan3A_409, %mul3A_410 : i32
          %get3A_412 = arith.index_cast %mul3A_411 : i32 to index
          %get3A_413 = tpu.vector_load %arg9[%get3A_412] {strides = array<i32>} : memref<4096xi32, #tpu.memory_space<vmem>>, vector<16xi32>,
          %get3A_414 = vector.shape_cast %get3A_413 : vector<16xi32> to vector<16xi32>
          %get3A_415 = arith.index_cast %mul3A_411 : i32 to index
          %get3A_416 = tpu.vector_load %arg8[%get3A_415] {strides = array<i32>} : memref<4096xf32, #tpu.memory_space<vmem>>, vector<16xf32>,
          %get3A_417 = vector.shape_cast %get3A_416 : vector<16xf32> to vector<16xf32>
          %gt3A_418 = arith.cmpi sgt, %get3A_414, %broadcast_in_dim3A_318 : vector<16xi32>
          %lt3A_419 = arith.cmpf olt, %get3A_417, %broadcast_in_dim3A_319 : vector<16xf32>
          %sub3A_420 = arith.subf %get3A_417, %broadcast_in_dim3A_319 : vector<16xf32>
          %abs3A_421 = math.absf %sub3A_420 : vector<16xf32>
          %le3A_422 = arith.constant 9.99999993E-9 : f32
          %le3A_423 = vector.broadcast %le3A_422 : f32 to vector<16xf32>
          %le3A_424 = arith.cmpf ole, %abs3A_421, %le3A_423 : vector<16xf32>
          %select_n3A_425 = arith.select %gt3A_418, %broadcast_in_dim3A_8, %broadcast_in_dim3A_6 : vector<16xi1>, vector<16xf32>
          %add3A_426 = arith.addf %add3A_401, %select_n3A_425 : vector<16xf32>
          %and3A_427 = arith.andi %gt3A_418, %lt3A_419 : vector<16xi1>
          %select_n3A_428 = arith.select %and3A_427, %broadcast_in_dim3A_8, %broadcast_in_dim3A_6 : vector<16xi1>, vector<16xf32>
          %add3A_429 = arith.addf %add3A_404, %select_n3A_428 : vector<16xf32>
          %and3A_430 = arith.andi %gt3A_418, %le3A_424 : vector<16xi1>
          %select_n3A_431 = arith.select %and3A_430, %broadcast_in_dim3A_8, %broadcast_in_dim3A_6 : vector<16xi1>, vector<16xf32>
          %add3A_432 = arith.addf %add3A_407, %select_n3A_431 : vector<16xf32>
          %scan3A_433 = arith.constant 3 : i32
          %scan3A_434 = arith.addi %scan3A_362, %scan3A_433 : i32
          %mul3A_435 = arith.constant 16 : i32
          %mul3A_436 = arith.muli %scan3A_434, %mul3A_435 : i32
          %get3A_437 = arith.index_cast %mul3A_436 : i32 to index
          %get3A_438 = tpu.vector_load %arg9[%get3A_437] {strides = array<i32>} : memref<4096xi32, #tpu.memory_space<vmem>>, vector<16xi32>,
          %get3A_439 = vector.shape_cast %get3A_438 : vector<16xi32> to vector<16xi32>
          %get3A_440 = arith.index_cast %mul3A_436 : i32 to index
          %get3A_441 = tpu.vector_load %arg8[%get3A_440] {strides = array<i32>} : memref<4096xf32, #tpu.memory_space<vmem>>, vector<16xf32>,
          %get3A_442 = vector.shape_cast %get3A_441 : vector<16xf32> to vector<16xf32>
          %gt3A_443 = arith.cmpi sgt, %get3A_439, %broadcast_in_dim3A_318 : vector<16xi32>
          %lt3A_444 = arith.cmpf olt, %get3A_442, %broadcast_in_dim3A_319 : vector<16xf32>
          %sub3A_445 = arith.subf %get3A_442, %broadcast_in_dim3A_319 : vector<16xf32>
          %abs3A_446 = math.absf %sub3A_445 : vector<16xf32>
          %le3A_447 = arith.constant 9.99999993E-9 : f32
          %le3A_448 = vector.broadcast %le3A_447 : f32 to vector<16xf32>
          %le3A_449 = arith.cmpf ole, %abs3A_446, %le3A_448 : vector<16xf32>
          %select_n3A_450 = arith.select %gt3A_443, %broadcast_in_dim3A_8, %broadcast_in_dim3A_6 : vector<16xi1>, vector<16xf32>
          %add3A_451 = arith.addf %add3A_426, %select_n3A_450 : vector<16xf32>
          %and3A_452 = arith.andi %gt3A_443, %lt3A_444 : vector<16xi1>
          %select_n3A_453 = arith.select %and3A_452, %broadcast_in_dim3A_8, %broadcast_in_dim3A_6 : vector<16xi1>, vector<16xf32>
          %add3A_454 = arith.addf %add3A_429, %select_n3A_453 : vector<16xf32>
          %and3A_455 = arith.andi %gt3A_443, %le3A_449 : vector<16xi1>
          %select_n3A_456 = arith.select %and3A_455, %broadcast_in_dim3A_8, %broadcast_in_dim3A_6 : vector<16xi1>, vector<16xf32>
          %add3A_457 = arith.addf %add3A_432, %select_n3A_456 : vector<16xf32>
          scf.yield %add3A_451, %add3A_454, %add3A_457 : vector<16xf32>, vector<16xf32>, vector<16xf32>
        }
        %scan3A_325 = arith.constant 256 : i32
        %get3A_326 = arith.constant 0 : i32
        %get3A_327 = arith.index_cast %get3A_326 : i32 to index
        %get3A_328 = arith.constant 0 : index
        %get3A_329 = tpu.vector_load %arg10[%get3A_327, %get3A_328] {strides = array<i32>} : memref<3x16xf32, #tpu.memory_space<vmem>>, vector<1x16xf32>,
        %get3A_330 = vector.shape_cast %get3A_329 : vector<1x16xf32> to vector<16xf32>
        %add3A_331 = arith.addf %get3A_330, %scan3A_324#0 : vector<16xf32>
        %swap3A_332 = arith.constant 0 : i32
        %swap3A_333 = arith.index_cast %swap3A_332 : i32 to index
        %swap3A_334 = arith.constant 0 : index
        %swap3A_335 = tpu.vector_load %arg10[%swap3A_333, %swap3A_334] {strides = array<i32>} : memref<3x16xf32, #tpu.memory_space<vmem>>, vector<1x16xf32>,
        %swap3A_336 = vector.shape_cast %swap3A_335 : vector<1x16xf32> to vector<16xf32>
        %swap3A_337 = vector.shape_cast %add3A_331 : vector<16xf32> to vector<1x16xf32>
        tpu.vector_store %arg10[%swap3A_333, %swap3A_334], %swap3A_337 {strides = array<i32>} : memref<3x16xf32, #tpu.memory_space<vmem>>, vector<1x16xf32>,
        %get3A_338 = arith.constant 1 : i32
        %get3A_339 = arith.index_cast %get3A_338 : i32 to index
        %get3A_340 = arith.constant 0 : index
        %get3A_341 = tpu.vector_load %arg10[%get3A_339, %get3A_340] {strides = array<i32>} : memref<3x16xf32, #tpu.memory_space<vmem>>, vector<1x16xf32>,
        %get3A_342 = vector.shape_cast %get3A_341 : vector<1x16xf32> to vector<16xf32>
        %add3A_343 = arith.addf %get3A_342, %scan3A_324#1 : vector<16xf32>
        %swap3A_344 = arith.constant 1 : i32
        %swap3A_345 = arith.index_cast %swap3A_344 : i32 to index
        %swap3A_346 = arith.constant 0 : index
        %swap3A_347 = tpu.vector_load %arg10[%swap3A_345, %swap3A_346] {strides = array<i32>} : memref<3x16xf32, #tpu.memory_space<vmem>>, vector<1x16xf32>,
        %swap3A_348 = vector.shape_cast %swap3A_347 : vector<1x16xf32> to vector<16xf32>
        %swap3A_349 = vector.shape_cast %add3A_343 : vector<16xf32> to vector<1x16xf32>
        tpu.vector_store %arg10[%swap3A_345, %swap3A_346], %swap3A_349 {strides = array<i32>} : memref<3x16xf32, #tpu.memory_space<vmem>>, vector<1x16xf32>,
        %get3A_350 = arith.constant 2 : i32
        %get3A_351 = arith.index_cast %get3A_350 : i32 to index
        %get3A_352 = arith.constant 0 : index
        %get3A_353 = tpu.vector_load %arg10[%get3A_351, %get3A_352] {strides = array<i32>} : memref<3x16xf32, #tpu.memory_space<vmem>>, vector<1x16xf32>,
        %get3A_354 = vector.shape_cast %get3A_353 : vector<1x16xf32> to vector<16xf32>
        %add3A_355 = arith.addf %get3A_354, %scan3A_324#2 : vector<16xf32>
        %swap3A_356 = arith.constant 2 : i32
        %swap3A_357 = arith.index_cast %swap3A_356 : i32 to index
        %swap3A_358 = arith.constant 0 : index
        %swap3A_359 = tpu.vector_load %arg10[%swap3A_357, %swap3A_358] {strides = array<i32>} : memref<3x16xf32, #tpu.memory_space<vmem>>, vector<1x16xf32>,
        %swap3A_360 = vector.shape_cast %swap3A_359 : vector<1x16xf32> to vector<16xf32>
        %swap3A_361 = vector.shape_cast %add3A_355 : vector<16xf32> to vector<1x16xf32>
        tpu.vector_store %arg10[%swap3A_357, %swap3A_358], %swap3A_361 {strides = array<i32>} : memref<3x16xf32, #tpu.memory_space<vmem>>, vector<1x16xf32>,
      } else {
      }
      %slice3A_263 = vector.extract_strided_slice %get3A_135 {offsets = [11], sizes = [1], strides = [1]} : vector<16xi32> to vector<1xi32>
      %squeeze3A_264 = vector.extract %slice3A_263[0] : i32 from vector<1xi32>
      %slice3A_265 = vector.extract_strided_slice %get3A_141 {offsets = [11], sizes = [1], strides = [1]} : vector<16xf32> to vector<1xf32>
      %squeeze3A_266 = vector.extract %slice3A_265[0] : f32 from vector<1xf32>
      %slice3A_267 = vector.extract_strided_slice %get3A_138 {offsets = [11], sizes = [1], strides = [1]} : vector<16xi32> to vector<1xi32>
      %squeeze3A_268 = vector.extract %slice3A_267[0] : i32 from vector<1xi32>
      %gt3A_269 = arith.constant 0 : i32
      %gt3A_270 = arith.cmpi sgt, %squeeze3A_268, %gt3A_269 : i32
      %convert_element_type3A_271 = arith.extui %gt3A_270 : i1 to i32
      %cond3A_272 = arith.constant 0 : i32
      %cond3A_273 = arith.cmpi ne, %convert_element_type3A_271, %cond3A_272 : i32
      scf.if %cond3A_273 {
        %broadcast_in_dim3A_318 = vector.broadcast %squeeze3A_264 : i32 to vector<16xi32>
        %broadcast_in_dim3A_319 = vector.broadcast %squeeze3A_266 : f32 to vector<16xf32>
        %scan3A_320 = arith.constant 0 : i32
        %scan3A_321 = arith.constant 256 : i32
        %scan3A_322 = arith.addi %scan3A_320, %scan3A_321 : i32
        %scan3A_323 = arith.constant 4 : i32
        %scan3A_324:3 = scf.for %scan3A_362 = %scan3A_320 to %scan3A_322 step %scan3A_323 iter_args(%scan3A_363 = %broadcast_in_dim3A_6, %scan3A_364 = %broadcast_in_dim3A_6, %scan3A_365 = %broadcast_in_dim3A_6) -> (vector<16xf32>, vector<16xf32>, vector<16xf32>)  : i32 {
          %mul3A_366 = arith.constant 16 : i32
          %mul3A_367 = arith.muli %scan3A_362, %mul3A_366 : i32
          %get3A_368 = arith.index_cast %mul3A_367 : i32 to index
          %get3A_369 = tpu.vector_load %arg9[%get3A_368] {strides = array<i32>} : memref<4096xi32, #tpu.memory_space<vmem>>, vector<16xi32>,
          %get3A_370 = vector.shape_cast %get3A_369 : vector<16xi32> to vector<16xi32>
          %get3A_371 = arith.index_cast %mul3A_367 : i32 to index
          %get3A_372 = tpu.vector_load %arg8[%get3A_371] {strides = array<i32>} : memref<4096xf32, #tpu.memory_space<vmem>>, vector<16xf32>,
          %get3A_373 = vector.shape_cast %get3A_372 : vector<16xf32> to vector<16xf32>
          %gt3A_374 = arith.cmpi sgt, %get3A_370, %broadcast_in_dim3A_318 : vector<16xi32>
          %lt3A = arith.cmpf olt, %get3A_373, %broadcast_in_dim3A_319 : vector<16xf32>
          %sub3A = arith.subf %get3A_373, %broadcast_in_dim3A_319 : vector<16xf32>
          %abs3A = math.absf %sub3A : vector<16xf32>
          %le3A = arith.constant 9.99999993E-9 : f32
          %le3A_375 = vector.broadcast %le3A : f32 to vector<16xf32>
          %le3A_376 = arith.cmpf ole, %abs3A, %le3A_375 : vector<16xf32>
          %select_n3A = arith.select %gt3A_374, %broadcast_in_dim3A_8, %broadcast_in_dim3A_6 : vector<16xi1>, vector<16xf32>
          %add3A_377 = arith.addf %scan3A_363, %select_n3A : vector<16xf32>
          %and3A = arith.andi %gt3A_374, %lt3A : vector<16xi1>
          %select_n3A_378 = arith.select %and3A, %broadcast_in_dim3A_8, %broadcast_in_dim3A_6 : vector<16xi1>, vector<16xf32>
          %add3A_379 = arith.addf %scan3A_364, %select_n3A_378 : vector<16xf32>
          %and3A_380 = arith.andi %gt3A_374, %le3A_376 : vector<16xi1>
          %select_n3A_381 = arith.select %and3A_380, %broadcast_in_dim3A_8, %broadcast_in_dim3A_6 : vector<16xi1>, vector<16xf32>
          %add3A_382 = arith.addf %scan3A_365, %select_n3A_381 : vector<16xf32>
          %scan3A_383 = arith.constant 1 : i32
          %scan3A_384 = arith.addi %scan3A_362, %scan3A_383 : i32
          %mul3A_385 = arith.constant 16 : i32
          %mul3A_386 = arith.muli %scan3A_384, %mul3A_385 : i32
          %get3A_387 = arith.index_cast %mul3A_386 : i32 to index
          %get3A_388 = tpu.vector_load %arg9[%get3A_387] {strides = array<i32>} : memref<4096xi32, #tpu.memory_space<vmem>>, vector<16xi32>,
          %get3A_389 = vector.shape_cast %get3A_388 : vector<16xi32> to vector<16xi32>
          %get3A_390 = arith.index_cast %mul3A_386 : i32 to index
          %get3A_391 = tpu.vector_load %arg8[%get3A_390] {strides = array<i32>} : memref<4096xf32, #tpu.memory_space<vmem>>, vector<16xf32>,
          %get3A_392 = vector.shape_cast %get3A_391 : vector<16xf32> to vector<16xf32>
          %gt3A_393 = arith.cmpi sgt, %get3A_389, %broadcast_in_dim3A_318 : vector<16xi32>
          %lt3A_394 = arith.cmpf olt, %get3A_392, %broadcast_in_dim3A_319 : vector<16xf32>
          %sub3A_395 = arith.subf %get3A_392, %broadcast_in_dim3A_319 : vector<16xf32>
          %abs3A_396 = math.absf %sub3A_395 : vector<16xf32>
          %le3A_397 = arith.constant 9.99999993E-9 : f32
          %le3A_398 = vector.broadcast %le3A_397 : f32 to vector<16xf32>
          %le3A_399 = arith.cmpf ole, %abs3A_396, %le3A_398 : vector<16xf32>
          %select_n3A_400 = arith.select %gt3A_393, %broadcast_in_dim3A_8, %broadcast_in_dim3A_6 : vector<16xi1>, vector<16xf32>
          %add3A_401 = arith.addf %add3A_377, %select_n3A_400 : vector<16xf32>
          %and3A_402 = arith.andi %gt3A_393, %lt3A_394 : vector<16xi1>
          %select_n3A_403 = arith.select %and3A_402, %broadcast_in_dim3A_8, %broadcast_in_dim3A_6 : vector<16xi1>, vector<16xf32>
          %add3A_404 = arith.addf %add3A_379, %select_n3A_403 : vector<16xf32>
          %and3A_405 = arith.andi %gt3A_393, %le3A_399 : vector<16xi1>
          %select_n3A_406 = arith.select %and3A_405, %broadcast_in_dim3A_8, %broadcast_in_dim3A_6 : vector<16xi1>, vector<16xf32>
          %add3A_407 = arith.addf %add3A_382, %select_n3A_406 : vector<16xf32>
          %scan3A_408 = arith.constant 2 : i32
          %scan3A_409 = arith.addi %scan3A_362, %scan3A_408 : i32
          %mul3A_410 = arith.constant 16 : i32
          %mul3A_411 = arith.muli %scan3A_409, %mul3A_410 : i32
          %get3A_412 = arith.index_cast %mul3A_411 : i32 to index
          %get3A_413 = tpu.vector_load %arg9[%get3A_412] {strides = array<i32>} : memref<4096xi32, #tpu.memory_space<vmem>>, vector<16xi32>,
          %get3A_414 = vector.shape_cast %get3A_413 : vector<16xi32> to vector<16xi32>
          %get3A_415 = arith.index_cast %mul3A_411 : i32 to index
          %get3A_416 = tpu.vector_load %arg8[%get3A_415] {strides = array<i32>} : memref<4096xf32, #tpu.memory_space<vmem>>, vector<16xf32>,
          %get3A_417 = vector.shape_cast %get3A_416 : vector<16xf32> to vector<16xf32>
          %gt3A_418 = arith.cmpi sgt, %get3A_414, %broadcast_in_dim3A_318 : vector<16xi32>
          %lt3A_419 = arith.cmpf olt, %get3A_417, %broadcast_in_dim3A_319 : vector<16xf32>
          %sub3A_420 = arith.subf %get3A_417, %broadcast_in_dim3A_319 : vector<16xf32>
          %abs3A_421 = math.absf %sub3A_420 : vector<16xf32>
          %le3A_422 = arith.constant 9.99999993E-9 : f32
          %le3A_423 = vector.broadcast %le3A_422 : f32 to vector<16xf32>
          %le3A_424 = arith.cmpf ole, %abs3A_421, %le3A_423 : vector<16xf32>
          %select_n3A_425 = arith.select %gt3A_418, %broadcast_in_dim3A_8, %broadcast_in_dim3A_6 : vector<16xi1>, vector<16xf32>
          %add3A_426 = arith.addf %add3A_401, %select_n3A_425 : vector<16xf32>
          %and3A_427 = arith.andi %gt3A_418, %lt3A_419 : vector<16xi1>
          %select_n3A_428 = arith.select %and3A_427, %broadcast_in_dim3A_8, %broadcast_in_dim3A_6 : vector<16xi1>, vector<16xf32>
          %add3A_429 = arith.addf %add3A_404, %select_n3A_428 : vector<16xf32>
          %and3A_430 = arith.andi %gt3A_418, %le3A_424 : vector<16xi1>
          %select_n3A_431 = arith.select %and3A_430, %broadcast_in_dim3A_8, %broadcast_in_dim3A_6 : vector<16xi1>, vector<16xf32>
          %add3A_432 = arith.addf %add3A_407, %select_n3A_431 : vector<16xf32>
          %scan3A_433 = arith.constant 3 : i32
          %scan3A_434 = arith.addi %scan3A_362, %scan3A_433 : i32
          %mul3A_435 = arith.constant 16 : i32
          %mul3A_436 = arith.muli %scan3A_434, %mul3A_435 : i32
          %get3A_437 = arith.index_cast %mul3A_436 : i32 to index
          %get3A_438 = tpu.vector_load %arg9[%get3A_437] {strides = array<i32>} : memref<4096xi32, #tpu.memory_space<vmem>>, vector<16xi32>,
          %get3A_439 = vector.shape_cast %get3A_438 : vector<16xi32> to vector<16xi32>
          %get3A_440 = arith.index_cast %mul3A_436 : i32 to index
          %get3A_441 = tpu.vector_load %arg8[%get3A_440] {strides = array<i32>} : memref<4096xf32, #tpu.memory_space<vmem>>, vector<16xf32>,
          %get3A_442 = vector.shape_cast %get3A_441 : vector<16xf32> to vector<16xf32>
          %gt3A_443 = arith.cmpi sgt, %get3A_439, %broadcast_in_dim3A_318 : vector<16xi32>
          %lt3A_444 = arith.cmpf olt, %get3A_442, %broadcast_in_dim3A_319 : vector<16xf32>
          %sub3A_445 = arith.subf %get3A_442, %broadcast_in_dim3A_319 : vector<16xf32>
          %abs3A_446 = math.absf %sub3A_445 : vector<16xf32>
          %le3A_447 = arith.constant 9.99999993E-9 : f32
          %le3A_448 = vector.broadcast %le3A_447 : f32 to vector<16xf32>
          %le3A_449 = arith.cmpf ole, %abs3A_446, %le3A_448 : vector<16xf32>
          %select_n3A_450 = arith.select %gt3A_443, %broadcast_in_dim3A_8, %broadcast_in_dim3A_6 : vector<16xi1>, vector<16xf32>
          %add3A_451 = arith.addf %add3A_426, %select_n3A_450 : vector<16xf32>
          %and3A_452 = arith.andi %gt3A_443, %lt3A_444 : vector<16xi1>
          %select_n3A_453 = arith.select %and3A_452, %broadcast_in_dim3A_8, %broadcast_in_dim3A_6 : vector<16xi1>, vector<16xf32>
          %add3A_454 = arith.addf %add3A_429, %select_n3A_453 : vector<16xf32>
          %and3A_455 = arith.andi %gt3A_443, %le3A_449 : vector<16xi1>
          %select_n3A_456 = arith.select %and3A_455, %broadcast_in_dim3A_8, %broadcast_in_dim3A_6 : vector<16xi1>, vector<16xf32>
          %add3A_457 = arith.addf %add3A_432, %select_n3A_456 : vector<16xf32>
          scf.yield %add3A_451, %add3A_454, %add3A_457 : vector<16xf32>, vector<16xf32>, vector<16xf32>
        }
        %scan3A_325 = arith.constant 256 : i32
        %get3A_326 = arith.constant 0 : i32
        %get3A_327 = arith.index_cast %get3A_326 : i32 to index
        %get3A_328 = arith.constant 0 : index
        %get3A_329 = tpu.vector_load %arg10[%get3A_327, %get3A_328] {strides = array<i32>} : memref<3x16xf32, #tpu.memory_space<vmem>>, vector<1x16xf32>,
        %get3A_330 = vector.shape_cast %get3A_329 : vector<1x16xf32> to vector<16xf32>
        %add3A_331 = arith.addf %get3A_330, %scan3A_324#0 : vector<16xf32>
        %swap3A_332 = arith.constant 0 : i32
        %swap3A_333 = arith.index_cast %swap3A_332 : i32 to index
        %swap3A_334 = arith.constant 0 : index
        %swap3A_335 = tpu.vector_load %arg10[%swap3A_333, %swap3A_334] {strides = array<i32>} : memref<3x16xf32, #tpu.memory_space<vmem>>, vector<1x16xf32>,
        %swap3A_336 = vector.shape_cast %swap3A_335 : vector<1x16xf32> to vector<16xf32>
        %swap3A_337 = vector.shape_cast %add3A_331 : vector<16xf32> to vector<1x16xf32>
        tpu.vector_store %arg10[%swap3A_333, %swap3A_334], %swap3A_337 {strides = array<i32>} : memref<3x16xf32, #tpu.memory_space<vmem>>, vector<1x16xf32>,
        %get3A_338 = arith.constant 1 : i32
        %get3A_339 = arith.index_cast %get3A_338 : i32 to index
        %get3A_340 = arith.constant 0 : index
        %get3A_341 = tpu.vector_load %arg10[%get3A_339, %get3A_340] {strides = array<i32>} : memref<3x16xf32, #tpu.memory_space<vmem>>, vector<1x16xf32>,
        %get3A_342 = vector.shape_cast %get3A_341 : vector<1x16xf32> to vector<16xf32>
        %add3A_343 = arith.addf %get3A_342, %scan3A_324#1 : vector<16xf32>
        %swap3A_344 = arith.constant 1 : i32
        %swap3A_345 = arith.index_cast %swap3A_344 : i32 to index
        %swap3A_346 = arith.constant 0 : index
        %swap3A_347 = tpu.vector_load %arg10[%swap3A_345, %swap3A_346] {strides = array<i32>} : memref<3x16xf32, #tpu.memory_space<vmem>>, vector<1x16xf32>,
        %swap3A_348 = vector.shape_cast %swap3A_347 : vector<1x16xf32> to vector<16xf32>
        %swap3A_349 = vector.shape_cast %add3A_343 : vector<16xf32> to vector<1x16xf32>
        tpu.vector_store %arg10[%swap3A_345, %swap3A_346], %swap3A_349 {strides = array<i32>} : memref<3x16xf32, #tpu.memory_space<vmem>>, vector<1x16xf32>,
        %get3A_350 = arith.constant 2 : i32
        %get3A_351 = arith.index_cast %get3A_350 : i32 to index
        %get3A_352 = arith.constant 0 : index
        %get3A_353 = tpu.vector_load %arg10[%get3A_351, %get3A_352] {strides = array<i32>} : memref<3x16xf32, #tpu.memory_space<vmem>>, vector<1x16xf32>,
        %get3A_354 = vector.shape_cast %get3A_353 : vector<1x16xf32> to vector<16xf32>
        %add3A_355 = arith.addf %get3A_354, %scan3A_324#2 : vector<16xf32>
        %swap3A_356 = arith.constant 2 : i32
        %swap3A_357 = arith.index_cast %swap3A_356 : i32 to index
        %swap3A_358 = arith.constant 0 : index
        %swap3A_359 = tpu.vector_load %arg10[%swap3A_357, %swap3A_358] {strides = array<i32>} : memref<3x16xf32, #tpu.memory_space<vmem>>, vector<1x16xf32>,
        %swap3A_360 = vector.shape_cast %swap3A_359 : vector<1x16xf32> to vector<16xf32>
        %swap3A_361 = vector.shape_cast %add3A_355 : vector<16xf32> to vector<1x16xf32>
        tpu.vector_store %arg10[%swap3A_357, %swap3A_358], %swap3A_361 {strides = array<i32>} : memref<3x16xf32, #tpu.memory_space<vmem>>, vector<1x16xf32>,
      } else {
      }
      %slice3A_274 = vector.extract_strided_slice %get3A_135 {offsets = [12], sizes = [1], strides = [1]} : vector<16xi32> to vector<1xi32>
      %squeeze3A_275 = vector.extract %slice3A_274[0] : i32 from vector<1xi32>
      %slice3A_276 = vector.extract_strided_slice %get3A_141 {offsets = [12], sizes = [1], strides = [1]} : vector<16xf32> to vector<1xf32>
      %squeeze3A_277 = vector.extract %slice3A_276[0] : f32 from vector<1xf32>
      %slice3A_278 = vector.extract_strided_slice %get3A_138 {offsets = [12], sizes = [1], strides = [1]} : vector<16xi32> to vector<1xi32>
      %squeeze3A_279 = vector.extract %slice3A_278[0] : i32 from vector<1xi32>
      %gt3A_280 = arith.constant 0 : i32
      %gt3A_281 = arith.cmpi sgt, %squeeze3A_279, %gt3A_280 : i32
      %convert_element_type3A_282 = arith.extui %gt3A_281 : i1 to i32
      %cond3A_283 = arith.constant 0 : i32
      %cond3A_284 = arith.cmpi ne, %convert_element_type3A_282, %cond3A_283 : i32
      scf.if %cond3A_284 {
        %broadcast_in_dim3A_318 = vector.broadcast %squeeze3A_275 : i32 to vector<16xi32>
        %broadcast_in_dim3A_319 = vector.broadcast %squeeze3A_277 : f32 to vector<16xf32>
        %scan3A_320 = arith.constant 0 : i32
        %scan3A_321 = arith.constant 256 : i32
        %scan3A_322 = arith.addi %scan3A_320, %scan3A_321 : i32
        %scan3A_323 = arith.constant 4 : i32
        %scan3A_324:3 = scf.for %scan3A_362 = %scan3A_320 to %scan3A_322 step %scan3A_323 iter_args(%scan3A_363 = %broadcast_in_dim3A_6, %scan3A_364 = %broadcast_in_dim3A_6, %scan3A_365 = %broadcast_in_dim3A_6) -> (vector<16xf32>, vector<16xf32>, vector<16xf32>)  : i32 {
          %mul3A_366 = arith.constant 16 : i32
          %mul3A_367 = arith.muli %scan3A_362, %mul3A_366 : i32
          %get3A_368 = arith.index_cast %mul3A_367 : i32 to index
          %get3A_369 = tpu.vector_load %arg9[%get3A_368] {strides = array<i32>} : memref<4096xi32, #tpu.memory_space<vmem>>, vector<16xi32>,
          %get3A_370 = vector.shape_cast %get3A_369 : vector<16xi32> to vector<16xi32>
          %get3A_371 = arith.index_cast %mul3A_367 : i32 to index
          %get3A_372 = tpu.vector_load %arg8[%get3A_371] {strides = array<i32>} : memref<4096xf32, #tpu.memory_space<vmem>>, vector<16xf32>,
          %get3A_373 = vector.shape_cast %get3A_372 : vector<16xf32> to vector<16xf32>
          %gt3A_374 = arith.cmpi sgt, %get3A_370, %broadcast_in_dim3A_318 : vector<16xi32>
          %lt3A = arith.cmpf olt, %get3A_373, %broadcast_in_dim3A_319 : vector<16xf32>
          %sub3A = arith.subf %get3A_373, %broadcast_in_dim3A_319 : vector<16xf32>
          %abs3A = math.absf %sub3A : vector<16xf32>
          %le3A = arith.constant 9.99999993E-9 : f32
          %le3A_375 = vector.broadcast %le3A : f32 to vector<16xf32>
          %le3A_376 = arith.cmpf ole, %abs3A, %le3A_375 : vector<16xf32>
          %select_n3A = arith.select %gt3A_374, %broadcast_in_dim3A_8, %broadcast_in_dim3A_6 : vector<16xi1>, vector<16xf32>
          %add3A_377 = arith.addf %scan3A_363, %select_n3A : vector<16xf32>
          %and3A = arith.andi %gt3A_374, %lt3A : vector<16xi1>
          %select_n3A_378 = arith.select %and3A, %broadcast_in_dim3A_8, %broadcast_in_dim3A_6 : vector<16xi1>, vector<16xf32>
          %add3A_379 = arith.addf %scan3A_364, %select_n3A_378 : vector<16xf32>
          %and3A_380 = arith.andi %gt3A_374, %le3A_376 : vector<16xi1>
          %select_n3A_381 = arith.select %and3A_380, %broadcast_in_dim3A_8, %broadcast_in_dim3A_6 : vector<16xi1>, vector<16xf32>
          %add3A_382 = arith.addf %scan3A_365, %select_n3A_381 : vector<16xf32>
          %scan3A_383 = arith.constant 1 : i32
          %scan3A_384 = arith.addi %scan3A_362, %scan3A_383 : i32
          %mul3A_385 = arith.constant 16 : i32
          %mul3A_386 = arith.muli %scan3A_384, %mul3A_385 : i32
          %get3A_387 = arith.index_cast %mul3A_386 : i32 to index
          %get3A_388 = tpu.vector_load %arg9[%get3A_387] {strides = array<i32>} : memref<4096xi32, #tpu.memory_space<vmem>>, vector<16xi32>,
          %get3A_389 = vector.shape_cast %get3A_388 : vector<16xi32> to vector<16xi32>
          %get3A_390 = arith.index_cast %mul3A_386 : i32 to index
          %get3A_391 = tpu.vector_load %arg8[%get3A_390] {strides = array<i32>} : memref<4096xf32, #tpu.memory_space<vmem>>, vector<16xf32>,
          %get3A_392 = vector.shape_cast %get3A_391 : vector<16xf32> to vector<16xf32>
          %gt3A_393 = arith.cmpi sgt, %get3A_389, %broadcast_in_dim3A_318 : vector<16xi32>
          %lt3A_394 = arith.cmpf olt, %get3A_392, %broadcast_in_dim3A_319 : vector<16xf32>
          %sub3A_395 = arith.subf %get3A_392, %broadcast_in_dim3A_319 : vector<16xf32>
          %abs3A_396 = math.absf %sub3A_395 : vector<16xf32>
          %le3A_397 = arith.constant 9.99999993E-9 : f32
          %le3A_398 = vector.broadcast %le3A_397 : f32 to vector<16xf32>
          %le3A_399 = arith.cmpf ole, %abs3A_396, %le3A_398 : vector<16xf32>
          %select_n3A_400 = arith.select %gt3A_393, %broadcast_in_dim3A_8, %broadcast_in_dim3A_6 : vector<16xi1>, vector<16xf32>
          %add3A_401 = arith.addf %add3A_377, %select_n3A_400 : vector<16xf32>
          %and3A_402 = arith.andi %gt3A_393, %lt3A_394 : vector<16xi1>
          %select_n3A_403 = arith.select %and3A_402, %broadcast_in_dim3A_8, %broadcast_in_dim3A_6 : vector<16xi1>, vector<16xf32>
          %add3A_404 = arith.addf %add3A_379, %select_n3A_403 : vector<16xf32>
          %and3A_405 = arith.andi %gt3A_393, %le3A_399 : vector<16xi1>
          %select_n3A_406 = arith.select %and3A_405, %broadcast_in_dim3A_8, %broadcast_in_dim3A_6 : vector<16xi1>, vector<16xf32>
          %add3A_407 = arith.addf %add3A_382, %select_n3A_406 : vector<16xf32>
          %scan3A_408 = arith.constant 2 : i32
          %scan3A_409 = arith.addi %scan3A_362, %scan3A_408 : i32
          %mul3A_410 = arith.constant 16 : i32
          %mul3A_411 = arith.muli %scan3A_409, %mul3A_410 : i32
          %get3A_412 = arith.index_cast %mul3A_411 : i32 to index
          %get3A_413 = tpu.vector_load %arg9[%get3A_412] {strides = array<i32>} : memref<4096xi32, #tpu.memory_space<vmem>>, vector<16xi32>,
          %get3A_414 = vector.shape_cast %get3A_413 : vector<16xi32> to vector<16xi32>
          %get3A_415 = arith.index_cast %mul3A_411 : i32 to index
          %get3A_416 = tpu.vector_load %arg8[%get3A_415] {strides = array<i32>} : memref<4096xf32, #tpu.memory_space<vmem>>, vector<16xf32>,
          %get3A_417 = vector.shape_cast %get3A_416 : vector<16xf32> to vector<16xf32>
          %gt3A_418 = arith.cmpi sgt, %get3A_414, %broadcast_in_dim3A_318 : vector<16xi32>
          %lt3A_419 = arith.cmpf olt, %get3A_417, %broadcast_in_dim3A_319 : vector<16xf32>
          %sub3A_420 = arith.subf %get3A_417, %broadcast_in_dim3A_319 : vector<16xf32>
          %abs3A_421 = math.absf %sub3A_420 : vector<16xf32>
          %le3A_422 = arith.constant 9.99999993E-9 : f32
          %le3A_423 = vector.broadcast %le3A_422 : f32 to vector<16xf32>
          %le3A_424 = arith.cmpf ole, %abs3A_421, %le3A_423 : vector<16xf32>
          %select_n3A_425 = arith.select %gt3A_418, %broadcast_in_dim3A_8, %broadcast_in_dim3A_6 : vector<16xi1>, vector<16xf32>
          %add3A_426 = arith.addf %add3A_401, %select_n3A_425 : vector<16xf32>
          %and3A_427 = arith.andi %gt3A_418, %lt3A_419 : vector<16xi1>
          %select_n3A_428 = arith.select %and3A_427, %broadcast_in_dim3A_8, %broadcast_in_dim3A_6 : vector<16xi1>, vector<16xf32>
          %add3A_429 = arith.addf %add3A_404, %select_n3A_428 : vector<16xf32>
          %and3A_430 = arith.andi %gt3A_418, %le3A_424 : vector<16xi1>
          %select_n3A_431 = arith.select %and3A_430, %broadcast_in_dim3A_8, %broadcast_in_dim3A_6 : vector<16xi1>, vector<16xf32>
          %add3A_432 = arith.addf %add3A_407, %select_n3A_431 : vector<16xf32>
          %scan3A_433 = arith.constant 3 : i32
          %scan3A_434 = arith.addi %scan3A_362, %scan3A_433 : i32
          %mul3A_435 = arith.constant 16 : i32
          %mul3A_436 = arith.muli %scan3A_434, %mul3A_435 : i32
          %get3A_437 = arith.index_cast %mul3A_436 : i32 to index
          %get3A_438 = tpu.vector_load %arg9[%get3A_437] {strides = array<i32>} : memref<4096xi32, #tpu.memory_space<vmem>>, vector<16xi32>,
          %get3A_439 = vector.shape_cast %get3A_438 : vector<16xi32> to vector<16xi32>
          %get3A_440 = arith.index_cast %mul3A_436 : i32 to index
          %get3A_441 = tpu.vector_load %arg8[%get3A_440] {strides = array<i32>} : memref<4096xf32, #tpu.memory_space<vmem>>, vector<16xf32>,
          %get3A_442 = vector.shape_cast %get3A_441 : vector<16xf32> to vector<16xf32>
          %gt3A_443 = arith.cmpi sgt, %get3A_439, %broadcast_in_dim3A_318 : vector<16xi32>
          %lt3A_444 = arith.cmpf olt, %get3A_442, %broadcast_in_dim3A_319 : vector<16xf32>
          %sub3A_445 = arith.subf %get3A_442, %broadcast_in_dim3A_319 : vector<16xf32>
          %abs3A_446 = math.absf %sub3A_445 : vector<16xf32>
          %le3A_447 = arith.constant 9.99999993E-9 : f32
          %le3A_448 = vector.broadcast %le3A_447 : f32 to vector<16xf32>
          %le3A_449 = arith.cmpf ole, %abs3A_446, %le3A_448 : vector<16xf32>
          %select_n3A_450 = arith.select %gt3A_443, %broadcast_in_dim3A_8, %broadcast_in_dim3A_6 : vector<16xi1>, vector<16xf32>
          %add3A_451 = arith.addf %add3A_426, %select_n3A_450 : vector<16xf32>
          %and3A_452 = arith.andi %gt3A_443, %lt3A_444 : vector<16xi1>
          %select_n3A_453 = arith.select %and3A_452, %broadcast_in_dim3A_8, %broadcast_in_dim3A_6 : vector<16xi1>, vector<16xf32>
          %add3A_454 = arith.addf %add3A_429, %select_n3A_453 : vector<16xf32>
          %and3A_455 = arith.andi %gt3A_443, %le3A_449 : vector<16xi1>
          %select_n3A_456 = arith.select %and3A_455, %broadcast_in_dim3A_8, %broadcast_in_dim3A_6 : vector<16xi1>, vector<16xf32>
          %add3A_457 = arith.addf %add3A_432, %select_n3A_456 : vector<16xf32>
          scf.yield %add3A_451, %add3A_454, %add3A_457 : vector<16xf32>, vector<16xf32>, vector<16xf32>
        }
        %scan3A_325 = arith.constant 256 : i32
        %get3A_326 = arith.constant 0 : i32
        %get3A_327 = arith.index_cast %get3A_326 : i32 to index
        %get3A_328 = arith.constant 0 : index
        %get3A_329 = tpu.vector_load %arg10[%get3A_327, %get3A_328] {strides = array<i32>} : memref<3x16xf32, #tpu.memory_space<vmem>>, vector<1x16xf32>,
        %get3A_330 = vector.shape_cast %get3A_329 : vector<1x16xf32> to vector<16xf32>
        %add3A_331 = arith.addf %get3A_330, %scan3A_324#0 : vector<16xf32>
        %swap3A_332 = arith.constant 0 : i32
        %swap3A_333 = arith.index_cast %swap3A_332 : i32 to index
        %swap3A_334 = arith.constant 0 : index
        %swap3A_335 = tpu.vector_load %arg10[%swap3A_333, %swap3A_334] {strides = array<i32>} : memref<3x16xf32, #tpu.memory_space<vmem>>, vector<1x16xf32>,
        %swap3A_336 = vector.shape_cast %swap3A_335 : vector<1x16xf32> to vector<16xf32>
        %swap3A_337 = vector.shape_cast %add3A_331 : vector<16xf32> to vector<1x16xf32>
        tpu.vector_store %arg10[%swap3A_333, %swap3A_334], %swap3A_337 {strides = array<i32>} : memref<3x16xf32, #tpu.memory_space<vmem>>, vector<1x16xf32>,
        %get3A_338 = arith.constant 1 : i32
        %get3A_339 = arith.index_cast %get3A_338 : i32 to index
        %get3A_340 = arith.constant 0 : index
        %get3A_341 = tpu.vector_load %arg10[%get3A_339, %get3A_340] {strides = array<i32>} : memref<3x16xf32, #tpu.memory_space<vmem>>, vector<1x16xf32>,
        %get3A_342 = vector.shape_cast %get3A_341 : vector<1x16xf32> to vector<16xf32>
        %add3A_343 = arith.addf %get3A_342, %scan3A_324#1 : vector<16xf32>
        %swap3A_344 = arith.constant 1 : i32
        %swap3A_345 = arith.index_cast %swap3A_344 : i32 to index
        %swap3A_346 = arith.constant 0 : index
        %swap3A_347 = tpu.vector_load %arg10[%swap3A_345, %swap3A_346] {strides = array<i32>} : memref<3x16xf32, #tpu.memory_space<vmem>>, vector<1x16xf32>,
        %swap3A_348 = vector.shape_cast %swap3A_347 : vector<1x16xf32> to vector<16xf32>
        %swap3A_349 = vector.shape_cast %add3A_343 : vector<16xf32> to vector<1x16xf32>
        tpu.vector_store %arg10[%swap3A_345, %swap3A_346], %swap3A_349 {strides = array<i32>} : memref<3x16xf32, #tpu.memory_space<vmem>>, vector<1x16xf32>,
        %get3A_350 = arith.constant 2 : i32
        %get3A_351 = arith.index_cast %get3A_350 : i32 to index
        %get3A_352 = arith.constant 0 : index
        %get3A_353 = tpu.vector_load %arg10[%get3A_351, %get3A_352] {strides = array<i32>} : memref<3x16xf32, #tpu.memory_space<vmem>>, vector<1x16xf32>,
        %get3A_354 = vector.shape_cast %get3A_353 : vector<1x16xf32> to vector<16xf32>
        %add3A_355 = arith.addf %get3A_354, %scan3A_324#2 : vector<16xf32>
        %swap3A_356 = arith.constant 2 : i32
        %swap3A_357 = arith.index_cast %swap3A_356 : i32 to index
        %swap3A_358 = arith.constant 0 : index
        %swap3A_359 = tpu.vector_load %arg10[%swap3A_357, %swap3A_358] {strides = array<i32>} : memref<3x16xf32, #tpu.memory_space<vmem>>, vector<1x16xf32>,
        %swap3A_360 = vector.shape_cast %swap3A_359 : vector<1x16xf32> to vector<16xf32>
        %swap3A_361 = vector.shape_cast %add3A_355 : vector<16xf32> to vector<1x16xf32>
        tpu.vector_store %arg10[%swap3A_357, %swap3A_358], %swap3A_361 {strides = array<i32>} : memref<3x16xf32, #tpu.memory_space<vmem>>, vector<1x16xf32>,
      } else {
      }
      %slice3A_285 = vector.extract_strided_slice %get3A_135 {offsets = [13], sizes = [1], strides = [1]} : vector<16xi32> to vector<1xi32>
      %squeeze3A_286 = vector.extract %slice3A_285[0] : i32 from vector<1xi32>
      %slice3A_287 = vector.extract_strided_slice %get3A_141 {offsets = [13], sizes = [1], strides = [1]} : vector<16xf32> to vector<1xf32>
      %squeeze3A_288 = vector.extract %slice3A_287[0] : f32 from vector<1xf32>
      %slice3A_289 = vector.extract_strided_slice %get3A_138 {offsets = [13], sizes = [1], strides = [1]} : vector<16xi32> to vector<1xi32>
      %squeeze3A_290 = vector.extract %slice3A_289[0] : i32 from vector<1xi32>
      %gt3A_291 = arith.constant 0 : i32
      %gt3A_292 = arith.cmpi sgt, %squeeze3A_290, %gt3A_291 : i32
      %convert_element_type3A_293 = arith.extui %gt3A_292 : i1 to i32
      %cond3A_294 = arith.constant 0 : i32
      %cond3A_295 = arith.cmpi ne, %convert_element_type3A_293, %cond3A_294 : i32
      scf.if %cond3A_295 {
        %broadcast_in_dim3A_318 = vector.broadcast %squeeze3A_286 : i32 to vector<16xi32>
        %broadcast_in_dim3A_319 = vector.broadcast %squeeze3A_288 : f32 to vector<16xf32>
        %scan3A_320 = arith.constant 0 : i32
        %scan3A_321 = arith.constant 256 : i32
        %scan3A_322 = arith.addi %scan3A_320, %scan3A_321 : i32
        %scan3A_323 = arith.constant 4 : i32
        %scan3A_324:3 = scf.for %scan3A_362 = %scan3A_320 to %scan3A_322 step %scan3A_323 iter_args(%scan3A_363 = %broadcast_in_dim3A_6, %scan3A_364 = %broadcast_in_dim3A_6, %scan3A_365 = %broadcast_in_dim3A_6) -> (vector<16xf32>, vector<16xf32>, vector<16xf32>)  : i32 {
          %mul3A_366 = arith.constant 16 : i32
          %mul3A_367 = arith.muli %scan3A_362, %mul3A_366 : i32
          %get3A_368 = arith.index_cast %mul3A_367 : i32 to index
          %get3A_369 = tpu.vector_load %arg9[%get3A_368] {strides = array<i32>} : memref<4096xi32, #tpu.memory_space<vmem>>, vector<16xi32>,
          %get3A_370 = vector.shape_cast %get3A_369 : vector<16xi32> to vector<16xi32>
          %get3A_371 = arith.index_cast %mul3A_367 : i32 to index
          %get3A_372 = tpu.vector_load %arg8[%get3A_371] {strides = array<i32>} : memref<4096xf32, #tpu.memory_space<vmem>>, vector<16xf32>,
          %get3A_373 = vector.shape_cast %get3A_372 : vector<16xf32> to vector<16xf32>
          %gt3A_374 = arith.cmpi sgt, %get3A_370, %broadcast_in_dim3A_318 : vector<16xi32>
          %lt3A = arith.cmpf olt, %get3A_373, %broadcast_in_dim3A_319 : vector<16xf32>
          %sub3A = arith.subf %get3A_373, %broadcast_in_dim3A_319 : vector<16xf32>
          %abs3A = math.absf %sub3A : vector<16xf32>
          %le3A = arith.constant 9.99999993E-9 : f32
          %le3A_375 = vector.broadcast %le3A : f32 to vector<16xf32>
          %le3A_376 = arith.cmpf ole, %abs3A, %le3A_375 : vector<16xf32>
          %select_n3A = arith.select %gt3A_374, %broadcast_in_dim3A_8, %broadcast_in_dim3A_6 : vector<16xi1>, vector<16xf32>
          %add3A_377 = arith.addf %scan3A_363, %select_n3A : vector<16xf32>
          %and3A = arith.andi %gt3A_374, %lt3A : vector<16xi1>
          %select_n3A_378 = arith.select %and3A, %broadcast_in_dim3A_8, %broadcast_in_dim3A_6 : vector<16xi1>, vector<16xf32>
          %add3A_379 = arith.addf %scan3A_364, %select_n3A_378 : vector<16xf32>
          %and3A_380 = arith.andi %gt3A_374, %le3A_376 : vector<16xi1>
          %select_n3A_381 = arith.select %and3A_380, %broadcast_in_dim3A_8, %broadcast_in_dim3A_6 : vector<16xi1>, vector<16xf32>
          %add3A_382 = arith.addf %scan3A_365, %select_n3A_381 : vector<16xf32>
          %scan3A_383 = arith.constant 1 : i32
          %scan3A_384 = arith.addi %scan3A_362, %scan3A_383 : i32
          %mul3A_385 = arith.constant 16 : i32
          %mul3A_386 = arith.muli %scan3A_384, %mul3A_385 : i32
          %get3A_387 = arith.index_cast %mul3A_386 : i32 to index
          %get3A_388 = tpu.vector_load %arg9[%get3A_387] {strides = array<i32>} : memref<4096xi32, #tpu.memory_space<vmem>>, vector<16xi32>,
          %get3A_389 = vector.shape_cast %get3A_388 : vector<16xi32> to vector<16xi32>
          %get3A_390 = arith.index_cast %mul3A_386 : i32 to index
          %get3A_391 = tpu.vector_load %arg8[%get3A_390] {strides = array<i32>} : memref<4096xf32, #tpu.memory_space<vmem>>, vector<16xf32>,
          %get3A_392 = vector.shape_cast %get3A_391 : vector<16xf32> to vector<16xf32>
          %gt3A_393 = arith.cmpi sgt, %get3A_389, %broadcast_in_dim3A_318 : vector<16xi32>
          %lt3A_394 = arith.cmpf olt, %get3A_392, %broadcast_in_dim3A_319 : vector<16xf32>
          %sub3A_395 = arith.subf %get3A_392, %broadcast_in_dim3A_319 : vector<16xf32>
          %abs3A_396 = math.absf %sub3A_395 : vector<16xf32>
          %le3A_397 = arith.constant 9.99999993E-9 : f32
          %le3A_398 = vector.broadcast %le3A_397 : f32 to vector<16xf32>
          %le3A_399 = arith.cmpf ole, %abs3A_396, %le3A_398 : vector<16xf32>
          %select_n3A_400 = arith.select %gt3A_393, %broadcast_in_dim3A_8, %broadcast_in_dim3A_6 : vector<16xi1>, vector<16xf32>
          %add3A_401 = arith.addf %add3A_377, %select_n3A_400 : vector<16xf32>
          %and3A_402 = arith.andi %gt3A_393, %lt3A_394 : vector<16xi1>
          %select_n3A_403 = arith.select %and3A_402, %broadcast_in_dim3A_8, %broadcast_in_dim3A_6 : vector<16xi1>, vector<16xf32>
          %add3A_404 = arith.addf %add3A_379, %select_n3A_403 : vector<16xf32>
          %and3A_405 = arith.andi %gt3A_393, %le3A_399 : vector<16xi1>
          %select_n3A_406 = arith.select %and3A_405, %broadcast_in_dim3A_8, %broadcast_in_dim3A_6 : vector<16xi1>, vector<16xf32>
          %add3A_407 = arith.addf %add3A_382, %select_n3A_406 : vector<16xf32>
          %scan3A_408 = arith.constant 2 : i32
          %scan3A_409 = arith.addi %scan3A_362, %scan3A_408 : i32
          %mul3A_410 = arith.constant 16 : i32
          %mul3A_411 = arith.muli %scan3A_409, %mul3A_410 : i32
          %get3A_412 = arith.index_cast %mul3A_411 : i32 to index
          %get3A_413 = tpu.vector_load %arg9[%get3A_412] {strides = array<i32>} : memref<4096xi32, #tpu.memory_space<vmem>>, vector<16xi32>,
          %get3A_414 = vector.shape_cast %get3A_413 : vector<16xi32> to vector<16xi32>
          %get3A_415 = arith.index_cast %mul3A_411 : i32 to index
          %get3A_416 = tpu.vector_load %arg8[%get3A_415] {strides = array<i32>} : memref<4096xf32, #tpu.memory_space<vmem>>, vector<16xf32>,
          %get3A_417 = vector.shape_cast %get3A_416 : vector<16xf32> to vector<16xf32>
          %gt3A_418 = arith.cmpi sgt, %get3A_414, %broadcast_in_dim3A_318 : vector<16xi32>
          %lt3A_419 = arith.cmpf olt, %get3A_417, %broadcast_in_dim3A_319 : vector<16xf32>
          %sub3A_420 = arith.subf %get3A_417, %broadcast_in_dim3A_319 : vector<16xf32>
          %abs3A_421 = math.absf %sub3A_420 : vector<16xf32>
          %le3A_422 = arith.constant 9.99999993E-9 : f32
          %le3A_423 = vector.broadcast %le3A_422 : f32 to vector<16xf32>
          %le3A_424 = arith.cmpf ole, %abs3A_421, %le3A_423 : vector<16xf32>
          %select_n3A_425 = arith.select %gt3A_418, %broadcast_in_dim3A_8, %broadcast_in_dim3A_6 : vector<16xi1>, vector<16xf32>
          %add3A_426 = arith.addf %add3A_401, %select_n3A_425 : vector<16xf32>
          %and3A_427 = arith.andi %gt3A_418, %lt3A_419 : vector<16xi1>
          %select_n3A_428 = arith.select %and3A_427, %broadcast_in_dim3A_8, %broadcast_in_dim3A_6 : vector<16xi1>, vector<16xf32>
          %add3A_429 = arith.addf %add3A_404, %select_n3A_428 : vector<16xf32>
          %and3A_430 = arith.andi %gt3A_418, %le3A_424 : vector<16xi1>
          %select_n3A_431 = arith.select %and3A_430, %broadcast_in_dim3A_8, %broadcast_in_dim3A_6 : vector<16xi1>, vector<16xf32>
          %add3A_432 = arith.addf %add3A_407, %select_n3A_431 : vector<16xf32>
          %scan3A_433 = arith.constant 3 : i32
          %scan3A_434 = arith.addi %scan3A_362, %scan3A_433 : i32
          %mul3A_435 = arith.constant 16 : i32
          %mul3A_436 = arith.muli %scan3A_434, %mul3A_435 : i32
          %get3A_437 = arith.index_cast %mul3A_436 : i32 to index
          %get3A_438 = tpu.vector_load %arg9[%get3A_437] {strides = array<i32>} : memref<4096xi32, #tpu.memory_space<vmem>>, vector<16xi32>,
          %get3A_439 = vector.shape_cast %get3A_438 : vector<16xi32> to vector<16xi32>
          %get3A_440 = arith.index_cast %mul3A_436 : i32 to index
          %get3A_441 = tpu.vector_load %arg8[%get3A_440] {strides = array<i32>} : memref<4096xf32, #tpu.memory_space<vmem>>, vector<16xf32>,
          %get3A_442 = vector.shape_cast %get3A_441 : vector<16xf32> to vector<16xf32>
          %gt3A_443 = arith.cmpi sgt, %get3A_439, %broadcast_in_dim3A_318 : vector<16xi32>
          %lt3A_444 = arith.cmpf olt, %get3A_442, %broadcast_in_dim3A_319 : vector<16xf32>
          %sub3A_445 = arith.subf %get3A_442, %broadcast_in_dim3A_319 : vector<16xf32>
          %abs3A_446 = math.absf %sub3A_445 : vector<16xf32>
          %le3A_447 = arith.constant 9.99999993E-9 : f32
          %le3A_448 = vector.broadcast %le3A_447 : f32 to vector<16xf32>
          %le3A_449 = arith.cmpf ole, %abs3A_446, %le3A_448 : vector<16xf32>
          %select_n3A_450 = arith.select %gt3A_443, %broadcast_in_dim3A_8, %broadcast_in_dim3A_6 : vector<16xi1>, vector<16xf32>
          %add3A_451 = arith.addf %add3A_426, %select_n3A_450 : vector<16xf32>
          %and3A_452 = arith.andi %gt3A_443, %lt3A_444 : vector<16xi1>
          %select_n3A_453 = arith.select %and3A_452, %broadcast_in_dim3A_8, %broadcast_in_dim3A_6 : vector<16xi1>, vector<16xf32>
          %add3A_454 = arith.addf %add3A_429, %select_n3A_453 : vector<16xf32>
          %and3A_455 = arith.andi %gt3A_443, %le3A_449 : vector<16xi1>
          %select_n3A_456 = arith.select %and3A_455, %broadcast_in_dim3A_8, %broadcast_in_dim3A_6 : vector<16xi1>, vector<16xf32>
          %add3A_457 = arith.addf %add3A_432, %select_n3A_456 : vector<16xf32>
          scf.yield %add3A_451, %add3A_454, %add3A_457 : vector<16xf32>, vector<16xf32>, vector<16xf32>
        }
        %scan3A_325 = arith.constant 256 : i32
        %get3A_326 = arith.constant 0 : i32
        %get3A_327 = arith.index_cast %get3A_326 : i32 to index
        %get3A_328 = arith.constant 0 : index
        %get3A_329 = tpu.vector_load %arg10[%get3A_327, %get3A_328] {strides = array<i32>} : memref<3x16xf32, #tpu.memory_space<vmem>>, vector<1x16xf32>,
        %get3A_330 = vector.shape_cast %get3A_329 : vector<1x16xf32> to vector<16xf32>
        %add3A_331 = arith.addf %get3A_330, %scan3A_324#0 : vector<16xf32>
        %swap3A_332 = arith.constant 0 : i32
        %swap3A_333 = arith.index_cast %swap3A_332 : i32 to index
        %swap3A_334 = arith.constant 0 : index
        %swap3A_335 = tpu.vector_load %arg10[%swap3A_333, %swap3A_334] {strides = array<i32>} : memref<3x16xf32, #tpu.memory_space<vmem>>, vector<1x16xf32>,
        %swap3A_336 = vector.shape_cast %swap3A_335 : vector<1x16xf32> to vector<16xf32>
        %swap3A_337 = vector.shape_cast %add3A_331 : vector<16xf32> to vector<1x16xf32>
        tpu.vector_store %arg10[%swap3A_333, %swap3A_334], %swap3A_337 {strides = array<i32>} : memref<3x16xf32, #tpu.memory_space<vmem>>, vector<1x16xf32>,
        %get3A_338 = arith.constant 1 : i32
        %get3A_339 = arith.index_cast %get3A_338 : i32 to index
        %get3A_340 = arith.constant 0 : index
        %get3A_341 = tpu.vector_load %arg10[%get3A_339, %get3A_340] {strides = array<i32>} : memref<3x16xf32, #tpu.memory_space<vmem>>, vector<1x16xf32>,
        %get3A_342 = vector.shape_cast %get3A_341 : vector<1x16xf32> to vector<16xf32>
        %add3A_343 = arith.addf %get3A_342, %scan3A_324#1 : vector<16xf32>
        %swap3A_344 = arith.constant 1 : i32
        %swap3A_345 = arith.index_cast %swap3A_344 : i32 to index
        %swap3A_346 = arith.constant 0 : index
        %swap3A_347 = tpu.vector_load %arg10[%swap3A_345, %swap3A_346] {strides = array<i32>} : memref<3x16xf32, #tpu.memory_space<vmem>>, vector<1x16xf32>,
        %swap3A_348 = vector.shape_cast %swap3A_347 : vector<1x16xf32> to vector<16xf32>
        %swap3A_349 = vector.shape_cast %add3A_343 : vector<16xf32> to vector<1x16xf32>
        tpu.vector_store %arg10[%swap3A_345, %swap3A_346], %swap3A_349 {strides = array<i32>} : memref<3x16xf32, #tpu.memory_space<vmem>>, vector<1x16xf32>,
        %get3A_350 = arith.constant 2 : i32
        %get3A_351 = arith.index_cast %get3A_350 : i32 to index
        %get3A_352 = arith.constant 0 : index
        %get3A_353 = tpu.vector_load %arg10[%get3A_351, %get3A_352] {strides = array<i32>} : memref<3x16xf32, #tpu.memory_space<vmem>>, vector<1x16xf32>,
        %get3A_354 = vector.shape_cast %get3A_353 : vector<1x16xf32> to vector<16xf32>
        %add3A_355 = arith.addf %get3A_354, %scan3A_324#2 : vector<16xf32>
        %swap3A_356 = arith.constant 2 : i32
        %swap3A_357 = arith.index_cast %swap3A_356 : i32 to index
        %swap3A_358 = arith.constant 0 : index
        %swap3A_359 = tpu.vector_load %arg10[%swap3A_357, %swap3A_358] {strides = array<i32>} : memref<3x16xf32, #tpu.memory_space<vmem>>, vector<1x16xf32>,
        %swap3A_360 = vector.shape_cast %swap3A_359 : vector<1x16xf32> to vector<16xf32>
        %swap3A_361 = vector.shape_cast %add3A_355 : vector<16xf32> to vector<1x16xf32>
        tpu.vector_store %arg10[%swap3A_357, %swap3A_358], %swap3A_361 {strides = array<i32>} : memref<3x16xf32, #tpu.memory_space<vmem>>, vector<1x16xf32>,
      } else {
      }
      %slice3A_296 = vector.extract_strided_slice %get3A_135 {offsets = [14], sizes = [1], strides = [1]} : vector<16xi32> to vector<1xi32>
      %squeeze3A_297 = vector.extract %slice3A_296[0] : i32 from vector<1xi32>
      %slice3A_298 = vector.extract_strided_slice %get3A_141 {offsets = [14], sizes = [1], strides = [1]} : vector<16xf32> to vector<1xf32>
      %squeeze3A_299 = vector.extract %slice3A_298[0] : f32 from vector<1xf32>
      %slice3A_300 = vector.extract_strided_slice %get3A_138 {offsets = [14], sizes = [1], strides = [1]} : vector<16xi32> to vector<1xi32>
      %squeeze3A_301 = vector.extract %slice3A_300[0] : i32 from vector<1xi32>
      %gt3A_302 = arith.constant 0 : i32
      %gt3A_303 = arith.cmpi sgt, %squeeze3A_301, %gt3A_302 : i32
      %convert_element_type3A_304 = arith.extui %gt3A_303 : i1 to i32
      %cond3A_305 = arith.constant 0 : i32
      %cond3A_306 = arith.cmpi ne, %convert_element_type3A_304, %cond3A_305 : i32
      scf.if %cond3A_306 {
        %broadcast_in_dim3A_318 = vector.broadcast %squeeze3A_297 : i32 to vector<16xi32>
        %broadcast_in_dim3A_319 = vector.broadcast %squeeze3A_299 : f32 to vector<16xf32>
        %scan3A_320 = arith.constant 0 : i32
        %scan3A_321 = arith.constant 256 : i32
        %scan3A_322 = arith.addi %scan3A_320, %scan3A_321 : i32
        %scan3A_323 = arith.constant 4 : i32
        %scan3A_324:3 = scf.for %scan3A_362 = %scan3A_320 to %scan3A_322 step %scan3A_323 iter_args(%scan3A_363 = %broadcast_in_dim3A_6, %scan3A_364 = %broadcast_in_dim3A_6, %scan3A_365 = %broadcast_in_dim3A_6) -> (vector<16xf32>, vector<16xf32>, vector<16xf32>)  : i32 {
          %mul3A_366 = arith.constant 16 : i32
          %mul3A_367 = arith.muli %scan3A_362, %mul3A_366 : i32
          %get3A_368 = arith.index_cast %mul3A_367 : i32 to index
          %get3A_369 = tpu.vector_load %arg9[%get3A_368] {strides = array<i32>} : memref<4096xi32, #tpu.memory_space<vmem>>, vector<16xi32>,
          %get3A_370 = vector.shape_cast %get3A_369 : vector<16xi32> to vector<16xi32>
          %get3A_371 = arith.index_cast %mul3A_367 : i32 to index
          %get3A_372 = tpu.vector_load %arg8[%get3A_371] {strides = array<i32>} : memref<4096xf32, #tpu.memory_space<vmem>>, vector<16xf32>,
          %get3A_373 = vector.shape_cast %get3A_372 : vector<16xf32> to vector<16xf32>
          %gt3A_374 = arith.cmpi sgt, %get3A_370, %broadcast_in_dim3A_318 : vector<16xi32>
          %lt3A = arith.cmpf olt, %get3A_373, %broadcast_in_dim3A_319 : vector<16xf32>
          %sub3A = arith.subf %get3A_373, %broadcast_in_dim3A_319 : vector<16xf32>
          %abs3A = math.absf %sub3A : vector<16xf32>
          %le3A = arith.constant 9.99999993E-9 : f32
          %le3A_375 = vector.broadcast %le3A : f32 to vector<16xf32>
          %le3A_376 = arith.cmpf ole, %abs3A, %le3A_375 : vector<16xf32>
          %select_n3A = arith.select %gt3A_374, %broadcast_in_dim3A_8, %broadcast_in_dim3A_6 : vector<16xi1>, vector<16xf32>
          %add3A_377 = arith.addf %scan3A_363, %select_n3A : vector<16xf32>
          %and3A = arith.andi %gt3A_374, %lt3A : vector<16xi1>
          %select_n3A_378 = arith.select %and3A, %broadcast_in_dim3A_8, %broadcast_in_dim3A_6 : vector<16xi1>, vector<16xf32>
          %add3A_379 = arith.addf %scan3A_364, %select_n3A_378 : vector<16xf32>
          %and3A_380 = arith.andi %gt3A_374, %le3A_376 : vector<16xi1>
          %select_n3A_381 = arith.select %and3A_380, %broadcast_in_dim3A_8, %broadcast_in_dim3A_6 : vector<16xi1>, vector<16xf32>
          %add3A_382 = arith.addf %scan3A_365, %select_n3A_381 : vector<16xf32>
          %scan3A_383 = arith.constant 1 : i32
          %scan3A_384 = arith.addi %scan3A_362, %scan3A_383 : i32
          %mul3A_385 = arith.constant 16 : i32
          %mul3A_386 = arith.muli %scan3A_384, %mul3A_385 : i32
          %get3A_387 = arith.index_cast %mul3A_386 : i32 to index
          %get3A_388 = tpu.vector_load %arg9[%get3A_387] {strides = array<i32>} : memref<4096xi32, #tpu.memory_space<vmem>>, vector<16xi32>,
          %get3A_389 = vector.shape_cast %get3A_388 : vector<16xi32> to vector<16xi32>
          %get3A_390 = arith.index_cast %mul3A_386 : i32 to index
          %get3A_391 = tpu.vector_load %arg8[%get3A_390] {strides = array<i32>} : memref<4096xf32, #tpu.memory_space<vmem>>, vector<16xf32>,
          %get3A_392 = vector.shape_cast %get3A_391 : vector<16xf32> to vector<16xf32>
          %gt3A_393 = arith.cmpi sgt, %get3A_389, %broadcast_in_dim3A_318 : vector<16xi32>
          %lt3A_394 = arith.cmpf olt, %get3A_392, %broadcast_in_dim3A_319 : vector<16xf32>
          %sub3A_395 = arith.subf %get3A_392, %broadcast_in_dim3A_319 : vector<16xf32>
          %abs3A_396 = math.absf %sub3A_395 : vector<16xf32>
          %le3A_397 = arith.constant 9.99999993E-9 : f32
          %le3A_398 = vector.broadcast %le3A_397 : f32 to vector<16xf32>
          %le3A_399 = arith.cmpf ole, %abs3A_396, %le3A_398 : vector<16xf32>
          %select_n3A_400 = arith.select %gt3A_393, %broadcast_in_dim3A_8, %broadcast_in_dim3A_6 : vector<16xi1>, vector<16xf32>
          %add3A_401 = arith.addf %add3A_377, %select_n3A_400 : vector<16xf32>
          %and3A_402 = arith.andi %gt3A_393, %lt3A_394 : vector<16xi1>
          %select_n3A_403 = arith.select %and3A_402, %broadcast_in_dim3A_8, %broadcast_in_dim3A_6 : vector<16xi1>, vector<16xf32>
          %add3A_404 = arith.addf %add3A_379, %select_n3A_403 : vector<16xf32>
          %and3A_405 = arith.andi %gt3A_393, %le3A_399 : vector<16xi1>
          %select_n3A_406 = arith.select %and3A_405, %broadcast_in_dim3A_8, %broadcast_in_dim3A_6 : vector<16xi1>, vector<16xf32>
          %add3A_407 = arith.addf %add3A_382, %select_n3A_406 : vector<16xf32>
          %scan3A_408 = arith.constant 2 : i32
          %scan3A_409 = arith.addi %scan3A_362, %scan3A_408 : i32
          %mul3A_410 = arith.constant 16 : i32
          %mul3A_411 = arith.muli %scan3A_409, %mul3A_410 : i32
          %get3A_412 = arith.index_cast %mul3A_411 : i32 to index
          %get3A_413 = tpu.vector_load %arg9[%get3A_412] {strides = array<i32>} : memref<4096xi32, #tpu.memory_space<vmem>>, vector<16xi32>,
          %get3A_414 = vector.shape_cast %get3A_413 : vector<16xi32> to vector<16xi32>
          %get3A_415 = arith.index_cast %mul3A_411 : i32 to index
          %get3A_416 = tpu.vector_load %arg8[%get3A_415] {strides = array<i32>} : memref<4096xf32, #tpu.memory_space<vmem>>, vector<16xf32>,
          %get3A_417 = vector.shape_cast %get3A_416 : vector<16xf32> to vector<16xf32>
          %gt3A_418 = arith.cmpi sgt, %get3A_414, %broadcast_in_dim3A_318 : vector<16xi32>
          %lt3A_419 = arith.cmpf olt, %get3A_417, %broadcast_in_dim3A_319 : vector<16xf32>
          %sub3A_420 = arith.subf %get3A_417, %broadcast_in_dim3A_319 : vector<16xf32>
          %abs3A_421 = math.absf %sub3A_420 : vector<16xf32>
          %le3A_422 = arith.constant 9.99999993E-9 : f32
          %le3A_423 = vector.broadcast %le3A_422 : f32 to vector<16xf32>
          %le3A_424 = arith.cmpf ole, %abs3A_421, %le3A_423 : vector<16xf32>
          %select_n3A_425 = arith.select %gt3A_418, %broadcast_in_dim3A_8, %broadcast_in_dim3A_6 : vector<16xi1>, vector<16xf32>
          %add3A_426 = arith.addf %add3A_401, %select_n3A_425 : vector<16xf32>
          %and3A_427 = arith.andi %gt3A_418, %lt3A_419 : vector<16xi1>
          %select_n3A_428 = arith.select %and3A_427, %broadcast_in_dim3A_8, %broadcast_in_dim3A_6 : vector<16xi1>, vector<16xf32>
          %add3A_429 = arith.addf %add3A_404, %select_n3A_428 : vector<16xf32>
          %and3A_430 = arith.andi %gt3A_418, %le3A_424 : vector<16xi1>
          %select_n3A_431 = arith.select %and3A_430, %broadcast_in_dim3A_8, %broadcast_in_dim3A_6 : vector<16xi1>, vector<16xf32>
          %add3A_432 = arith.addf %add3A_407, %select_n3A_431 : vector<16xf32>
          %scan3A_433 = arith.constant 3 : i32
          %scan3A_434 = arith.addi %scan3A_362, %scan3A_433 : i32
          %mul3A_435 = arith.constant 16 : i32
          %mul3A_436 = arith.muli %scan3A_434, %mul3A_435 : i32
          %get3A_437 = arith.index_cast %mul3A_436 : i32 to index
          %get3A_438 = tpu.vector_load %arg9[%get3A_437] {strides = array<i32>} : memref<4096xi32, #tpu.memory_space<vmem>>, vector<16xi32>,
          %get3A_439 = vector.shape_cast %get3A_438 : vector<16xi32> to vector<16xi32>
          %get3A_440 = arith.index_cast %mul3A_436 : i32 to index
          %get3A_441 = tpu.vector_load %arg8[%get3A_440] {strides = array<i32>} : memref<4096xf32, #tpu.memory_space<vmem>>, vector<16xf32>,
          %get3A_442 = vector.shape_cast %get3A_441 : vector<16xf32> to vector<16xf32>
          %gt3A_443 = arith.cmpi sgt, %get3A_439, %broadcast_in_dim3A_318 : vector<16xi32>
          %lt3A_444 = arith.cmpf olt, %get3A_442, %broadcast_in_dim3A_319 : vector<16xf32>
          %sub3A_445 = arith.subf %get3A_442, %broadcast_in_dim3A_319 : vector<16xf32>
          %abs3A_446 = math.absf %sub3A_445 : vector<16xf32>
          %le3A_447 = arith.constant 9.99999993E-9 : f32
          %le3A_448 = vector.broadcast %le3A_447 : f32 to vector<16xf32>
          %le3A_449 = arith.cmpf ole, %abs3A_446, %le3A_448 : vector<16xf32>
          %select_n3A_450 = arith.select %gt3A_443, %broadcast_in_dim3A_8, %broadcast_in_dim3A_6 : vector<16xi1>, vector<16xf32>
          %add3A_451 = arith.addf %add3A_426, %select_n3A_450 : vector<16xf32>
          %and3A_452 = arith.andi %gt3A_443, %lt3A_444 : vector<16xi1>
          %select_n3A_453 = arith.select %and3A_452, %broadcast_in_dim3A_8, %broadcast_in_dim3A_6 : vector<16xi1>, vector<16xf32>
          %add3A_454 = arith.addf %add3A_429, %select_n3A_453 : vector<16xf32>
          %and3A_455 = arith.andi %gt3A_443, %le3A_449 : vector<16xi1>
          %select_n3A_456 = arith.select %and3A_455, %broadcast_in_dim3A_8, %broadcast_in_dim3A_6 : vector<16xi1>, vector<16xf32>
          %add3A_457 = arith.addf %add3A_432, %select_n3A_456 : vector<16xf32>
          scf.yield %add3A_451, %add3A_454, %add3A_457 : vector<16xf32>, vector<16xf32>, vector<16xf32>
        }
        %scan3A_325 = arith.constant 256 : i32
        %get3A_326 = arith.constant 0 : i32
        %get3A_327 = arith.index_cast %get3A_326 : i32 to index
        %get3A_328 = arith.constant 0 : index
        %get3A_329 = tpu.vector_load %arg10[%get3A_327, %get3A_328] {strides = array<i32>} : memref<3x16xf32, #tpu.memory_space<vmem>>, vector<1x16xf32>,
        %get3A_330 = vector.shape_cast %get3A_329 : vector<1x16xf32> to vector<16xf32>
        %add3A_331 = arith.addf %get3A_330, %scan3A_324#0 : vector<16xf32>
        %swap3A_332 = arith.constant 0 : i32
        %swap3A_333 = arith.index_cast %swap3A_332 : i32 to index
        %swap3A_334 = arith.constant 0 : index
        %swap3A_335 = tpu.vector_load %arg10[%swap3A_333, %swap3A_334] {strides = array<i32>} : memref<3x16xf32, #tpu.memory_space<vmem>>, vector<1x16xf32>,
        %swap3A_336 = vector.shape_cast %swap3A_335 : vector<1x16xf32> to vector<16xf32>
        %swap3A_337 = vector.shape_cast %add3A_331 : vector<16xf32> to vector<1x16xf32>
        tpu.vector_store %arg10[%swap3A_333, %swap3A_334], %swap3A_337 {strides = array<i32>} : memref<3x16xf32, #tpu.memory_space<vmem>>, vector<1x16xf32>,
        %get3A_338 = arith.constant 1 : i32
        %get3A_339 = arith.index_cast %get3A_338 : i32 to index
        %get3A_340 = arith.constant 0 : index
        %get3A_341 = tpu.vector_load %arg10[%get3A_339, %get3A_340] {strides = array<i32>} : memref<3x16xf32, #tpu.memory_space<vmem>>, vector<1x16xf32>,
        %get3A_342 = vector.shape_cast %get3A_341 : vector<1x16xf32> to vector<16xf32>
        %add3A_343 = arith.addf %get3A_342, %scan3A_324#1 : vector<16xf32>
        %swap3A_344 = arith.constant 1 : i32
        %swap3A_345 = arith.index_cast %swap3A_344 : i32 to index
        %swap3A_346 = arith.constant 0 : index
        %swap3A_347 = tpu.vector_load %arg10[%swap3A_345, %swap3A_346] {strides = array<i32>} : memref<3x16xf32, #tpu.memory_space<vmem>>, vector<1x16xf32>,
        %swap3A_348 = vector.shape_cast %swap3A_347 : vector<1x16xf32> to vector<16xf32>
        %swap3A_349 = vector.shape_cast %add3A_343 : vector<16xf32> to vector<1x16xf32>
        tpu.vector_store %arg10[%swap3A_345, %swap3A_346], %swap3A_349 {strides = array<i32>} : memref<3x16xf32, #tpu.memory_space<vmem>>, vector<1x16xf32>,
        %get3A_350 = arith.constant 2 : i32
        %get3A_351 = arith.index_cast %get3A_350 : i32 to index
        %get3A_352 = arith.constant 0 : index
        %get3A_353 = tpu.vector_load %arg10[%get3A_351, %get3A_352] {strides = array<i32>} : memref<3x16xf32, #tpu.memory_space<vmem>>, vector<1x16xf32>,
        %get3A_354 = vector.shape_cast %get3A_353 : vector<1x16xf32> to vector<16xf32>
        %add3A_355 = arith.addf %get3A_354, %scan3A_324#2 : vector<16xf32>
        %swap3A_356 = arith.constant 2 : i32
        %swap3A_357 = arith.index_cast %swap3A_356 : i32 to index
        %swap3A_358 = arith.constant 0 : index
        %swap3A_359 = tpu.vector_load %arg10[%swap3A_357, %swap3A_358] {strides = array<i32>} : memref<3x16xf32, #tpu.memory_space<vmem>>, vector<1x16xf32>,
        %swap3A_360 = vector.shape_cast %swap3A_359 : vector<1x16xf32> to vector<16xf32>
        %swap3A_361 = vector.shape_cast %add3A_355 : vector<16xf32> to vector<1x16xf32>
        tpu.vector_store %arg10[%swap3A_357, %swap3A_358], %swap3A_361 {strides = array<i32>} : memref<3x16xf32, #tpu.memory_space<vmem>>, vector<1x16xf32>,
      } else {
      }
      %slice3A_307 = vector.extract_strided_slice %get3A_135 {offsets = [15], sizes = [1], strides = [1]} : vector<16xi32> to vector<1xi32>
      %squeeze3A_308 = vector.extract %slice3A_307[0] : i32 from vector<1xi32>
      %slice3A_309 = vector.extract_strided_slice %get3A_141 {offsets = [15], sizes = [1], strides = [1]} : vector<16xf32> to vector<1xf32>
      %squeeze3A_310 = vector.extract %slice3A_309[0] : f32 from vector<1xf32>
      %slice3A_311 = vector.extract_strided_slice %get3A_138 {offsets = [15], sizes = [1], strides = [1]} : vector<16xi32> to vector<1xi32>
      %squeeze3A_312 = vector.extract %slice3A_311[0] : i32 from vector<1xi32>
      %gt3A_313 = arith.constant 0 : i32
      %gt3A_314 = arith.cmpi sgt, %squeeze3A_312, %gt3A_313 : i32
      %convert_element_type3A_315 = arith.extui %gt3A_314 : i1 to i32
      %cond3A_316 = arith.constant 0 : i32
      %cond3A_317 = arith.cmpi ne, %convert_element_type3A_315, %cond3A_316 : i32
      scf.if %cond3A_317 {
        %broadcast_in_dim3A_318 = vector.broadcast %squeeze3A_308 : i32 to vector<16xi32>
        %broadcast_in_dim3A_319 = vector.broadcast %squeeze3A_310 : f32 to vector<16xf32>
        %scan3A_320 = arith.constant 0 : i32
        %scan3A_321 = arith.constant 256 : i32
        %scan3A_322 = arith.addi %scan3A_320, %scan3A_321 : i32
        %scan3A_323 = arith.constant 4 : i32
        %scan3A_324:3 = scf.for %scan3A_362 = %scan3A_320 to %scan3A_322 step %scan3A_323 iter_args(%scan3A_363 = %broadcast_in_dim3A_6, %scan3A_364 = %broadcast_in_dim3A_6, %scan3A_365 = %broadcast_in_dim3A_6) -> (vector<16xf32>, vector<16xf32>, vector<16xf32>)  : i32 {
          %mul3A_366 = arith.constant 16 : i32
          %mul3A_367 = arith.muli %scan3A_362, %mul3A_366 : i32
          %get3A_368 = arith.index_cast %mul3A_367 : i32 to index
          %get3A_369 = tpu.vector_load %arg9[%get3A_368] {strides = array<i32>} : memref<4096xi32, #tpu.memory_space<vmem>>, vector<16xi32>,
          %get3A_370 = vector.shape_cast %get3A_369 : vector<16xi32> to vector<16xi32>
          %get3A_371 = arith.index_cast %mul3A_367 : i32 to index
          %get3A_372 = tpu.vector_load %arg8[%get3A_371] {strides = array<i32>} : memref<4096xf32, #tpu.memory_space<vmem>>, vector<16xf32>,
          %get3A_373 = vector.shape_cast %get3A_372 : vector<16xf32> to vector<16xf32>
          %gt3A_374 = arith.cmpi sgt, %get3A_370, %broadcast_in_dim3A_318 : vector<16xi32>
          %lt3A = arith.cmpf olt, %get3A_373, %broadcast_in_dim3A_319 : vector<16xf32>
          %sub3A = arith.subf %get3A_373, %broadcast_in_dim3A_319 : vector<16xf32>
          %abs3A = math.absf %sub3A : vector<16xf32>
          %le3A = arith.constant 9.99999993E-9 : f32
          %le3A_375 = vector.broadcast %le3A : f32 to vector<16xf32>
          %le3A_376 = arith.cmpf ole, %abs3A, %le3A_375 : vector<16xf32>
          %select_n3A = arith.select %gt3A_374, %broadcast_in_dim3A_8, %broadcast_in_dim3A_6 : vector<16xi1>, vector<16xf32>
          %add3A_377 = arith.addf %scan3A_363, %select_n3A : vector<16xf32>
          %and3A = arith.andi %gt3A_374, %lt3A : vector<16xi1>
          %select_n3A_378 = arith.select %and3A, %broadcast_in_dim3A_8, %broadcast_in_dim3A_6 : vector<16xi1>, vector<16xf32>
          %add3A_379 = arith.addf %scan3A_364, %select_n3A_378 : vector<16xf32>
          %and3A_380 = arith.andi %gt3A_374, %le3A_376 : vector<16xi1>
          %select_n3A_381 = arith.select %and3A_380, %broadcast_in_dim3A_8, %broadcast_in_dim3A_6 : vector<16xi1>, vector<16xf32>
          %add3A_382 = arith.addf %scan3A_365, %select_n3A_381 : vector<16xf32>
          %scan3A_383 = arith.constant 1 : i32
          %scan3A_384 = arith.addi %scan3A_362, %scan3A_383 : i32
          %mul3A_385 = arith.constant 16 : i32
          %mul3A_386 = arith.muli %scan3A_384, %mul3A_385 : i32
          %get3A_387 = arith.index_cast %mul3A_386 : i32 to index
          %get3A_388 = tpu.vector_load %arg9[%get3A_387] {strides = array<i32>} : memref<4096xi32, #tpu.memory_space<vmem>>, vector<16xi32>,
          %get3A_389 = vector.shape_cast %get3A_388 : vector<16xi32> to vector<16xi32>
          %get3A_390 = arith.index_cast %mul3A_386 : i32 to index
          %get3A_391 = tpu.vector_load %arg8[%get3A_390] {strides = array<i32>} : memref<4096xf32, #tpu.memory_space<vmem>>, vector<16xf32>,
          %get3A_392 = vector.shape_cast %get3A_391 : vector<16xf32> to vector<16xf32>
          %gt3A_393 = arith.cmpi sgt, %get3A_389, %broadcast_in_dim3A_318 : vector<16xi32>
          %lt3A_394 = arith.cmpf olt, %get3A_392, %broadcast_in_dim3A_319 : vector<16xf32>
          %sub3A_395 = arith.subf %get3A_392, %broadcast_in_dim3A_319 : vector<16xf32>
          %abs3A_396 = math.absf %sub3A_395 : vector<16xf32>
          %le3A_397 = arith.constant 9.99999993E-9 : f32
          %le3A_398 = vector.broadcast %le3A_397 : f32 to vector<16xf32>
          %le3A_399 = arith.cmpf ole, %abs3A_396, %le3A_398 : vector<16xf32>
          %select_n3A_400 = arith.select %gt3A_393, %broadcast_in_dim3A_8, %broadcast_in_dim3A_6 : vector<16xi1>, vector<16xf32>
          %add3A_401 = arith.addf %add3A_377, %select_n3A_400 : vector<16xf32>
          %and3A_402 = arith.andi %gt3A_393, %lt3A_394 : vector<16xi1>
          %select_n3A_403 = arith.select %and3A_402, %broadcast_in_dim3A_8, %broadcast_in_dim3A_6 : vector<16xi1>, vector<16xf32>
          %add3A_404 = arith.addf %add3A_379, %select_n3A_403 : vector<16xf32>
          %and3A_405 = arith.andi %gt3A_393, %le3A_399 : vector<16xi1>
          %select_n3A_406 = arith.select %and3A_405, %broadcast_in_dim3A_8, %broadcast_in_dim3A_6 : vector<16xi1>, vector<16xf32>
          %add3A_407 = arith.addf %add3A_382, %select_n3A_406 : vector<16xf32>
          %scan3A_408 = arith.constant 2 : i32
          %scan3A_409 = arith.addi %scan3A_362, %scan3A_408 : i32
          %mul3A_410 = arith.constant 16 : i32
          %mul3A_411 = arith.muli %scan3A_409, %mul3A_410 : i32
          %get3A_412 = arith.index_cast %mul3A_411 : i32 to index
          %get3A_413 = tpu.vector_load %arg9[%get3A_412] {strides = array<i32>} : memref<4096xi32, #tpu.memory_space<vmem>>, vector<16xi32>,
          %get3A_414 = vector.shape_cast %get3A_413 : vector<16xi32> to vector<16xi32>
          %get3A_415 = arith.index_cast %mul3A_411 : i32 to index
          %get3A_416 = tpu.vector_load %arg8[%get3A_415] {strides = array<i32>} : memref<4096xf32, #tpu.memory_space<vmem>>, vector<16xf32>,
          %get3A_417 = vector.shape_cast %get3A_416 : vector<16xf32> to vector<16xf32>
          %gt3A_418 = arith.cmpi sgt, %get3A_414, %broadcast_in_dim3A_318 : vector<16xi32>
          %lt3A_419 = arith.cmpf olt, %get3A_417, %broadcast_in_dim3A_319 : vector<16xf32>
          %sub3A_420 = arith.subf %get3A_417, %broadcast_in_dim3A_319 : vector<16xf32>
          %abs3A_421 = math.absf %sub3A_420 : vector<16xf32>
          %le3A_422 = arith.constant 9.99999993E-9 : f32
          %le3A_423 = vector.broadcast %le3A_422 : f32 to vector<16xf32>
          %le3A_424 = arith.cmpf ole, %abs3A_421, %le3A_423 : vector<16xf32>
          %select_n3A_425 = arith.select %gt3A_418, %broadcast_in_dim3A_8, %broadcast_in_dim3A_6 : vector<16xi1>, vector<16xf32>
          %add3A_426 = arith.addf %add3A_401, %select_n3A_425 : vector<16xf32>
          %and3A_427 = arith.andi %gt3A_418, %lt3A_419 : vector<16xi1>
          %select_n3A_428 = arith.select %and3A_427, %broadcast_in_dim3A_8, %broadcast_in_dim3A_6 : vector<16xi1>, vector<16xf32>
          %add3A_429 = arith.addf %add3A_404, %select_n3A_428 : vector<16xf32>
          %and3A_430 = arith.andi %gt3A_418, %le3A_424 : vector<16xi1>
          %select_n3A_431 = arith.select %and3A_430, %broadcast_in_dim3A_8, %broadcast_in_dim3A_6 : vector<16xi1>, vector<16xf32>
          %add3A_432 = arith.addf %add3A_407, %select_n3A_431 : vector<16xf32>
          %scan3A_433 = arith.constant 3 : i32
          %scan3A_434 = arith.addi %scan3A_362, %scan3A_433 : i32
          %mul3A_435 = arith.constant 16 : i32
          %mul3A_436 = arith.muli %scan3A_434, %mul3A_435 : i32
          %get3A_437 = arith.index_cast %mul3A_436 : i32 to index
          %get3A_438 = tpu.vector_load %arg9[%get3A_437] {strides = array<i32>} : memref<4096xi32, #tpu.memory_space<vmem>>, vector<16xi32>,
          %get3A_439 = vector.shape_cast %get3A_438 : vector<16xi32> to vector<16xi32>
          %get3A_440 = arith.index_cast %mul3A_436 : i32 to index
          %get3A_441 = tpu.vector_load %arg8[%get3A_440] {strides = array<i32>} : memref<4096xf32, #tpu.memory_space<vmem>>, vector<16xf32>,
          %get3A_442 = vector.shape_cast %get3A_441 : vector<16xf32> to vector<16xf32>
          %gt3A_443 = arith.cmpi sgt, %get3A_439, %broadcast_in_dim3A_318 : vector<16xi32>
          %lt3A_444 = arith.cmpf olt, %get3A_442, %broadcast_in_dim3A_319 : vector<16xf32>
          %sub3A_445 = arith.subf %get3A_442, %broadcast_in_dim3A_319 : vector<16xf32>
          %abs3A_446 = math.absf %sub3A_445 : vector<16xf32>
          %le3A_447 = arith.constant 9.99999993E-9 : f32
          %le3A_448 = vector.broadcast %le3A_447 : f32 to vector<16xf32>
          %le3A_449 = arith.cmpf ole, %abs3A_446, %le3A_448 : vector<16xf32>
          %select_n3A_450 = arith.select %gt3A_443, %broadcast_in_dim3A_8, %broadcast_in_dim3A_6 : vector<16xi1>, vector<16xf32>
          %add3A_451 = arith.addf %add3A_426, %select_n3A_450 : vector<16xf32>
          %and3A_452 = arith.andi %gt3A_443, %lt3A_444 : vector<16xi1>
          %select_n3A_453 = arith.select %and3A_452, %broadcast_in_dim3A_8, %broadcast_in_dim3A_6 : vector<16xi1>, vector<16xf32>
          %add3A_454 = arith.addf %add3A_429, %select_n3A_453 : vector<16xf32>
          %and3A_455 = arith.andi %gt3A_443, %le3A_449 : vector<16xi1>
          %select_n3A_456 = arith.select %and3A_455, %broadcast_in_dim3A_8, %broadcast_in_dim3A_6 : vector<16xi1>, vector<16xf32>
          %add3A_457 = arith.addf %add3A_432, %select_n3A_456 : vector<16xf32>
          scf.yield %add3A_451, %add3A_454, %add3A_457 : vector<16xf32>, vector<16xf32>, vector<16xf32>
        }
        %scan3A_325 = arith.constant 256 : i32
        %get3A_326 = arith.constant 0 : i32
        %get3A_327 = arith.index_cast %get3A_326 : i32 to index
        %get3A_328 = arith.constant 0 : index
        %get3A_329 = tpu.vector_load %arg10[%get3A_327, %get3A_328] {strides = array<i32>} : memref<3x16xf32, #tpu.memory_space<vmem>>, vector<1x16xf32>,
        %get3A_330 = vector.shape_cast %get3A_329 : vector<1x16xf32> to vector<16xf32>
        %add3A_331 = arith.addf %get3A_330, %scan3A_324#0 : vector<16xf32>
        %swap3A_332 = arith.constant 0 : i32
        %swap3A_333 = arith.index_cast %swap3A_332 : i32 to index
        %swap3A_334 = arith.constant 0 : index
        %swap3A_335 = tpu.vector_load %arg10[%swap3A_333, %swap3A_334] {strides = array<i32>} : memref<3x16xf32, #tpu.memory_space<vmem>>, vector<1x16xf32>,
        %swap3A_336 = vector.shape_cast %swap3A_335 : vector<1x16xf32> to vector<16xf32>
        %swap3A_337 = vector.shape_cast %add3A_331 : vector<16xf32> to vector<1x16xf32>
        tpu.vector_store %arg10[%swap3A_333, %swap3A_334], %swap3A_337 {strides = array<i32>} : memref<3x16xf32, #tpu.memory_space<vmem>>, vector<1x16xf32>,
        %get3A_338 = arith.constant 1 : i32
        %get3A_339 = arith.index_cast %get3A_338 : i32 to index
        %get3A_340 = arith.constant 0 : index
        %get3A_341 = tpu.vector_load %arg10[%get3A_339, %get3A_340] {strides = array<i32>} : memref<3x16xf32, #tpu.memory_space<vmem>>, vector<1x16xf32>,
        %get3A_342 = vector.shape_cast %get3A_341 : vector<1x16xf32> to vector<16xf32>
        %add3A_343 = arith.addf %get3A_342, %scan3A_324#1 : vector<16xf32>
        %swap3A_344 = arith.constant 1 : i32
        %swap3A_345 = arith.index_cast %swap3A_344 : i32 to index
        %swap3A_346 = arith.constant 0 : index
        %swap3A_347 = tpu.vector_load %arg10[%swap3A_345, %swap3A_346] {strides = array<i32>} : memref<3x16xf32, #tpu.memory_space<vmem>>, vector<1x16xf32>,
        %swap3A_348 = vector.shape_cast %swap3A_347 : vector<1x16xf32> to vector<16xf32>
        %swap3A_349 = vector.shape_cast %add3A_343 : vector<16xf32> to vector<1x16xf32>
        tpu.vector_store %arg10[%swap3A_345, %swap3A_346], %swap3A_349 {strides = array<i32>} : memref<3x16xf32, #tpu.memory_space<vmem>>, vector<1x16xf32>,
        %get3A_350 = arith.constant 2 : i32
        %get3A_351 = arith.index_cast %get3A_350 : i32 to index
        %get3A_352 = arith.constant 0 : index
        %get3A_353 = tpu.vector_load %arg10[%get3A_351, %get3A_352] {strides = array<i32>} : memref<3x16xf32, #tpu.memory_space<vmem>>, vector<1x16xf32>,
        %get3A_354 = vector.shape_cast %get3A_353 : vector<1x16xf32> to vector<16xf32>
        %add3A_355 = arith.addf %get3A_354, %scan3A_324#2 : vector<16xf32>
        %swap3A_356 = arith.constant 2 : i32
        %swap3A_357 = arith.index_cast %swap3A_356 : i32 to index
        %swap3A_358 = arith.constant 0 : index
        %swap3A_359 = tpu.vector_load %arg10[%swap3A_357, %swap3A_358] {strides = array<i32>} : memref<3x16xf32, #tpu.memory_space<vmem>>, vector<1x16xf32>,
        %swap3A_360 = vector.shape_cast %swap3A_359 : vector<1x16xf32> to vector<16xf32>
        %swap3A_361 = vector.shape_cast %add3A_355 : vector<16xf32> to vector<1x16xf32>
        tpu.vector_store %arg10[%swap3A_357, %swap3A_358], %swap3A_361 {strides = array<i32>} : memref<3x16xf32, #tpu.memory_space<vmem>>, vector<1x16xf32>,
      } else {
      }
    }
    %scan3A_31 = arith.constant 2 : i32
    %mul3A_32 = arith.constant 40 : i32
    %mul3A_33 = arith.muli %add3A, %mul3A_32 : i32
    %add3A_34 = arith.constant 32 : i32
    %add3A_35 = arith.addi %mul3A_33, %add3A_34 : i32
    %get3A = arith.index_cast %add3A_35 : i32 to index
    %get3A_36 = tpu.vector_load %arg9[%get3A] {strides = array<i32>} : memref<4096xi32, #tpu.memory_space<vmem>>, vector<16xi32>,
    %get3A_37 = vector.shape_cast %get3A_36 : vector<16xi32> to vector<16xi32>
    %get3A_38 = arith.index_cast %add3A_35 : i32 to index
    %get3A_39 = tpu.vector_load %arg6[%get3A_38] {strides = array<i32>} : memref<4096xi32, #tpu.memory_space<vmem>>, vector<16xi32>,
    %get3A_40 = vector.shape_cast %get3A_39 : vector<16xi32> to vector<16xi32>
    %get3A_41 = arith.index_cast %add3A_35 : i32 to index
    %get3A_42 = tpu.vector_load %arg8[%get3A_41] {strides = array<i32>} : memref<4096xf32, #tpu.memory_space<vmem>>, vector<16xf32>,
    %get3A_43 = vector.shape_cast %get3A_42 : vector<16xf32> to vector<16xf32>
    %slice3A = vector.extract_strided_slice %get3A_37 {offsets = [0], sizes = [1], strides = [1]} : vector<16xi32> to vector<1xi32>
    %squeeze3A = vector.extract %slice3A[0] : i32 from vector<1xi32>
    %slice3A_44 = vector.extract_strided_slice %get3A_43 {offsets = [0], sizes = [1], strides = [1]} : vector<16xf32> to vector<1xf32>
    %squeeze3A_45 = vector.extract %slice3A_44[0] : f32 from vector<1xf32>
    %slice3A_46 = vector.extract_strided_slice %get3A_40 {offsets = [0], sizes = [1], strides = [1]} : vector<16xi32> to vector<1xi32>
    %squeeze3A_47 = vector.extract %slice3A_46[0] : i32 from vector<1xi32>
    %gt3A = arith.constant 0 : i32
    %gt3A_48 = arith.cmpi sgt, %squeeze3A_47, %gt3A : i32
    %convert_element_type3A = arith.extui %gt3A_48 : i1 to i32
    %cond3A = arith.constant 0 : i32
    %cond3A_49 = arith.cmpi ne, %convert_element_type3A, %cond3A : i32
    scf.if %cond3A_49 {
      %broadcast_in_dim3A_127 = vector.broadcast %squeeze3A : i32 to vector<16xi32>
      %broadcast_in_dim3A_128 = vector.broadcast %squeeze3A_45 : f32 to vector<16xf32>
      %scan3A_129 = arith.constant 0 : i32
      %scan3A_130 = arith.constant 256 : i32
      %scan3A_131 = arith.addi %scan3A_129, %scan3A_130 : i32
      %scan3A_132 = arith.constant 4 : i32
      %scan3A_133:3 = scf.for %scan3A_171 = %scan3A_129 to %scan3A_131 step %scan3A_132 iter_args(%scan3A_172 = %broadcast_in_dim3A_6, %scan3A_173 = %broadcast_in_dim3A_6, %scan3A_174 = %broadcast_in_dim3A_6) -> (vector<16xf32>, vector<16xf32>, vector<16xf32>)  : i32 {
        %mul3A_175 = arith.constant 16 : i32
        %mul3A_176 = arith.muli %scan3A_171, %mul3A_175 : i32
        %get3A_177 = arith.index_cast %mul3A_176 : i32 to index
        %get3A_178 = tpu.vector_load %arg9[%get3A_177] {strides = array<i32>} : memref<4096xi32, #tpu.memory_space<vmem>>, vector<16xi32>,
        %get3A_179 = vector.shape_cast %get3A_178 : vector<16xi32> to vector<16xi32>
        %get3A_180 = arith.index_cast %mul3A_176 : i32 to index
        %get3A_181 = tpu.vector_load %arg8[%get3A_180] {strides = array<i32>} : memref<4096xf32, #tpu.memory_space<vmem>>, vector<16xf32>,
        %get3A_182 = vector.shape_cast %get3A_181 : vector<16xf32> to vector<16xf32>
        %gt3A_183 = arith.cmpi sgt, %get3A_179, %broadcast_in_dim3A_127 : vector<16xi32>
        %lt3A = arith.cmpf olt, %get3A_182, %broadcast_in_dim3A_128 : vector<16xf32>
        %sub3A = arith.subf %get3A_182, %broadcast_in_dim3A_128 : vector<16xf32>
        %abs3A = math.absf %sub3A : vector<16xf32>
        %le3A = arith.constant 9.99999993E-9 : f32
        %le3A_184 = vector.broadcast %le3A : f32 to vector<16xf32>
        %le3A_185 = arith.cmpf ole, %abs3A, %le3A_184 : vector<16xf32>
        %select_n3A = arith.select %gt3A_183, %broadcast_in_dim3A_8, %broadcast_in_dim3A_6 : vector<16xi1>, vector<16xf32>
        %add3A_186 = arith.addf %scan3A_172, %select_n3A : vector<16xf32>
        %and3A = arith.andi %gt3A_183, %lt3A : vector<16xi1>
        %select_n3A_187 = arith.select %and3A, %broadcast_in_dim3A_8, %broadcast_in_dim3A_6 : vector<16xi1>, vector<16xf32>
        %add3A_188 = arith.addf %scan3A_173, %select_n3A_187 : vector<16xf32>
        %and3A_189 = arith.andi %gt3A_183, %le3A_185 : vector<16xi1>
        %select_n3A_190 = arith.select %and3A_189, %broadcast_in_dim3A_8, %broadcast_in_dim3A_6 : vector<16xi1>, vector<16xf32>
        %add3A_191 = arith.addf %scan3A_174, %select_n3A_190 : vector<16xf32>
        %scan3A_192 = arith.constant 1 : i32
        %scan3A_193 = arith.addi %scan3A_171, %scan3A_192 : i32
        %mul3A_194 = arith.constant 16 : i32
        %mul3A_195 = arith.muli %scan3A_193, %mul3A_194 : i32
        %get3A_196 = arith.index_cast %mul3A_195 : i32 to index
        %get3A_197 = tpu.vector_load %arg9[%get3A_196] {strides = array<i32>} : memref<4096xi32, #tpu.memory_space<vmem>>, vector<16xi32>,
        %get3A_198 = vector.shape_cast %get3A_197 : vector<16xi32> to vector<16xi32>
        %get3A_199 = arith.index_cast %mul3A_195 : i32 to index
        %get3A_200 = tpu.vector_load %arg8[%get3A_199] {strides = array<i32>} : memref<4096xf32, #tpu.memory_space<vmem>>, vector<16xf32>,
        %get3A_201 = vector.shape_cast %get3A_200 : vector<16xf32> to vector<16xf32>
        %gt3A_202 = arith.cmpi sgt, %get3A_198, %broadcast_in_dim3A_127 : vector<16xi32>
        %lt3A_203 = arith.cmpf olt, %get3A_201, %broadcast_in_dim3A_128 : vector<16xf32>
        %sub3A_204 = arith.subf %get3A_201, %broadcast_in_dim3A_128 : vector<16xf32>
        %abs3A_205 = math.absf %sub3A_204 : vector<16xf32>
        %le3A_206 = arith.constant 9.99999993E-9 : f32
        %le3A_207 = vector.broadcast %le3A_206 : f32 to vector<16xf32>
        %le3A_208 = arith.cmpf ole, %abs3A_205, %le3A_207 : vector<16xf32>
        %select_n3A_209 = arith.select %gt3A_202, %broadcast_in_dim3A_8, %broadcast_in_dim3A_6 : vector<16xi1>, vector<16xf32>
        %add3A_210 = arith.addf %add3A_186, %select_n3A_209 : vector<16xf32>
        %and3A_211 = arith.andi %gt3A_202, %lt3A_203 : vector<16xi1>
        %select_n3A_212 = arith.select %and3A_211, %broadcast_in_dim3A_8, %broadcast_in_dim3A_6 : vector<16xi1>, vector<16xf32>
        %add3A_213 = arith.addf %add3A_188, %select_n3A_212 : vector<16xf32>
        %and3A_214 = arith.andi %gt3A_202, %le3A_208 : vector<16xi1>
        %select_n3A_215 = arith.select %and3A_214, %broadcast_in_dim3A_8, %broadcast_in_dim3A_6 : vector<16xi1>, vector<16xf32>
        %add3A_216 = arith.addf %add3A_191, %select_n3A_215 : vector<16xf32>
        %scan3A_217 = arith.constant 2 : i32
        %scan3A_218 = arith.addi %scan3A_171, %scan3A_217 : i32
        %mul3A_219 = arith.constant 16 : i32
        %mul3A_220 = arith.muli %scan3A_218, %mul3A_219 : i32
        %get3A_221 = arith.index_cast %mul3A_220 : i32 to index
        %get3A_222 = tpu.vector_load %arg9[%get3A_221] {strides = array<i32>} : memref<4096xi32, #tpu.memory_space<vmem>>, vector<16xi32>,
        %get3A_223 = vector.shape_cast %get3A_222 : vector<16xi32> to vector<16xi32>
        %get3A_224 = arith.index_cast %mul3A_220 : i32 to index
        %get3A_225 = tpu.vector_load %arg8[%get3A_224] {strides = array<i32>} : memref<4096xf32, #tpu.memory_space<vmem>>, vector<16xf32>,
        %get3A_226 = vector.shape_cast %get3A_225 : vector<16xf32> to vector<16xf32>
        %gt3A_227 = arith.cmpi sgt, %get3A_223, %broadcast_in_dim3A_127 : vector<16xi32>
        %lt3A_228 = arith.cmpf olt, %get3A_226, %broadcast_in_dim3A_128 : vector<16xf32>
        %sub3A_229 = arith.subf %get3A_226, %broadcast_in_dim3A_128 : vector<16xf32>
        %abs3A_230 = math.absf %sub3A_229 : vector<16xf32>
        %le3A_231 = arith.constant 9.99999993E-9 : f32
        %le3A_232 = vector.broadcast %le3A_231 : f32 to vector<16xf32>
        %le3A_233 = arith.cmpf ole, %abs3A_230, %le3A_232 : vector<16xf32>
        %select_n3A_234 = arith.select %gt3A_227, %broadcast_in_dim3A_8, %broadcast_in_dim3A_6 : vector<16xi1>, vector<16xf32>
        %add3A_235 = arith.addf %add3A_210, %select_n3A_234 : vector<16xf32>
        %and3A_236 = arith.andi %gt3A_227, %lt3A_228 : vector<16xi1>
        %select_n3A_237 = arith.select %and3A_236, %broadcast_in_dim3A_8, %broadcast_in_dim3A_6 : vector<16xi1>, vector<16xf32>
        %add3A_238 = arith.addf %add3A_213, %select_n3A_237 : vector<16xf32>
        %and3A_239 = arith.andi %gt3A_227, %le3A_233 : vector<16xi1>
        %select_n3A_240 = arith.select %and3A_239, %broadcast_in_dim3A_8, %broadcast_in_dim3A_6 : vector<16xi1>, vector<16xf32>
        %add3A_241 = arith.addf %add3A_216, %select_n3A_240 : vector<16xf32>
        %scan3A_242 = arith.constant 3 : i32
        %scan3A_243 = arith.addi %scan3A_171, %scan3A_242 : i32
        %mul3A_244 = arith.constant 16 : i32
        %mul3A_245 = arith.muli %scan3A_243, %mul3A_244 : i32
        %get3A_246 = arith.index_cast %mul3A_245 : i32 to index
        %get3A_247 = tpu.vector_load %arg9[%get3A_246] {strides = array<i32>} : memref<4096xi32, #tpu.memory_space<vmem>>, vector<16xi32>,
        %get3A_248 = vector.shape_cast %get3A_247 : vector<16xi32> to vector<16xi32>
        %get3A_249 = arith.index_cast %mul3A_245 : i32 to index
        %get3A_250 = tpu.vector_load %arg8[%get3A_249] {strides = array<i32>} : memref<4096xf32, #tpu.memory_space<vmem>>, vector<16xf32>,
        %get3A_251 = vector.shape_cast %get3A_250 : vector<16xf32> to vector<16xf32>
        %gt3A_252 = arith.cmpi sgt, %get3A_248, %broadcast_in_dim3A_127 : vector<16xi32>
        %lt3A_253 = arith.cmpf olt, %get3A_251, %broadcast_in_dim3A_128 : vector<16xf32>
        %sub3A_254 = arith.subf %get3A_251, %broadcast_in_dim3A_128 : vector<16xf32>
        %abs3A_255 = math.absf %sub3A_254 : vector<16xf32>
        %le3A_256 = arith.constant 9.99999993E-9 : f32
        %le3A_257 = vector.broadcast %le3A_256 : f32 to vector<16xf32>
        %le3A_258 = arith.cmpf ole, %abs3A_255, %le3A_257 : vector<16xf32>
        %select_n3A_259 = arith.select %gt3A_252, %broadcast_in_dim3A_8, %broadcast_in_dim3A_6 : vector<16xi1>, vector<16xf32>
        %add3A_260 = arith.addf %add3A_235, %select_n3A_259 : vector<16xf32>
        %and3A_261 = arith.andi %gt3A_252, %lt3A_253 : vector<16xi1>
        %select_n3A_262 = arith.select %and3A_261, %broadcast_in_dim3A_8, %broadcast_in_dim3A_6 : vector<16xi1>, vector<16xf32>
        %add3A_263 = arith.addf %add3A_238, %select_n3A_262 : vector<16xf32>
        %and3A_264 = arith.andi %gt3A_252, %le3A_258 : vector<16xi1>
        %select_n3A_265 = arith.select %and3A_264, %broadcast_in_dim3A_8, %broadcast_in_dim3A_6 : vector<16xi1>, vector<16xf32>
        %add3A_266 = arith.addf %add3A_241, %select_n3A_265 : vector<16xf32>
        scf.yield %add3A_260, %add3A_263, %add3A_266 : vector<16xf32>, vector<16xf32>, vector<16xf32>
      }
      %scan3A_134 = arith.constant 256 : i32
      %get3A_135 = arith.constant 0 : i32
      %get3A_136 = arith.index_cast %get3A_135 : i32 to index
      %get3A_137 = arith.constant 0 : index
      %get3A_138 = tpu.vector_load %arg10[%get3A_136, %get3A_137] {strides = array<i32>} : memref<3x16xf32, #tpu.memory_space<vmem>>, vector<1x16xf32>,
      %get3A_139 = vector.shape_cast %get3A_138 : vector<1x16xf32> to vector<16xf32>
      %add3A_140 = arith.addf %get3A_139, %scan3A_133#0 : vector<16xf32>
      %swap3A_141 = arith.constant 0 : i32
      %swap3A_142 = arith.index_cast %swap3A_141 : i32 to index
      %swap3A_143 = arith.constant 0 : index
      %swap3A_144 = tpu.vector_load %arg10[%swap3A_142, %swap3A_143] {strides = array<i32>} : memref<3x16xf32, #tpu.memory_space<vmem>>, vector<1x16xf32>,
      %swap3A_145 = vector.shape_cast %swap3A_144 : vector<1x16xf32> to vector<16xf32>
      %swap3A_146 = vector.shape_cast %add3A_140 : vector<16xf32> to vector<1x16xf32>
      tpu.vector_store %arg10[%swap3A_142, %swap3A_143], %swap3A_146 {strides = array<i32>} : memref<3x16xf32, #tpu.memory_space<vmem>>, vector<1x16xf32>,
      %get3A_147 = arith.constant 1 : i32
      %get3A_148 = arith.index_cast %get3A_147 : i32 to index
      %get3A_149 = arith.constant 0 : index
      %get3A_150 = tpu.vector_load %arg10[%get3A_148, %get3A_149] {strides = array<i32>} : memref<3x16xf32, #tpu.memory_space<vmem>>, vector<1x16xf32>,
      %get3A_151 = vector.shape_cast %get3A_150 : vector<1x16xf32> to vector<16xf32>
      %add3A_152 = arith.addf %get3A_151, %scan3A_133#1 : vector<16xf32>
      %swap3A_153 = arith.constant 1 : i32
      %swap3A_154 = arith.index_cast %swap3A_153 : i32 to index
      %swap3A_155 = arith.constant 0 : index
      %swap3A_156 = tpu.vector_load %arg10[%swap3A_154, %swap3A_155] {strides = array<i32>} : memref<3x16xf32, #tpu.memory_space<vmem>>, vector<1x16xf32>,
      %swap3A_157 = vector.shape_cast %swap3A_156 : vector<1x16xf32> to vector<16xf32>
      %swap3A_158 = vector.shape_cast %add3A_152 : vector<16xf32> to vector<1x16xf32>
      tpu.vector_store %arg10[%swap3A_154, %swap3A_155], %swap3A_158 {strides = array<i32>} : memref<3x16xf32, #tpu.memory_space<vmem>>, vector<1x16xf32>,
      %get3A_159 = arith.constant 2 : i32
      %get3A_160 = arith.index_cast %get3A_159 : i32 to index
      %get3A_161 = arith.constant 0 : index
      %get3A_162 = tpu.vector_load %arg10[%get3A_160, %get3A_161] {strides = array<i32>} : memref<3x16xf32, #tpu.memory_space<vmem>>, vector<1x16xf32>,
      %get3A_163 = vector.shape_cast %get3A_162 : vector<1x16xf32> to vector<16xf32>
      %add3A_164 = arith.addf %get3A_163, %scan3A_133#2 : vector<16xf32>
      %swap3A_165 = arith.constant 2 : i32
      %swap3A_166 = arith.index_cast %swap3A_165 : i32 to index
      %swap3A_167 = arith.constant 0 : index
      %swap3A_168 = tpu.vector_load %arg10[%swap3A_166, %swap3A_167] {strides = array<i32>} : memref<3x16xf32, #tpu.memory_space<vmem>>, vector<1x16xf32>,
      %swap3A_169 = vector.shape_cast %swap3A_168 : vector<1x16xf32> to vector<16xf32>
      %swap3A_170 = vector.shape_cast %add3A_164 : vector<16xf32> to vector<1x16xf32>
      tpu.vector_store %arg10[%swap3A_166, %swap3A_167], %swap3A_170 {strides = array<i32>} : memref<3x16xf32, #tpu.memory_space<vmem>>, vector<1x16xf32>,
    } else {
    }
    %slice3A_50 = vector.extract_strided_slice %get3A_37 {offsets = [1], sizes = [1], strides = [1]} : vector<16xi32> to vector<1xi32>
    %squeeze3A_51 = vector.extract %slice3A_50[0] : i32 from vector<1xi32>
    %slice3A_52 = vector.extract_strided_slice %get3A_43 {offsets = [1], sizes = [1], strides = [1]} : vector<16xf32> to vector<1xf32>
    %squeeze3A_53 = vector.extract %slice3A_52[0] : f32 from vector<1xf32>
    %slice3A_54 = vector.extract_strided_slice %get3A_40 {offsets = [1], sizes = [1], strides = [1]} : vector<16xi32> to vector<1xi32>
    %squeeze3A_55 = vector.extract %slice3A_54[0] : i32 from vector<1xi32>
    %gt3A_56 = arith.constant 0 : i32
    %gt3A_57 = arith.cmpi sgt, %squeeze3A_55, %gt3A_56 : i32
    %convert_element_type3A_58 = arith.extui %gt3A_57 : i1 to i32
    %cond3A_59 = arith.constant 0 : i32
    %cond3A_60 = arith.cmpi ne, %convert_element_type3A_58, %cond3A_59 : i32
    scf.if %cond3A_60 {
      %broadcast_in_dim3A_127 = vector.broadcast %squeeze3A_51 : i32 to vector<16xi32>
      %broadcast_in_dim3A_128 = vector.broadcast %squeeze3A_53 : f32 to vector<16xf32>
      %scan3A_129 = arith.constant 0 : i32
      %scan3A_130 = arith.constant 256 : i32
      %scan3A_131 = arith.addi %scan3A_129, %scan3A_130 : i32
      %scan3A_132 = arith.constant 4 : i32
      %scan3A_133:3 = scf.for %scan3A_171 = %scan3A_129 to %scan3A_131 step %scan3A_132 iter_args(%scan3A_172 = %broadcast_in_dim3A_6, %scan3A_173 = %broadcast_in_dim3A_6, %scan3A_174 = %broadcast_in_dim3A_6) -> (vector<16xf32>, vector<16xf32>, vector<16xf32>)  : i32 {
        %mul3A_175 = arith.constant 16 : i32
        %mul3A_176 = arith.muli %scan3A_171, %mul3A_175 : i32
        %get3A_177 = arith.index_cast %mul3A_176 : i32 to index
        %get3A_178 = tpu.vector_load %arg9[%get3A_177] {strides = array<i32>} : memref<4096xi32, #tpu.memory_space<vmem>>, vector<16xi32>,
        %get3A_179 = vector.shape_cast %get3A_178 : vector<16xi32> to vector<16xi32>
        %get3A_180 = arith.index_cast %mul3A_176 : i32 to index
        %get3A_181 = tpu.vector_load %arg8[%get3A_180] {strides = array<i32>} : memref<4096xf32, #tpu.memory_space<vmem>>, vector<16xf32>,
        %get3A_182 = vector.shape_cast %get3A_181 : vector<16xf32> to vector<16xf32>
        %gt3A_183 = arith.cmpi sgt, %get3A_179, %broadcast_in_dim3A_127 : vector<16xi32>
        %lt3A = arith.cmpf olt, %get3A_182, %broadcast_in_dim3A_128 : vector<16xf32>
        %sub3A = arith.subf %get3A_182, %broadcast_in_dim3A_128 : vector<16xf32>
        %abs3A = math.absf %sub3A : vector<16xf32>
        %le3A = arith.constant 9.99999993E-9 : f32
        %le3A_184 = vector.broadcast %le3A : f32 to vector<16xf32>
        %le3A_185 = arith.cmpf ole, %abs3A, %le3A_184 : vector<16xf32>
        %select_n3A = arith.select %gt3A_183, %broadcast_in_dim3A_8, %broadcast_in_dim3A_6 : vector<16xi1>, vector<16xf32>
        %add3A_186 = arith.addf %scan3A_172, %select_n3A : vector<16xf32>
        %and3A = arith.andi %gt3A_183, %lt3A : vector<16xi1>
        %select_n3A_187 = arith.select %and3A, %broadcast_in_dim3A_8, %broadcast_in_dim3A_6 : vector<16xi1>, vector<16xf32>
        %add3A_188 = arith.addf %scan3A_173, %select_n3A_187 : vector<16xf32>
        %and3A_189 = arith.andi %gt3A_183, %le3A_185 : vector<16xi1>
        %select_n3A_190 = arith.select %and3A_189, %broadcast_in_dim3A_8, %broadcast_in_dim3A_6 : vector<16xi1>, vector<16xf32>
        %add3A_191 = arith.addf %scan3A_174, %select_n3A_190 : vector<16xf32>
        %scan3A_192 = arith.constant 1 : i32
        %scan3A_193 = arith.addi %scan3A_171, %scan3A_192 : i32
        %mul3A_194 = arith.constant 16 : i32
        %mul3A_195 = arith.muli %scan3A_193, %mul3A_194 : i32
        %get3A_196 = arith.index_cast %mul3A_195 : i32 to index
        %get3A_197 = tpu.vector_load %arg9[%get3A_196] {strides = array<i32>} : memref<4096xi32, #tpu.memory_space<vmem>>, vector<16xi32>,
        %get3A_198 = vector.shape_cast %get3A_197 : vector<16xi32> to vector<16xi32>
        %get3A_199 = arith.index_cast %mul3A_195 : i32 to index
        %get3A_200 = tpu.vector_load %arg8[%get3A_199] {strides = array<i32>} : memref<4096xf32, #tpu.memory_space<vmem>>, vector<16xf32>,
        %get3A_201 = vector.shape_cast %get3A_200 : vector<16xf32> to vector<16xf32>
        %gt3A_202 = arith.cmpi sgt, %get3A_198, %broadcast_in_dim3A_127 : vector<16xi32>
        %lt3A_203 = arith.cmpf olt, %get3A_201, %broadcast_in_dim3A_128 : vector<16xf32>
        %sub3A_204 = arith.subf %get3A_201, %broadcast_in_dim3A_128 : vector<16xf32>
        %abs3A_205 = math.absf %sub3A_204 : vector<16xf32>
        %le3A_206 = arith.constant 9.99999993E-9 : f32
        %le3A_207 = vector.broadcast %le3A_206 : f32 to vector<16xf32>
        %le3A_208 = arith.cmpf ole, %abs3A_205, %le3A_207 : vector<16xf32>
        %select_n3A_209 = arith.select %gt3A_202, %broadcast_in_dim3A_8, %broadcast_in_dim3A_6 : vector<16xi1>, vector<16xf32>
        %add3A_210 = arith.addf %add3A_186, %select_n3A_209 : vector<16xf32>
        %and3A_211 = arith.andi %gt3A_202, %lt3A_203 : vector<16xi1>
        %select_n3A_212 = arith.select %and3A_211, %broadcast_in_dim3A_8, %broadcast_in_dim3A_6 : vector<16xi1>, vector<16xf32>
        %add3A_213 = arith.addf %add3A_188, %select_n3A_212 : vector<16xf32>
        %and3A_214 = arith.andi %gt3A_202, %le3A_208 : vector<16xi1>
        %select_n3A_215 = arith.select %and3A_214, %broadcast_in_dim3A_8, %broadcast_in_dim3A_6 : vector<16xi1>, vector<16xf32>
        %add3A_216 = arith.addf %add3A_191, %select_n3A_215 : vector<16xf32>
        %scan3A_217 = arith.constant 2 : i32
        %scan3A_218 = arith.addi %scan3A_171, %scan3A_217 : i32
        %mul3A_219 = arith.constant 16 : i32
        %mul3A_220 = arith.muli %scan3A_218, %mul3A_219 : i32
        %get3A_221 = arith.index_cast %mul3A_220 : i32 to index
        %get3A_222 = tpu.vector_load %arg9[%get3A_221] {strides = array<i32>} : memref<4096xi32, #tpu.memory_space<vmem>>, vector<16xi32>,
        %get3A_223 = vector.shape_cast %get3A_222 : vector<16xi32> to vector<16xi32>
        %get3A_224 = arith.index_cast %mul3A_220 : i32 to index
        %get3A_225 = tpu.vector_load %arg8[%get3A_224] {strides = array<i32>} : memref<4096xf32, #tpu.memory_space<vmem>>, vector<16xf32>,
        %get3A_226 = vector.shape_cast %get3A_225 : vector<16xf32> to vector<16xf32>
        %gt3A_227 = arith.cmpi sgt, %get3A_223, %broadcast_in_dim3A_127 : vector<16xi32>
        %lt3A_228 = arith.cmpf olt, %get3A_226, %broadcast_in_dim3A_128 : vector<16xf32>
        %sub3A_229 = arith.subf %get3A_226, %broadcast_in_dim3A_128 : vector<16xf32>
        %abs3A_230 = math.absf %sub3A_229 : vector<16xf32>
        %le3A_231 = arith.constant 9.99999993E-9 : f32
        %le3A_232 = vector.broadcast %le3A_231 : f32 to vector<16xf32>
        %le3A_233 = arith.cmpf ole, %abs3A_230, %le3A_232 : vector<16xf32>
        %select_n3A_234 = arith.select %gt3A_227, %broadcast_in_dim3A_8, %broadcast_in_dim3A_6 : vector<16xi1>, vector<16xf32>
        %add3A_235 = arith.addf %add3A_210, %select_n3A_234 : vector<16xf32>
        %and3A_236 = arith.andi %gt3A_227, %lt3A_228 : vector<16xi1>
        %select_n3A_237 = arith.select %and3A_236, %broadcast_in_dim3A_8, %broadcast_in_dim3A_6 : vector<16xi1>, vector<16xf32>
        %add3A_238 = arith.addf %add3A_213, %select_n3A_237 : vector<16xf32>
        %and3A_239 = arith.andi %gt3A_227, %le3A_233 : vector<16xi1>
        %select_n3A_240 = arith.select %and3A_239, %broadcast_in_dim3A_8, %broadcast_in_dim3A_6 : vector<16xi1>, vector<16xf32>
        %add3A_241 = arith.addf %add3A_216, %select_n3A_240 : vector<16xf32>
        %scan3A_242 = arith.constant 3 : i32
        %scan3A_243 = arith.addi %scan3A_171, %scan3A_242 : i32
        %mul3A_244 = arith.constant 16 : i32
        %mul3A_245 = arith.muli %scan3A_243, %mul3A_244 : i32
        %get3A_246 = arith.index_cast %mul3A_245 : i32 to index
        %get3A_247 = tpu.vector_load %arg9[%get3A_246] {strides = array<i32>} : memref<4096xi32, #tpu.memory_space<vmem>>, vector<16xi32>,
        %get3A_248 = vector.shape_cast %get3A_247 : vector<16xi32> to vector<16xi32>
        %get3A_249 = arith.index_cast %mul3A_245 : i32 to index
        %get3A_250 = tpu.vector_load %arg8[%get3A_249] {strides = array<i32>} : memref<4096xf32, #tpu.memory_space<vmem>>, vector<16xf32>,
        %get3A_251 = vector.shape_cast %get3A_250 : vector<16xf32> to vector<16xf32>
        %gt3A_252 = arith.cmpi sgt, %get3A_248, %broadcast_in_dim3A_127 : vector<16xi32>
        %lt3A_253 = arith.cmpf olt, %get3A_251, %broadcast_in_dim3A_128 : vector<16xf32>
        %sub3A_254 = arith.subf %get3A_251, %broadcast_in_dim3A_128 : vector<16xf32>
        %abs3A_255 = math.absf %sub3A_254 : vector<16xf32>
        %le3A_256 = arith.constant 9.99999993E-9 : f32
        %le3A_257 = vector.broadcast %le3A_256 : f32 to vector<16xf32>
        %le3A_258 = arith.cmpf ole, %abs3A_255, %le3A_257 : vector<16xf32>
        %select_n3A_259 = arith.select %gt3A_252, %broadcast_in_dim3A_8, %broadcast_in_dim3A_6 : vector<16xi1>, vector<16xf32>
        %add3A_260 = arith.addf %add3A_235, %select_n3A_259 : vector<16xf32>
        %and3A_261 = arith.andi %gt3A_252, %lt3A_253 : vector<16xi1>
        %select_n3A_262 = arith.select %and3A_261, %broadcast_in_dim3A_8, %broadcast_in_dim3A_6 : vector<16xi1>, vector<16xf32>
        %add3A_263 = arith.addf %add3A_238, %select_n3A_262 : vector<16xf32>
        %and3A_264 = arith.andi %gt3A_252, %le3A_258 : vector<16xi1>
        %select_n3A_265 = arith.select %and3A_264, %broadcast_in_dim3A_8, %broadcast_in_dim3A_6 : vector<16xi1>, vector<16xf32>
        %add3A_266 = arith.addf %add3A_241, %select_n3A_265 : vector<16xf32>
        scf.yield %add3A_260, %add3A_263, %add3A_266 : vector<16xf32>, vector<16xf32>, vector<16xf32>
      }
      %scan3A_134 = arith.constant 256 : i32
      %get3A_135 = arith.constant 0 : i32
      %get3A_136 = arith.index_cast %get3A_135 : i32 to index
      %get3A_137 = arith.constant 0 : index
      %get3A_138 = tpu.vector_load %arg10[%get3A_136, %get3A_137] {strides = array<i32>} : memref<3x16xf32, #tpu.memory_space<vmem>>, vector<1x16xf32>,
      %get3A_139 = vector.shape_cast %get3A_138 : vector<1x16xf32> to vector<16xf32>
      %add3A_140 = arith.addf %get3A_139, %scan3A_133#0 : vector<16xf32>
      %swap3A_141 = arith.constant 0 : i32
      %swap3A_142 = arith.index_cast %swap3A_141 : i32 to index
      %swap3A_143 = arith.constant 0 : index
      %swap3A_144 = tpu.vector_load %arg10[%swap3A_142, %swap3A_143] {strides = array<i32>} : memref<3x16xf32, #tpu.memory_space<vmem>>, vector<1x16xf32>,
      %swap3A_145 = vector.shape_cast %swap3A_144 : vector<1x16xf32> to vector<16xf32>
      %swap3A_146 = vector.shape_cast %add3A_140 : vector<16xf32> to vector<1x16xf32>
      tpu.vector_store %arg10[%swap3A_142, %swap3A_143], %swap3A_146 {strides = array<i32>} : memref<3x16xf32, #tpu.memory_space<vmem>>, vector<1x16xf32>,
      %get3A_147 = arith.constant 1 : i32
      %get3A_148 = arith.index_cast %get3A_147 : i32 to index
      %get3A_149 = arith.constant 0 : index
      %get3A_150 = tpu.vector_load %arg10[%get3A_148, %get3A_149] {strides = array<i32>} : memref<3x16xf32, #tpu.memory_space<vmem>>, vector<1x16xf32>,
      %get3A_151 = vector.shape_cast %get3A_150 : vector<1x16xf32> to vector<16xf32>
      %add3A_152 = arith.addf %get3A_151, %scan3A_133#1 : vector<16xf32>
      %swap3A_153 = arith.constant 1 : i32
      %swap3A_154 = arith.index_cast %swap3A_153 : i32 to index
      %swap3A_155 = arith.constant 0 : index
      %swap3A_156 = tpu.vector_load %arg10[%swap3A_154, %swap3A_155] {strides = array<i32>} : memref<3x16xf32, #tpu.memory_space<vmem>>, vector<1x16xf32>,
      %swap3A_157 = vector.shape_cast %swap3A_156 : vector<1x16xf32> to vector<16xf32>
      %swap3A_158 = vector.shape_cast %add3A_152 : vector<16xf32> to vector<1x16xf32>
      tpu.vector_store %arg10[%swap3A_154, %swap3A_155], %swap3A_158 {strides = array<i32>} : memref<3x16xf32, #tpu.memory_space<vmem>>, vector<1x16xf32>,
      %get3A_159 = arith.constant 2 : i32
      %get3A_160 = arith.index_cast %get3A_159 : i32 to index
      %get3A_161 = arith.constant 0 : index
      %get3A_162 = tpu.vector_load %arg10[%get3A_160, %get3A_161] {strides = array<i32>} : memref<3x16xf32, #tpu.memory_space<vmem>>, vector<1x16xf32>,
      %get3A_163 = vector.shape_cast %get3A_162 : vector<1x16xf32> to vector<16xf32>
      %add3A_164 = arith.addf %get3A_163, %scan3A_133#2 : vector<16xf32>
      %swap3A_165 = arith.constant 2 : i32
      %swap3A_166 = arith.index_cast %swap3A_165 : i32 to index
      %swap3A_167 = arith.constant 0 : index
      %swap3A_168 = tpu.vector_load %arg10[%swap3A_166, %swap3A_167] {strides = array<i32>} : memref<3x16xf32, #tpu.memory_space<vmem>>, vector<1x16xf32>,
      %swap3A_169 = vector.shape_cast %swap3A_168 : vector<1x16xf32> to vector<16xf32>
      %swap3A_170 = vector.shape_cast %add3A_164 : vector<16xf32> to vector<1x16xf32>
      tpu.vector_store %arg10[%swap3A_166, %swap3A_167], %swap3A_170 {strides = array<i32>} : memref<3x16xf32, #tpu.memory_space<vmem>>, vector<1x16xf32>,
    } else {
    }
    %slice3A_61 = vector.extract_strided_slice %get3A_37 {offsets = [2], sizes = [1], strides = [1]} : vector<16xi32> to vector<1xi32>
    %squeeze3A_62 = vector.extract %slice3A_61[0] : i32 from vector<1xi32>
    %slice3A_63 = vector.extract_strided_slice %get3A_43 {offsets = [2], sizes = [1], strides = [1]} : vector<16xf32> to vector<1xf32>
    %squeeze3A_64 = vector.extract %slice3A_63[0] : f32 from vector<1xf32>
    %slice3A_65 = vector.extract_strided_slice %get3A_40 {offsets = [2], sizes = [1], strides = [1]} : vector<16xi32> to vector<1xi32>
    %squeeze3A_66 = vector.extract %slice3A_65[0] : i32 from vector<1xi32>
    %gt3A_67 = arith.constant 0 : i32
    %gt3A_68 = arith.cmpi sgt, %squeeze3A_66, %gt3A_67 : i32
    %convert_element_type3A_69 = arith.extui %gt3A_68 : i1 to i32
    %cond3A_70 = arith.constant 0 : i32
    %cond3A_71 = arith.cmpi ne, %convert_element_type3A_69, %cond3A_70 : i32
    scf.if %cond3A_71 {
      %broadcast_in_dim3A_127 = vector.broadcast %squeeze3A_62 : i32 to vector<16xi32>
      %broadcast_in_dim3A_128 = vector.broadcast %squeeze3A_64 : f32 to vector<16xf32>
      %scan3A_129 = arith.constant 0 : i32
      %scan3A_130 = arith.constant 256 : i32
      %scan3A_131 = arith.addi %scan3A_129, %scan3A_130 : i32
      %scan3A_132 = arith.constant 4 : i32
      %scan3A_133:3 = scf.for %scan3A_171 = %scan3A_129 to %scan3A_131 step %scan3A_132 iter_args(%scan3A_172 = %broadcast_in_dim3A_6, %scan3A_173 = %broadcast_in_dim3A_6, %scan3A_174 = %broadcast_in_dim3A_6) -> (vector<16xf32>, vector<16xf32>, vector<16xf32>)  : i32 {
        %mul3A_175 = arith.constant 16 : i32
        %mul3A_176 = arith.muli %scan3A_171, %mul3A_175 : i32
        %get3A_177 = arith.index_cast %mul3A_176 : i32 to index
        %get3A_178 = tpu.vector_load %arg9[%get3A_177] {strides = array<i32>} : memref<4096xi32, #tpu.memory_space<vmem>>, vector<16xi32>,
        %get3A_179 = vector.shape_cast %get3A_178 : vector<16xi32> to vector<16xi32>
        %get3A_180 = arith.index_cast %mul3A_176 : i32 to index
        %get3A_181 = tpu.vector_load %arg8[%get3A_180] {strides = array<i32>} : memref<4096xf32, #tpu.memory_space<vmem>>, vector<16xf32>,
        %get3A_182 = vector.shape_cast %get3A_181 : vector<16xf32> to vector<16xf32>
        %gt3A_183 = arith.cmpi sgt, %get3A_179, %broadcast_in_dim3A_127 : vector<16xi32>
        %lt3A = arith.cmpf olt, %get3A_182, %broadcast_in_dim3A_128 : vector<16xf32>
        %sub3A = arith.subf %get3A_182, %broadcast_in_dim3A_128 : vector<16xf32>
        %abs3A = math.absf %sub3A : vector<16xf32>
        %le3A = arith.constant 9.99999993E-9 : f32
        %le3A_184 = vector.broadcast %le3A : f32 to vector<16xf32>
        %le3A_185 = arith.cmpf ole, %abs3A, %le3A_184 : vector<16xf32>
        %select_n3A = arith.select %gt3A_183, %broadcast_in_dim3A_8, %broadcast_in_dim3A_6 : vector<16xi1>, vector<16xf32>
        %add3A_186 = arith.addf %scan3A_172, %select_n3A : vector<16xf32>
        %and3A = arith.andi %gt3A_183, %lt3A : vector<16xi1>
        %select_n3A_187 = arith.select %and3A, %broadcast_in_dim3A_8, %broadcast_in_dim3A_6 : vector<16xi1>, vector<16xf32>
        %add3A_188 = arith.addf %scan3A_173, %select_n3A_187 : vector<16xf32>
        %and3A_189 = arith.andi %gt3A_183, %le3A_185 : vector<16xi1>
        %select_n3A_190 = arith.select %and3A_189, %broadcast_in_dim3A_8, %broadcast_in_dim3A_6 : vector<16xi1>, vector<16xf32>
        %add3A_191 = arith.addf %scan3A_174, %select_n3A_190 : vector<16xf32>
        %scan3A_192 = arith.constant 1 : i32
        %scan3A_193 = arith.addi %scan3A_171, %scan3A_192 : i32
        %mul3A_194 = arith.constant 16 : i32
        %mul3A_195 = arith.muli %scan3A_193, %mul3A_194 : i32
        %get3A_196 = arith.index_cast %mul3A_195 : i32 to index
        %get3A_197 = tpu.vector_load %arg9[%get3A_196] {strides = array<i32>} : memref<4096xi32, #tpu.memory_space<vmem>>, vector<16xi32>,
        %get3A_198 = vector.shape_cast %get3A_197 : vector<16xi32> to vector<16xi32>
        %get3A_199 = arith.index_cast %mul3A_195 : i32 to index
        %get3A_200 = tpu.vector_load %arg8[%get3A_199] {strides = array<i32>} : memref<4096xf32, #tpu.memory_space<vmem>>, vector<16xf32>,
        %get3A_201 = vector.shape_cast %get3A_200 : vector<16xf32> to vector<16xf32>
        %gt3A_202 = arith.cmpi sgt, %get3A_198, %broadcast_in_dim3A_127 : vector<16xi32>
        %lt3A_203 = arith.cmpf olt, %get3A_201, %broadcast_in_dim3A_128 : vector<16xf32>
        %sub3A_204 = arith.subf %get3A_201, %broadcast_in_dim3A_128 : vector<16xf32>
        %abs3A_205 = math.absf %sub3A_204 : vector<16xf32>
        %le3A_206 = arith.constant 9.99999993E-9 : f32
        %le3A_207 = vector.broadcast %le3A_206 : f32 to vector<16xf32>
        %le3A_208 = arith.cmpf ole, %abs3A_205, %le3A_207 : vector<16xf32>
        %select_n3A_209 = arith.select %gt3A_202, %broadcast_in_dim3A_8, %broadcast_in_dim3A_6 : vector<16xi1>, vector<16xf32>
        %add3A_210 = arith.addf %add3A_186, %select_n3A_209 : vector<16xf32>
        %and3A_211 = arith.andi %gt3A_202, %lt3A_203 : vector<16xi1>
        %select_n3A_212 = arith.select %and3A_211, %broadcast_in_dim3A_8, %broadcast_in_dim3A_6 : vector<16xi1>, vector<16xf32>
        %add3A_213 = arith.addf %add3A_188, %select_n3A_212 : vector<16xf32>
        %and3A_214 = arith.andi %gt3A_202, %le3A_208 : vector<16xi1>
        %select_n3A_215 = arith.select %and3A_214, %broadcast_in_dim3A_8, %broadcast_in_dim3A_6 : vector<16xi1>, vector<16xf32>
        %add3A_216 = arith.addf %add3A_191, %select_n3A_215 : vector<16xf32>
        %scan3A_217 = arith.constant 2 : i32
        %scan3A_218 = arith.addi %scan3A_171, %scan3A_217 : i32
        %mul3A_219 = arith.constant 16 : i32
        %mul3A_220 = arith.muli %scan3A_218, %mul3A_219 : i32
        %get3A_221 = arith.index_cast %mul3A_220 : i32 to index
        %get3A_222 = tpu.vector_load %arg9[%get3A_221] {strides = array<i32>} : memref<4096xi32, #tpu.memory_space<vmem>>, vector<16xi32>,
        %get3A_223 = vector.shape_cast %get3A_222 : vector<16xi32> to vector<16xi32>
        %get3A_224 = arith.index_cast %mul3A_220 : i32 to index
        %get3A_225 = tpu.vector_load %arg8[%get3A_224] {strides = array<i32>} : memref<4096xf32, #tpu.memory_space<vmem>>, vector<16xf32>,
        %get3A_226 = vector.shape_cast %get3A_225 : vector<16xf32> to vector<16xf32>
        %gt3A_227 = arith.cmpi sgt, %get3A_223, %broadcast_in_dim3A_127 : vector<16xi32>
        %lt3A_228 = arith.cmpf olt, %get3A_226, %broadcast_in_dim3A_128 : vector<16xf32>
        %sub3A_229 = arith.subf %get3A_226, %broadcast_in_dim3A_128 : vector<16xf32>
        %abs3A_230 = math.absf %sub3A_229 : vector<16xf32>
        %le3A_231 = arith.constant 9.99999993E-9 : f32
        %le3A_232 = vector.broadcast %le3A_231 : f32 to vector<16xf32>
        %le3A_233 = arith.cmpf ole, %abs3A_230, %le3A_232 : vector<16xf32>
        %select_n3A_234 = arith.select %gt3A_227, %broadcast_in_dim3A_8, %broadcast_in_dim3A_6 : vector<16xi1>, vector<16xf32>
        %add3A_235 = arith.addf %add3A_210, %select_n3A_234 : vector<16xf32>
        %and3A_236 = arith.andi %gt3A_227, %lt3A_228 : vector<16xi1>
        %select_n3A_237 = arith.select %and3A_236, %broadcast_in_dim3A_8, %broadcast_in_dim3A_6 : vector<16xi1>, vector<16xf32>
        %add3A_238 = arith.addf %add3A_213, %select_n3A_237 : vector<16xf32>
        %and3A_239 = arith.andi %gt3A_227, %le3A_233 : vector<16xi1>
        %select_n3A_240 = arith.select %and3A_239, %broadcast_in_dim3A_8, %broadcast_in_dim3A_6 : vector<16xi1>, vector<16xf32>
        %add3A_241 = arith.addf %add3A_216, %select_n3A_240 : vector<16xf32>
        %scan3A_242 = arith.constant 3 : i32
        %scan3A_243 = arith.addi %scan3A_171, %scan3A_242 : i32
        %mul3A_244 = arith.constant 16 : i32
        %mul3A_245 = arith.muli %scan3A_243, %mul3A_244 : i32
        %get3A_246 = arith.index_cast %mul3A_245 : i32 to index
        %get3A_247 = tpu.vector_load %arg9[%get3A_246] {strides = array<i32>} : memref<4096xi32, #tpu.memory_space<vmem>>, vector<16xi32>,
        %get3A_248 = vector.shape_cast %get3A_247 : vector<16xi32> to vector<16xi32>
        %get3A_249 = arith.index_cast %mul3A_245 : i32 to index
        %get3A_250 = tpu.vector_load %arg8[%get3A_249] {strides = array<i32>} : memref<4096xf32, #tpu.memory_space<vmem>>, vector<16xf32>,
        %get3A_251 = vector.shape_cast %get3A_250 : vector<16xf32> to vector<16xf32>
        %gt3A_252 = arith.cmpi sgt, %get3A_248, %broadcast_in_dim3A_127 : vector<16xi32>
        %lt3A_253 = arith.cmpf olt, %get3A_251, %broadcast_in_dim3A_128 : vector<16xf32>
        %sub3A_254 = arith.subf %get3A_251, %broadcast_in_dim3A_128 : vector<16xf32>
        %abs3A_255 = math.absf %sub3A_254 : vector<16xf32>
        %le3A_256 = arith.constant 9.99999993E-9 : f32
        %le3A_257 = vector.broadcast %le3A_256 : f32 to vector<16xf32>
        %le3A_258 = arith.cmpf ole, %abs3A_255, %le3A_257 : vector<16xf32>
        %select_n3A_259 = arith.select %gt3A_252, %broadcast_in_dim3A_8, %broadcast_in_dim3A_6 : vector<16xi1>, vector<16xf32>
        %add3A_260 = arith.addf %add3A_235, %select_n3A_259 : vector<16xf32>
        %and3A_261 = arith.andi %gt3A_252, %lt3A_253 : vector<16xi1>
        %select_n3A_262 = arith.select %and3A_261, %broadcast_in_dim3A_8, %broadcast_in_dim3A_6 : vector<16xi1>, vector<16xf32>
        %add3A_263 = arith.addf %add3A_238, %select_n3A_262 : vector<16xf32>
        %and3A_264 = arith.andi %gt3A_252, %le3A_258 : vector<16xi1>
        %select_n3A_265 = arith.select %and3A_264, %broadcast_in_dim3A_8, %broadcast_in_dim3A_6 : vector<16xi1>, vector<16xf32>
        %add3A_266 = arith.addf %add3A_241, %select_n3A_265 : vector<16xf32>
        scf.yield %add3A_260, %add3A_263, %add3A_266 : vector<16xf32>, vector<16xf32>, vector<16xf32>
      }
      %scan3A_134 = arith.constant 256 : i32
      %get3A_135 = arith.constant 0 : i32
      %get3A_136 = arith.index_cast %get3A_135 : i32 to index
      %get3A_137 = arith.constant 0 : index
      %get3A_138 = tpu.vector_load %arg10[%get3A_136, %get3A_137] {strides = array<i32>} : memref<3x16xf32, #tpu.memory_space<vmem>>, vector<1x16xf32>,
      %get3A_139 = vector.shape_cast %get3A_138 : vector<1x16xf32> to vector<16xf32>
      %add3A_140 = arith.addf %get3A_139, %scan3A_133#0 : vector<16xf32>
      %swap3A_141 = arith.constant 0 : i32
      %swap3A_142 = arith.index_cast %swap3A_141 : i32 to index
      %swap3A_143 = arith.constant 0 : index
      %swap3A_144 = tpu.vector_load %arg10[%swap3A_142, %swap3A_143] {strides = array<i32>} : memref<3x16xf32, #tpu.memory_space<vmem>>, vector<1x16xf32>,
      %swap3A_145 = vector.shape_cast %swap3A_144 : vector<1x16xf32> to vector<16xf32>
      %swap3A_146 = vector.shape_cast %add3A_140 : vector<16xf32> to vector<1x16xf32>
      tpu.vector_store %arg10[%swap3A_142, %swap3A_143], %swap3A_146 {strides = array<i32>} : memref<3x16xf32, #tpu.memory_space<vmem>>, vector<1x16xf32>,
      %get3A_147 = arith.constant 1 : i32
      %get3A_148 = arith.index_cast %get3A_147 : i32 to index
      %get3A_149 = arith.constant 0 : index
      %get3A_150 = tpu.vector_load %arg10[%get3A_148, %get3A_149] {strides = array<i32>} : memref<3x16xf32, #tpu.memory_space<vmem>>, vector<1x16xf32>,
      %get3A_151 = vector.shape_cast %get3A_150 : vector<1x16xf32> to vector<16xf32>
      %add3A_152 = arith.addf %get3A_151, %scan3A_133#1 : vector<16xf32>
      %swap3A_153 = arith.constant 1 : i32
      %swap3A_154 = arith.index_cast %swap3A_153 : i32 to index
      %swap3A_155 = arith.constant 0 : index
      %swap3A_156 = tpu.vector_load %arg10[%swap3A_154, %swap3A_155] {strides = array<i32>} : memref<3x16xf32, #tpu.memory_space<vmem>>, vector<1x16xf32>,
      %swap3A_157 = vector.shape_cast %swap3A_156 : vector<1x16xf32> to vector<16xf32>
      %swap3A_158 = vector.shape_cast %add3A_152 : vector<16xf32> to vector<1x16xf32>
      tpu.vector_store %arg10[%swap3A_154, %swap3A_155], %swap3A_158 {strides = array<i32>} : memref<3x16xf32, #tpu.memory_space<vmem>>, vector<1x16xf32>,
      %get3A_159 = arith.constant 2 : i32
      %get3A_160 = arith.index_cast %get3A_159 : i32 to index
      %get3A_161 = arith.constant 0 : index
      %get3A_162 = tpu.vector_load %arg10[%get3A_160, %get3A_161] {strides = array<i32>} : memref<3x16xf32, #tpu.memory_space<vmem>>, vector<1x16xf32>,
      %get3A_163 = vector.shape_cast %get3A_162 : vector<1x16xf32> to vector<16xf32>
      %add3A_164 = arith.addf %get3A_163, %scan3A_133#2 : vector<16xf32>
      %swap3A_165 = arith.constant 2 : i32
      %swap3A_166 = arith.index_cast %swap3A_165 : i32 to index
      %swap3A_167 = arith.constant 0 : index
      %swap3A_168 = tpu.vector_load %arg10[%swap3A_166, %swap3A_167] {strides = array<i32>} : memref<3x16xf32, #tpu.memory_space<vmem>>, vector<1x16xf32>,
      %swap3A_169 = vector.shape_cast %swap3A_168 : vector<1x16xf32> to vector<16xf32>
      %swap3A_170 = vector.shape_cast %add3A_164 : vector<16xf32> to vector<1x16xf32>
      tpu.vector_store %arg10[%swap3A_166, %swap3A_167], %swap3A_170 {strides = array<i32>} : memref<3x16xf32, #tpu.memory_space<vmem>>, vector<1x16xf32>,
    } else {
    }
    %slice3A_72 = vector.extract_strided_slice %get3A_37 {offsets = [3], sizes = [1], strides = [1]} : vector<16xi32> to vector<1xi32>
    %squeeze3A_73 = vector.extract %slice3A_72[0] : i32 from vector<1xi32>
    %slice3A_74 = vector.extract_strided_slice %get3A_43 {offsets = [3], sizes = [1], strides = [1]} : vector<16xf32> to vector<1xf32>
    %squeeze3A_75 = vector.extract %slice3A_74[0] : f32 from vector<1xf32>
    %slice3A_76 = vector.extract_strided_slice %get3A_40 {offsets = [3], sizes = [1], strides = [1]} : vector<16xi32> to vector<1xi32>
    %squeeze3A_77 = vector.extract %slice3A_76[0] : i32 from vector<1xi32>
    %gt3A_78 = arith.constant 0 : i32
    %gt3A_79 = arith.cmpi sgt, %squeeze3A_77, %gt3A_78 : i32
    %convert_element_type3A_80 = arith.extui %gt3A_79 : i1 to i32
    %cond3A_81 = arith.constant 0 : i32
    %cond3A_82 = arith.cmpi ne, %convert_element_type3A_80, %cond3A_81 : i32
    scf.if %cond3A_82 {
      %broadcast_in_dim3A_127 = vector.broadcast %squeeze3A_73 : i32 to vector<16xi32>
      %broadcast_in_dim3A_128 = vector.broadcast %squeeze3A_75 : f32 to vector<16xf32>
      %scan3A_129 = arith.constant 0 : i32
      %scan3A_130 = arith.constant 256 : i32
      %scan3A_131 = arith.addi %scan3A_129, %scan3A_130 : i32
      %scan3A_132 = arith.constant 4 : i32
      %scan3A_133:3 = scf.for %scan3A_171 = %scan3A_129 to %scan3A_131 step %scan3A_132 iter_args(%scan3A_172 = %broadcast_in_dim3A_6, %scan3A_173 = %broadcast_in_dim3A_6, %scan3A_174 = %broadcast_in_dim3A_6) -> (vector<16xf32>, vector<16xf32>, vector<16xf32>)  : i32 {
        %mul3A_175 = arith.constant 16 : i32
        %mul3A_176 = arith.muli %scan3A_171, %mul3A_175 : i32
        %get3A_177 = arith.index_cast %mul3A_176 : i32 to index
        %get3A_178 = tpu.vector_load %arg9[%get3A_177] {strides = array<i32>} : memref<4096xi32, #tpu.memory_space<vmem>>, vector<16xi32>,
        %get3A_179 = vector.shape_cast %get3A_178 : vector<16xi32> to vector<16xi32>
        %get3A_180 = arith.index_cast %mul3A_176 : i32 to index
        %get3A_181 = tpu.vector_load %arg8[%get3A_180] {strides = array<i32>} : memref<4096xf32, #tpu.memory_space<vmem>>, vector<16xf32>,
        %get3A_182 = vector.shape_cast %get3A_181 : vector<16xf32> to vector<16xf32>
        %gt3A_183 = arith.cmpi sgt, %get3A_179, %broadcast_in_dim3A_127 : vector<16xi32>
        %lt3A = arith.cmpf olt, %get3A_182, %broadcast_in_dim3A_128 : vector<16xf32>
        %sub3A = arith.subf %get3A_182, %broadcast_in_dim3A_128 : vector<16xf32>
        %abs3A = math.absf %sub3A : vector<16xf32>
        %le3A = arith.constant 9.99999993E-9 : f32
        %le3A_184 = vector.broadcast %le3A : f32 to vector<16xf32>
        %le3A_185 = arith.cmpf ole, %abs3A, %le3A_184 : vector<16xf32>
        %select_n3A = arith.select %gt3A_183, %broadcast_in_dim3A_8, %broadcast_in_dim3A_6 : vector<16xi1>, vector<16xf32>
        %add3A_186 = arith.addf %scan3A_172, %select_n3A : vector<16xf32>
        %and3A = arith.andi %gt3A_183, %lt3A : vector<16xi1>
        %select_n3A_187 = arith.select %and3A, %broadcast_in_dim3A_8, %broadcast_in_dim3A_6 : vector<16xi1>, vector<16xf32>
        %add3A_188 = arith.addf %scan3A_173, %select_n3A_187 : vector<16xf32>
        %and3A_189 = arith.andi %gt3A_183, %le3A_185 : vector<16xi1>
        %select_n3A_190 = arith.select %and3A_189, %broadcast_in_dim3A_8, %broadcast_in_dim3A_6 : vector<16xi1>, vector<16xf32>
        %add3A_191 = arith.addf %scan3A_174, %select_n3A_190 : vector<16xf32>
        %scan3A_192 = arith.constant 1 : i32
        %scan3A_193 = arith.addi %scan3A_171, %scan3A_192 : i32
        %mul3A_194 = arith.constant 16 : i32
        %mul3A_195 = arith.muli %scan3A_193, %mul3A_194 : i32
        %get3A_196 = arith.index_cast %mul3A_195 : i32 to index
        %get3A_197 = tpu.vector_load %arg9[%get3A_196] {strides = array<i32>} : memref<4096xi32, #tpu.memory_space<vmem>>, vector<16xi32>,
        %get3A_198 = vector.shape_cast %get3A_197 : vector<16xi32> to vector<16xi32>
        %get3A_199 = arith.index_cast %mul3A_195 : i32 to index
        %get3A_200 = tpu.vector_load %arg8[%get3A_199] {strides = array<i32>} : memref<4096xf32, #tpu.memory_space<vmem>>, vector<16xf32>,
        %get3A_201 = vector.shape_cast %get3A_200 : vector<16xf32> to vector<16xf32>
        %gt3A_202 = arith.cmpi sgt, %get3A_198, %broadcast_in_dim3A_127 : vector<16xi32>
        %lt3A_203 = arith.cmpf olt, %get3A_201, %broadcast_in_dim3A_128 : vector<16xf32>
        %sub3A_204 = arith.subf %get3A_201, %broadcast_in_dim3A_128 : vector<16xf32>
        %abs3A_205 = math.absf %sub3A_204 : vector<16xf32>
        %le3A_206 = arith.constant 9.99999993E-9 : f32
        %le3A_207 = vector.broadcast %le3A_206 : f32 to vector<16xf32>
        %le3A_208 = arith.cmpf ole, %abs3A_205, %le3A_207 : vector<16xf32>
        %select_n3A_209 = arith.select %gt3A_202, %broadcast_in_dim3A_8, %broadcast_in_dim3A_6 : vector<16xi1>, vector<16xf32>
        %add3A_210 = arith.addf %add3A_186, %select_n3A_209 : vector<16xf32>
        %and3A_211 = arith.andi %gt3A_202, %lt3A_203 : vector<16xi1>
        %select_n3A_212 = arith.select %and3A_211, %broadcast_in_dim3A_8, %broadcast_in_dim3A_6 : vector<16xi1>, vector<16xf32>
        %add3A_213 = arith.addf %add3A_188, %select_n3A_212 : vector<16xf32>
        %and3A_214 = arith.andi %gt3A_202, %le3A_208 : vector<16xi1>
        %select_n3A_215 = arith.select %and3A_214, %broadcast_in_dim3A_8, %broadcast_in_dim3A_6 : vector<16xi1>, vector<16xf32>
        %add3A_216 = arith.addf %add3A_191, %select_n3A_215 : vector<16xf32>
        %scan3A_217 = arith.constant 2 : i32
        %scan3A_218 = arith.addi %scan3A_171, %scan3A_217 : i32
        %mul3A_219 = arith.constant 16 : i32
        %mul3A_220 = arith.muli %scan3A_218, %mul3A_219 : i32
        %get3A_221 = arith.index_cast %mul3A_220 : i32 to index
        %get3A_222 = tpu.vector_load %arg9[%get3A_221] {strides = array<i32>} : memref<4096xi32, #tpu.memory_space<vmem>>, vector<16xi32>,
        %get3A_223 = vector.shape_cast %get3A_222 : vector<16xi32> to vector<16xi32>
        %get3A_224 = arith.index_cast %mul3A_220 : i32 to index
        %get3A_225 = tpu.vector_load %arg8[%get3A_224] {strides = array<i32>} : memref<4096xf32, #tpu.memory_space<vmem>>, vector<16xf32>,
        %get3A_226 = vector.shape_cast %get3A_225 : vector<16xf32> to vector<16xf32>
        %gt3A_227 = arith.cmpi sgt, %get3A_223, %broadcast_in_dim3A_127 : vector<16xi32>
        %lt3A_228 = arith.cmpf olt, %get3A_226, %broadcast_in_dim3A_128 : vector<16xf32>
        %sub3A_229 = arith.subf %get3A_226, %broadcast_in_dim3A_128 : vector<16xf32>
        %abs3A_230 = math.absf %sub3A_229 : vector<16xf32>
        %le3A_231 = arith.constant 9.99999993E-9 : f32
        %le3A_232 = vector.broadcast %le3A_231 : f32 to vector<16xf32>
        %le3A_233 = arith.cmpf ole, %abs3A_230, %le3A_232 : vector<16xf32>
        %select_n3A_234 = arith.select %gt3A_227, %broadcast_in_dim3A_8, %broadcast_in_dim3A_6 : vector<16xi1>, vector<16xf32>
        %add3A_235 = arith.addf %add3A_210, %select_n3A_234 : vector<16xf32>
        %and3A_236 = arith.andi %gt3A_227, %lt3A_228 : vector<16xi1>
        %select_n3A_237 = arith.select %and3A_236, %broadcast_in_dim3A_8, %broadcast_in_dim3A_6 : vector<16xi1>, vector<16xf32>
        %add3A_238 = arith.addf %add3A_213, %select_n3A_237 : vector<16xf32>
        %and3A_239 = arith.andi %gt3A_227, %le3A_233 : vector<16xi1>
        %select_n3A_240 = arith.select %and3A_239, %broadcast_in_dim3A_8, %broadcast_in_dim3A_6 : vector<16xi1>, vector<16xf32>
        %add3A_241 = arith.addf %add3A_216, %select_n3A_240 : vector<16xf32>
        %scan3A_242 = arith.constant 3 : i32
        %scan3A_243 = arith.addi %scan3A_171, %scan3A_242 : i32
        %mul3A_244 = arith.constant 16 : i32
        %mul3A_245 = arith.muli %scan3A_243, %mul3A_244 : i32
        %get3A_246 = arith.index_cast %mul3A_245 : i32 to index
        %get3A_247 = tpu.vector_load %arg9[%get3A_246] {strides = array<i32>} : memref<4096xi32, #tpu.memory_space<vmem>>, vector<16xi32>,
        %get3A_248 = vector.shape_cast %get3A_247 : vector<16xi32> to vector<16xi32>
        %get3A_249 = arith.index_cast %mul3A_245 : i32 to index
        %get3A_250 = tpu.vector_load %arg8[%get3A_249] {strides = array<i32>} : memref<4096xf32, #tpu.memory_space<vmem>>, vector<16xf32>,
        %get3A_251 = vector.shape_cast %get3A_250 : vector<16xf32> to vector<16xf32>
        %gt3A_252 = arith.cmpi sgt, %get3A_248, %broadcast_in_dim3A_127 : vector<16xi32>
        %lt3A_253 = arith.cmpf olt, %get3A_251, %broadcast_in_dim3A_128 : vector<16xf32>
        %sub3A_254 = arith.subf %get3A_251, %broadcast_in_dim3A_128 : vector<16xf32>
        %abs3A_255 = math.absf %sub3A_254 : vector<16xf32>
        %le3A_256 = arith.constant 9.99999993E-9 : f32
        %le3A_257 = vector.broadcast %le3A_256 : f32 to vector<16xf32>
        %le3A_258 = arith.cmpf ole, %abs3A_255, %le3A_257 : vector<16xf32>
        %select_n3A_259 = arith.select %gt3A_252, %broadcast_in_dim3A_8, %broadcast_in_dim3A_6 : vector<16xi1>, vector<16xf32>
        %add3A_260 = arith.addf %add3A_235, %select_n3A_259 : vector<16xf32>
        %and3A_261 = arith.andi %gt3A_252, %lt3A_253 : vector<16xi1>
        %select_n3A_262 = arith.select %and3A_261, %broadcast_in_dim3A_8, %broadcast_in_dim3A_6 : vector<16xi1>, vector<16xf32>
        %add3A_263 = arith.addf %add3A_238, %select_n3A_262 : vector<16xf32>
        %and3A_264 = arith.andi %gt3A_252, %le3A_258 : vector<16xi1>
        %select_n3A_265 = arith.select %and3A_264, %broadcast_in_dim3A_8, %broadcast_in_dim3A_6 : vector<16xi1>, vector<16xf32>
        %add3A_266 = arith.addf %add3A_241, %select_n3A_265 : vector<16xf32>
        scf.yield %add3A_260, %add3A_263, %add3A_266 : vector<16xf32>, vector<16xf32>, vector<16xf32>
      }
      %scan3A_134 = arith.constant 256 : i32
      %get3A_135 = arith.constant 0 : i32
      %get3A_136 = arith.index_cast %get3A_135 : i32 to index
      %get3A_137 = arith.constant 0 : index
      %get3A_138 = tpu.vector_load %arg10[%get3A_136, %get3A_137] {strides = array<i32>} : memref<3x16xf32, #tpu.memory_space<vmem>>, vector<1x16xf32>,
      %get3A_139 = vector.shape_cast %get3A_138 : vector<1x16xf32> to vector<16xf32>
      %add3A_140 = arith.addf %get3A_139, %scan3A_133#0 : vector<16xf32>
      %swap3A_141 = arith.constant 0 : i32
      %swap3A_142 = arith.index_cast %swap3A_141 : i32 to index
      %swap3A_143 = arith.constant 0 : index
      %swap3A_144 = tpu.vector_load %arg10[%swap3A_142, %swap3A_143] {strides = array<i32>} : memref<3x16xf32, #tpu.memory_space<vmem>>, vector<1x16xf32>,
      %swap3A_145 = vector.shape_cast %swap3A_144 : vector<1x16xf32> to vector<16xf32>
      %swap3A_146 = vector.shape_cast %add3A_140 : vector<16xf32> to vector<1x16xf32>
      tpu.vector_store %arg10[%swap3A_142, %swap3A_143], %swap3A_146 {strides = array<i32>} : memref<3x16xf32, #tpu.memory_space<vmem>>, vector<1x16xf32>,
      %get3A_147 = arith.constant 1 : i32
      %get3A_148 = arith.index_cast %get3A_147 : i32 to index
      %get3A_149 = arith.constant 0 : index
      %get3A_150 = tpu.vector_load %arg10[%get3A_148, %get3A_149] {strides = array<i32>} : memref<3x16xf32, #tpu.memory_space<vmem>>, vector<1x16xf32>,
      %get3A_151 = vector.shape_cast %get3A_150 : vector<1x16xf32> to vector<16xf32>
      %add3A_152 = arith.addf %get3A_151, %scan3A_133#1 : vector<16xf32>
      %swap3A_153 = arith.constant 1 : i32
      %swap3A_154 = arith.index_cast %swap3A_153 : i32 to index
      %swap3A_155 = arith.constant 0 : index
      %swap3A_156 = tpu.vector_load %arg10[%swap3A_154, %swap3A_155] {strides = array<i32>} : memref<3x16xf32, #tpu.memory_space<vmem>>, vector<1x16xf32>,
      %swap3A_157 = vector.shape_cast %swap3A_156 : vector<1x16xf32> to vector<16xf32>
      %swap3A_158 = vector.shape_cast %add3A_152 : vector<16xf32> to vector<1x16xf32>
      tpu.vector_store %arg10[%swap3A_154, %swap3A_155], %swap3A_158 {strides = array<i32>} : memref<3x16xf32, #tpu.memory_space<vmem>>, vector<1x16xf32>,
      %get3A_159 = arith.constant 2 : i32
      %get3A_160 = arith.index_cast %get3A_159 : i32 to index
      %get3A_161 = arith.constant 0 : index
      %get3A_162 = tpu.vector_load %arg10[%get3A_160, %get3A_161] {strides = array<i32>} : memref<3x16xf32, #tpu.memory_space<vmem>>, vector<1x16xf32>,
      %get3A_163 = vector.shape_cast %get3A_162 : vector<1x16xf32> to vector<16xf32>
      %add3A_164 = arith.addf %get3A_163, %scan3A_133#2 : vector<16xf32>
      %swap3A_165 = arith.constant 2 : i32
      %swap3A_166 = arith.index_cast %swap3A_165 : i32 to index
      %swap3A_167 = arith.constant 0 : index
      %swap3A_168 = tpu.vector_load %arg10[%swap3A_166, %swap3A_167] {strides = array<i32>} : memref<3x16xf32, #tpu.memory_space<vmem>>, vector<1x16xf32>,
      %swap3A_169 = vector.shape_cast %swap3A_168 : vector<1x16xf32> to vector<16xf32>
      %swap3A_170 = vector.shape_cast %add3A_164 : vector<16xf32> to vector<1x16xf32>
      tpu.vector_store %arg10[%swap3A_166, %swap3A_167], %swap3A_170 {strides = array<i32>} : memref<3x16xf32, #tpu.memory_space<vmem>>, vector<1x16xf32>,
    } else {
    }
    %slice3A_83 = vector.extract_strided_slice %get3A_37 {offsets = [4], sizes = [1], strides = [1]} : vector<16xi32> to vector<1xi32>
    %squeeze3A_84 = vector.extract %slice3A_83[0] : i32 from vector<1xi32>
    %slice3A_85 = vector.extract_strided_slice %get3A_43 {offsets = [4], sizes = [1], strides = [1]} : vector<16xf32> to vector<1xf32>
    %squeeze3A_86 = vector.extract %slice3A_85[0] : f32 from vector<1xf32>
    %slice3A_87 = vector.extract_strided_slice %get3A_40 {offsets = [4], sizes = [1], strides = [1]} : vector<16xi32> to vector<1xi32>
    %squeeze3A_88 = vector.extract %slice3A_87[0] : i32 from vector<1xi32>
    %gt3A_89 = arith.constant 0 : i32
    %gt3A_90 = arith.cmpi sgt, %squeeze3A_88, %gt3A_89 : i32
    %convert_element_type3A_91 = arith.extui %gt3A_90 : i1 to i32
    %cond3A_92 = arith.constant 0 : i32
    %cond3A_93 = arith.cmpi ne, %convert_element_type3A_91, %cond3A_92 : i32
    scf.if %cond3A_93 {
      %broadcast_in_dim3A_127 = vector.broadcast %squeeze3A_84 : i32 to vector<16xi32>
      %broadcast_in_dim3A_128 = vector.broadcast %squeeze3A_86 : f32 to vector<16xf32>
      %scan3A_129 = arith.constant 0 : i32
      %scan3A_130 = arith.constant 256 : i32
      %scan3A_131 = arith.addi %scan3A_129, %scan3A_130 : i32
      %scan3A_132 = arith.constant 4 : i32
      %scan3A_133:3 = scf.for %scan3A_171 = %scan3A_129 to %scan3A_131 step %scan3A_132 iter_args(%scan3A_172 = %broadcast_in_dim3A_6, %scan3A_173 = %broadcast_in_dim3A_6, %scan3A_174 = %broadcast_in_dim3A_6) -> (vector<16xf32>, vector<16xf32>, vector<16xf32>)  : i32 {
        %mul3A_175 = arith.constant 16 : i32
        %mul3A_176 = arith.muli %scan3A_171, %mul3A_175 : i32
        %get3A_177 = arith.index_cast %mul3A_176 : i32 to index
        %get3A_178 = tpu.vector_load %arg9[%get3A_177] {strides = array<i32>} : memref<4096xi32, #tpu.memory_space<vmem>>, vector<16xi32>,
        %get3A_179 = vector.shape_cast %get3A_178 : vector<16xi32> to vector<16xi32>
        %get3A_180 = arith.index_cast %mul3A_176 : i32 to index
        %get3A_181 = tpu.vector_load %arg8[%get3A_180] {strides = array<i32>} : memref<4096xf32, #tpu.memory_space<vmem>>, vector<16xf32>,
        %get3A_182 = vector.shape_cast %get3A_181 : vector<16xf32> to vector<16xf32>
        %gt3A_183 = arith.cmpi sgt, %get3A_179, %broadcast_in_dim3A_127 : vector<16xi32>
        %lt3A = arith.cmpf olt, %get3A_182, %broadcast_in_dim3A_128 : vector<16xf32>
        %sub3A = arith.subf %get3A_182, %broadcast_in_dim3A_128 : vector<16xf32>
        %abs3A = math.absf %sub3A : vector<16xf32>
        %le3A = arith.constant 9.99999993E-9 : f32
        %le3A_184 = vector.broadcast %le3A : f32 to vector<16xf32>
        %le3A_185 = arith.cmpf ole, %abs3A, %le3A_184 : vector<16xf32>
        %select_n3A = arith.select %gt3A_183, %broadcast_in_dim3A_8, %broadcast_in_dim3A_6 : vector<16xi1>, vector<16xf32>
        %add3A_186 = arith.addf %scan3A_172, %select_n3A : vector<16xf32>
        %and3A = arith.andi %gt3A_183, %lt3A : vector<16xi1>
        %select_n3A_187 = arith.select %and3A, %broadcast_in_dim3A_8, %broadcast_in_dim3A_6 : vector<16xi1>, vector<16xf32>
        %add3A_188 = arith.addf %scan3A_173, %select_n3A_187 : vector<16xf32>
        %and3A_189 = arith.andi %gt3A_183, %le3A_185 : vector<16xi1>
        %select_n3A_190 = arith.select %and3A_189, %broadcast_in_dim3A_8, %broadcast_in_dim3A_6 : vector<16xi1>, vector<16xf32>
        %add3A_191 = arith.addf %scan3A_174, %select_n3A_190 : vector<16xf32>
        %scan3A_192 = arith.constant 1 : i32
        %scan3A_193 = arith.addi %scan3A_171, %scan3A_192 : i32
        %mul3A_194 = arith.constant 16 : i32
        %mul3A_195 = arith.muli %scan3A_193, %mul3A_194 : i32
        %get3A_196 = arith.index_cast %mul3A_195 : i32 to index
        %get3A_197 = tpu.vector_load %arg9[%get3A_196] {strides = array<i32>} : memref<4096xi32, #tpu.memory_space<vmem>>, vector<16xi32>,
        %get3A_198 = vector.shape_cast %get3A_197 : vector<16xi32> to vector<16xi32>
        %get3A_199 = arith.index_cast %mul3A_195 : i32 to index
        %get3A_200 = tpu.vector_load %arg8[%get3A_199] {strides = array<i32>} : memref<4096xf32, #tpu.memory_space<vmem>>, vector<16xf32>,
        %get3A_201 = vector.shape_cast %get3A_200 : vector<16xf32> to vector<16xf32>
        %gt3A_202 = arith.cmpi sgt, %get3A_198, %broadcast_in_dim3A_127 : vector<16xi32>
        %lt3A_203 = arith.cmpf olt, %get3A_201, %broadcast_in_dim3A_128 : vector<16xf32>
        %sub3A_204 = arith.subf %get3A_201, %broadcast_in_dim3A_128 : vector<16xf32>
        %abs3A_205 = math.absf %sub3A_204 : vector<16xf32>
        %le3A_206 = arith.constant 9.99999993E-9 : f32
        %le3A_207 = vector.broadcast %le3A_206 : f32 to vector<16xf32>
        %le3A_208 = arith.cmpf ole, %abs3A_205, %le3A_207 : vector<16xf32>
        %select_n3A_209 = arith.select %gt3A_202, %broadcast_in_dim3A_8, %broadcast_in_dim3A_6 : vector<16xi1>, vector<16xf32>
        %add3A_210 = arith.addf %add3A_186, %select_n3A_209 : vector<16xf32>
        %and3A_211 = arith.andi %gt3A_202, %lt3A_203 : vector<16xi1>
        %select_n3A_212 = arith.select %and3A_211, %broadcast_in_dim3A_8, %broadcast_in_dim3A_6 : vector<16xi1>, vector<16xf32>
        %add3A_213 = arith.addf %add3A_188, %select_n3A_212 : vector<16xf32>
        %and3A_214 = arith.andi %gt3A_202, %le3A_208 : vector<16xi1>
        %select_n3A_215 = arith.select %and3A_214, %broadcast_in_dim3A_8, %broadcast_in_dim3A_6 : vector<16xi1>, vector<16xf32>
        %add3A_216 = arith.addf %add3A_191, %select_n3A_215 : vector<16xf32>
        %scan3A_217 = arith.constant 2 : i32
        %scan3A_218 = arith.addi %scan3A_171, %scan3A_217 : i32
        %mul3A_219 = arith.constant 16 : i32
        %mul3A_220 = arith.muli %scan3A_218, %mul3A_219 : i32
        %get3A_221 = arith.index_cast %mul3A_220 : i32 to index
        %get3A_222 = tpu.vector_load %arg9[%get3A_221] {strides = array<i32>} : memref<4096xi32, #tpu.memory_space<vmem>>, vector<16xi32>,
        %get3A_223 = vector.shape_cast %get3A_222 : vector<16xi32> to vector<16xi32>
        %get3A_224 = arith.index_cast %mul3A_220 : i32 to index
        %get3A_225 = tpu.vector_load %arg8[%get3A_224] {strides = array<i32>} : memref<4096xf32, #tpu.memory_space<vmem>>, vector<16xf32>,
        %get3A_226 = vector.shape_cast %get3A_225 : vector<16xf32> to vector<16xf32>
        %gt3A_227 = arith.cmpi sgt, %get3A_223, %broadcast_in_dim3A_127 : vector<16xi32>
        %lt3A_228 = arith.cmpf olt, %get3A_226, %broadcast_in_dim3A_128 : vector<16xf32>
        %sub3A_229 = arith.subf %get3A_226, %broadcast_in_dim3A_128 : vector<16xf32>
        %abs3A_230 = math.absf %sub3A_229 : vector<16xf32>
        %le3A_231 = arith.constant 9.99999993E-9 : f32
        %le3A_232 = vector.broadcast %le3A_231 : f32 to vector<16xf32>
        %le3A_233 = arith.cmpf ole, %abs3A_230, %le3A_232 : vector<16xf32>
        %select_n3A_234 = arith.select %gt3A_227, %broadcast_in_dim3A_8, %broadcast_in_dim3A_6 : vector<16xi1>, vector<16xf32>
        %add3A_235 = arith.addf %add3A_210, %select_n3A_234 : vector<16xf32>
        %and3A_236 = arith.andi %gt3A_227, %lt3A_228 : vector<16xi1>
        %select_n3A_237 = arith.select %and3A_236, %broadcast_in_dim3A_8, %broadcast_in_dim3A_6 : vector<16xi1>, vector<16xf32>
        %add3A_238 = arith.addf %add3A_213, %select_n3A_237 : vector<16xf32>
        %and3A_239 = arith.andi %gt3A_227, %le3A_233 : vector<16xi1>
        %select_n3A_240 = arith.select %and3A_239, %broadcast_in_dim3A_8, %broadcast_in_dim3A_6 : vector<16xi1>, vector<16xf32>
        %add3A_241 = arith.addf %add3A_216, %select_n3A_240 : vector<16xf32>
        %scan3A_242 = arith.constant 3 : i32
        %scan3A_243 = arith.addi %scan3A_171, %scan3A_242 : i32
        %mul3A_244 = arith.constant 16 : i32
        %mul3A_245 = arith.muli %scan3A_243, %mul3A_244 : i32
        %get3A_246 = arith.index_cast %mul3A_245 : i32 to index
        %get3A_247 = tpu.vector_load %arg9[%get3A_246] {strides = array<i32>} : memref<4096xi32, #tpu.memory_space<vmem>>, vector<16xi32>,
        %get3A_248 = vector.shape_cast %get3A_247 : vector<16xi32> to vector<16xi32>
        %get3A_249 = arith.index_cast %mul3A_245 : i32 to index
        %get3A_250 = tpu.vector_load %arg8[%get3A_249] {strides = array<i32>} : memref<4096xf32, #tpu.memory_space<vmem>>, vector<16xf32>,
        %get3A_251 = vector.shape_cast %get3A_250 : vector<16xf32> to vector<16xf32>
        %gt3A_252 = arith.cmpi sgt, %get3A_248, %broadcast_in_dim3A_127 : vector<16xi32>
        %lt3A_253 = arith.cmpf olt, %get3A_251, %broadcast_in_dim3A_128 : vector<16xf32>
        %sub3A_254 = arith.subf %get3A_251, %broadcast_in_dim3A_128 : vector<16xf32>
        %abs3A_255 = math.absf %sub3A_254 : vector<16xf32>
        %le3A_256 = arith.constant 9.99999993E-9 : f32
        %le3A_257 = vector.broadcast %le3A_256 : f32 to vector<16xf32>
        %le3A_258 = arith.cmpf ole, %abs3A_255, %le3A_257 : vector<16xf32>
        %select_n3A_259 = arith.select %gt3A_252, %broadcast_in_dim3A_8, %broadcast_in_dim3A_6 : vector<16xi1>, vector<16xf32>
        %add3A_260 = arith.addf %add3A_235, %select_n3A_259 : vector<16xf32>
        %and3A_261 = arith.andi %gt3A_252, %lt3A_253 : vector<16xi1>
        %select_n3A_262 = arith.select %and3A_261, %broadcast_in_dim3A_8, %broadcast_in_dim3A_6 : vector<16xi1>, vector<16xf32>
        %add3A_263 = arith.addf %add3A_238, %select_n3A_262 : vector<16xf32>
        %and3A_264 = arith.andi %gt3A_252, %le3A_258 : vector<16xi1>
        %select_n3A_265 = arith.select %and3A_264, %broadcast_in_dim3A_8, %broadcast_in_dim3A_6 : vector<16xi1>, vector<16xf32>
        %add3A_266 = arith.addf %add3A_241, %select_n3A_265 : vector<16xf32>
        scf.yield %add3A_260, %add3A_263, %add3A_266 : vector<16xf32>, vector<16xf32>, vector<16xf32>
      }
      %scan3A_134 = arith.constant 256 : i32
      %get3A_135 = arith.constant 0 : i32
      %get3A_136 = arith.index_cast %get3A_135 : i32 to index
      %get3A_137 = arith.constant 0 : index
      %get3A_138 = tpu.vector_load %arg10[%get3A_136, %get3A_137] {strides = array<i32>} : memref<3x16xf32, #tpu.memory_space<vmem>>, vector<1x16xf32>,
      %get3A_139 = vector.shape_cast %get3A_138 : vector<1x16xf32> to vector<16xf32>
      %add3A_140 = arith.addf %get3A_139, %scan3A_133#0 : vector<16xf32>
      %swap3A_141 = arith.constant 0 : i32
      %swap3A_142 = arith.index_cast %swap3A_141 : i32 to index
      %swap3A_143 = arith.constant 0 : index
      %swap3A_144 = tpu.vector_load %arg10[%swap3A_142, %swap3A_143] {strides = array<i32>} : memref<3x16xf32, #tpu.memory_space<vmem>>, vector<1x16xf32>,
      %swap3A_145 = vector.shape_cast %swap3A_144 : vector<1x16xf32> to vector<16xf32>
      %swap3A_146 = vector.shape_cast %add3A_140 : vector<16xf32> to vector<1x16xf32>
      tpu.vector_store %arg10[%swap3A_142, %swap3A_143], %swap3A_146 {strides = array<i32>} : memref<3x16xf32, #tpu.memory_space<vmem>>, vector<1x16xf32>,
      %get3A_147 = arith.constant 1 : i32
      %get3A_148 = arith.index_cast %get3A_147 : i32 to index
      %get3A_149 = arith.constant 0 : index
      %get3A_150 = tpu.vector_load %arg10[%get3A_148, %get3A_149] {strides = array<i32>} : memref<3x16xf32, #tpu.memory_space<vmem>>, vector<1x16xf32>,
      %get3A_151 = vector.shape_cast %get3A_150 : vector<1x16xf32> to vector<16xf32>
      %add3A_152 = arith.addf %get3A_151, %scan3A_133#1 : vector<16xf32>
      %swap3A_153 = arith.constant 1 : i32
      %swap3A_154 = arith.index_cast %swap3A_153 : i32 to index
      %swap3A_155 = arith.constant 0 : index
      %swap3A_156 = tpu.vector_load %arg10[%swap3A_154, %swap3A_155] {strides = array<i32>} : memref<3x16xf32, #tpu.memory_space<vmem>>, vector<1x16xf32>,
      %swap3A_157 = vector.shape_cast %swap3A_156 : vector<1x16xf32> to vector<16xf32>
      %swap3A_158 = vector.shape_cast %add3A_152 : vector<16xf32> to vector<1x16xf32>
      tpu.vector_store %arg10[%swap3A_154, %swap3A_155], %swap3A_158 {strides = array<i32>} : memref<3x16xf32, #tpu.memory_space<vmem>>, vector<1x16xf32>,
      %get3A_159 = arith.constant 2 : i32
      %get3A_160 = arith.index_cast %get3A_159 : i32 to index
      %get3A_161 = arith.constant 0 : index
      %get3A_162 = tpu.vector_load %arg10[%get3A_160, %get3A_161] {strides = array<i32>} : memref<3x16xf32, #tpu.memory_space<vmem>>, vector<1x16xf32>,
      %get3A_163 = vector.shape_cast %get3A_162 : vector<1x16xf32> to vector<16xf32>
      %add3A_164 = arith.addf %get3A_163, %scan3A_133#2 : vector<16xf32>
      %swap3A_165 = arith.constant 2 : i32
      %swap3A_166 = arith.index_cast %swap3A_165 : i32 to index
      %swap3A_167 = arith.constant 0 : index
      %swap3A_168 = tpu.vector_load %arg10[%swap3A_166, %swap3A_167] {strides = array<i32>} : memref<3x16xf32, #tpu.memory_space<vmem>>, vector<1x16xf32>,
      %swap3A_169 = vector.shape_cast %swap3A_168 : vector<1x16xf32> to vector<16xf32>
      %swap3A_170 = vector.shape_cast %add3A_164 : vector<16xf32> to vector<1x16xf32>
      tpu.vector_store %arg10[%swap3A_166, %swap3A_167], %swap3A_170 {strides = array<i32>} : memref<3x16xf32, #tpu.memory_space<vmem>>, vector<1x16xf32>,
    } else {
    }
    %slice3A_94 = vector.extract_strided_slice %get3A_37 {offsets = [5], sizes = [1], strides = [1]} : vector<16xi32> to vector<1xi32>
    %squeeze3A_95 = vector.extract %slice3A_94[0] : i32 from vector<1xi32>
    %slice3A_96 = vector.extract_strided_slice %get3A_43 {offsets = [5], sizes = [1], strides = [1]} : vector<16xf32> to vector<1xf32>
    %squeeze3A_97 = vector.extract %slice3A_96[0] : f32 from vector<1xf32>
    %slice3A_98 = vector.extract_strided_slice %get3A_40 {offsets = [5], sizes = [1], strides = [1]} : vector<16xi32> to vector<1xi32>
    %squeeze3A_99 = vector.extract %slice3A_98[0] : i32 from vector<1xi32>
    %gt3A_100 = arith.constant 0 : i32
    %gt3A_101 = arith.cmpi sgt, %squeeze3A_99, %gt3A_100 : i32
    %convert_element_type3A_102 = arith.extui %gt3A_101 : i1 to i32
    %cond3A_103 = arith.constant 0 : i32
    %cond3A_104 = arith.cmpi ne, %convert_element_type3A_102, %cond3A_103 : i32
    scf.if %cond3A_104 {
      %broadcast_in_dim3A_127 = vector.broadcast %squeeze3A_95 : i32 to vector<16xi32>
      %broadcast_in_dim3A_128 = vector.broadcast %squeeze3A_97 : f32 to vector<16xf32>
      %scan3A_129 = arith.constant 0 : i32
      %scan3A_130 = arith.constant 256 : i32
      %scan3A_131 = arith.addi %scan3A_129, %scan3A_130 : i32
      %scan3A_132 = arith.constant 4 : i32
      %scan3A_133:3 = scf.for %scan3A_171 = %scan3A_129 to %scan3A_131 step %scan3A_132 iter_args(%scan3A_172 = %broadcast_in_dim3A_6, %scan3A_173 = %broadcast_in_dim3A_6, %scan3A_174 = %broadcast_in_dim3A_6) -> (vector<16xf32>, vector<16xf32>, vector<16xf32>)  : i32 {
        %mul3A_175 = arith.constant 16 : i32
        %mul3A_176 = arith.muli %scan3A_171, %mul3A_175 : i32
        %get3A_177 = arith.index_cast %mul3A_176 : i32 to index
        %get3A_178 = tpu.vector_load %arg9[%get3A_177] {strides = array<i32>} : memref<4096xi32, #tpu.memory_space<vmem>>, vector<16xi32>,
        %get3A_179 = vector.shape_cast %get3A_178 : vector<16xi32> to vector<16xi32>
        %get3A_180 = arith.index_cast %mul3A_176 : i32 to index
        %get3A_181 = tpu.vector_load %arg8[%get3A_180] {strides = array<i32>} : memref<4096xf32, #tpu.memory_space<vmem>>, vector<16xf32>,
        %get3A_182 = vector.shape_cast %get3A_181 : vector<16xf32> to vector<16xf32>
        %gt3A_183 = arith.cmpi sgt, %get3A_179, %broadcast_in_dim3A_127 : vector<16xi32>
        %lt3A = arith.cmpf olt, %get3A_182, %broadcast_in_dim3A_128 : vector<16xf32>
        %sub3A = arith.subf %get3A_182, %broadcast_in_dim3A_128 : vector<16xf32>
        %abs3A = math.absf %sub3A : vector<16xf32>
        %le3A = arith.constant 9.99999993E-9 : f32
        %le3A_184 = vector.broadcast %le3A : f32 to vector<16xf32>
        %le3A_185 = arith.cmpf ole, %abs3A, %le3A_184 : vector<16xf32>
        %select_n3A = arith.select %gt3A_183, %broadcast_in_dim3A_8, %broadcast_in_dim3A_6 : vector<16xi1>, vector<16xf32>
        %add3A_186 = arith.addf %scan3A_172, %select_n3A : vector<16xf32>
        %and3A = arith.andi %gt3A_183, %lt3A : vector<16xi1>
        %select_n3A_187 = arith.select %and3A, %broadcast_in_dim3A_8, %broadcast_in_dim3A_6 : vector<16xi1>, vector<16xf32>
        %add3A_188 = arith.addf %scan3A_173, %select_n3A_187 : vector<16xf32>
        %and3A_189 = arith.andi %gt3A_183, %le3A_185 : vector<16xi1>
        %select_n3A_190 = arith.select %and3A_189, %broadcast_in_dim3A_8, %broadcast_in_dim3A_6 : vector<16xi1>, vector<16xf32>
        %add3A_191 = arith.addf %scan3A_174, %select_n3A_190 : vector<16xf32>
        %scan3A_192 = arith.constant 1 : i32
        %scan3A_193 = arith.addi %scan3A_171, %scan3A_192 : i32
        %mul3A_194 = arith.constant 16 : i32
        %mul3A_195 = arith.muli %scan3A_193, %mul3A_194 : i32
        %get3A_196 = arith.index_cast %mul3A_195 : i32 to index
        %get3A_197 = tpu.vector_load %arg9[%get3A_196] {strides = array<i32>} : memref<4096xi32, #tpu.memory_space<vmem>>, vector<16xi32>,
        %get3A_198 = vector.shape_cast %get3A_197 : vector<16xi32> to vector<16xi32>
        %get3A_199 = arith.index_cast %mul3A_195 : i32 to index
        %get3A_200 = tpu.vector_load %arg8[%get3A_199] {strides = array<i32>} : memref<4096xf32, #tpu.memory_space<vmem>>, vector<16xf32>,
        %get3A_201 = vector.shape_cast %get3A_200 : vector<16xf32> to vector<16xf32>
        %gt3A_202 = arith.cmpi sgt, %get3A_198, %broadcast_in_dim3A_127 : vector<16xi32>
        %lt3A_203 = arith.cmpf olt, %get3A_201, %broadcast_in_dim3A_128 : vector<16xf32>
        %sub3A_204 = arith.subf %get3A_201, %broadcast_in_dim3A_128 : vector<16xf32>
        %abs3A_205 = math.absf %sub3A_204 : vector<16xf32>
        %le3A_206 = arith.constant 9.99999993E-9 : f32
        %le3A_207 = vector.broadcast %le3A_206 : f32 to vector<16xf32>
        %le3A_208 = arith.cmpf ole, %abs3A_205, %le3A_207 : vector<16xf32>
        %select_n3A_209 = arith.select %gt3A_202, %broadcast_in_dim3A_8, %broadcast_in_dim3A_6 : vector<16xi1>, vector<16xf32>
        %add3A_210 = arith.addf %add3A_186, %select_n3A_209 : vector<16xf32>
        %and3A_211 = arith.andi %gt3A_202, %lt3A_203 : vector<16xi1>
        %select_n3A_212 = arith.select %and3A_211, %broadcast_in_dim3A_8, %broadcast_in_dim3A_6 : vector<16xi1>, vector<16xf32>
        %add3A_213 = arith.addf %add3A_188, %select_n3A_212 : vector<16xf32>
        %and3A_214 = arith.andi %gt3A_202, %le3A_208 : vector<16xi1>
        %select_n3A_215 = arith.select %and3A_214, %broadcast_in_dim3A_8, %broadcast_in_dim3A_6 : vector<16xi1>, vector<16xf32>
        %add3A_216 = arith.addf %add3A_191, %select_n3A_215 : vector<16xf32>
        %scan3A_217 = arith.constant 2 : i32
        %scan3A_218 = arith.addi %scan3A_171, %scan3A_217 : i32
        %mul3A_219 = arith.constant 16 : i32
        %mul3A_220 = arith.muli %scan3A_218, %mul3A_219 : i32
        %get3A_221 = arith.index_cast %mul3A_220 : i32 to index
        %get3A_222 = tpu.vector_load %arg9[%get3A_221] {strides = array<i32>} : memref<4096xi32, #tpu.memory_space<vmem>>, vector<16xi32>,
        %get3A_223 = vector.shape_cast %get3A_222 : vector<16xi32> to vector<16xi32>
        %get3A_224 = arith.index_cast %mul3A_220 : i32 to index
        %get3A_225 = tpu.vector_load %arg8[%get3A_224] {strides = array<i32>} : memref<4096xf32, #tpu.memory_space<vmem>>, vector<16xf32>,
        %get3A_226 = vector.shape_cast %get3A_225 : vector<16xf32> to vector<16xf32>
        %gt3A_227 = arith.cmpi sgt, %get3A_223, %broadcast_in_dim3A_127 : vector<16xi32>
        %lt3A_228 = arith.cmpf olt, %get3A_226, %broadcast_in_dim3A_128 : vector<16xf32>
        %sub3A_229 = arith.subf %get3A_226, %broadcast_in_dim3A_128 : vector<16xf32>
        %abs3A_230 = math.absf %sub3A_229 : vector<16xf32>
        %le3A_231 = arith.constant 9.99999993E-9 : f32
        %le3A_232 = vector.broadcast %le3A_231 : f32 to vector<16xf32>
        %le3A_233 = arith.cmpf ole, %abs3A_230, %le3A_232 : vector<16xf32>
        %select_n3A_234 = arith.select %gt3A_227, %broadcast_in_dim3A_8, %broadcast_in_dim3A_6 : vector<16xi1>, vector<16xf32>
        %add3A_235 = arith.addf %add3A_210, %select_n3A_234 : vector<16xf32>
        %and3A_236 = arith.andi %gt3A_227, %lt3A_228 : vector<16xi1>
        %select_n3A_237 = arith.select %and3A_236, %broadcast_in_dim3A_8, %broadcast_in_dim3A_6 : vector<16xi1>, vector<16xf32>
        %add3A_238 = arith.addf %add3A_213, %select_n3A_237 : vector<16xf32>
        %and3A_239 = arith.andi %gt3A_227, %le3A_233 : vector<16xi1>
        %select_n3A_240 = arith.select %and3A_239, %broadcast_in_dim3A_8, %broadcast_in_dim3A_6 : vector<16xi1>, vector<16xf32>
        %add3A_241 = arith.addf %add3A_216, %select_n3A_240 : vector<16xf32>
        %scan3A_242 = arith.constant 3 : i32
        %scan3A_243 = arith.addi %scan3A_171, %scan3A_242 : i32
        %mul3A_244 = arith.constant 16 : i32
        %mul3A_245 = arith.muli %scan3A_243, %mul3A_244 : i32
        %get3A_246 = arith.index_cast %mul3A_245 : i32 to index
        %get3A_247 = tpu.vector_load %arg9[%get3A_246] {strides = array<i32>} : memref<4096xi32, #tpu.memory_space<vmem>>, vector<16xi32>,
        %get3A_248 = vector.shape_cast %get3A_247 : vector<16xi32> to vector<16xi32>
        %get3A_249 = arith.index_cast %mul3A_245 : i32 to index
        %get3A_250 = tpu.vector_load %arg8[%get3A_249] {strides = array<i32>} : memref<4096xf32, #tpu.memory_space<vmem>>, vector<16xf32>,
        %get3A_251 = vector.shape_cast %get3A_250 : vector<16xf32> to vector<16xf32>
        %gt3A_252 = arith.cmpi sgt, %get3A_248, %broadcast_in_dim3A_127 : vector<16xi32>
        %lt3A_253 = arith.cmpf olt, %get3A_251, %broadcast_in_dim3A_128 : vector<16xf32>
        %sub3A_254 = arith.subf %get3A_251, %broadcast_in_dim3A_128 : vector<16xf32>
        %abs3A_255 = math.absf %sub3A_254 : vector<16xf32>
        %le3A_256 = arith.constant 9.99999993E-9 : f32
        %le3A_257 = vector.broadcast %le3A_256 : f32 to vector<16xf32>
        %le3A_258 = arith.cmpf ole, %abs3A_255, %le3A_257 : vector<16xf32>
        %select_n3A_259 = arith.select %gt3A_252, %broadcast_in_dim3A_8, %broadcast_in_dim3A_6 : vector<16xi1>, vector<16xf32>
        %add3A_260 = arith.addf %add3A_235, %select_n3A_259 : vector<16xf32>
        %and3A_261 = arith.andi %gt3A_252, %lt3A_253 : vector<16xi1>
        %select_n3A_262 = arith.select %and3A_261, %broadcast_in_dim3A_8, %broadcast_in_dim3A_6 : vector<16xi1>, vector<16xf32>
        %add3A_263 = arith.addf %add3A_238, %select_n3A_262 : vector<16xf32>
        %and3A_264 = arith.andi %gt3A_252, %le3A_258 : vector<16xi1>
        %select_n3A_265 = arith.select %and3A_264, %broadcast_in_dim3A_8, %broadcast_in_dim3A_6 : vector<16xi1>, vector<16xf32>
        %add3A_266 = arith.addf %add3A_241, %select_n3A_265 : vector<16xf32>
        scf.yield %add3A_260, %add3A_263, %add3A_266 : vector<16xf32>, vector<16xf32>, vector<16xf32>
      }
      %scan3A_134 = arith.constant 256 : i32
      %get3A_135 = arith.constant 0 : i32
      %get3A_136 = arith.index_cast %get3A_135 : i32 to index
      %get3A_137 = arith.constant 0 : index
      %get3A_138 = tpu.vector_load %arg10[%get3A_136, %get3A_137] {strides = array<i32>} : memref<3x16xf32, #tpu.memory_space<vmem>>, vector<1x16xf32>,
      %get3A_139 = vector.shape_cast %get3A_138 : vector<1x16xf32> to vector<16xf32>
      %add3A_140 = arith.addf %get3A_139, %scan3A_133#0 : vector<16xf32>
      %swap3A_141 = arith.constant 0 : i32
      %swap3A_142 = arith.index_cast %swap3A_141 : i32 to index
      %swap3A_143 = arith.constant 0 : index
      %swap3A_144 = tpu.vector_load %arg10[%swap3A_142, %swap3A_143] {strides = array<i32>} : memref<3x16xf32, #tpu.memory_space<vmem>>, vector<1x16xf32>,
      %swap3A_145 = vector.shape_cast %swap3A_144 : vector<1x16xf32> to vector<16xf32>
      %swap3A_146 = vector.shape_cast %add3A_140 : vector<16xf32> to vector<1x16xf32>
      tpu.vector_store %arg10[%swap3A_142, %swap3A_143], %swap3A_146 {strides = array<i32>} : memref<3x16xf32, #tpu.memory_space<vmem>>, vector<1x16xf32>,
      %get3A_147 = arith.constant 1 : i32
      %get3A_148 = arith.index_cast %get3A_147 : i32 to index
      %get3A_149 = arith.constant 0 : index
      %get3A_150 = tpu.vector_load %arg10[%get3A_148, %get3A_149] {strides = array<i32>} : memref<3x16xf32, #tpu.memory_space<vmem>>, vector<1x16xf32>,
      %get3A_151 = vector.shape_cast %get3A_150 : vector<1x16xf32> to vector<16xf32>
      %add3A_152 = arith.addf %get3A_151, %scan3A_133#1 : vector<16xf32>
      %swap3A_153 = arith.constant 1 : i32
      %swap3A_154 = arith.index_cast %swap3A_153 : i32 to index
      %swap3A_155 = arith.constant 0 : index
      %swap3A_156 = tpu.vector_load %arg10[%swap3A_154, %swap3A_155] {strides = array<i32>} : memref<3x16xf32, #tpu.memory_space<vmem>>, vector<1x16xf32>,
      %swap3A_157 = vector.shape_cast %swap3A_156 : vector<1x16xf32> to vector<16xf32>
      %swap3A_158 = vector.shape_cast %add3A_152 : vector<16xf32> to vector<1x16xf32>
      tpu.vector_store %arg10[%swap3A_154, %swap3A_155], %swap3A_158 {strides = array<i32>} : memref<3x16xf32, #tpu.memory_space<vmem>>, vector<1x16xf32>,
      %get3A_159 = arith.constant 2 : i32
      %get3A_160 = arith.index_cast %get3A_159 : i32 to index
      %get3A_161 = arith.constant 0 : index
      %get3A_162 = tpu.vector_load %arg10[%get3A_160, %get3A_161] {strides = array<i32>} : memref<3x16xf32, #tpu.memory_space<vmem>>, vector<1x16xf32>,
      %get3A_163 = vector.shape_cast %get3A_162 : vector<1x16xf32> to vector<16xf32>
      %add3A_164 = arith.addf %get3A_163, %scan3A_133#2 : vector<16xf32>
      %swap3A_165 = arith.constant 2 : i32
      %swap3A_166 = arith.index_cast %swap3A_165 : i32 to index
      %swap3A_167 = arith.constant 0 : index
      %swap3A_168 = tpu.vector_load %arg10[%swap3A_166, %swap3A_167] {strides = array<i32>} : memref<3x16xf32, #tpu.memory_space<vmem>>, vector<1x16xf32>,
      %swap3A_169 = vector.shape_cast %swap3A_168 : vector<1x16xf32> to vector<16xf32>
      %swap3A_170 = vector.shape_cast %add3A_164 : vector<16xf32> to vector<1x16xf32>
      tpu.vector_store %arg10[%swap3A_166, %swap3A_167], %swap3A_170 {strides = array<i32>} : memref<3x16xf32, #tpu.memory_space<vmem>>, vector<1x16xf32>,
    } else {
    }
    %slice3A_105 = vector.extract_strided_slice %get3A_37 {offsets = [6], sizes = [1], strides = [1]} : vector<16xi32> to vector<1xi32>
    %squeeze3A_106 = vector.extract %slice3A_105[0] : i32 from vector<1xi32>
    %slice3A_107 = vector.extract_strided_slice %get3A_43 {offsets = [6], sizes = [1], strides = [1]} : vector<16xf32> to vector<1xf32>
    %squeeze3A_108 = vector.extract %slice3A_107[0] : f32 from vector<1xf32>
    %slice3A_109 = vector.extract_strided_slice %get3A_40 {offsets = [6], sizes = [1], strides = [1]} : vector<16xi32> to vector<1xi32>
    %squeeze3A_110 = vector.extract %slice3A_109[0] : i32 from vector<1xi32>
    %gt3A_111 = arith.constant 0 : i32
    %gt3A_112 = arith.cmpi sgt, %squeeze3A_110, %gt3A_111 : i32
    %convert_element_type3A_113 = arith.extui %gt3A_112 : i1 to i32
    %cond3A_114 = arith.constant 0 : i32
    %cond3A_115 = arith.cmpi ne, %convert_element_type3A_113, %cond3A_114 : i32
    scf.if %cond3A_115 {
      %broadcast_in_dim3A_127 = vector.broadcast %squeeze3A_106 : i32 to vector<16xi32>
      %broadcast_in_dim3A_128 = vector.broadcast %squeeze3A_108 : f32 to vector<16xf32>
      %scan3A_129 = arith.constant 0 : i32
      %scan3A_130 = arith.constant 256 : i32
      %scan3A_131 = arith.addi %scan3A_129, %scan3A_130 : i32
      %scan3A_132 = arith.constant 4 : i32
      %scan3A_133:3 = scf.for %scan3A_171 = %scan3A_129 to %scan3A_131 step %scan3A_132 iter_args(%scan3A_172 = %broadcast_in_dim3A_6, %scan3A_173 = %broadcast_in_dim3A_6, %scan3A_174 = %broadcast_in_dim3A_6) -> (vector<16xf32>, vector<16xf32>, vector<16xf32>)  : i32 {
        %mul3A_175 = arith.constant 16 : i32
        %mul3A_176 = arith.muli %scan3A_171, %mul3A_175 : i32
        %get3A_177 = arith.index_cast %mul3A_176 : i32 to index
        %get3A_178 = tpu.vector_load %arg9[%get3A_177] {strides = array<i32>} : memref<4096xi32, #tpu.memory_space<vmem>>, vector<16xi32>,
        %get3A_179 = vector.shape_cast %get3A_178 : vector<16xi32> to vector<16xi32>
        %get3A_180 = arith.index_cast %mul3A_176 : i32 to index
        %get3A_181 = tpu.vector_load %arg8[%get3A_180] {strides = array<i32>} : memref<4096xf32, #tpu.memory_space<vmem>>, vector<16xf32>,
        %get3A_182 = vector.shape_cast %get3A_181 : vector<16xf32> to vector<16xf32>
        %gt3A_183 = arith.cmpi sgt, %get3A_179, %broadcast_in_dim3A_127 : vector<16xi32>
        %lt3A = arith.cmpf olt, %get3A_182, %broadcast_in_dim3A_128 : vector<16xf32>
        %sub3A = arith.subf %get3A_182, %broadcast_in_dim3A_128 : vector<16xf32>
        %abs3A = math.absf %sub3A : vector<16xf32>
        %le3A = arith.constant 9.99999993E-9 : f32
        %le3A_184 = vector.broadcast %le3A : f32 to vector<16xf32>
        %le3A_185 = arith.cmpf ole, %abs3A, %le3A_184 : vector<16xf32>
        %select_n3A = arith.select %gt3A_183, %broadcast_in_dim3A_8, %broadcast_in_dim3A_6 : vector<16xi1>, vector<16xf32>
        %add3A_186 = arith.addf %scan3A_172, %select_n3A : vector<16xf32>
        %and3A = arith.andi %gt3A_183, %lt3A : vector<16xi1>
        %select_n3A_187 = arith.select %and3A, %broadcast_in_dim3A_8, %broadcast_in_dim3A_6 : vector<16xi1>, vector<16xf32>
        %add3A_188 = arith.addf %scan3A_173, %select_n3A_187 : vector<16xf32>
        %and3A_189 = arith.andi %gt3A_183, %le3A_185 : vector<16xi1>
        %select_n3A_190 = arith.select %and3A_189, %broadcast_in_dim3A_8, %broadcast_in_dim3A_6 : vector<16xi1>, vector<16xf32>
        %add3A_191 = arith.addf %scan3A_174, %select_n3A_190 : vector<16xf32>
        %scan3A_192 = arith.constant 1 : i32
        %scan3A_193 = arith.addi %scan3A_171, %scan3A_192 : i32
        %mul3A_194 = arith.constant 16 : i32
        %mul3A_195 = arith.muli %scan3A_193, %mul3A_194 : i32
        %get3A_196 = arith.index_cast %mul3A_195 : i32 to index
        %get3A_197 = tpu.vector_load %arg9[%get3A_196] {strides = array<i32>} : memref<4096xi32, #tpu.memory_space<vmem>>, vector<16xi32>,
        %get3A_198 = vector.shape_cast %get3A_197 : vector<16xi32> to vector<16xi32>
        %get3A_199 = arith.index_cast %mul3A_195 : i32 to index
        %get3A_200 = tpu.vector_load %arg8[%get3A_199] {strides = array<i32>} : memref<4096xf32, #tpu.memory_space<vmem>>, vector<16xf32>,
        %get3A_201 = vector.shape_cast %get3A_200 : vector<16xf32> to vector<16xf32>
        %gt3A_202 = arith.cmpi sgt, %get3A_198, %broadcast_in_dim3A_127 : vector<16xi32>
        %lt3A_203 = arith.cmpf olt, %get3A_201, %broadcast_in_dim3A_128 : vector<16xf32>
        %sub3A_204 = arith.subf %get3A_201, %broadcast_in_dim3A_128 : vector<16xf32>
        %abs3A_205 = math.absf %sub3A_204 : vector<16xf32>
        %le3A_206 = arith.constant 9.99999993E-9 : f32
        %le3A_207 = vector.broadcast %le3A_206 : f32 to vector<16xf32>
        %le3A_208 = arith.cmpf ole, %abs3A_205, %le3A_207 : vector<16xf32>
        %select_n3A_209 = arith.select %gt3A_202, %broadcast_in_dim3A_8, %broadcast_in_dim3A_6 : vector<16xi1>, vector<16xf32>
        %add3A_210 = arith.addf %add3A_186, %select_n3A_209 : vector<16xf32>
        %and3A_211 = arith.andi %gt3A_202, %lt3A_203 : vector<16xi1>
        %select_n3A_212 = arith.select %and3A_211, %broadcast_in_dim3A_8, %broadcast_in_dim3A_6 : vector<16xi1>, vector<16xf32>
        %add3A_213 = arith.addf %add3A_188, %select_n3A_212 : vector<16xf32>
        %and3A_214 = arith.andi %gt3A_202, %le3A_208 : vector<16xi1>
        %select_n3A_215 = arith.select %and3A_214, %broadcast_in_dim3A_8, %broadcast_in_dim3A_6 : vector<16xi1>, vector<16xf32>
        %add3A_216 = arith.addf %add3A_191, %select_n3A_215 : vector<16xf32>
        %scan3A_217 = arith.constant 2 : i32
        %scan3A_218 = arith.addi %scan3A_171, %scan3A_217 : i32
        %mul3A_219 = arith.constant 16 : i32
        %mul3A_220 = arith.muli %scan3A_218, %mul3A_219 : i32
        %get3A_221 = arith.index_cast %mul3A_220 : i32 to index
        %get3A_222 = tpu.vector_load %arg9[%get3A_221] {strides = array<i32>} : memref<4096xi32, #tpu.memory_space<vmem>>, vector<16xi32>,
        %get3A_223 = vector.shape_cast %get3A_222 : vector<16xi32> to vector<16xi32>
        %get3A_224 = arith.index_cast %mul3A_220 : i32 to index
        %get3A_225 = tpu.vector_load %arg8[%get3A_224] {strides = array<i32>} : memref<4096xf32, #tpu.memory_space<vmem>>, vector<16xf32>,
        %get3A_226 = vector.shape_cast %get3A_225 : vector<16xf32> to vector<16xf32>
        %gt3A_227 = arith.cmpi sgt, %get3A_223, %broadcast_in_dim3A_127 : vector<16xi32>
        %lt3A_228 = arith.cmpf olt, %get3A_226, %broadcast_in_dim3A_128 : vector<16xf32>
        %sub3A_229 = arith.subf %get3A_226, %broadcast_in_dim3A_128 : vector<16xf32>
        %abs3A_230 = math.absf %sub3A_229 : vector<16xf32>
        %le3A_231 = arith.constant 9.99999993E-9 : f32
        %le3A_232 = vector.broadcast %le3A_231 : f32 to vector<16xf32>
        %le3A_233 = arith.cmpf ole, %abs3A_230, %le3A_232 : vector<16xf32>
        %select_n3A_234 = arith.select %gt3A_227, %broadcast_in_dim3A_8, %broadcast_in_dim3A_6 : vector<16xi1>, vector<16xf32>
        %add3A_235 = arith.addf %add3A_210, %select_n3A_234 : vector<16xf32>
        %and3A_236 = arith.andi %gt3A_227, %lt3A_228 : vector<16xi1>
        %select_n3A_237 = arith.select %and3A_236, %broadcast_in_dim3A_8, %broadcast_in_dim3A_6 : vector<16xi1>, vector<16xf32>
        %add3A_238 = arith.addf %add3A_213, %select_n3A_237 : vector<16xf32>
        %and3A_239 = arith.andi %gt3A_227, %le3A_233 : vector<16xi1>
        %select_n3A_240 = arith.select %and3A_239, %broadcast_in_dim3A_8, %broadcast_in_dim3A_6 : vector<16xi1>, vector<16xf32>
        %add3A_241 = arith.addf %add3A_216, %select_n3A_240 : vector<16xf32>
        %scan3A_242 = arith.constant 3 : i32
        %scan3A_243 = arith.addi %scan3A_171, %scan3A_242 : i32
        %mul3A_244 = arith.constant 16 : i32
        %mul3A_245 = arith.muli %scan3A_243, %mul3A_244 : i32
        %get3A_246 = arith.index_cast %mul3A_245 : i32 to index
        %get3A_247 = tpu.vector_load %arg9[%get3A_246] {strides = array<i32>} : memref<4096xi32, #tpu.memory_space<vmem>>, vector<16xi32>,
        %get3A_248 = vector.shape_cast %get3A_247 : vector<16xi32> to vector<16xi32>
        %get3A_249 = arith.index_cast %mul3A_245 : i32 to index
        %get3A_250 = tpu.vector_load %arg8[%get3A_249] {strides = array<i32>} : memref<4096xf32, #tpu.memory_space<vmem>>, vector<16xf32>,
        %get3A_251 = vector.shape_cast %get3A_250 : vector<16xf32> to vector<16xf32>
        %gt3A_252 = arith.cmpi sgt, %get3A_248, %broadcast_in_dim3A_127 : vector<16xi32>
        %lt3A_253 = arith.cmpf olt, %get3A_251, %broadcast_in_dim3A_128 : vector<16xf32>
        %sub3A_254 = arith.subf %get3A_251, %broadcast_in_dim3A_128 : vector<16xf32>
        %abs3A_255 = math.absf %sub3A_254 : vector<16xf32>
        %le3A_256 = arith.constant 9.99999993E-9 : f32
        %le3A_257 = vector.broadcast %le3A_256 : f32 to vector<16xf32>
        %le3A_258 = arith.cmpf ole, %abs3A_255, %le3A_257 : vector<16xf32>
        %select_n3A_259 = arith.select %gt3A_252, %broadcast_in_dim3A_8, %broadcast_in_dim3A_6 : vector<16xi1>, vector<16xf32>
        %add3A_260 = arith.addf %add3A_235, %select_n3A_259 : vector<16xf32>
        %and3A_261 = arith.andi %gt3A_252, %lt3A_253 : vector<16xi1>
        %select_n3A_262 = arith.select %and3A_261, %broadcast_in_dim3A_8, %broadcast_in_dim3A_6 : vector<16xi1>, vector<16xf32>
        %add3A_263 = arith.addf %add3A_238, %select_n3A_262 : vector<16xf32>
        %and3A_264 = arith.andi %gt3A_252, %le3A_258 : vector<16xi1>
        %select_n3A_265 = arith.select %and3A_264, %broadcast_in_dim3A_8, %broadcast_in_dim3A_6 : vector<16xi1>, vector<16xf32>
        %add3A_266 = arith.addf %add3A_241, %select_n3A_265 : vector<16xf32>
        scf.yield %add3A_260, %add3A_263, %add3A_266 : vector<16xf32>, vector<16xf32>, vector<16xf32>
      }
      %scan3A_134 = arith.constant 256 : i32
      %get3A_135 = arith.constant 0 : i32
      %get3A_136 = arith.index_cast %get3A_135 : i32 to index
      %get3A_137 = arith.constant 0 : index
      %get3A_138 = tpu.vector_load %arg10[%get3A_136, %get3A_137] {strides = array<i32>} : memref<3x16xf32, #tpu.memory_space<vmem>>, vector<1x16xf32>,
      %get3A_139 = vector.shape_cast %get3A_138 : vector<1x16xf32> to vector<16xf32>
      %add3A_140 = arith.addf %get3A_139, %scan3A_133#0 : vector<16xf32>
      %swap3A_141 = arith.constant 0 : i32
      %swap3A_142 = arith.index_cast %swap3A_141 : i32 to index
      %swap3A_143 = arith.constant 0 : index
      %swap3A_144 = tpu.vector_load %arg10[%swap3A_142, %swap3A_143] {strides = array<i32>} : memref<3x16xf32, #tpu.memory_space<vmem>>, vector<1x16xf32>,
      %swap3A_145 = vector.shape_cast %swap3A_144 : vector<1x16xf32> to vector<16xf32>
      %swap3A_146 = vector.shape_cast %add3A_140 : vector<16xf32> to vector<1x16xf32>
      tpu.vector_store %arg10[%swap3A_142, %swap3A_143], %swap3A_146 {strides = array<i32>} : memref<3x16xf32, #tpu.memory_space<vmem>>, vector<1x16xf32>,
      %get3A_147 = arith.constant 1 : i32
      %get3A_148 = arith.index_cast %get3A_147 : i32 to index
      %get3A_149 = arith.constant 0 : index
      %get3A_150 = tpu.vector_load %arg10[%get3A_148, %get3A_149] {strides = array<i32>} : memref<3x16xf32, #tpu.memory_space<vmem>>, vector<1x16xf32>,
      %get3A_151 = vector.shape_cast %get3A_150 : vector<1x16xf32> to vector<16xf32>
      %add3A_152 = arith.addf %get3A_151, %scan3A_133#1 : vector<16xf32>
      %swap3A_153 = arith.constant 1 : i32
      %swap3A_154 = arith.index_cast %swap3A_153 : i32 to index
      %swap3A_155 = arith.constant 0 : index
      %swap3A_156 = tpu.vector_load %arg10[%swap3A_154, %swap3A_155] {strides = array<i32>} : memref<3x16xf32, #tpu.memory_space<vmem>>, vector<1x16xf32>,
      %swap3A_157 = vector.shape_cast %swap3A_156 : vector<1x16xf32> to vector<16xf32>
      %swap3A_158 = vector.shape_cast %add3A_152 : vector<16xf32> to vector<1x16xf32>
      tpu.vector_store %arg10[%swap3A_154, %swap3A_155], %swap3A_158 {strides = array<i32>} : memref<3x16xf32, #tpu.memory_space<vmem>>, vector<1x16xf32>,
      %get3A_159 = arith.constant 2 : i32
      %get3A_160 = arith.index_cast %get3A_159 : i32 to index
      %get3A_161 = arith.constant 0 : index
      %get3A_162 = tpu.vector_load %arg10[%get3A_160, %get3A_161] {strides = array<i32>} : memref<3x16xf32, #tpu.memory_space<vmem>>, vector<1x16xf32>,
      %get3A_163 = vector.shape_cast %get3A_162 : vector<1x16xf32> to vector<16xf32>
      %add3A_164 = arith.addf %get3A_163, %scan3A_133#2 : vector<16xf32>
      %swap3A_165 = arith.constant 2 : i32
      %swap3A_166 = arith.index_cast %swap3A_165 : i32 to index
      %swap3A_167 = arith.constant 0 : index
      %swap3A_168 = tpu.vector_load %arg10[%swap3A_166, %swap3A_167] {strides = array<i32>} : memref<3x16xf32, #tpu.memory_space<vmem>>, vector<1x16xf32>,
      %swap3A_169 = vector.shape_cast %swap3A_168 : vector<1x16xf32> to vector<16xf32>
      %swap3A_170 = vector.shape_cast %add3A_164 : vector<16xf32> to vector<1x16xf32>
      tpu.vector_store %arg10[%swap3A_166, %swap3A_167], %swap3A_170 {strides = array<i32>} : memref<3x16xf32, #tpu.memory_space<vmem>>, vector<1x16xf32>,
    } else {
    }
    %slice3A_116 = vector.extract_strided_slice %get3A_37 {offsets = [7], sizes = [1], strides = [1]} : vector<16xi32> to vector<1xi32>
    %squeeze3A_117 = vector.extract %slice3A_116[0] : i32 from vector<1xi32>
    %slice3A_118 = vector.extract_strided_slice %get3A_43 {offsets = [7], sizes = [1], strides = [1]} : vector<16xf32> to vector<1xf32>
    %squeeze3A_119 = vector.extract %slice3A_118[0] : f32 from vector<1xf32>
    %slice3A_120 = vector.extract_strided_slice %get3A_40 {offsets = [7], sizes = [1], strides = [1]} : vector<16xi32> to vector<1xi32>
    %squeeze3A_121 = vector.extract %slice3A_120[0] : i32 from vector<1xi32>
    %gt3A_122 = arith.constant 0 : i32
    %gt3A_123 = arith.cmpi sgt, %squeeze3A_121, %gt3A_122 : i32
    %convert_element_type3A_124 = arith.extui %gt3A_123 : i1 to i32
    %cond3A_125 = arith.constant 0 : i32
    %cond3A_126 = arith.cmpi ne, %convert_element_type3A_124, %cond3A_125 : i32
    scf.if %cond3A_126 {
      %broadcast_in_dim3A_127 = vector.broadcast %squeeze3A_117 : i32 to vector<16xi32>
      %broadcast_in_dim3A_128 = vector.broadcast %squeeze3A_119 : f32 to vector<16xf32>
      %scan3A_129 = arith.constant 0 : i32
      %scan3A_130 = arith.constant 256 : i32
      %scan3A_131 = arith.addi %scan3A_129, %scan3A_130 : i32
      %scan3A_132 = arith.constant 4 : i32
      %scan3A_133:3 = scf.for %scan3A_171 = %scan3A_129 to %scan3A_131 step %scan3A_132 iter_args(%scan3A_172 = %broadcast_in_dim3A_6, %scan3A_173 = %broadcast_in_dim3A_6, %scan3A_174 = %broadcast_in_dim3A_6) -> (vector<16xf32>, vector<16xf32>, vector<16xf32>)  : i32 {
        %mul3A_175 = arith.constant 16 : i32
        %mul3A_176 = arith.muli %scan3A_171, %mul3A_175 : i32
        %get3A_177 = arith.index_cast %mul3A_176 : i32 to index
        %get3A_178 = tpu.vector_load %arg9[%get3A_177] {strides = array<i32>} : memref<4096xi32, #tpu.memory_space<vmem>>, vector<16xi32>,
        %get3A_179 = vector.shape_cast %get3A_178 : vector<16xi32> to vector<16xi32>
        %get3A_180 = arith.index_cast %mul3A_176 : i32 to index
        %get3A_181 = tpu.vector_load %arg8[%get3A_180] {strides = array<i32>} : memref<4096xf32, #tpu.memory_space<vmem>>, vector<16xf32>,
        %get3A_182 = vector.shape_cast %get3A_181 : vector<16xf32> to vector<16xf32>
        %gt3A_183 = arith.cmpi sgt, %get3A_179, %broadcast_in_dim3A_127 : vector<16xi32>
        %lt3A = arith.cmpf olt, %get3A_182, %broadcast_in_dim3A_128 : vector<16xf32>
        %sub3A = arith.subf %get3A_182, %broadcast_in_dim3A_128 : vector<16xf32>
        %abs3A = math.absf %sub3A : vector<16xf32>
        %le3A = arith.constant 9.99999993E-9 : f32
        %le3A_184 = vector.broadcast %le3A : f32 to vector<16xf32>
        %le3A_185 = arith.cmpf ole, %abs3A, %le3A_184 : vector<16xf32>
        %select_n3A = arith.select %gt3A_183, %broadcast_in_dim3A_8, %broadcast_in_dim3A_6 : vector<16xi1>, vector<16xf32>
        %add3A_186 = arith.addf %scan3A_172, %select_n3A : vector<16xf32>
        %and3A = arith.andi %gt3A_183, %lt3A : vector<16xi1>
        %select_n3A_187 = arith.select %and3A, %broadcast_in_dim3A_8, %broadcast_in_dim3A_6 : vector<16xi1>, vector<16xf32>
        %add3A_188 = arith.addf %scan3A_173, %select_n3A_187 : vector<16xf32>
        %and3A_189 = arith.andi %gt3A_183, %le3A_185 : vector<16xi1>
        %select_n3A_190 = arith.select %and3A_189, %broadcast_in_dim3A_8, %broadcast_in_dim3A_6 : vector<16xi1>, vector<16xf32>
        %add3A_191 = arith.addf %scan3A_174, %select_n3A_190 : vector<16xf32>
        %scan3A_192 = arith.constant 1 : i32
        %scan3A_193 = arith.addi %scan3A_171, %scan3A_192 : i32
        %mul3A_194 = arith.constant 16 : i32
        %mul3A_195 = arith.muli %scan3A_193, %mul3A_194 : i32
        %get3A_196 = arith.index_cast %mul3A_195 : i32 to index
        %get3A_197 = tpu.vector_load %arg9[%get3A_196] {strides = array<i32>} : memref<4096xi32, #tpu.memory_space<vmem>>, vector<16xi32>,
        %get3A_198 = vector.shape_cast %get3A_197 : vector<16xi32> to vector<16xi32>
        %get3A_199 = arith.index_cast %mul3A_195 : i32 to index
        %get3A_200 = tpu.vector_load %arg8[%get3A_199] {strides = array<i32>} : memref<4096xf32, #tpu.memory_space<vmem>>, vector<16xf32>,
        %get3A_201 = vector.shape_cast %get3A_200 : vector<16xf32> to vector<16xf32>
        %gt3A_202 = arith.cmpi sgt, %get3A_198, %broadcast_in_dim3A_127 : vector<16xi32>
        %lt3A_203 = arith.cmpf olt, %get3A_201, %broadcast_in_dim3A_128 : vector<16xf32>
        %sub3A_204 = arith.subf %get3A_201, %broadcast_in_dim3A_128 : vector<16xf32>
        %abs3A_205 = math.absf %sub3A_204 : vector<16xf32>
        %le3A_206 = arith.constant 9.99999993E-9 : f32
        %le3A_207 = vector.broadcast %le3A_206 : f32 to vector<16xf32>
        %le3A_208 = arith.cmpf ole, %abs3A_205, %le3A_207 : vector<16xf32>
        %select_n3A_209 = arith.select %gt3A_202, %broadcast_in_dim3A_8, %broadcast_in_dim3A_6 : vector<16xi1>, vector<16xf32>
        %add3A_210 = arith.addf %add3A_186, %select_n3A_209 : vector<16xf32>
        %and3A_211 = arith.andi %gt3A_202, %lt3A_203 : vector<16xi1>
        %select_n3A_212 = arith.select %and3A_211, %broadcast_in_dim3A_8, %broadcast_in_dim3A_6 : vector<16xi1>, vector<16xf32>
        %add3A_213 = arith.addf %add3A_188, %select_n3A_212 : vector<16xf32>
        %and3A_214 = arith.andi %gt3A_202, %le3A_208 : vector<16xi1>
        %select_n3A_215 = arith.select %and3A_214, %broadcast_in_dim3A_8, %broadcast_in_dim3A_6 : vector<16xi1>, vector<16xf32>
        %add3A_216 = arith.addf %add3A_191, %select_n3A_215 : vector<16xf32>
        %scan3A_217 = arith.constant 2 : i32
        %scan3A_218 = arith.addi %scan3A_171, %scan3A_217 : i32
        %mul3A_219 = arith.constant 16 : i32
        %mul3A_220 = arith.muli %scan3A_218, %mul3A_219 : i32
        %get3A_221 = arith.index_cast %mul3A_220 : i32 to index
        %get3A_222 = tpu.vector_load %arg9[%get3A_221] {strides = array<i32>} : memref<4096xi32, #tpu.memory_space<vmem>>, vector<16xi32>,
        %get3A_223 = vector.shape_cast %get3A_222 : vector<16xi32> to vector<16xi32>
        %get3A_224 = arith.index_cast %mul3A_220 : i32 to index
        %get3A_225 = tpu.vector_load %arg8[%get3A_224] {strides = array<i32>} : memref<4096xf32, #tpu.memory_space<vmem>>, vector<16xf32>,
        %get3A_226 = vector.shape_cast %get3A_225 : vector<16xf32> to vector<16xf32>
        %gt3A_227 = arith.cmpi sgt, %get3A_223, %broadcast_in_dim3A_127 : vector<16xi32>
        %lt3A_228 = arith.cmpf olt, %get3A_226, %broadcast_in_dim3A_128 : vector<16xf32>
        %sub3A_229 = arith.subf %get3A_226, %broadcast_in_dim3A_128 : vector<16xf32>
        %abs3A_230 = math.absf %sub3A_229 : vector<16xf32>
        %le3A_231 = arith.constant 9.99999993E-9 : f32
        %le3A_232 = vector.broadcast %le3A_231 : f32 to vector<16xf32>
        %le3A_233 = arith.cmpf ole, %abs3A_230, %le3A_232 : vector<16xf32>
        %select_n3A_234 = arith.select %gt3A_227, %broadcast_in_dim3A_8, %broadcast_in_dim3A_6 : vector<16xi1>, vector<16xf32>
        %add3A_235 = arith.addf %add3A_210, %select_n3A_234 : vector<16xf32>
        %and3A_236 = arith.andi %gt3A_227, %lt3A_228 : vector<16xi1>
        %select_n3A_237 = arith.select %and3A_236, %broadcast_in_dim3A_8, %broadcast_in_dim3A_6 : vector<16xi1>, vector<16xf32>
        %add3A_238 = arith.addf %add3A_213, %select_n3A_237 : vector<16xf32>
        %and3A_239 = arith.andi %gt3A_227, %le3A_233 : vector<16xi1>
        %select_n3A_240 = arith.select %and3A_239, %broadcast_in_dim3A_8, %broadcast_in_dim3A_6 : vector<16xi1>, vector<16xf32>
        %add3A_241 = arith.addf %add3A_216, %select_n3A_240 : vector<16xf32>
        %scan3A_242 = arith.constant 3 : i32
        %scan3A_243 = arith.addi %scan3A_171, %scan3A_242 : i32
        %mul3A_244 = arith.constant 16 : i32
        %mul3A_245 = arith.muli %scan3A_243, %mul3A_244 : i32
        %get3A_246 = arith.index_cast %mul3A_245 : i32 to index
        %get3A_247 = tpu.vector_load %arg9[%get3A_246] {strides = array<i32>} : memref<4096xi32, #tpu.memory_space<vmem>>, vector<16xi32>,
        %get3A_248 = vector.shape_cast %get3A_247 : vector<16xi32> to vector<16xi32>
        %get3A_249 = arith.index_cast %mul3A_245 : i32 to index
        %get3A_250 = tpu.vector_load %arg8[%get3A_249] {strides = array<i32>} : memref<4096xf32, #tpu.memory_space<vmem>>, vector<16xf32>,
        %get3A_251 = vector.shape_cast %get3A_250 : vector<16xf32> to vector<16xf32>
        %gt3A_252 = arith.cmpi sgt, %get3A_248, %broadcast_in_dim3A_127 : vector<16xi32>
        %lt3A_253 = arith.cmpf olt, %get3A_251, %broadcast_in_dim3A_128 : vector<16xf32>
        %sub3A_254 = arith.subf %get3A_251, %broadcast_in_dim3A_128 : vector<16xf32>
        %abs3A_255 = math.absf %sub3A_254 : vector<16xf32>
        %le3A_256 = arith.constant 9.99999993E-9 : f32
        %le3A_257 = vector.broadcast %le3A_256 : f32 to vector<16xf32>
        %le3A_258 = arith.cmpf ole, %abs3A_255, %le3A_257 : vector<16xf32>
        %select_n3A_259 = arith.select %gt3A_252, %broadcast_in_dim3A_8, %broadcast_in_dim3A_6 : vector<16xi1>, vector<16xf32>
        %add3A_260 = arith.addf %add3A_235, %select_n3A_259 : vector<16xf32>
        %and3A_261 = arith.andi %gt3A_252, %lt3A_253 : vector<16xi1>
        %select_n3A_262 = arith.select %and3A_261, %broadcast_in_dim3A_8, %broadcast_in_dim3A_6 : vector<16xi1>, vector<16xf32>
        %add3A_263 = arith.addf %add3A_238, %select_n3A_262 : vector<16xf32>
        %and3A_264 = arith.andi %gt3A_252, %le3A_258 : vector<16xi1>
        %select_n3A_265 = arith.select %and3A_264, %broadcast_in_dim3A_8, %broadcast_in_dim3A_6 : vector<16xi1>, vector<16xf32>
        %add3A_266 = arith.addf %add3A_241, %select_n3A_265 : vector<16xf32>
        scf.yield %add3A_260, %add3A_263, %add3A_266 : vector<16xf32>, vector<16xf32>, vector<16xf32>
      }
      %scan3A_134 = arith.constant 256 : i32
      %get3A_135 = arith.constant 0 : i32
      %get3A_136 = arith.index_cast %get3A_135 : i32 to index
      %get3A_137 = arith.constant 0 : index
      %get3A_138 = tpu.vector_load %arg10[%get3A_136, %get3A_137] {strides = array<i32>} : memref<3x16xf32, #tpu.memory_space<vmem>>, vector<1x16xf32>,
      %get3A_139 = vector.shape_cast %get3A_138 : vector<1x16xf32> to vector<16xf32>
      %add3A_140 = arith.addf %get3A_139, %scan3A_133#0 : vector<16xf32>
      %swap3A_141 = arith.constant 0 : i32
      %swap3A_142 = arith.index_cast %swap3A_141 : i32 to index
      %swap3A_143 = arith.constant 0 : index
      %swap3A_144 = tpu.vector_load %arg10[%swap3A_142, %swap3A_143] {strides = array<i32>} : memref<3x16xf32, #tpu.memory_space<vmem>>, vector<1x16xf32>,
      %swap3A_145 = vector.shape_cast %swap3A_144 : vector<1x16xf32> to vector<16xf32>
      %swap3A_146 = vector.shape_cast %add3A_140 : vector<16xf32> to vector<1x16xf32>
      tpu.vector_store %arg10[%swap3A_142, %swap3A_143], %swap3A_146 {strides = array<i32>} : memref<3x16xf32, #tpu.memory_space<vmem>>, vector<1x16xf32>,
      %get3A_147 = arith.constant 1 : i32
      %get3A_148 = arith.index_cast %get3A_147 : i32 to index
      %get3A_149 = arith.constant 0 : index
      %get3A_150 = tpu.vector_load %arg10[%get3A_148, %get3A_149] {strides = array<i32>} : memref<3x16xf32, #tpu.memory_space<vmem>>, vector<1x16xf32>,
      %get3A_151 = vector.shape_cast %get3A_150 : vector<1x16xf32> to vector<16xf32>
      %add3A_152 = arith.addf %get3A_151, %scan3A_133#1 : vector<16xf32>
      %swap3A_153 = arith.constant 1 : i32
      %swap3A_154 = arith.index_cast %swap3A_153 : i32 to index
      %swap3A_155 = arith.constant 0 : index
      %swap3A_156 = tpu.vector_load %arg10[%swap3A_154, %swap3A_155] {strides = array<i32>} : memref<3x16xf32, #tpu.memory_space<vmem>>, vector<1x16xf32>,
      %swap3A_157 = vector.shape_cast %swap3A_156 : vector<1x16xf32> to vector<16xf32>
      %swap3A_158 = vector.shape_cast %add3A_152 : vector<16xf32> to vector<1x16xf32>
      tpu.vector_store %arg10[%swap3A_154, %swap3A_155], %swap3A_158 {strides = array<i32>} : memref<3x16xf32, #tpu.memory_space<vmem>>, vector<1x16xf32>,
      %get3A_159 = arith.constant 2 : i32
      %get3A_160 = arith.index_cast %get3A_159 : i32 to index
      %get3A_161 = arith.constant 0 : index
      %get3A_162 = tpu.vector_load %arg10[%get3A_160, %get3A_161] {strides = array<i32>} : memref<3x16xf32, #tpu.memory_space<vmem>>, vector<1x16xf32>,
      %get3A_163 = vector.shape_cast %get3A_162 : vector<1x16xf32> to vector<16xf32>
      %add3A_164 = arith.addf %get3A_163, %scan3A_133#2 : vector<16xf32>
      %swap3A_165 = arith.constant 2 : i32
      %swap3A_166 = arith.index_cast %swap3A_165 : i32 to index
      %swap3A_167 = arith.constant 0 : index
      %swap3A_168 = tpu.vector_load %arg10[%swap3A_166, %swap3A_167] {strides = array<i32>} : memref<3x16xf32, #tpu.memory_space<vmem>>, vector<1x16xf32>,
      %swap3A_169 = vector.shape_cast %swap3A_168 : vector<1x16xf32> to vector<16xf32>
      %swap3A_170 = vector.shape_cast %add3A_164 : vector<16xf32> to vector<1x16xf32>
      tpu.vector_store %arg10[%swap3A_166, %swap3A_167], %swap3A_170 {strides = array<i32>} : memref<3x16xf32, #tpu.memory_space<vmem>>, vector<1x16xf32>,
    } else {
    }
    "tpu.region"() ({
      %run_scoped3A = tpu.sem_alloc : memref<!tpu.dma_semaphore, #tpu.memory_space<semaphore_mem>>
      %dma_start3A = arith.constant 0 : i32
      %dma_start3A_127 = arith.constant 0 : i32
      %dma_start3A_128 = tpu.memref_slice %arg5[%add3A, %dma_start3A, %dma_start3A_127] : memref<32x3x16xf32, #tpu.memory_space<hbm>> -> memref<1x3x16xf32, #tpu.memory_space<hbm>>
      %dma_start3A_129 = tpu.memref_squeeze %dma_start3A_128 : memref<1x3x16xf32, #tpu.memory_space<hbm>> -> memref<3x16xf32, #tpu.memory_space<hbm>>
      %dma_start3A_130 = arith.constant 0 : i32
      %dma_start3A_131 = arith.constant 0 : i32
      %dma_start3A_132 = tpu.memref_slice %arg5[%add3A, %dma_start3A_130, %dma_start3A_131] : memref<32x3x16xf32, #tpu.memory_space<hbm>> -> memref<1x3x16xf32, #tpu.memory_space<hbm>>
      %dma_start3A_133 = tpu.memref_squeeze %dma_start3A_132 : memref<1x3x16xf32, #tpu.memory_space<hbm>> -> memref<3x16xf32, #tpu.memory_space<hbm>>
      tpu.enqueue_dma source(%arg10 : memref<3x16xf32, #tpu.memory_space<vmem>>) target(%dma_start3A_133 : memref<3x16xf32, #tpu.memory_space<hbm>>) target_semaphore(%run_scoped3A : memref<!tpu.dma_semaphore, #tpu.memory_space<semaphore_mem>>)
      %dma_wait3A = arith.constant 0 : i32
      %dma_wait3A_134 = arith.constant 0 : i32
      %dma_wait3A_135 = tpu.memref_slice %arg5[%add3A, %dma_wait3A, %dma_wait3A_134] : memref<32x3x16xf32, #tpu.memory_space<hbm>> -> memref<1x3x16xf32, #tpu.memory_space<hbm>>
      %dma_wait3A_136 = tpu.memref_squeeze %dma_wait3A_135 : memref<1x3x16xf32, #tpu.memory_space<hbm>> -> memref<3x16xf32, #tpu.memory_space<hbm>>
      %dma_wait3A_137 = arith.constant 0 : i32
      %dma_wait3A_138 = arith.constant 0 : i32
      %dma_wait3A_139 = tpu.memref_slice %arg5[%add3A, %dma_wait3A_137, %dma_wait3A_138] : memref<32x3x16xf32, #tpu.memory_space<hbm>> -> memref<1x3x16xf32, #tpu.memory_space<hbm>>
      %dma_wait3A_140 = tpu.memref_squeeze %dma_wait3A_139 : memref<1x3x16xf32, #tpu.memory_space<hbm>> -> memref<3x16xf32, #tpu.memory_space<hbm>>
      tpu.wait_dma2 semaphore(%run_scoped3A : memref<!tpu.dma_semaphore, #tpu.memory_space<semaphore_mem>>) src(%arg10 : memref<3x16xf32, #tpu.memory_space<vmem>>) dst(%dma_wait3A_140 : memref<3x16xf32, #tpu.memory_space<hbm>>)
      tpu.yield
    }) : () -> ()
    return
  }
}

</mosaic_0001>

<sc_bundles>
// kernel: _sc_counts.3.cloned.1.call-start
scs
__scs_entry_jumppad:
0x0: {  	(pc) =	sbr.rel $0x88, $3  }
0x1: {  	(tag) =	ssettag $0x0;
	lr =	simm.s32 $0x1  }
0x2: {  	[smem:$0x3F9E] =	sst lr;
	_ =	strace $0xD0000000  }
0x3: {  	_ = 	snop  }
0x4: {  	_ = 	snop  }
0x5: {  	_ = 	snop  }
0x6: {  	_ = 	snop  }
0x7: {  	_ = 	snop  }
__scs_overlays_trampoline_lowered:
0x8: {  	[smem:$0x3FAD] =	sst s0  }
0x9: {  	[smem:$0x3FAE] =	sst s1  }
0xa: {  	[smem:$0x3FAF] =	sst s2  }
0xb: {  	[smem:$0x3FB0] =	sst s3  }
0xc: {  	[smem:$0x3FB1] =	sst s4  }
0xd: {  	[smem:$0x3FB2] =	sst s5  }
0xe: {  	[smem:$0x3FB3] =	sst s6  }
0xf: {  	[smem:$0x3FB4] =	sst s7  }
0x10: {  	[smem:$0x3FB5] =	sst s8  }
0x11: {  	[smem:$0x3FB6] =	sst s9;
	s0 =	simm.s32 @!p0 $0x0  }
0x12: {  	s1 =	sld [smem:$0x3F9C];
	s0 =	simm.s32 @p0 $0x1  }
0x13: {  	[smem:$0x3FB7] =	sst s0;
	s0 =	simm.s32 @!p1 $0x0  }
0x14: {  	s2 =	sld [smem:$0x3F9B];
	s0 =	simm.s32 @p1 $0x1  }
0x15: {  	[smem:$0x3FB8] =	sst s0;
	s0 =	simm.s32 @!p2 $0x0  }
0x16: {  	s3 =	sld [smem:$0x3FDB];
	s0 =	simm.s32 @p2 $0x1  }
0x17: {  	s4 =	simm.s32 $0x1BF5;
	[smem:$0x3FBA] =	sst s0  }
0x18: {  	s0 =	sld [smem:$0x3F9D];
	_ =	swait.ge [sflag:s4], $0x0  }
0x19: {  	s7 =	sld [smem:$0x3F9E]  }
0x1a: {  	s8 =	sadd.s32 $0xFFFFE003, lr  }
0x1b: {  	s9 =	sadd.s32 $0xFFFFFEF7, lr;
	s5 =	simm.s32 $0xFFFFFFFF;
	p2 =	slt.u32 s8, $0xFFFFF086  }
0x1c: {  	p1 =	slt.u32 s9, $0xF7A;
	s5 =	simm.s32 @!p2 $0x0  }
0x1d: {  	s5 =	simm.s32 @p1 $0x1;
	p0 =	seq.s32 s7, s2  }
0x1e: {  	s7 =	smul.u32 @!p0 $0xF7A, s2;
	p2 =	seq.s32 @!p0 s5, $0x0  }
0x1f: {  	s9 =	smul.u32 $0xF7A, s1;
	s8 =	simm.s32 @!p0 $0x1BF5;
	p2 =	por !p2, p0  }
0x20: {  	[sflag:s8] =	ssyncset.s32 @!p0 $0xFFFFF086;
	s6 =	sadd.s32 @!p0 s3, s7;
	s7 =	simm.s32 @!p0 $0x108  }
0x21: {  	s3 =	sadd.s32 s3, s9;
	s6 =	sadd.s32 @!p0 $0x88, s6;
	s7 =	simm.s32 @p2 $0x1082  }
0x22: {  	[simem:s7], [sflag:s8] =	dma.local @!p0 [hbm:s6], $0xF7A  }
0x23: {  	s9 =	sor.u32 $0xD0000000, s2;
	s6 =	simm.s32 $0x108;
	_ =	swait.ge @!p0 [sflag:s8], $0x0  }
0x24: {  	s3 =	sadd.s32 $0x88, s3;
	s6 =	simm.s32 @!p1 $0x1082;
	[sflag:s4] =	ssyncset.s32 $0xFFFFF086  }
0x25: {  	[simem:s6], [sflag:s4] =	dma.local [hbm:s3], $0xF7A  }
0x26: {  	[smem:$0x3F9E] =	sst s1;
	(tag) =	ssettag s2;
	_ =	strace s9  }
0x27: {  	s1 =	sld [smem:$0x3FAE]  }
0x28: {  	s2 =	sld [smem:$0x3FAF]  }
0x29: {  	s4 =	sld [smem:$0x3FB1]  }
0x2a: {  	p0 =	seq.s32 s5, $0x0;
	s5 =	sld [smem:$0x3FB2]  }
0x2b: {  	s6 =	sld [smem:$0x3FB3]  }
0x2c: {  	s7 =	sld [smem:$0x3FB4]  }
0x2d: {  	s3 =	simm.s32 $0x108;
	s8 =	sld [smem:$0x3FB5]  }
0x2e: {  	s3 =	simm.s32 @!p0 $0x1082;
	s9 =	sld [smem:$0x3FB6]  }
0x2f: {  	lr =	sadd.s32 s0, s3;
	s0 =	sld [smem:$0x3FAD]  }
0x30: {  	s3 =	sld [smem:$0x3FB0]  }
0x31: {  	[smem:$0x3FB9] =	sst s10  }
0x32: {  	s10 =	sld [smem:$0x3FB7];
	_ =	sdelay $0x3  }
0x33: {  	p0 =	seq.s32 s10, $0x1;
	s10 =	sld [smem:$0x3FB9];
	_ =	sdelay $0x3  }
0x34: {  	[smem:$0x3FB9] =	sst s10  }
0x35: {  	s10 =	sld [smem:$0x3FB8];
	_ =	sdelay $0x3  }
0x36: {  	p1 =	seq.s32 s10, $0x1;
	s10 =	sld [smem:$0x3FB9];
	_ =	sdelay $0x3  }
0x37: {  	[smem:$0x3FB9] =	sst s10  }
0x38: {  	s10 =	sld [smem:$0x3FBA]  }
0x39: {  	_ = 	snop;
	(pc) =	sbr.ind lr, $3  }
0x3a: {  	_ = 	snop  }
0x3b: {  	_ = 	snop  }
0x3c: {  	p2 =	seq.s32 s10, $0x1;
	s10 =	sld [smem:$0x3FB9]  }
0x3d: {  	_ =	shalt  }
0x3e: {  	_ =	shalt  }
0x3f: {  	_ =	shalt  }
0x40: {  	_ =	shalt  }
0x41: {  	_ =	shalt  }
0x42: {  	_ =	shalt  }
0x43: {  	_ =	shalt  }
0x44: {  	_ =	shalt  }
0x45: {  	_ =	shalt  }
0x46: {  	_ =	shalt  }
0x47: {  	_ =	shalt  }
0x48: {  	_ =	shalt  }
0x49: {  	_ =	shalt  }
0x4a: {  	_ =	shalt  }
0x4b: {  	_ =	shalt  }
0x4c: {  	_ =	shalt  }
0x4d: {  	_ =	shalt  }
0x4e: {  	_ =	shalt  }
0x4f: {  	_ =	shalt  }
0x50: {  	_ =	shalt  }
0x51: {  	_ =	shalt  }
0x52: {  	_ =	shalt  }
0x53: {  	_ =	shalt  }
0x54: {  	_ =	shalt  }
0x55: {  	_ =	shalt  }
0x56: {  	_ =	shalt  }
0x57: {  	_ =	shalt  }
0x58: {  	_ =	shalt  }
0x59: {  	_ =	shalt  }
0x5a: {  	_ =	shalt  }
0x5b: {  	_ =	shalt  }
0x5c: {  	_ =	shalt  }
0x5d: {  	_ =	shalt  }
0x5e: {  	_ =	shalt  }
0x5f: {  	_ =	shalt  }
0x60: {  	_ =	shalt  }
0x61: {  	_ =	shalt  }
0x62: {  	_ =	shalt  }
0x63: {  	_ =	shalt  }
0x64: {  	_ =	shalt  }
0x65: {  	_ =	shalt  }
0x66: {  	_ =	shalt  }
0x67: {  	_ =	shalt  }
0x68: {  	_ =	shalt  }
0x69: {  	_ =	shalt  }
0x6a: {  	_ =	shalt  }
0x6b: {  	_ =	shalt  }
0x6c: {  	_ =	shalt  }
0x6d: {  	_ =	shalt  }
0x6e: {  	_ =	shalt  }
0x6f: {  	_ =	shalt  }
0x70: {  	_ =	shalt  }
0x71: {  	_ =	shalt  }
0x72: {  	_ =	shalt  }
0x73: {  	_ =	shalt  }
0x74: {  	_ =	shalt  }
0x75: {  	_ =	shalt  }
0x76: {  	_ =	shalt  }
0x77: {  	_ =	shalt  }
0x78: {  	_ =	shalt  }
0x79: {  	_ =	shalt  }
0x7a: {  	_ =	shalt  }
0x7b: {  	_ =	shalt  }
0x7c: {  	_ =	shalt  }
0x7d: {  	_ =	shalt  }
0x7e: {  	_ =	shalt  }
0x7f: {  	_ =	shalt  }
0x80: {  	_ =	shalt  }
0x81: {  	_ =	shalt  }
0x82: {  	_ =	shalt  }
0x83: {  	_ =	shalt  }
0x84: {  	_ =	shalt  }
0x85: {  	_ =	shalt  }
0x86: {  	_ =	shalt  }
0x87: {  	_ =	shalt  }
.Lfunc_end0:
.L_simem_size_0:
called_computation_lowered:
.L_overlay_start_0:
0x88: {  	s2 =	sld [smem:$0x3FD9]  }
0x89: {  	s3 =	sld [smem:$0x3FFE];
	_ =	sdelay $0x1  }
0x8a: {  	s1 =	srdreg.scid  }
0x8b: {  	s0 =	sand.u32 $0x1, s1  }
0x8c: {  	s17 =	sshll.u32 s0, $0xA;
	s2 =	sadd.s32 s3, s2  }
0x8d: {  	s2 =	sadd.s32 s2, s17  }
0x8e: {  	[smem:$0x3FC5] =	sst s2  }
0x8f: {  	_ = 	snop  }
0x90: {  	s2 =	sld [smem:$0x3FC9]  }
0x91: {  	s18 =	sld [smem:$0x3FC8]  }
0x92: {  	s4 =	sld [smem:$0x3FC7];
	(tm) =	ssettm $0x1  }
0x93: {  	s5 =	sld [smem:$0x3FFB];
	_ =	sdelay $0x3  }
0x94: {  	_ =	strace s5  }
0x95: {  	s5 =	sld [smem:$0x3FFC];
	_ =	sdelay $0x3  }
0x96: {  	_ =	strace s5  }
0x97: {  	s5 =	sld [smem:$0x3FFD];
	_ =	sdelay $0x3  }
0x98: {  	_ =	strace s5  }
0x99: {  	_ =	strace $0x8FFFFFFF  }
0x9a: {  	s19 =	sld [smem:$0x3FDB];
	_ =	sdelay $0x1  }
0x9b: {  	s6 =	simm.s32 $_scs_section_size  }
0x9c: {  	s7 =	simm.s32 $_size__tile_overlayer_lowered;
	s8 =	simm.s32 $_tile_overlayer_lowered  }
0x9d: {  	s22 =	simm.s32 $0x1BFF;
	s21 =	sshll.u32 s8, $0x1;
	s5 =	sadd.s32 s6, s19  }
0x9e: {  	s9 =	simm.s32 $0x0;
	s20 =	sshll.u32 s7, $0x1;
	s7 =	sadd.s32 s21, s5  }
0x9f: {  	[timem:s9], [sflag:s22] =	dma.local [hbm:s7], s20  }
0xa0: {  	_ =	swait.ge [sflag:s22], s20  }
0xa1: {  	s6 =	ssub.s32 $0x0, s20;
	[sflag:s22] =	ssyncset.done $0x0  }
0xa2: {  	[sflag:s22] =	ssyncadd.s32 s6;
	_ =	sdelay $0x1  }
0xa3: {  	s23 =	simm.s32 $0x1B8B  }
0xa4: {  	_ =	swait.ge [sflag:s23], $0x1  }
0xa5: {  	[sflag:s23] =	ssyncset.done $0x0  }
0xa6: {  	s25 =	simm.s32 $0x1B8E;
	s24 =	sld [smem:$0x3FFE];
	[sflag:s23] =	ssyncadd.s32 $0xFFFFFFFF  }
0xa7: {  	s26 =	simm.s32 $execute0_lowered;
	[smem:$0x3FD2] =	sst s25  }
0xa8: {  	s7 =	sshll.u32 s26, $0x1;
	_ =	strace $0x80000046;
	[dreg:$0x1] =	wrdreg $0xFFFFFFFF  }
0xa9: {  	s28 =	simm.s32 $_size_execute0_lowered;
	s5 =	sadd.s32 s5, s7;
	[dreg:$0x0] =	wrdreg $0x0  }
0xaa: {  	s7 =	sshll.u32 s28, $0x1;
	[dreg:$0x2] =	wrdreg s5  }
0xab: {  	[dreg:$0x3] =	wrdreg s7  }
0xac: {  	[dreg:$0x4] =	wrdreg $0xC0  }
0xad: {  	_ =	task [dreg:s9], $0x5FFFF  }
0xae: {  	[dreg:$0x1] =	wrdreg $0xFFFFFFFF  }
0xaf: {  	[dreg:$0x0] =	wrdreg $0x60  }
0xb0: {  	[dreg:$0x2] =	wrdreg s2  }
0xb1: {  	[dreg:$0x3] =	wrdreg s18  }
0xb2: {  	[dreg:$0x4] =	wrdreg s4  }
0xb3: {  	[dreg:$0x5] =	wrdreg s24  }
0xb4: {  	[dreg:$0x6] =	wrdreg $0x9  }
0xb5: {  	_ =	task.clear_ibuf [dreg:s9], $0x7FFFF;
	_ =	strace $0x90000046  }
0xb6: {  	s29 =	simm.s32 $0x9;
	_ =	strace $0x80000048  }
0xb7: {  	_ =	swait.ge [sflag:s29], $0x1  }
0xb8: {  	[sflag:s29] =	ssyncadd.s32 $0xFFFFFFFF  }
0xb9: {  	_ =	strace $0x90000048  }
0xba: {  	_ =	sfence  }
0xbb: {  	s30 =	sld [smem:$0x0];
	_ =	sdelay $0x2  }
0xbc: {  	s31 =	sshll.u32 s1, $0xD;
	s1 =	sshrl.u32 s1, $0x2  }
0xbd: {  	s3 =	sand.u32 $0x4000, s31;
	s1 =	sadd.s32 s1, s30  }
0xbe: {  	s0 =	sor.u32 s3, s0;
	s1 =	sshll.u32 s1, $0x11  }
0xbf: {  	s0 =	sor.u32 s1, s0  }
0xc0: {  	s0 =	sadd.s32 $0x8F2B, s0  }
0xc1: {  	[sflag:s0] =	ssyncadd.remote.s32 $0x1  }
0xc2: {  	_ =	sfence.sel $0xFFFF  }
0xc3: {  	[dreg:$0x0] =	wrdreg $0xFFFFFFFF;
	(pc) =	sbr.abs _section_cstart, $3  }
0xc4: {  	[dreg:$0x1] =	wrdreg $0xFFFFFFFF  }
0xc5: {  	_ =	task.clear_ibuf [dreg:s9], $0x2FFFF;
	_ =	strace $0x9FFFFFFF  }
0xc6: {  	(tm) =	ssettm $0x7FFFFFFF  }
0xc7: {  	_ =	shalt  }
tec
execute0_lowered:
.L_overlay_start_1:
0x0: {  	(tag) =	ssettag $0x1  }
0x1: {  	s1 =	rddreg [dreg:$0x0]  }
0x2: {  	s2 =	rddreg [dreg:$0x1]  }
0x3: {  	s4 =	rddreg [dreg:$0x2]  }
0x4: {  	s7 =	rddreg [dreg:$0x3]  }
0x5: {  	s0 =	rddreg [dreg:$0x4]  }
0x6: {  	s6 =	srdreg.scid;
	s3 =	stileid.u32  }
0x7: {  	s5 =	simm.s32 $0x0;
	s11 =	simm.s32 $0x1000;
	s12 =	simm.s32 $0x2000  }
0x8: {  	s13 =	simm.s32 $0x4000;
	s14 =	simm.s32 $0x0;
	s6 =	sand.u32 $0x1, s6  }
.Ltmp0:
0x9: {  	s8 =	sshll.u32 s3, $0x1;
	[smem:$0x7FF] =	sst s5;
	(pc) =	sbr.rel .LBB2_1-.Ltmp0, $4  }
0xa: {  	s8 =	sor.u32 s6, s8;
	s10 =	ssub.s32 $0x2, s6;
	_ =	strace $0x80000047  }
0xb: {  	s9 =	sshll.u32 s8, $0x6;
	s6 =	smul.u32 $0x28, s8;
	s30 =	sshrl.u32 s10, $0x1  }
0xc: {  	s29 =	sadd.s32 s9, s7;
	s31 =	ssub.s32 s10, s30;
	s10 =	simm.s32 $0x1  }
0xd: {  	v0 =	vimm.f32 $0.0e+00;
	s7 =	sadd.s32 $0x20, s6;
	s8 =	sadd.s32 $0x400, s29;
	s9 =	smax.u32 s31, $0x1;
	v1 =	vmov s6  }
.LBB2_101:
0xe: {  	s14 =	sadd.s32 $0x1, s14  }
0xf: {  	p0 =	sne.s32 s14, s9  }
.Ltmp1:
0x10: {  	_ = 	snop;
	(pc) =	sbr.rel @!p0 .LBB2_102-.Ltmp1, $4  }
0x11: {  	[hbm4b:s8+s5] =	stream.linear.scatter [tilespmem:s13], [sflag:$0x1], $0x180, $0x38;
	[tilespmem:$0x4200] =	vst v63  }
0x12: {  	_ =	swait.ge [sflag:s10], $0x180  }
0x13: {  	[sflag:s10] =	ssyncset.done $0x0  }
0x14: {  	[sflag:s10] =	ssyncadd.s32 $0xFFFFFE80  }
.LBB2_1:
0x15: {  	[tilespmem:s5], [sflag:$0x1] =	stream.linear.gather [hbm4b:s1+s5], $0x1000, $0x38;
	[tilespmem:$0x4200] =	vst v63  }
0x16: {  	_ =	swait.ge [sflag:s10], $0x1000  }
0x17: {  	[sflag:s10] =	ssyncset.done $0x0  }
0x18: {  	[sflag:s10] =	ssyncadd.s32 $0xFFFFF000  }
0x19: {  	[tilespmem:s11], [sflag:$0x1] =	stream.linear.gather [hbm4b:s2+s5], $0x1000, $0x38;
	[tilespmem:$0x4200] =	vst v63  }
0x1a: {  	_ =	swait.ge [sflag:s10], $0x1000  }
0x1b: {  	[sflag:s10] =	ssyncset.done $0x0  }
0x1c: {  	[sflag:s10] =	ssyncadd.s32 $0xFFFFF000  }
0x1d: {  	[tilespmem:s12], [sflag:$0x1] =	stream.linear.gather [hbm4b:s4+s5], $0x1000, $0x38;
	[tilespmem:$0x4200] =	vst v63  }
0x1e: {  	_ =	swait.ge [sflag:s10], $0x1000  }
0x1f: {  	[sflag:s10] =	ssyncset.done $0x0  }
0x20: {  	s17 =	simm.s32 $0x0;
	[sflag:s10] =	ssyncadd.s32 $0xFFFFF000  }
0x21: {  	v2 =	vld [tilespmem:s17+$0x1000];
	_ =	sdelay $0x4  }
0x22: {  	v2 =	vmul.f32 $1.442695020e+00, v2  }
0x23: {  	s15 =	simm.s32 $0x10  }
0x24: {  	(erf) = vpow2.f32 v2;
	v2 =	vld [tilespmem:s15+$0x1000];
	_ =	sdelay $0x3  }
0x25: {  	s16 =	simm.s32 $0x20  }
0x26: {  	v3 =	vld [tilespmem:s16+$0x1000];
	v4 =	vmul.f32 $1.442695020e+00, v2  }
0x27: {  	v2 =	vld [tilespmem:s17+$0x0]  }
0x28: {  	(erf) = vpow2.f32 v4;
	_ =	sdelay $0x2  }
0x29: {  	s18 =	simm.s32 $0xC0;
	v4 =	vpop (erf)  }
.LBB2_2:
0x2a: {  	s19 =	sshra.s32 s18, $0x2;
	p0 =	sne.s32 s18, $0x3FC0;
	s18 =	sadd.s32 $0x40, s18;
	v5 =	vmul.f32 $1.442695020e+00, v3;
	v4 =	vsub.s32 v4, v2;
	v2 =	vld [tilespmem:s15+$0x0]  }
.Ltmp2:
0x2b: {  	v3 =	vld [tilespmem:s19+$0x1000];
	v4 =	vadd.s32 $0x1, v4;
	(pc) =	sbr.rel @p0 .LBB2_2-.Ltmp2, $3  }
0x2c: {  	(erf) = vpow2.f32 v5;
	[tilespmem:s17+$0x3000] =	vst v4;
	s17 =	smov.u32 s15;
	s15 =	smov.u32 s16;
	s16 =	smov.u32 s19  }
0x2d: {  	_ =	sdelay $0x1  }
0x2e: {  	v4 =	vpop (erf)  }
0x2f: {  	v3 =	vmul.f32 $1.442695020e+00, v3;
	_ =	sdelay $0x1  }
0x30: {  	(erf) = vpow2.f32 v3;
	_ =	sdelay $0x1  }
0x31: {  	v2 =	vsub.s32 v4, v2  }
0x32: {  	v2 =	vadd.s32 $0x1, v2  }
0x33: {  	v3 =	vld [tilespmem:s15+$0x0];
	[tilespmem:s17+$0x3000] =	vst v2  }
0x34: {  	v2 =	vld [tilespmem:s16+$0x0];
	_ =	sdelay $0x2  }
0x35: {  	v4 =	vpop (erf)  }
0x36: {  	v3 =	vsub.s32 v4, v3;
	v4 =	vpop (erf)  }
0x37: {  	v3 =	vadd.s32 $0x1, v3;
	v2 =	vsub.s32 v4, v2  }
.Ltmp3:
0x38: {  	[tilespmem:s15+$0x3000] =	vst v3;
	v2 =	vadd.s32 $0x1, v2;
	(pc) =	sbr.rel .LBB2_4-.Ltmp3, $4  }
0x39: {  	[tilespmem:s16+$0x3000] =	vst v2;
	v2 =	vimm.f32 $0.0e+00  }
0x3a: {  	[tilespmem:$0x4000] =	vst v2  }
0x3b: {  	[tilespmem:$0x4080] =	vst v2  }
0x3c: {  	p1 =	por $0x1, $0x1;
	s15 =	simm.s32 $0x0;
	v3 =	vimm.f32 $0.0e+00;
	v4 =	vimm.f32 $0.0e+00;
	[tilespmem:$0x4100] =	vst v2  }
.LBB2_68:
.Ltmp4:
0x3d: {  	(pc) =	sbr.rel @!p0 .LBB2_69-.Ltmp4, $2  }
0x3e: {  	_ =	sdelay $0x2  }
0x3f: {  	s15 =	simm.s32 $0x10;
	p1 =	por $0x0, $0x0  }
.LBB2_4:
0x40: {  	_ =	sdelay $0x3  }
0x41: {  	v7 =	vld.idx.msk [tilespmem:v1+s15+$0x0 ss:$0x1], $0xffff;
	_ =	sdelay $0x4  }
0x42: {  	(v2sf) =	vpush v7, $0x0;
	_ =	sdelay $0xe  }
0x43: {  	s16 =	spop (v2sf)  }
0x44: {  	p2 =	slt.s32 s16, $0x1  }
.Ltmp5:
0x45: {  	_ = 	snop;
	(pc) =	sbr.rel @p2 .LBB2_8-.Ltmp5, $3  }
0x46: {  	_ =	sdelay $0x1  }
0x47: {  	v5 =	vld.idx.msk [tilespmem:v1+s15+$0x3000 ss:$0x1], $0xffff  }
0x48: {  	p0 =	por p1, p1;
	v6 =	vld.idx.msk [tilespmem:v1+s15+$0x2000 ss:$0x1], $0xffff  }
0x49: {  	s16 =	simm.s32 $0x3020  }
0x4a: {  	v10 =	vld [tilespmem:s16+$0x10]  }
0x4b: {  	s15 =	simm.s32 $0x2020;
	v12 =	vld [tilespmem:s16+$0x0]  }
0x4c: {  	v13 =	vld [tilespmem:s15+$0x10]  }
0x4d: {  	v14 =	vld [tilespmem:s16+$0xFFFFFFF0]  }
0x4e: {  	v15 =	vld [tilespmem:s15+$0x0]  }
0x4f: {  	v16 =	vld [tilespmem:s16+$0xFFFFFFE0]  }
0x50: {  	v17 =	vld [tilespmem:s15+$0xFFFFFFF0]  }
0x51: {  	v19 =	vld [tilespmem:s15+$0xFFFFFFE0];
	v8 =	vbroadcast v5, $0x0  }
0x52: {  	v9 =	vbroadcast v6, $0x0  }
0x53: {  	v11 =	vimm.f32 $0.0e+00;
	vm0 =	vgt.s32 v10, v8  }
0x54: {  	vm2 =	vlt.f32 v13, v9;
	vm1 =	vgt.s32 v12, v8;
	vm5 =	vlt.f32 v15, v9  }
0x55: {  	v20 =	vsub.f32 v13, v9;
	vm3 =	vgt.s32 v14, v8;
	vm6 =	vlt.f32 v17, v9  }
0x56: {  	v14 =	vsub.f32 v15, v9;
	vm4 =	vgt.s32 v16, v8;
	vm7 =	vlt.f32 v19, v9  }
0x57: {  	v18 =	vsub.f32 v17, v9;
	v13 =	vsub.f32 v19, v9;
	v10 =	vsel vm0, $0x3F800000, v0  }
0x58: {  	vm2 =	vmand vm0, vm2;
	v17 =	vsel vm3, $0x3F800000, v0;
	v12 =	vsel vm1, $0x3F800000, v0  }
0x59: {  	vm8 =	vmand vm1, vm5;
	v21 =	vsel vm4, $0x3F800000, v0;
	vm5 =	vmand vm4, vm7  }
0x5a: {  	vm7 =	vmand vm3, vm6;
	v15 =	vand.u32 $0x7FFFFFFF, v13;
	v13 =	vsel vm8, $0x3F800000, v0  }
0x5b: {  	v16 =	vand.u32 $0x7FFFFFFF, v20;
	v19 =	vsel vm7, $0x3F800000, v0;
	v20 =	vand.u32 $0x7FFFFFFF, v14  }
0x5c: {  	s17 =	simm.s32 $0x3060;
	s16 =	simm.s32 $0x0;
	v14 =	vimm.f32 $0.0e+00;
	vm6 =	vle.f32 v15, $9.999999930e-09;
	v15 =	vimm.f32 $0.0e+00  }
.LBB2_6:
0x5d: {  	v22 =	vld [tilespmem:s17+$0x10];
	v23 =	vsel vm5, $0x3F800000, v0;
	vm4 =	vmand vm4, vm6;
	v18 =	vand.u32 $0x7FFFFFFF, v18  }
0x5e: {  	v11 =	vadd.f32 v21, v11;
	s15 =	sadd.s32 $0x40, s15;
	v24 =	vld [tilespmem:s17+$0x0];
	v21 =	vsel vm4, $0x3F800000, v0;
	vm4 =	vle.f32 v18, $9.999999930e-09  }
0x5f: {  	v14 =	vadd.f32 v23, v14;
	v18 =	vld [tilespmem:s15+$0x10];
	v15 =	vadd.f32 v21, v15;
	vm3 =	vmand vm3, vm4  }
0x60: {  	v11 =	vadd.f32 v17, v11;
	v21 =	vld [tilespmem:s17+$0xFFFFFFF0];
	v17 =	vsel vm3, $0x3F800000, v0;
	vm3 =	vle.f32 v20, $9.999999930e-09  }
0x61: {  	v14 =	vadd.f32 v19, v14;
	v20 =	vld [tilespmem:s15+$0x0];
	v15 =	vadd.f32 v17, v15;
	vm1 =	vmand vm1, vm3  }
0x62: {  	v11 =	vadd.f32 v12, v11;
	v17 =	vld [tilespmem:s17+$0xFFFFFFE0];
	v12 =	vsel vm1, $0x3F800000, v0;
	vm1 =	vle.f32 v16, $9.999999930e-09  }
0x63: {  	v13 =	vadd.f32 v13, v14;
	v16 =	vld [tilespmem:s15+$0xFFFFFFF0];
	v12 =	vadd.f32 v12, v15;
	vm0 =	vmand vm0, vm1  }
0x64: {  	v11 =	vadd.f32 v10, v11;
	v10 =	vsel vm2, $0x3F800000, v0;
	v19 =	vld [tilespmem:s15+$0xFFFFFFE0];
	v15 =	vsel vm0, $0x3F800000, v0  }
0x65: {  	v14 =	vadd.f32 v10, v13;
	v15 =	vadd.f32 v15, v12  }
0x66: {  	s16 =	sadd.s32 $0x4, s16;
	vm0 =	vgt.s32 v22, v8;
	vm2 =	vlt.f32 v18, v9  }
0x67: {  	p1 =	slt.u32 s16, $0xFC;
	vm1 =	vgt.s32 v24, v8;
	v22 =	vsub.f32 v18, v9;
	vm5 =	vlt.f32 v20, v9  }
0x68: {  	vm3 =	vgt.s32 v21, v8;
	v20 =	vsub.f32 v20, v9;
	vm6 =	vlt.f32 v16, v9  }
0x69: {  	vm4 =	vgt.s32 v17, v8;
	v18 =	vsub.f32 v16, v9;
	vm7 =	vlt.f32 v19, v9  }
.Ltmp6:
0x6a: {  	v10 =	vsel vm0, $0x3F800000, v0;
	vm2 =	vmand vm0, vm2;
	v13 =	vsub.f32 v19, v9;
	(pc) =	sbr.rel @p1 .LBB2_6-.Ltmp6, $4  }
0x6b: {  	v12 =	vsel vm1, $0x3F800000, v0;
	v17 =	vsel vm3, $0x3F800000, v0;
	vm8 =	vmand vm1, vm5  }
0x6c: {  	v21 =	vsel vm4, $0x3F800000, v0;
	vm5 =	vmand vm4, vm7;
	vm7 =	vmand vm3, vm6  }
0x6d: {  	v16 =	vand.u32 $0x7FFFFFFF, v22;
	v19 =	vand.u32 $0x7FFFFFFF, v13;
	v13 =	vsel vm8, $0x3F800000, v0  }
0x6e: {  	s17 =	sadd.s32 $0x40, s17;
	v20 =	vand.u32 $0x7FFFFFFF, v20;
	vm6 =	vle.f32 v19, $9.999999930e-09;
	v19 =	vsel vm7, $0x3F800000, v0  }
0x6f: {  	v8 =	vsel vm5, $0x3F800000, v0;
	vm4 =	vmand vm4, vm6  }
0x70: {  	v9 =	vand.u32 $0x7FFFFFFF, v18;
	v11 =	vadd.f32 v21, v11;
	vm14 =	vle.f32 v20, $9.999999930e-09  }
0x71: {  	v58 =	vsel vm4, $0x3F800000, v0;
	vm13 =	vle.f32 v9, $9.999999930e-09;
	v8 =	vadd.f32 v8, v14  }
0x72: {  	v59 =	vadd.f32 v58, v15;
	vm3 =	vmand vm3, vm13;
	v11 =	vadd.f32 v17, v11  }
0x73: {  	vm15 =	vle.f32 v16, $9.999999930e-09;
	v60 =	vsel vm3, $0x3F800000, v0;
	v8 =	vadd.f32 v19, v8  }
0x74: {  	vm1 =	vmand vm1, vm14;
	v9 =	vadd.f32 v60, v59;
	v11 =	vadd.f32 v12, v11  }
0x75: {  	v62 =	vsel vm2, $0x3F800000, v0;
	v61 =	vsel vm1, $0x3F800000, v0;
	v8 =	vadd.f32 v13, v8  }
0x76: {  	vm0 =	vmand vm0, vm15;
	v9 =	vadd.f32 v61, v9;
	v10 =	vadd.f32 v10, v11  }
0x77: {  	v63 =	vsel vm0, $0x3F800000, v0;
	v8 =	vadd.f32 v62, v8  }
0x78: {  	v9 =	vadd.f32 v63, v9;
	v4 =	vadd.f32 v4, v10  }
0x79: {  	v3 =	vadd.f32 v3, v8  }
0x7a: {  	[tilespmem:$0x4000] =	vst v4;
	v2 =	vadd.f32 v2, v9  }
0x7b: {  	[tilespmem:$0x4080] =	vst v3  }
0x7c: {  	[tilespmem:$0x4100] =	vst v2  }
.LBB2_8:
0x7d: {  	(v2sf) =	vpush v7, $0x1;
	_ =	sdelay $0xe  }
0x7e: {  	s15 =	spop (v2sf)  }
0x7f: {  	p1 =	slt.s32 s15, $0x1  }
.Ltmp7:
0x80: {  	_ = 	snop;
	(pc) =	sbr.rel @p1 .LBB2_12-.Ltmp7, $1  }
0x81: {  	_ =	sdelay $0x3  }
0x82: {  	s16 =	simm.s32 $0x3020  }
0x83: {  	v10 =	vld [tilespmem:s16+$0x10]  }
0x84: {  	s15 =	simm.s32 $0x2020;
	v12 =	vld [tilespmem:s16+$0x0]  }
0x85: {  	v13 =	vld [tilespmem:s15+$0x10]  }
0x86: {  	v14 =	vld [tilespmem:s16+$0xFFFFFFF0]  }
0x87: {  	v15 =	vld [tilespmem:s15+$0x0]  }
0x88: {  	v16 =	vld [tilespmem:s16+$0xFFFFFFE0]  }
0x89: {  	v17 =	vld [tilespmem:s15+$0xFFFFFFF0]  }
0x8a: {  	v8 =	vbroadcast v5, $0x1;
	v19 =	vld [tilespmem:s15+$0xFFFFFFE0]  }
0x8b: {  	v9 =	vbroadcast v6, $0x1  }
0x8c: {  	v11 =	vimm.f32 $0.0e+00;
	vm0 =	vgt.s32 v10, v8  }
0x8d: {  	vm2 =	vlt.f32 v13, v9;
	vm1 =	vgt.s32 v12, v8;
	vm5 =	vlt.f32 v15, v9  }
0x8e: {  	v20 =	vsub.f32 v13, v9;
	vm3 =	vgt.s32 v14, v8;
	vm6 =	vlt.f32 v17, v9  }
0x8f: {  	v14 =	vsub.f32 v15, v9;
	vm4 =	vgt.s32 v16, v8;
	vm7 =	vlt.f32 v19, v9  }
0x90: {  	v18 =	vsub.f32 v17, v9;
	v13 =	vsub.f32 v19, v9;
	v10 =	vsel vm0, $0x3F800000, v0  }
0x91: {  	vm2 =	vmand vm0, vm2;
	v17 =	vsel vm3, $0x3F800000, v0;
	v12 =	vsel vm1, $0x3F800000, v0  }
0x92: {  	vm8 =	vmand vm1, vm5;
	v21 =	vsel vm4, $0x3F800000, v0;
	vm5 =	vmand vm4, vm7  }
0x93: {  	vm7 =	vmand vm3, vm6;
	v15 =	vand.u32 $0x7FFFFFFF, v13;
	v13 =	vsel vm8, $0x3F800000, v0  }
0x94: {  	v16 =	vand.u32 $0x7FFFFFFF, v20;
	v19 =	vsel vm7, $0x3F800000, v0;
	v20 =	vand.u32 $0x7FFFFFFF, v14  }
0x95: {  	s17 =	simm.s32 $0x3060;
	s16 =	simm.s32 $0x0;
	v14 =	vimm.f32 $0.0e+00;
	vm6 =	vle.f32 v15, $9.999999930e-09;
	v15 =	vimm.f32 $0.0e+00  }
.LBB2_10:
0x96: {  	v22 =	vld [tilespmem:s17+$0x10];
	v23 =	vsel vm5, $0x3F800000, v0;
	vm4 =	vmand vm4, vm6;
	v18 =	vand.u32 $0x7FFFFFFF, v18  }
0x97: {  	v11 =	vadd.f32 v21, v11;
	s15 =	sadd.s32 $0x40, s15;
	v24 =	vld [tilespmem:s17+$0x0];
	v21 =	vsel vm4, $0x3F800000, v0;
	vm4 =	vle.f32 v18, $9.999999930e-09  }
0x98: {  	v14 =	vadd.f32 v23, v14;
	v18 =	vld [tilespmem:s15+$0x10];
	v15 =	vadd.f32 v21, v15;
	vm3 =	vmand vm3, vm4  }
0x99: {  	v11 =	vadd.f32 v17, v11;
	v21 =	vld [tilespmem:s17+$0xFFFFFFF0];
	v17 =	vsel vm3, $0x3F800000, v0;
	vm3 =	vle.f32 v20, $9.999999930e-09  }
0x9a: {  	v14 =	vadd.f32 v19, v14;
	v20 =	vld [tilespmem:s15+$0x0];
	v15 =	vadd.f32 v17, v15;
	vm1 =	vmand vm1, vm3  }
0x9b: {  	v11 =	vadd.f32 v12, v11;
	v17 =	vld [tilespmem:s17+$0xFFFFFFE0];
	v12 =	vsel vm1, $0x3F800000, v0;
	vm1 =	vle.f32 v16, $9.999999930e-09  }
0x9c: {  	v13 =	vadd.f32 v13, v14;
	v16 =	vld [tilespmem:s15+$0xFFFFFFF0];
	v12 =	vadd.f32 v12, v15;
	vm0 =	vmand vm0, vm1  }
0x9d: {  	v11 =	vadd.f32 v10, v11;
	v10 =	vsel vm2, $0x3F800000, v0;
	v19 =	vld [tilespmem:s15+$0xFFFFFFE0];
	v15 =	vsel vm0, $0x3F800000, v0  }
0x9e: {  	v14 =	vadd.f32 v10, v13;
	v15 =	vadd.f32 v15, v12  }
0x9f: {  	s16 =	sadd.s32 $0x4, s16;
	vm0 =	vgt.s32 v22, v8;
	vm2 =	vlt.f32 v18, v9  }
0xa0: {  	p1 =	slt.u32 s16, $0xFC;
	vm1 =	vgt.s32 v24, v8;
	v22 =	vsub.f32 v18, v9;
	vm5 =	vlt.f32 v20, v9  }
0xa1: {  	vm3 =	vgt.s32 v21, v8;
	v20 =	vsub.f32 v20, v9;
	vm6 =	vlt.f32 v16, v9  }
0xa2: {  	vm4 =	vgt.s32 v17, v8;
	v18 =	vsub.f32 v16, v9;
	vm7 =	vlt.f32 v19, v9  }
.Ltmp8:
0xa3: {  	v10 =	vsel vm0, $0x3F800000, v0;
	vm2 =	vmand vm0, vm2;
	v13 =	vsub.f32 v19, v9;
	(pc) =	sbr.rel @p1 .LBB2_10-.Ltmp8, $4  }
0xa4: {  	v12 =	vsel vm1, $0x3F800000, v0;
	v17 =	vsel vm3, $0x3F800000, v0;
	vm8 =	vmand vm1, vm5  }
0xa5: {  	v21 =	vsel vm4, $0x3F800000, v0;
	vm5 =	vmand vm4, vm7;
	vm7 =	vmand vm3, vm6  }
0xa6: {  	v16 =	vand.u32 $0x7FFFFFFF, v22;
	v19 =	vand.u32 $0x7FFFFFFF, v13;
	v13 =	vsel vm8, $0x3F800000, v0  }
0xa7: {  	s17 =	sadd.s32 $0x40, s17;
	v20 =	vand.u32 $0x7FFFFFFF, v20;
	vm6 =	vle.f32 v19, $9.999999930e-09;
	v19 =	vsel vm7, $0x3F800000, v0  }
0xa8: {  	v8 =	vsel vm5, $0x3F800000, v0;
	vm4 =	vmand vm4, vm6  }
0xa9: {  	v9 =	vand.u32 $0x7FFFFFFF, v18;
	v11 =	vadd.f32 v21, v11;
	vm14 =	vle.f32 v20, $9.999999930e-09  }
0xaa: {  	v58 =	vsel vm4, $0x3F800000, v0;
	vm13 =	vle.f32 v9, $9.999999930e-09;
	v8 =	vadd.f32 v8, v14  }
0xab: {  	v59 =	vadd.f32 v58, v15;
	vm3 =	vmand vm3, vm13;
	v11 =	vadd.f32 v17, v11  }
0xac: {  	vm15 =	vle.f32 v16, $9.999999930e-09;
	v60 =	vsel vm3, $0x3F800000, v0;
	v8 =	vadd.f32 v19, v8  }
0xad: {  	vm1 =	vmand vm1, vm14;
	v9 =	vadd.f32 v60, v59;
	v11 =	vadd.f32 v12, v11  }
0xae: {  	v62 =	vsel vm2, $0x3F800000, v0;
	v61 =	vsel vm1, $0x3F800000, v0;
	v8 =	vadd.f32 v13, v8  }
0xaf: {  	vm0 =	vmand vm0, vm15;
	v9 =	vadd.f32 v61, v9;
	v10 =	vadd.f32 v10, v11  }
0xb0: {  	v63 =	vsel vm0, $0x3F800000, v0;
	v8 =	vadd.f32 v62, v8  }
0xb1: {  	v9 =	vadd.f32 v63, v9;
	v4 =	vadd.f32 v4, v10  }
0xb2: {  	v3 =	vadd.f32 v3, v8  }
0xb3: {  	[tilespmem:$0x4000] =	vst v4;
	v2 =	vadd.f32 v2, v9  }
0xb4: {  	[tilespmem:$0x4080] =	vst v3  }
0xb5: {  	[tilespmem:$0x4100] =	vst v2  }
.LBB2_12:
0xb6: {  	(v2sf) =	vpush v7, $0x2;
	_ =	sdelay $0xe  }
0xb7: {  	s15 =	spop (v2sf)  }
0xb8: {  	p1 =	slt.s32 s15, $0x1  }
.Ltmp9:
0xb9: {  	_ = 	snop;
	(pc) =	sbr.rel @p1 .LBB2_16-.Ltmp9, $1  }
0xba: {  	_ =	sdelay $0x3  }
0xbb: {  	s16 =	simm.s32 $0x3020  }
0xbc: {  	v10 =	vld [tilespmem:s16+$0x10]  }
0xbd: {  	s15 =	simm.s32 $0x2020;
	v12 =	vld [tilespmem:s16+$0x0]  }
0xbe: {  	v13 =	vld [tilespmem:s15+$0x10]  }
0xbf: {  	v14 =	vld [tilespmem:s16+$0xFFFFFFF0]  }
0xc0: {  	v15 =	vld [tilespmem:s15+$0x0]  }
0xc1: {  	v16 =	vld [tilespmem:s16+$0xFFFFFFE0]  }
0xc2: {  	v17 =	vld [tilespmem:s15+$0xFFFFFFF0]  }
0xc3: {  	v8 =	vbroadcast v5, $0x2;
	v19 =	vld [tilespmem:s15+$0xFFFFFFE0]  }
0xc4: {  	v9 =	vbroadcast v6, $0x2  }
0xc5: {  	v11 =	vimm.f32 $0.0e+00;
	vm0 =	vgt.s32 v10, v8  }
0xc6: {  	vm2 =	vlt.f32 v13, v9;
	vm1 =	vgt.s32 v12, v8;
	vm5 =	vlt.f32 v15, v9  }
0xc7: {  	v20 =	vsub.f32 v13, v9;
	vm3 =	vgt.s32 v14, v8;
	vm6 =	vlt.f32 v17, v9  }
0xc8: {  	v14 =	vsub.f32 v15, v9;
	vm4 =	vgt.s32 v16, v8;
	vm7 =	vlt.f32 v19, v9  }
0xc9: {  	v18 =	vsub.f32 v17, v9;
	v13 =	vsub.f32 v19, v9;
	v10 =	vsel vm0, $0x3F800000, v0  }
0xca: {  	vm2 =	vmand vm0, vm2;
	v17 =	vsel vm3, $0x3F800000, v0;
	v12 =	vsel vm1, $0x3F800000, v0  }
0xcb: {  	vm8 =	vmand vm1, vm5;
	v21 =	vsel vm4, $0x3F800000, v0;
	vm5 =	vmand vm4, vm7  }
0xcc: {  	vm7 =	vmand vm3, vm6;
	v15 =	vand.u32 $0x7FFFFFFF, v13;
	v13 =	vsel vm8, $0x3F800000, v0  }
0xcd: {  	v16 =	vand.u32 $0x7FFFFFFF, v20;
	v19 =	vsel vm7, $0x3F800000, v0;
	v20 =	vand.u32 $0x7FFFFFFF, v14  }
0xce: {  	s17 =	simm.s32 $0x3060;
	s16 =	simm.s32 $0x0;
	v14 =	vimm.f32 $0.0e+00;
	vm6 =	vle.f32 v15, $9.999999930e-09;
	v15 =	vimm.f32 $0.0e+00  }
.LBB2_14:
0xcf: {  	v22 =	vld [tilespmem:s17+$0x10];
	v23 =	vsel vm5, $0x3F800000, v0;
	vm4 =	vmand vm4, vm6;
	v18 =	vand.u32 $0x7FFFFFFF, v18  }
0xd0: {  	v11 =	vadd.f32 v21, v11;
	s15 =	sadd.s32 $0x40, s15;
	v24 =	vld [tilespmem:s17+$0x0];
	v21 =	vsel vm4, $0x3F800000, v0;
	vm4 =	vle.f32 v18, $9.999999930e-09  }
0xd1: {  	v14 =	vadd.f32 v23, v14;
	v18 =	vld [tilespmem:s15+$0x10];
	v15 =	vadd.f32 v21, v15;
	vm3 =	vmand vm3, vm4  }
0xd2: {  	v11 =	vadd.f32 v17, v11;
	v21 =	vld [tilespmem:s17+$0xFFFFFFF0];
	v17 =	vsel vm3, $0x3F800000, v0;
	vm3 =	vle.f32 v20, $9.999999930e-09  }
0xd3: {  	v14 =	vadd.f32 v19, v14;
	v20 =	vld [tilespmem:s15+$0x0];
	v15 =	vadd.f32 v17, v15;
	vm1 =	vmand vm1, vm3  }
0xd4: {  	v11 =	vadd.f32 v12, v11;
	v17 =	vld [tilespmem:s17+$0xFFFFFFE0];
	v12 =	vsel vm1, $0x3F800000, v0;
	vm1 =	vle.f32 v16, $9.999999930e-09  }
0xd5: {  	v13 =	vadd.f32 v13, v14;
	v16 =	vld [tilespmem:s15+$0xFFFFFFF0];
	v12 =	vadd.f32 v12, v15;
	vm0 =	vmand vm0, vm1  }
0xd6: {  	v11 =	vadd.f32 v10, v11;
	v10 =	vsel vm2, $0x3F800000, v0;
	v19 =	vld [tilespmem:s15+$0xFFFFFFE0];
	v15 =	vsel vm0, $0x3F800000, v0  }
0xd7: {  	v14 =	vadd.f32 v10, v13;
	v15 =	vadd.f32 v15, v12  }
0xd8: {  	s16 =	sadd.s32 $0x4, s16;
	vm0 =	vgt.s32 v22, v8;
	vm2 =	vlt.f32 v18, v9  }
0xd9: {  	p1 =	slt.u32 s16, $0xFC;
	vm1 =	vgt.s32 v24, v8;
	v22 =	vsub.f32 v18, v9;
	vm5 =	vlt.f32 v20, v9  }
0xda: {  	vm3 =	vgt.s32 v21, v8;
	v20 =	vsub.f32 v20, v9;
	vm6 =	vlt.f32 v16, v9  }
0xdb: {  	vm4 =	vgt.s32 v17, v8;
	v18 =	vsub.f32 v16, v9;
	vm7 =	vlt.f32 v19, v9  }
.Ltmp10:
0xdc: {  	v10 =	vsel vm0, $0x3F800000, v0;
	vm2 =	vmand vm0, vm2;
	v13 =	vsub.f32 v19, v9;
	(pc) =	sbr.rel @p1 .LBB2_14-.Ltmp10, $4  }
0xdd: {  	v12 =	vsel vm1, $0x3F800000, v0;
	v17 =	vsel vm3, $0x3F800000, v0;
	vm8 =	vmand vm1, vm5  }
0xde: {  	v21 =	vsel vm4, $0x3F800000, v0;
	vm5 =	vmand vm4, vm7;
	vm7 =	vmand vm3, vm6  }
0xdf: {  	v16 =	vand.u32 $0x7FFFFFFF, v22;
	v19 =	vand.u32 $0x7FFFFFFF, v13;
	v13 =	vsel vm8, $0x3F800000, v0  }
0xe0: {  	s17 =	sadd.s32 $0x40, s17;
	v20 =	vand.u32 $0x7FFFFFFF, v20;
	vm6 =	vle.f32 v19, $9.999999930e-09;
	v19 =	vsel vm7, $0x3F800000, v0  }
0xe1: {  	v8 =	vsel vm5, $0x3F800000, v0;
	vm4 =	vmand vm4, vm6  }
0xe2: {  	v9 =	vand.u32 $0x7FFFFFFF, v18;
	v11 =	vadd.f32 v21, v11;
	vm14 =	vle.f32 v20, $9.999999930e-09  }
0xe3: {  	v58 =	vsel vm4, $0x3F800000, v0;
	vm13 =	vle.f32 v9, $9.999999930e-09;
	v8 =	vadd.f32 v8, v14  }
0xe4: {  	v59 =	vadd.f32 v58, v15;
	vm3 =	vmand vm3, vm13;
	v11 =	vadd.f32 v17, v11  }
0xe5: {  	vm15 =	vle.f32 v16, $9.999999930e-09;
	v60 =	vsel vm3, $0x3F800000, v0;
	v8 =	vadd.f32 v19, v8  }
0xe6: {  	vm1 =	vmand vm1, vm14;
	v9 =	vadd.f32 v60, v59;
	v11 =	vadd.f32 v12, v11  }
0xe7: {  	v62 =	vsel vm2, $0x3F800000, v0;
	v61 =	vsel vm1, $0x3F800000, v0;
	v8 =	vadd.f32 v13, v8  }
0xe8: {  	vm0 =	vmand vm0, vm15;
	v9 =	vadd.f32 v61, v9;
	v10 =	vadd.f32 v10, v11  }
0xe9: {  	v63 =	vsel vm0, $0x3F800000, v0;
	v8 =	vadd.f32 v62, v8  }
0xea: {  	v9 =	vadd.f32 v63, v9;
	v4 =	vadd.f32 v4, v10  }
0xeb: {  	v3 =	vadd.f32 v3, v8  }
0xec: {  	[tilespmem:$0x4000] =	vst v4;
	v2 =	vadd.f32 v2, v9  }
0xed: {  	[tilespmem:$0x4080] =	vst v3  }
0xee: {  	[tilespmem:$0x4100] =	vst v2  }
.LBB2_16:
0xef: {  	(v2sf) =	vpush v7, $0x3;
	_ =	sdelay $0xe  }
0xf0: {  	s15 =	spop (v2sf)  }
0xf1: {  	p1 =	slt.s32 s15, $0x1  }
.Ltmp11:
0xf2: {  	_ = 	snop;
	(pc) =	sbr.rel @p1 .LBB2_20-.Ltmp11, $1  }
0xf3: {  	_ =	sdelay $0x3  }
0xf4: {  	s16 =	simm.s32 $0x3020  }
0xf5: {  	v10 =	vld [tilespmem:s16+$0x10]  }
0xf6: {  	s15 =	simm.s32 $0x2020;
	v12 =	vld [tilespmem:s16+$0x0]  }
0xf7: {  	v13 =	vld [tilespmem:s15+$0x10]  }
0xf8: {  	v14 =	vld [tilespmem:s16+$0xFFFFFFF0]  }
0xf9: {  	v15 =	vld [tilespmem:s15+$0x0]  }
0xfa: {  	v16 =	vld [tilespmem:s16+$0xFFFFFFE0]  }
0xfb: {  	v17 =	vld [tilespmem:s15+$0xFFFFFFF0]  }
0xfc: {  	v8 =	vbroadcast v5, $0x3;
	v19 =	vld [tilespmem:s15+$0xFFFFFFE0]  }
0xfd: {  	v9 =	vbroadcast v6, $0x3  }
0xfe: {  	v11 =	vimm.f32 $0.0e+00;
	vm0 =	vgt.s32 v10, v8  }
0xff: {  	vm2 =	vlt.f32 v13, v9;
	vm1 =	vgt.s32 v12, v8;
	vm5 =	vlt.f32 v15, v9  }
0x100: {  	v20 =	vsub.f32 v13, v9;
	vm3 =	vgt.s32 v14, v8;
	vm6 =	vlt.f32 v17, v9  }
0x101: {  	v14 =	vsub.f32 v15, v9;
	vm4 =	vgt.s32 v16, v8;
	vm7 =	vlt.f32 v19, v9  }
0x102: {  	v18 =	vsub.f32 v17, v9;
	v13 =	vsub.f32 v19, v9;
	v10 =	vsel vm0, $0x3F800000, v0  }
0x103: {  	vm2 =	vmand vm0, vm2;
	v17 =	vsel vm3, $0x3F800000, v0;
	v12 =	vsel vm1, $0x3F800000, v0  }
0x104: {  	vm8 =	vmand vm1, vm5;
	v21 =	vsel vm4, $0x3F800000, v0;
	vm5 =	vmand vm4, vm7  }
0x105: {  	vm7 =	vmand vm3, vm6;
	v15 =	vand.u32 $0x7FFFFFFF, v13;
	v13 =	vsel vm8, $0x3F800000, v0  }
0x106: {  	v16 =	vand.u32 $0x7FFFFFFF, v20;
	v19 =	vsel vm7, $0x3F800000, v0;
	v20 =	vand.u32 $0x7FFFFFFF, v14  }
0x107: {  	s17 =	simm.s32 $0x3060;
	s16 =	simm.s32 $0x0;
	v14 =	vimm.f32 $0.0e+00;
	vm6 =	vle.f32 v15, $9.999999930e-09;
	v15 =	vimm.f32 $0.0e+00  }
.LBB2_18:
0x108: {  	v22 =	vld [tilespmem:s17+$0x10];
	v23 =	vsel vm5, $0x3F800000, v0;
	vm4 =	vmand vm4, vm6;
	v18 =	vand.u32 $0x7FFFFFFF, v18  }
0x109: {  	v11 =	vadd.f32 v21, v11;
	s15 =	sadd.s32 $0x40, s15;
	v24 =	vld [tilespmem:s17+$0x0];
	v21 =	vsel vm4, $0x3F800000, v0;
	vm4 =	vle.f32 v18, $9.999999930e-09  }
0x10a: {  	v14 =	vadd.f32 v23, v14;
	v18 =	vld [tilespmem:s15+$0x10];
	v15 =	vadd.f32 v21, v15;
	vm3 =	vmand vm3, vm4  }
0x10b: {  	v11 =	vadd.f32 v17, v11;
	v21 =	vld [tilespmem:s17+$0xFFFFFFF0];
	v17 =	vsel vm3, $0x3F800000, v0;
	vm3 =	vle.f32 v20, $9.999999930e-09  }
0x10c: {  	v14 =	vadd.f32 v19, v14;
	v20 =	vld [tilespmem:s15+$0x0];
	v15 =	vadd.f32 v17, v15;
	vm1 =	vmand vm1, vm3  }
0x10d: {  	v11 =	vadd.f32 v12, v11;
	v17 =	vld [tilespmem:s17+$0xFFFFFFE0];
	v12 =	vsel vm1, $0x3F800000, v0;
	vm1 =	vle.f32 v16, $9.999999930e-09  }
0x10e: {  	v13 =	vadd.f32 v13, v14;
	v16 =	vld [tilespmem:s15+$0xFFFFFFF0];
	v12 =	vadd.f32 v12, v15;
	vm0 =	vmand vm0, vm1  }
0x10f: {  	v11 =	vadd.f32 v10, v11;
	v10 =	vsel vm2, $0x3F800000, v0;
	v19 =	vld [tilespmem:s15+$0xFFFFFFE0];
	v15 =	vsel vm0, $0x3F800000, v0  }
0x110: {  	v14 =	vadd.f32 v10, v13;
	v15 =	vadd.f32 v15, v12  }
0x111: {  	s16 =	sadd.s32 $0x4, s16;
	vm0 =	vgt.s32 v22, v8;
	vm2 =	vlt.f32 v18, v9  }
0x112: {  	p1 =	slt.u32 s16, $0xFC;
	vm1 =	vgt.s32 v24, v8;
	v22 =	vsub.f32 v18, v9;
	vm5 =	vlt.f32 v20, v9  }
0x113: {  	vm3 =	vgt.s32 v21, v8;
	v20 =	vsub.f32 v20, v9;
	vm6 =	vlt.f32 v16, v9  }
0x114: {  	vm4 =	vgt.s32 v17, v8;
	v18 =	vsub.f32 v16, v9;
	vm7 =	vlt.f32 v19, v9  }
.Ltmp12:
0x115: {  	v10 =	vsel vm0, $0x3F800000, v0;
	vm2 =	vmand vm0, vm2;
	v13 =	vsub.f32 v19, v9;
	(pc) =	sbr.rel @p1 .LBB2_18-.Ltmp12, $4  }
0x116: {  	v12 =	vsel vm1, $0x3F800000, v0;
	v17 =	vsel vm3, $0x3F800000, v0;
	vm8 =	vmand vm1, vm5  }
0x117: {  	v21 =	vsel vm4, $0x3F800000, v0;
	vm5 =	vmand vm4, vm7;
	vm7 =	vmand vm3, vm6  }
0x118: {  	v16 =	vand.u32 $0x7FFFFFFF, v22;
	v19 =	vand.u32 $0x7FFFFFFF, v13;
	v13 =	vsel vm8, $0x3F800000, v0  }
0x119: {  	s17 =	sadd.s32 $0x40, s17;
	v20 =	vand.u32 $0x7FFFFFFF, v20;
	vm6 =	vle.f32 v19, $9.999999930e-09;
	v19 =	vsel vm7, $0x3F800000, v0  }
0x11a: {  	v8 =	vsel vm5, $0x3F800000, v0;
	vm4 =	vmand vm4, vm6  }
0x11b: {  	v9 =	vand.u32 $0x7FFFFFFF, v18;
	v11 =	vadd.f32 v21, v11;
	vm14 =	vle.f32 v20, $9.999999930e-09  }
0x11c: {  	v58 =	vsel vm4, $0x3F800000, v0;
	vm13 =	vle.f32 v9, $9.999999930e-09;
	v8 =	vadd.f32 v8, v14  }
0x11d: {  	v59 =	vadd.f32 v58, v15;
	vm3 =	vmand vm3, vm13;
	v11 =	vadd.f32 v17, v11  }
0x11e: {  	vm15 =	vle.f32 v16, $9.999999930e-09;
	v60 =	vsel vm3, $0x3F800000, v0;
	v8 =	vadd.f32 v19, v8  }
0x11f: {  	vm1 =	vmand vm1, vm14;
	v9 =	vadd.f32 v60, v59;
	v11 =	vadd.f32 v12, v11  }
0x120: {  	v62 =	vsel vm2, $0x3F800000, v0;
	v61 =	vsel vm1, $0x3F800000, v0;
	v8 =	vadd.f32 v13, v8  }
0x121: {  	vm0 =	vmand vm0, vm15;
	v9 =	vadd.f32 v61, v9;
	v10 =	vadd.f32 v10, v11  }
0x122: {  	v63 =	vsel vm0, $0x3F800000, v0;
	v8 =	vadd.f32 v62, v8  }
0x123: {  	v9 =	vadd.f32 v63, v9;
	v4 =	vadd.f32 v4, v10  }
0x124: {  	v3 =	vadd.f32 v3, v8  }
0x125: {  	[tilespmem:$0x4000] =	vst v4;
	v2 =	vadd.f32 v2, v9  }
0x126: {  	[tilespmem:$0x4080] =	vst v3  }
0x127: {  	[tilespmem:$0x4100] =	vst v2  }
.LBB2_20:
0x128: {  	(v2sf) =	vpush v7, $0x4;
	_ =	sdelay $0xe  }
0x129: {  	s15 =	spop (v2sf)  }
0x12a: {  	p1 =	slt.s32 s15, $0x1  }
.Ltmp13:
0x12b: {  	_ = 	snop;
	(pc) =	sbr.rel @p1 .LBB2_24-.Ltmp13, $1  }
0x12c: {  	_ =	sdelay $0x3  }
0x12d: {  	s16 =	simm.s32 $0x3020  }
0x12e: {  	v10 =	vld [tilespmem:s16+$0x10]  }
0x12f: {  	s15 =	simm.s32 $0x2020;
	v12 =	vld [tilespmem:s16+$0x0]  }
0x130: {  	v13 =	vld [tilespmem:s15+$0x10]  }
0x131: {  	v14 =	vld [tilespmem:s16+$0xFFFFFFF0]  }
0x132: {  	v15 =	vld [tilespmem:s15+$0x0]  }
0x133: {  	v16 =	vld [tilespmem:s16+$0xFFFFFFE0]  }
0x134: {  	v17 =	vld [tilespmem:s15+$0xFFFFFFF0]  }
0x135: {  	v8 =	vbroadcast v5, $0x4;
	v19 =	vld [tilespmem:s15+$0xFFFFFFE0]  }
0x136: {  	v9 =	vbroadcast v6, $0x4  }
0x137: {  	v11 =	vimm.f32 $0.0e+00;
	vm0 =	vgt.s32 v10, v8  }
0x138: {  	vm2 =	vlt.f32 v13, v9;
	vm1 =	vgt.s32 v12, v8;
	vm5 =	vlt.f32 v15, v9  }
0x139: {  	v20 =	vsub.f32 v13, v9;
	vm3 =	vgt.s32 v14, v8;
	vm6 =	vlt.f32 v17, v9  }
0x13a: {  	v14 =	vsub.f32 v15, v9;
	vm4 =	vgt.s32 v16, v8;
	vm7 =	vlt.f32 v19, v9  }
0x13b: {  	v18 =	vsub.f32 v17, v9;
	v13 =	vsub.f32 v19, v9;
	v10 =	vsel vm0, $0x3F800000, v0  }
0x13c: {  	vm2 =	vmand vm0, vm2;
	v17 =	vsel vm3, $0x3F800000, v0;
	v12 =	vsel vm1, $0x3F800000, v0  }
0x13d: {  	vm8 =	vmand vm1, vm5;
	v21 =	vsel vm4, $0x3F800000, v0;
	vm5 =	vmand vm4, vm7  }
0x13e: {  	vm7 =	vmand vm3, vm6;
	v15 =	vand.u32 $0x7FFFFFFF, v13;
	v13 =	vsel vm8, $0x3F800000, v0  }
0x13f: {  	v16 =	vand.u32 $0x7FFFFFFF, v20;
	v19 =	vsel vm7, $0x3F800000, v0;
	v20 =	vand.u32 $0x7FFFFFFF, v14  }
0x140: {  	s17 =	simm.s32 $0x3060;
	s16 =	simm.s32 $0x0;
	v14 =	vimm.f32 $0.0e+00;
	vm6 =	vle.f32 v15, $9.999999930e-09;
	v15 =	vimm.f32 $0.0e+00  }
.LBB2_22:
0x141: {  	v22 =	vld [tilespmem:s17+$0x10];
	v23 =	vsel vm5, $0x3F800000, v0;
	vm4 =	vmand vm4, vm6;
	v18 =	vand.u32 $0x7FFFFFFF, v18  }
0x142: {  	v11 =	vadd.f32 v21, v11;
	s15 =	sadd.s32 $0x40, s15;
	v24 =	vld [tilespmem:s17+$0x0];
	v21 =	vsel vm4, $0x3F800000, v0;
	vm4 =	vle.f32 v18, $9.999999930e-09  }
0x143: {  	v14 =	vadd.f32 v23, v14;
	v18 =	vld [tilespmem:s15+$0x10];
	v15 =	vadd.f32 v21, v15;
	vm3 =	vmand vm3, vm4  }
0x144: {  	v11 =	vadd.f32 v17, v11;
	v21 =	vld [tilespmem:s17+$0xFFFFFFF0];
	v17 =	vsel vm3, $0x3F800000, v0;
	vm3 =	vle.f32 v20, $9.999999930e-09  }
0x145: {  	v14 =	vadd.f32 v19, v14;
	v20 =	vld [tilespmem:s15+$0x0];
	v15 =	vadd.f32 v17, v15;
	vm1 =	vmand vm1, vm3  }
0x146: {  	v11 =	vadd.f32 v12, v11;
	v17 =	vld [tilespmem:s17+$0xFFFFFFE0];
	v12 =	vsel vm1, $0x3F800000, v0;
	vm1 =	vle.f32 v16, $9.999999930e-09  }
0x147: {  	v13 =	vadd.f32 v13, v14;
	v16 =	vld [tilespmem:s15+$0xFFFFFFF0];
	v12 =	vadd.f32 v12, v15;
	vm0 =	vmand vm0, vm1  }
0x148: {  	v11 =	vadd.f32 v10, v11;
	v10 =	vsel vm2, $0x3F800000, v0;
	v19 =	vld [tilespmem:s15+$0xFFFFFFE0];
	v15 =	vsel vm0, $0x3F800000, v0  }
0x149: {  	v14 =	vadd.f32 v10, v13;
	v15 =	vadd.f32 v15, v12  }
0x14a: {  	s16 =	sadd.s32 $0x4, s16;
	vm0 =	vgt.s32 v22, v8;
	vm2 =	vlt.f32 v18, v9  }
0x14b: {  	p1 =	slt.u32 s16, $0xFC;
	vm1 =	vgt.s32 v24, v8;
	v22 =	vsub.f32 v18, v9;
	vm5 =	vlt.f32 v20, v9  }
0x14c: {  	vm3 =	vgt.s32 v21, v8;
	v20 =	vsub.f32 v20, v9;
	vm6 =	vlt.f32 v16, v9  }
0x14d: {  	vm4 =	vgt.s32 v17, v8;
	v18 =	vsub.f32 v16, v9;
	vm7 =	vlt.f32 v19, v9  }
.Ltmp14:
0x14e: {  	v10 =	vsel vm0, $0x3F800000, v0;
	vm2 =	vmand vm0, vm2;
	v13 =	vsub.f32 v19, v9;
	(pc) =	sbr.rel @p1 .LBB2_22-.Ltmp14, $4  }
0x14f: {  	v12 =	vsel vm1, $0x3F800000, v0;
	v17 =	vsel vm3, $0x3F800000, v0;
	vm8 =	vmand vm1, vm5  }
0x150: {  	v21 =	vsel vm4, $0x3F800000, v0;
	vm5 =	vmand vm4, vm7;
	vm7 =	vmand vm3, vm6  }
0x151: {  	v16 =	vand.u32 $0x7FFFFFFF, v22;
	v19 =	vand.u32 $0x7FFFFFFF, v13;
	v13 =	vsel vm8, $0x3F800000, v0  }
0x152: {  	s17 =	sadd.s32 $0x40, s17;
	v20 =	vand.u32 $0x7FFFFFFF, v20;
	vm6 =	vle.f32 v19, $9.999999930e-09;
	v19 =	vsel vm7, $0x3F800000, v0  }
0x153: {  	v8 =	vsel vm5, $0x3F800000, v0;
	vm4 =	vmand vm4, vm6  }
0x154: {  	v9 =	vand.u32 $0x7FFFFFFF, v18;
	v11 =	vadd.f32 v21, v11;
	vm14 =	vle.f32 v20, $9.999999930e-09  }
0x155: {  	v58 =	vsel vm4, $0x3F800000, v0;
	vm13 =	vle.f32 v9, $9.999999930e-09;
	v8 =	vadd.f32 v8, v14  }
0x156: {  	v59 =	vadd.f32 v58, v15;
	vm3 =	vmand vm3, vm13;
	v11 =	vadd.f32 v17, v11  }
0x157: {  	vm15 =	vle.f32 v16, $9.999999930e-09;
	v60 =	vsel vm3, $0x3F800000, v0;
	v8 =	vadd.f32 v19, v8  }
0x158: {  	vm1 =	vmand vm1, vm14;
	v9 =	vadd.f32 v60, v59;
	v11 =	vadd.f32 v12, v11  }
0x159: {  	v62 =	vsel vm2, $0x3F800000, v0;
	v61 =	vsel vm1, $0x3F800000, v0;
	v8 =	vadd.f32 v13, v8  }
0x15a: {  	vm0 =	vmand vm0, vm15;
	v9 =	vadd.f32 v61, v9;
	v10 =	vadd.f32 v10, v11  }
0x15b: {  	v63 =	vsel vm0, $0x3F800000, v0;
	v8 =	vadd.f32 v62, v8  }
0x15c: {  	v9 =	vadd.f32 v63, v9;
	v4 =	vadd.f32 v4, v10  }
0x15d: {  	v3 =	vadd.f32 v3, v8  }
0x15e: {  	[tilespmem:$0x4000] =	vst v4;
	v2 =	vadd.f32 v2, v9  }
0x15f: {  	[tilespmem:$0x4080] =	vst v3  }
0x160: {  	[tilespmem:$0x4100] =	vst v2  }
.LBB2_24:
0x161: {  	(v2sf) =	vpush v7, $0x5;
	_ =	sdelay $0xe  }
0x162: {  	s15 =	spop (v2sf)  }
0x163: {  	p1 =	slt.s32 s15, $0x1  }
.Ltmp15:
0x164: {  	_ = 	snop;
	(pc) =	sbr.rel @p1 .LBB2_28-.Ltmp15, $1  }
0x165: {  	_ =	sdelay $0x3  }
0x166: {  	s16 =	simm.s32 $0x3020  }
0x167: {  	v10 =	vld [tilespmem:s16+$0x10]  }
0x168: {  	s15 =	simm.s32 $0x2020;
	v12 =	vld [tilespmem:s16+$0x0]  }
0x169: {  	v13 =	vld [tilespmem:s15+$0x10]  }
0x16a: {  	v14 =	vld [tilespmem:s16+$0xFFFFFFF0]  }
0x16b: {  	v15 =	vld [tilespmem:s15+$0x0]  }
0x16c: {  	v16 =	vld [tilespmem:s16+$0xFFFFFFE0]  }
0x16d: {  	v17 =	vld [tilespmem:s15+$0xFFFFFFF0]  }
0x16e: {  	v8 =	vbroadcast v5, $0x5;
	v19 =	vld [tilespmem:s15+$0xFFFFFFE0]  }
0x16f: {  	v9 =	vbroadcast v6, $0x5  }
0x170: {  	v11 =	vimm.f32 $0.0e+00;
	vm0 =	vgt.s32 v10, v8  }
0x171: {  	vm2 =	vlt.f32 v13, v9;
	vm1 =	vgt.s32 v12, v8;
	vm5 =	vlt.f32 v15, v9  }
0x172: {  	v20 =	vsub.f32 v13, v9;
	vm3 =	vgt.s32 v14, v8;
	vm6 =	vlt.f32 v17, v9  }
0x173: {  	v14 =	vsub.f32 v15, v9;
	vm4 =	vgt.s32 v16, v8;
	vm7 =	vlt.f32 v19, v9  }
0x174: {  	v18 =	vsub.f32 v17, v9;
	v13 =	vsub.f32 v19, v9;
	v10 =	vsel vm0, $0x3F800000, v0  }
0x175: {  	vm2 =	vmand vm0, vm2;
	v17 =	vsel vm3, $0x3F800000, v0;
	v12 =	vsel vm1, $0x3F800000, v0  }
0x176: {  	vm8 =	vmand vm1, vm5;
	v21 =	vsel vm4, $0x3F800000, v0;
	vm5 =	vmand vm4, vm7  }
0x177: {  	vm7 =	vmand vm3, vm6;
	v15 =	vand.u32 $0x7FFFFFFF, v13;
	v13 =	vsel vm8, $0x3F800000, v0  }
0x178: {  	v16 =	vand.u32 $0x7FFFFFFF, v20;
	v19 =	vsel vm7, $0x3F800000, v0;
	v20 =	vand.u32 $0x7FFFFFFF, v14  }
0x179: {  	s17 =	simm.s32 $0x3060;
	s16 =	simm.s32 $0x0;
	v14 =	vimm.f32 $0.0e+00;
	vm6 =	vle.f32 v15, $9.999999930e-09;
	v15 =	vimm.f32 $0.0e+00  }
.LBB2_26:
0x17a: {  	v22 =	vld [tilespmem:s17+$0x10];
	v23 =	vsel vm5, $0x3F800000, v0;
	vm4 =	vmand vm4, vm6;
	v18 =	vand.u32 $0x7FFFFFFF, v18  }
0x17b: {  	v11 =	vadd.f32 v21, v11;
	s15 =	sadd.s32 $0x40, s15;
	v24 =	vld [tilespmem:s17+$0x0];
	v21 =	vsel vm4, $0x3F800000, v0;
	vm4 =	vle.f32 v18, $9.999999930e-09  }
0x17c: {  	v14 =	vadd.f32 v23, v14;
	v18 =	vld [tilespmem:s15+$0x10];
	v15 =	vadd.f32 v21, v15;
	vm3 =	vmand vm3, vm4  }
0x17d: {  	v11 =	vadd.f32 v17, v11;
	v21 =	vld [tilespmem:s17+$0xFFFFFFF0];
	v17 =	vsel vm3, $0x3F800000, v0;
	vm3 =	vle.f32 v20, $9.999999930e-09  }
0x17e: {  	v14 =	vadd.f32 v19, v14;
	v20 =	vld [tilespmem:s15+$0x0];
	v15 =	vadd.f32 v17, v15;
	vm1 =	vmand vm1, vm3  }
0x17f: {  	v11 =	vadd.f32 v12, v11;
	v17 =	vld [tilespmem:s17+$0xFFFFFFE0];
	v12 =	vsel vm1, $0x3F800000, v0;
	vm1 =	vle.f32 v16, $9.999999930e-09  }
0x180: {  	v13 =	vadd.f32 v13, v14;
	v16 =	vld [tilespmem:s15+$0xFFFFFFF0];
	v12 =	vadd.f32 v12, v15;
	vm0 =	vmand vm0, vm1  }
0x181: {  	v11 =	vadd.f32 v10, v11;
	v10 =	vsel vm2, $0x3F800000, v0;
	v19 =	vld [tilespmem:s15+$0xFFFFFFE0];
	v15 =	vsel vm0, $0x3F800000, v0  }
0x182: {  	v14 =	vadd.f32 v10, v13;
	v15 =	vadd.f32 v15, v12  }
0x183: {  	s16 =	sadd.s32 $0x4, s16;
	vm0 =	vgt.s32 v22, v8;
	vm2 =	vlt.f32 v18, v9  }
0x184: {  	p1 =	slt.u32 s16, $0xFC;
	vm1 =	vgt.s32 v24, v8;
	v22 =	vsub.f32 v18, v9;
	vm5 =	vlt.f32 v20, v9  }
0x185: {  	vm3 =	vgt.s32 v21, v8;
	v20 =	vsub.f32 v20, v9;
	vm6 =	vlt.f32 v16, v9  }
0x186: {  	vm4 =	vgt.s32 v17, v8;
	v18 =	vsub.f32 v16, v9;
	vm7 =	vlt.f32 v19, v9  }
.Ltmp16:
0x187: {  	v10 =	vsel vm0, $0x3F800000, v0;
	vm2 =	vmand vm0, vm2;
	v13 =	vsub.f32 v19, v9;
	(pc) =	sbr.rel @p1 .LBB2_26-.Ltmp16, $4  }
0x188: {  	v12 =	vsel vm1, $0x3F800000, v0;
	v17 =	vsel vm3, $0x3F800000, v0;
	vm8 =	vmand vm1, vm5  }
0x189: {  	v21 =	vsel vm4, $0x3F800000, v0;
	vm5 =	vmand vm4, vm7;
	vm7 =	vmand vm3, vm6  }
0x18a: {  	v16 =	vand.u32 $0x7FFFFFFF, v22;
	v19 =	vand.u32 $0x7FFFFFFF, v13;
	v13 =	vsel vm8, $0x3F800000, v0  }
0x18b: {  	s17 =	sadd.s32 $0x40, s17;
	v20 =	vand.u32 $0x7FFFFFFF, v20;
	vm6 =	vle.f32 v19, $9.999999930e-09;
	v19 =	vsel vm7, $0x3F800000, v0  }
0x18c: {  	v8 =	vsel vm5, $0x3F800000, v0;
	vm4 =	vmand vm4, vm6  }
0x18d: {  	v9 =	vand.u32 $0x7FFFFFFF, v18;
	v11 =	vadd.f32 v21, v11;
	vm14 =	vle.f32 v20, $9.999999930e-09  }
0x18e: {  	v58 =	vsel vm4, $0x3F800000, v0;
	vm13 =	vle.f32 v9, $9.999999930e-09;
	v8 =	vadd.f32 v8, v14  }
0x18f: {  	v59 =	vadd.f32 v58, v15;
	vm3 =	vmand vm3, vm13;
	v11 =	vadd.f32 v17, v11  }
0x190: {  	vm15 =	vle.f32 v16, $9.999999930e-09;
	v60 =	vsel vm3, $0x3F800000, v0;
	v8 =	vadd.f32 v19, v8  }
0x191: {  	vm1 =	vmand vm1, vm14;
	v9 =	vadd.f32 v60, v59;
	v11 =	vadd.f32 v12, v11  }
0x192: {  	v62 =	vsel vm2, $0x3F800000, v0;
	v61 =	vsel vm1, $0x3F800000, v0;
	v8 =	vadd.f32 v13, v8  }
0x193: {  	vm0 =	vmand vm0, vm15;
	v9 =	vadd.f32 v61, v9;
	v10 =	vadd.f32 v10, v11  }
0x194: {  	v63 =	vsel vm0, $0x3F800000, v0;
	v8 =	vadd.f32 v62, v8  }
0x195: {  	v9 =	vadd.f32 v63, v9;
	v4 =	vadd.f32 v4, v10  }
0x196: {  	v3 =	vadd.f32 v3, v8  }
0x197: {  	[tilespmem:$0x4000] =	vst v4;
	v2 =	vadd.f32 v2, v9  }
0x198: {  	[tilespmem:$0x4080] =	vst v3  }
0x199: {  	[tilespmem:$0x4100] =	vst v2  }
.LBB2_28:
0x19a: {  	(v2sf) =	vpush v7, $0x6;
	_ =	sdelay $0xe  }
0x19b: {  	s15 =	spop (v2sf)  }
0x19c: {  	p1 =	slt.s32 s15, $0x1  }
.Ltmp17:
0x19d: {  	_ = 	snop;
	(pc) =	sbr.rel @p1 .LBB2_32-.Ltmp17, $1  }
0x19e: {  	_ =	sdelay $0x3  }
0x19f: {  	s16 =	simm.s32 $0x3020  }
0x1a0: {  	v10 =	vld [tilespmem:s16+$0x10]  }
0x1a1: {  	s15 =	simm.s32 $0x2020;
	v12 =	vld [tilespmem:s16+$0x0]  }
0x1a2: {  	v13 =	vld [tilespmem:s15+$0x10]  }
0x1a3: {  	v14 =	vld [tilespmem:s16+$0xFFFFFFF0]  }
0x1a4: {  	v15 =	vld [tilespmem:s15+$0x0]  }
0x1a5: {  	v16 =	vld [tilespmem:s16+$0xFFFFFFE0]  }
0x1a6: {  	v17 =	vld [tilespmem:s15+$0xFFFFFFF0]  }
0x1a7: {  	v8 =	vbroadcast v5, $0x6;
	v19 =	vld [tilespmem:s15+$0xFFFFFFE0]  }
0x1a8: {  	v9 =	vbroadcast v6, $0x6  }
0x1a9: {  	v11 =	vimm.f32 $0.0e+00;
	vm0 =	vgt.s32 v10, v8  }
0x1aa: {  	vm2 =	vlt.f32 v13, v9;
	vm1 =	vgt.s32 v12, v8;
	vm5 =	vlt.f32 v15, v9  }
0x1ab: {  	v20 =	vsub.f32 v13, v9;
	vm3 =	vgt.s32 v14, v8;
	vm6 =	vlt.f32 v17, v9  }
0x1ac: {  	v14 =	vsub.f32 v15, v9;
	vm4 =	vgt.s32 v16, v8;
	vm7 =	vlt.f32 v19, v9  }
0x1ad: {  	v18 =	vsub.f32 v17, v9;
	v13 =	vsub.f32 v19, v9;
	v10 =	vsel vm0, $0x3F800000, v0  }
0x1ae: {  	vm2 =	vmand vm0, vm2;
	v17 =	vsel vm3, $0x3F800000, v0;
	v12 =	vsel vm1, $0x3F800000, v0  }
0x1af: {  	vm8 =	vmand vm1, vm5;
	v21 =	vsel vm4, $0x3F800000, v0;
	vm5 =	vmand vm4, vm7  }
0x1b0: {  	vm7 =	vmand vm3, vm6;
	v15 =	vand.u32 $0x7FFFFFFF, v13;
	v13 =	vsel vm8, $0x3F800000, v0  }
0x1b1: {  	v16 =	vand.u32 $0x7FFFFFFF, v20;
	v19 =	vsel vm7, $0x3F800000, v0;
	v20 =	vand.u32 $0x7FFFFFFF, v14  }
0x1b2: {  	s17 =	simm.s32 $0x3060;
	s16 =	simm.s32 $0x0;
	v14 =	vimm.f32 $0.0e+00;
	vm6 =	vle.f32 v15, $9.999999930e-09;
	v15 =	vimm.f32 $0.0e+00  }
.LBB2_30:
0x1b3: {  	v22 =	vld [tilespmem:s17+$0x10];
	v23 =	vsel vm5, $0x3F800000, v0;
	vm4 =	vmand vm4, vm6;
	v18 =	vand.u32 $0x7FFFFFFF, v18  }
0x1b4: {  	v11 =	vadd.f32 v21, v11;
	s15 =	sadd.s32 $0x40, s15;
	v24 =	vld [tilespmem:s17+$0x0];
	v21 =	vsel vm4, $0x3F800000, v0;
	vm4 =	vle.f32 v18, $9.999999930e-09  }
0x1b5: {  	v14 =	vadd.f32 v23, v14;
	v18 =	vld [tilespmem:s15+$0x10];
	v15 =	vadd.f32 v21, v15;
	vm3 =	vmand vm3, vm4  }
0x1b6: {  	v11 =	vadd.f32 v17, v11;
	v21 =	vld [tilespmem:s17+$0xFFFFFFF0];
	v17 =	vsel vm3, $0x3F800000, v0;
	vm3 =	vle.f32 v20, $9.999999930e-09  }
0x1b7: {  	v14 =	vadd.f32 v19, v14;
	v20 =	vld [tilespmem:s15+$0x0];
	v15 =	vadd.f32 v17, v15;
	vm1 =	vmand vm1, vm3  }
0x1b8: {  	v11 =	vadd.f32 v12, v11;
	v17 =	vld [tilespmem:s17+$0xFFFFFFE0];
	v12 =	vsel vm1, $0x3F800000, v0;
	vm1 =	vle.f32 v16, $9.999999930e-09  }
0x1b9: {  	v13 =	vadd.f32 v13, v14;
	v16 =	vld [tilespmem:s15+$0xFFFFFFF0];
	v12 =	vadd.f32 v12, v15;
	vm0 =	vmand vm0, vm1  }
0x1ba: {  	v11 =	vadd.f32 v10, v11;
	v10 =	vsel vm2, $0x3F800000, v0;
	v19 =	vld [tilespmem:s15+$0xFFFFFFE0];
	v15 =	vsel vm0, $0x3F800000, v0  }
0x1bb: {  	v14 =	vadd.f32 v10, v13;
	v15 =	vadd.f32 v15, v12  }
0x1bc: {  	s16 =	sadd.s32 $0x4, s16;
	vm0 =	vgt.s32 v22, v8;
	vm2 =	vlt.f32 v18, v9  }
0x1bd: {  	p1 =	slt.u32 s16, $0xFC;
	vm1 =	vgt.s32 v24, v8;
	v22 =	vsub.f32 v18, v9;
	vm5 =	vlt.f32 v20, v9  }
0x1be: {  	vm3 =	vgt.s32 v21, v8;
	v20 =	vsub.f32 v20, v9;
	vm6 =	vlt.f32 v16, v9  }
0x1bf: {  	vm4 =	vgt.s32 v17, v8;
	v18 =	vsub.f32 v16, v9;
	vm7 =	vlt.f32 v19, v9  }
.Ltmp18:
0x1c0: {  	v10 =	vsel vm0, $0x3F800000, v0;
	vm2 =	vmand vm0, vm2;
	v13 =	vsub.f32 v19, v9;
	(pc) =	sbr.rel @p1 .LBB2_30-.Ltmp18, $4  }
0x1c1: {  	v12 =	vsel vm1, $0x3F800000, v0;
	v17 =	vsel vm3, $0x3F800000, v0;
	vm8 =	vmand vm1, vm5  }
0x1c2: {  	v21 =	vsel vm4, $0x3F800000, v0;
	vm5 =	vmand vm4, vm7;
	vm7 =	vmand vm3, vm6  }
0x1c3: {  	v16 =	vand.u32 $0x7FFFFFFF, v22;
	v19 =	vand.u32 $0x7FFFFFFF, v13;
	v13 =	vsel vm8, $0x3F800000, v0  }
0x1c4: {  	s17 =	sadd.s32 $0x40, s17;
	v20 =	vand.u32 $0x7FFFFFFF, v20;
	vm6 =	vle.f32 v19, $9.999999930e-09;
	v19 =	vsel vm7, $0x3F800000, v0  }
0x1c5: {  	v8 =	vsel vm5, $0x3F800000, v0;
	vm4 =	vmand vm4, vm6  }
0x1c6: {  	v9 =	vand.u32 $0x7FFFFFFF, v18;
	v11 =	vadd.f32 v21, v11;
	vm14 =	vle.f32 v20, $9.999999930e-09  }
0x1c7: {  	v58 =	vsel vm4, $0x3F800000, v0;
	vm13 =	vle.f32 v9, $9.999999930e-09;
	v8 =	vadd.f32 v8, v14  }
0x1c8: {  	v59 =	vadd.f32 v58, v15;
	vm3 =	vmand vm3, vm13;
	v11 =	vadd.f32 v17, v11  }
0x1c9: {  	vm15 =	vle.f32 v16, $9.999999930e-09;
	v60 =	vsel vm3, $0x3F800000, v0;
	v8 =	vadd.f32 v19, v8  }
0x1ca: {  	vm1 =	vmand vm1, vm14;
	v9 =	vadd.f32 v60, v59;
	v11 =	vadd.f32 v12, v11  }
0x1cb: {  	v62 =	vsel vm2, $0x3F800000, v0;
	v61 =	vsel vm1, $0x3F800000, v0;
	v8 =	vadd.f32 v13, v8  }
0x1cc: {  	vm0 =	vmand vm0, vm15;
	v9 =	vadd.f32 v61, v9;
	v10 =	vadd.f32 v10, v11  }
0x1cd: {  	v63 =	vsel vm0, $0x3F800000, v0;
	v8 =	vadd.f32 v62, v8  }
0x1ce: {  	v9 =	vadd.f32 v63, v9;
	v4 =	vadd.f32 v4, v10  }
0x1cf: {  	v3 =	vadd.f32 v3, v8  }
0x1d0: {  	[tilespmem:$0x4000] =	vst v4;
	v2 =	vadd.f32 v2, v9  }
0x1d1: {  	[tilespmem:$0x4080] =	vst v3  }
0x1d2: {  	[tilespmem:$0x4100] =	vst v2  }
.LBB2_32:
0x1d3: {  	(v2sf) =	vpush v7, $0x7;
	_ =	sdelay $0xe  }
0x1d4: {  	s15 =	spop (v2sf)  }
0x1d5: {  	p1 =	slt.s32 s15, $0x1  }
.Ltmp19:
0x1d6: {  	_ = 	snop;
	(pc) =	sbr.rel @p1 .LBB2_36-.Ltmp19, $1  }
0x1d7: {  	_ =	sdelay $0x3  }
0x1d8: {  	s16 =	simm.s32 $0x3020  }
0x1d9: {  	v10 =	vld [tilespmem:s16+$0x10]  }
0x1da: {  	s15 =	simm.s32 $0x2020;
	v12 =	vld [tilespmem:s16+$0x0]  }
0x1db: {  	v13 =	vld [tilespmem:s15+$0x10]  }
0x1dc: {  	v14 =	vld [tilespmem:s16+$0xFFFFFFF0]  }
0x1dd: {  	v15 =	vld [tilespmem:s15+$0x0]  }
0x1de: {  	v16 =	vld [tilespmem:s16+$0xFFFFFFE0]  }
0x1df: {  	v17 =	vld [tilespmem:s15+$0xFFFFFFF0]  }
0x1e0: {  	v8 =	vbroadcast v5, $0x7;
	v19 =	vld [tilespmem:s15+$0xFFFFFFE0]  }
0x1e1: {  	v9 =	vbroadcast v6, $0x7  }
0x1e2: {  	v11 =	vimm.f32 $0.0e+00;
	vm0 =	vgt.s32 v10, v8  }
0x1e3: {  	vm2 =	vlt.f32 v13, v9;
	vm1 =	vgt.s32 v12, v8;
	vm5 =	vlt.f32 v15, v9  }
0x1e4: {  	v20 =	vsub.f32 v13, v9;
	vm3 =	vgt.s32 v14, v8;
	vm6 =	vlt.f32 v17, v9  }
0x1e5: {  	v14 =	vsub.f32 v15, v9;
	vm4 =	vgt.s32 v16, v8;
	vm7 =	vlt.f32 v19, v9  }
0x1e6: {  	v18 =	vsub.f32 v17, v9;
	v13 =	vsub.f32 v19, v9;
	v10 =	vsel vm0, $0x3F800000, v0  }
0x1e7: {  	vm2 =	vmand vm0, vm2;
	v17 =	vsel vm3, $0x3F800000, v0;
	v12 =	vsel vm1, $0x3F800000, v0  }
0x1e8: {  	vm8 =	vmand vm1, vm5;
	v21 =	vsel vm4, $0x3F800000, v0;
	vm5 =	vmand vm4, vm7  }
0x1e9: {  	vm7 =	vmand vm3, vm6;
	v15 =	vand.u32 $0x7FFFFFFF, v13;
	v13 =	vsel vm8, $0x3F800000, v0  }
0x1ea: {  	v16 =	vand.u32 $0x7FFFFFFF, v20;
	v19 =	vsel vm7, $0x3F800000, v0;
	v20 =	vand.u32 $0x7FFFFFFF, v14  }
0x1eb: {  	s17 =	simm.s32 $0x3060;
	s16 =	simm.s32 $0x0;
	v14 =	vimm.f32 $0.0e+00;
	vm6 =	vle.f32 v15, $9.999999930e-09;
	v15 =	vimm.f32 $0.0e+00  }
.LBB2_34:
0x1ec: {  	v22 =	vld [tilespmem:s17+$0x10];
	v23 =	vsel vm5, $0x3F800000, v0;
	vm4 =	vmand vm4, vm6;
	v18 =	vand.u32 $0x7FFFFFFF, v18  }
0x1ed: {  	v11 =	vadd.f32 v21, v11;
	s15 =	sadd.s32 $0x40, s15;
	v24 =	vld [tilespmem:s17+$0x0];
	v21 =	vsel vm4, $0x3F800000, v0;
	vm4 =	vle.f32 v18, $9.999999930e-09  }
0x1ee: {  	v14 =	vadd.f32 v23, v14;
	v18 =	vld [tilespmem:s15+$0x10];
	v15 =	vadd.f32 v21, v15;
	vm3 =	vmand vm3, vm4  }
0x1ef: {  	v11 =	vadd.f32 v17, v11;
	v21 =	vld [tilespmem:s17+$0xFFFFFFF0];
	v17 =	vsel vm3, $0x3F800000, v0;
	vm3 =	vle.f32 v20, $9.999999930e-09  }
0x1f0: {  	v14 =	vadd.f32 v19, v14;
	v20 =	vld [tilespmem:s15+$0x0];
	v15 =	vadd.f32 v17, v15;
	vm1 =	vmand vm1, vm3  }
0x1f1: {  	v11 =	vadd.f32 v12, v11;
	v17 =	vld [tilespmem:s17+$0xFFFFFFE0];
	v12 =	vsel vm1, $0x3F800000, v0;
	vm1 =	vle.f32 v16, $9.999999930e-09  }
0x1f2: {  	v13 =	vadd.f32 v13, v14;
	v16 =	vld [tilespmem:s15+$0xFFFFFFF0];
	v12 =	vadd.f32 v12, v15;
	vm0 =	vmand vm0, vm1  }
0x1f3: {  	v11 =	vadd.f32 v10, v11;
	v10 =	vsel vm2, $0x3F800000, v0;
	v19 =	vld [tilespmem:s15+$0xFFFFFFE0];
	v15 =	vsel vm0, $0x3F800000, v0  }
0x1f4: {  	v14 =	vadd.f32 v10, v13;
	v15 =	vadd.f32 v15, v12  }
0x1f5: {  	s16 =	sadd.s32 $0x4, s16;
	vm0 =	vgt.s32 v22, v8;
	vm2 =	vlt.f32 v18, v9  }
0x1f6: {  	p1 =	slt.u32 s16, $0xFC;
	vm1 =	vgt.s32 v24, v8;
	v22 =	vsub.f32 v18, v9;
	vm5 =	vlt.f32 v20, v9  }
0x1f7: {  	vm3 =	vgt.s32 v21, v8;
	v20 =	vsub.f32 v20, v9;
	vm6 =	vlt.f32 v16, v9  }
0x1f8: {  	vm4 =	vgt.s32 v17, v8;
	v18 =	vsub.f32 v16, v9;
	vm7 =	vlt.f32 v19, v9  }
.Ltmp20:
0x1f9: {  	v10 =	vsel vm0, $0x3F800000, v0;
	vm2 =	vmand vm0, vm2;
	v13 =	vsub.f32 v19, v9;
	(pc) =	sbr.rel @p1 .LBB2_34-.Ltmp20, $4  }
0x1fa: {  	v12 =	vsel vm1, $0x3F800000, v0;
	v17 =	vsel vm3, $0x3F800000, v0;
	vm8 =	vmand vm1, vm5  }
0x1fb: {  	v21 =	vsel vm4, $0x3F800000, v0;
	vm5 =	vmand vm4, vm7;
	vm7 =	vmand vm3, vm6  }
0x1fc: {  	v16 =	vand.u32 $0x7FFFFFFF, v22;
	v19 =	vand.u32 $0x7FFFFFFF, v13;
	v13 =	vsel vm8, $0x3F800000, v0  }
0x1fd: {  	s17 =	sadd.s32 $0x40, s17;
	v20 =	vand.u32 $0x7FFFFFFF, v20;
	vm6 =	vle.f32 v19, $9.999999930e-09;
	v19 =	vsel vm7, $0x3F800000, v0  }
0x1fe: {  	v8 =	vsel vm5, $0x3F800000, v0;
	vm4 =	vmand vm4, vm6  }
0x1ff: {  	v9 =	vand.u32 $0x7FFFFFFF, v18;
	v11 =	vadd.f32 v21, v11;
	vm14 =	vle.f32 v20, $9.999999930e-09  }
0x200: {  	v58 =	vsel vm4, $0x3F800000, v0;
	vm13 =	vle.f32 v9, $9.999999930e-09;
	v8 =	vadd.f32 v8, v14  }
0x201: {  	v59 =	vadd.f32 v58, v15;
	vm3 =	vmand vm3, vm13;
	v11 =	vadd.f32 v17, v11  }
0x202: {  	vm15 =	vle.f32 v16, $9.999999930e-09;
	v60 =	vsel vm3, $0x3F800000, v0;
	v8 =	vadd.f32 v19, v8  }
0x203: {  	vm1 =	vmand vm1, vm14;
	v9 =	vadd.f32 v60, v59;
	v11 =	vadd.f32 v12, v11  }
0x204: {  	v62 =	vsel vm2, $0x3F800000, v0;
	v61 =	vsel vm1, $0x3F800000, v0;
	v8 =	vadd.f32 v13, v8  }
0x205: {  	vm0 =	vmand vm0, vm15;
	v9 =	vadd.f32 v61, v9;
	v10 =	vadd.f32 v10, v11  }
0x206: {  	v63 =	vsel vm0, $0x3F800000, v0;
	v8 =	vadd.f32 v62, v8  }
0x207: {  	v9 =	vadd.f32 v63, v9;
	v4 =	vadd.f32 v4, v10  }
0x208: {  	v3 =	vadd.f32 v3, v8  }
0x209: {  	[tilespmem:$0x4000] =	vst v4;
	v2 =	vadd.f32 v2, v9  }
0x20a: {  	[tilespmem:$0x4080] =	vst v3  }
0x20b: {  	[tilespmem:$0x4100] =	vst v2  }
.LBB2_36:
0x20c: {  	(v2sf) =	vpush v7, $0x8;
	_ =	sdelay $0xe  }
0x20d: {  	s15 =	spop (v2sf)  }
0x20e: {  	p1 =	slt.s32 s15, $0x1  }
.Ltmp21:
0x20f: {  	_ = 	snop;
	(pc) =	sbr.rel @p1 .LBB2_40-.Ltmp21, $1  }
0x210: {  	_ =	sdelay $0x3  }
0x211: {  	s16 =	simm.s32 $0x3020  }
0x212: {  	v10 =	vld [tilespmem:s16+$0x10]  }
0x213: {  	s15 =	simm.s32 $0x2020;
	v12 =	vld [tilespmem:s16+$0x0]  }
0x214: {  	v13 =	vld [tilespmem:s15+$0x10]  }
0x215: {  	v14 =	vld [tilespmem:s16+$0xFFFFFFF0]  }
0x216: {  	v15 =	vld [tilespmem:s15+$0x0]  }
0x217: {  	v16 =	vld [tilespmem:s16+$0xFFFFFFE0]  }
0x218: {  	v17 =	vld [tilespmem:s15+$0xFFFFFFF0]  }
0x219: {  	v8 =	vbroadcast v5, $0x8;
	v19 =	vld [tilespmem:s15+$0xFFFFFFE0]  }
0x21a: {  	v9 =	vbroadcast v6, $0x8  }
0x21b: {  	v11 =	vimm.f32 $0.0e+00;
	vm0 =	vgt.s32 v10, v8  }
0x21c: {  	vm2 =	vlt.f32 v13, v9;
	vm1 =	vgt.s32 v12, v8;
	vm5 =	vlt.f32 v15, v9  }
0x21d: {  	v20 =	vsub.f32 v13, v9;
	vm3 =	vgt.s32 v14, v8;
	vm6 =	vlt.f32 v17, v9  }
0x21e: {  	v14 =	vsub.f32 v15, v9;
	vm4 =	vgt.s32 v16, v8;
	vm7 =	vlt.f32 v19, v9  }
0x21f: {  	v18 =	vsub.f32 v17, v9;
	v13 =	vsub.f32 v19, v9;
	v10 =	vsel vm0, $0x3F800000, v0  }
0x220: {  	vm2 =	vmand vm0, vm2;
	v17 =	vsel vm3, $0x3F800000, v0;
	v12 =	vsel vm1, $0x3F800000, v0  }
0x221: {  	vm8 =	vmand vm1, vm5;
	v21 =	vsel vm4, $0x3F800000, v0;
	vm5 =	vmand vm4, vm7  }
0x222: {  	vm7 =	vmand vm3, vm6;
	v15 =	vand.u32 $0x7FFFFFFF, v13;
	v13 =	vsel vm8, $0x3F800000, v0  }
0x223: {  	v16 =	vand.u32 $0x7FFFFFFF, v20;
	v19 =	vsel vm7, $0x3F800000, v0;
	v20 =	vand.u32 $0x7FFFFFFF, v14  }
0x224: {  	s17 =	simm.s32 $0x3060;
	s16 =	simm.s32 $0x0;
	v14 =	vimm.f32 $0.0e+00;
	vm6 =	vle.f32 v15, $9.999999930e-09;
	v15 =	vimm.f32 $0.0e+00  }
.LBB2_38:
0x225: {  	v22 =	vld [tilespmem:s17+$0x10];
	v23 =	vsel vm5, $0x3F800000, v0;
	vm4 =	vmand vm4, vm6;
	v18 =	vand.u32 $0x7FFFFFFF, v18  }
0x226: {  	v11 =	vadd.f32 v21, v11;
	s15 =	sadd.s32 $0x40, s15;
	v24 =	vld [tilespmem:s17+$0x0];
	v21 =	vsel vm4, $0x3F800000, v0;
	vm4 =	vle.f32 v18, $9.999999930e-09  }
0x227: {  	v14 =	vadd.f32 v23, v14;
	v18 =	vld [tilespmem:s15+$0x10];
	v15 =	vadd.f32 v21, v15;
	vm3 =	vmand vm3, vm4  }
0x228: {  	v11 =	vadd.f32 v17, v11;
	v21 =	vld [tilespmem:s17+$0xFFFFFFF0];
	v17 =	vsel vm3, $0x3F800000, v0;
	vm3 =	vle.f32 v20, $9.999999930e-09  }
0x229: {  	v14 =	vadd.f32 v19, v14;
	v20 =	vld [tilespmem:s15+$0x0];
	v15 =	vadd.f32 v17, v15;
	vm1 =	vmand vm1, vm3  }
0x22a: {  	v11 =	vadd.f32 v12, v11;
	v17 =	vld [tilespmem:s17+$0xFFFFFFE0];
	v12 =	vsel vm1, $0x3F800000, v0;
	vm1 =	vle.f32 v16, $9.999999930e-09  }
0x22b: {  	v13 =	vadd.f32 v13, v14;
	v16 =	vld [tilespmem:s15+$0xFFFFFFF0];
	v12 =	vadd.f32 v12, v15;
	vm0 =	vmand vm0, vm1  }
0x22c: {  	v11 =	vadd.f32 v10, v11;
	v10 =	vsel vm2, $0x3F800000, v0;
	v19 =	vld [tilespmem:s15+$0xFFFFFFE0];
	v15 =	vsel vm0, $0x3F800000, v0  }
0x22d: {  	v14 =	vadd.f32 v10, v13;
	v15 =	vadd.f32 v15, v12  }
0x22e: {  	s16 =	sadd.s32 $0x4, s16;
	vm0 =	vgt.s32 v22, v8;
	vm2 =	vlt.f32 v18, v9  }
0x22f: {  	p1 =	slt.u32 s16, $0xFC;
	vm1 =	vgt.s32 v24, v8;
	v22 =	vsub.f32 v18, v9;
	vm5 =	vlt.f32 v20, v9  }
0x230: {  	vm3 =	vgt.s32 v21, v8;
	v20 =	vsub.f32 v20, v9;
	vm6 =	vlt.f32 v16, v9  }
0x231: {  	vm4 =	vgt.s32 v17, v8;
	v18 =	vsub.f32 v16, v9;
	vm7 =	vlt.f32 v19, v9  }
.Ltmp22:
0x232: {  	v10 =	vsel vm0, $0x3F800000, v0;
	vm2 =	vmand vm0, vm2;
	v13 =	vsub.f32 v19, v9;
	(pc) =	sbr.rel @p1 .LBB2_38-.Ltmp22, $4  }
0x233: {  	v12 =	vsel vm1, $0x3F800000, v0;
	v17 =	vsel vm3, $0x3F800000, v0;
	vm8 =	vmand vm1, vm5  }
0x234: {  	v21 =	vsel vm4, $0x3F800000, v0;
	vm5 =	vmand vm4, vm7;
	vm7 =	vmand vm3, vm6  }
0x235: {  	v16 =	vand.u32 $0x7FFFFFFF, v22;
	v19 =	vand.u32 $0x7FFFFFFF, v13;
	v13 =	vsel vm8, $0x3F800000, v0  }
0x236: {  	s17 =	sadd.s32 $0x40, s17;
	v20 =	vand.u32 $0x7FFFFFFF, v20;
	vm6 =	vle.f32 v19, $9.999999930e-09;
	v19 =	vsel vm7, $0x3F800000, v0  }
0x237: {  	v8 =	vsel vm5, $0x3F800000, v0;
	vm4 =	vmand vm4, vm6  }
0x238: {  	v9 =	vand.u32 $0x7FFFFFFF, v18;
	v11 =	vadd.f32 v21, v11;
	vm14 =	vle.f32 v20, $9.999999930e-09  }
0x239: {  	v58 =	vsel vm4, $0x3F800000, v0;
	vm13 =	vle.f32 v9, $9.999999930e-09;
	v8 =	vadd.f32 v8, v14  }
0x23a: {  	v59 =	vadd.f32 v58, v15;
	vm3 =	vmand vm3, vm13;
	v11 =	vadd.f32 v17, v11  }
0x23b: {  	vm15 =	vle.f32 v16, $9.999999930e-09;
	v60 =	vsel vm3, $0x3F800000, v0;
	v8 =	vadd.f32 v19, v8  }
0x23c: {  	vm1 =	vmand vm1, vm14;
	v9 =	vadd.f32 v60, v59;
	v11 =	vadd.f32 v12, v11  }
0x23d: {  	v62 =	vsel vm2, $0x3F800000, v0;
	v61 =	vsel vm1, $0x3F800000, v0;
	v8 =	vadd.f32 v13, v8  }
0x23e: {  	vm0 =	vmand vm0, vm15;
	v9 =	vadd.f32 v61, v9;
	v10 =	vadd.f32 v10, v11  }
0x23f: {  	v63 =	vsel vm0, $0x3F800000, v0;
	v8 =	vadd.f32 v62, v8  }
0x240: {  	v9 =	vadd.f32 v63, v9;
	v4 =	vadd.f32 v4, v10  }
0x241: {  	v3 =	vadd.f32 v3, v8  }
0x242: {  	[tilespmem:$0x4000] =	vst v4;
	v2 =	vadd.f32 v2, v9  }
0x243: {  	[tilespmem:$0x4080] =	vst v3  }
0x244: {  	[tilespmem:$0x4100] =	vst v2  }
.LBB2_40:
0x245: {  	(v2sf) =	vpush v7, $0x9;
	_ =	sdelay $0xe  }
0x246: {  	s15 =	spop (v2sf)  }
0x247: {  	p1 =	slt.s32 s15, $0x1  }
.Ltmp23:
0x248: {  	_ = 	snop;
	(pc) =	sbr.rel @p1 .LBB2_44-.Ltmp23, $1  }
0x249: {  	_ =	sdelay $0x3  }
0x24a: {  	s16 =	simm.s32 $0x3020  }
0x24b: {  	v10 =	vld [tilespmem:s16+$0x10]  }
0x24c: {  	s15 =	simm.s32 $0x2020;
	v12 =	vld [tilespmem:s16+$0x0]  }
0x24d: {  	v13 =	vld [tilespmem:s15+$0x10]  }
0x24e: {  	v14 =	vld [tilespmem:s16+$0xFFFFFFF0]  }
0x24f: {  	v15 =	vld [tilespmem:s15+$0x0]  }
0x250: {  	v16 =	vld [tilespmem:s16+$0xFFFFFFE0]  }
0x251: {  	v17 =	vld [tilespmem:s15+$0xFFFFFFF0]  }
0x252: {  	v8 =	vbroadcast v5, $0x9;
	v19 =	vld [tilespmem:s15+$0xFFFFFFE0]  }
0x253: {  	v9 =	vbroadcast v6, $0x9  }
0x254: {  	v11 =	vimm.f32 $0.0e+00;
	vm0 =	vgt.s32 v10, v8  }
0x255: {  	vm2 =	vlt.f32 v13, v9;
	vm1 =	vgt.s32 v12, v8;
	vm5 =	vlt.f32 v15, v9  }
0x256: {  	v20 =	vsub.f32 v13, v9;
	vm3 =	vgt.s32 v14, v8;
	vm6 =	vlt.f32 v17, v9  }
0x257: {  	v14 =	vsub.f32 v15, v9;
	vm4 =	vgt.s32 v16, v8;
	vm7 =	vlt.f32 v19, v9  }
0x258: {  	v18 =	vsub.f32 v17, v9;
	v13 =	vsub.f32 v19, v9;
	v10 =	vsel vm0, $0x3F800000, v0  }
0x259: {  	vm2 =	vmand vm0, vm2;
	v17 =	vsel vm3, $0x3F800000, v0;
	v12 =	vsel vm1, $0x3F800000, v0  }
0x25a: {  	vm8 =	vmand vm1, vm5;
	v21 =	vsel vm4, $0x3F800000, v0;
	vm5 =	vmand vm4, vm7  }
0x25b: {  	vm7 =	vmand vm3, vm6;
	v15 =	vand.u32 $0x7FFFFFFF, v13;
	v13 =	vsel vm8, $0x3F800000, v0  }
0x25c: {  	v16 =	vand.u32 $0x7FFFFFFF, v20;
	v19 =	vsel vm7, $0x3F800000, v0;
	v20 =	vand.u32 $0x7FFFFFFF, v14  }
0x25d: {  	s17 =	simm.s32 $0x3060;
	s16 =	simm.s32 $0x0;
	v14 =	vimm.f32 $0.0e+00;
	vm6 =	vle.f32 v15, $9.999999930e-09;
	v15 =	vimm.f32 $0.0e+00  }
.LBB2_42:
0x25e: {  	v22 =	vld [tilespmem:s17+$0x10];
	v23 =	vsel vm5, $0x3F800000, v0;
	vm4 =	vmand vm4, vm6;
	v18 =	vand.u32 $0x7FFFFFFF, v18  }
0x25f: {  	v11 =	vadd.f32 v21, v11;
	s15 =	sadd.s32 $0x40, s15;
	v24 =	vld [tilespmem:s17+$0x0];
	v21 =	vsel vm4, $0x3F800000, v0;
	vm4 =	vle.f32 v18, $9.999999930e-09  }
0x260: {  	v14 =	vadd.f32 v23, v14;
	v18 =	vld [tilespmem:s15+$0x10];
	v15 =	vadd.f32 v21, v15;
	vm3 =	vmand vm3, vm4  }
0x261: {  	v11 =	vadd.f32 v17, v11;
	v21 =	vld [tilespmem:s17+$0xFFFFFFF0];
	v17 =	vsel vm3, $0x3F800000, v0;
	vm3 =	vle.f32 v20, $9.999999930e-09  }
0x262: {  	v14 =	vadd.f32 v19, v14;
	v20 =	vld [tilespmem:s15+$0x0];
	v15 =	vadd.f32 v17, v15;
	vm1 =	vmand vm1, vm3  }
0x263: {  	v11 =	vadd.f32 v12, v11;
	v17 =	vld [tilespmem:s17+$0xFFFFFFE0];
	v12 =	vsel vm1, $0x3F800000, v0;
	vm1 =	vle.f32 v16, $9.999999930e-09  }
0x264: {  	v13 =	vadd.f32 v13, v14;
	v16 =	vld [tilespmem:s15+$0xFFFFFFF0];
	v12 =	vadd.f32 v12, v15;
	vm0 =	vmand vm0, vm1  }
0x265: {  	v11 =	vadd.f32 v10, v11;
	v10 =	vsel vm2, $0x3F800000, v0;
	v19 =	vld [tilespmem:s15+$0xFFFFFFE0];
	v15 =	vsel vm0, $0x3F800000, v0  }
0x266: {  	v14 =	vadd.f32 v10, v13;
	v15 =	vadd.f32 v15, v12  }
0x267: {  	s16 =	sadd.s32 $0x4, s16;
	vm0 =	vgt.s32 v22, v8;
	vm2 =	vlt.f32 v18, v9  }
0x268: {  	p1 =	slt.u32 s16, $0xFC;
	vm1 =	vgt.s32 v24, v8;
	v22 =	vsub.f32 v18, v9;
	vm5 =	vlt.f32 v20, v9  }
0x269: {  	vm3 =	vgt.s32 v21, v8;
	v20 =	vsub.f32 v20, v9;
	vm6 =	vlt.f32 v16, v9  }
0x26a: {  	vm4 =	vgt.s32 v17, v8;
	v18 =	vsub.f32 v16, v9;
	vm7 =	vlt.f32 v19, v9  }
.Ltmp24:
0x26b: {  	v10 =	vsel vm0, $0x3F800000, v0;
	vm2 =	vmand vm0, vm2;
	v13 =	vsub.f32 v19, v9;
	(pc) =	sbr.rel @p1 .LBB2_42-.Ltmp24, $4  }
0x26c: {  	v12 =	vsel vm1, $0x3F800000, v0;
	v17 =	vsel vm3, $0x3F800000, v0;
	vm8 =	vmand vm1, vm5  }
0x26d: {  	v21 =	vsel vm4, $0x3F800000, v0;
	vm5 =	vmand vm4, vm7;
	vm7 =	vmand vm3, vm6  }
0x26e: {  	v16 =	vand.u32 $0x7FFFFFFF, v22;
	v19 =	vand.u32 $0x7FFFFFFF, v13;
	v13 =	vsel vm8, $0x3F800000, v0  }
0x26f: {  	s17 =	sadd.s32 $0x40, s17;
	v20 =	vand.u32 $0x7FFFFFFF, v20;
	vm6 =	vle.f32 v19, $9.999999930e-09;
	v19 =	vsel vm7, $0x3F800000, v0  }
0x270: {  	v8 =	vsel vm5, $0x3F800000, v0;
	vm4 =	vmand vm4, vm6  }
0x271: {  	v9 =	vand.u32 $0x7FFFFFFF, v18;
	v11 =	vadd.f32 v21, v11;
	vm14 =	vle.f32 v20, $9.999999930e-09  }
0x272: {  	v58 =	vsel vm4, $0x3F800000, v0;
	vm13 =	vle.f32 v9, $9.999999930e-09;
	v8 =	vadd.f32 v8, v14  }
0x273: {  	v59 =	vadd.f32 v58, v15;
	vm3 =	vmand vm3, vm13;
	v11 =	vadd.f32 v17, v11  }
0x274: {  	vm15 =	vle.f32 v16, $9.999999930e-09;
	v60 =	vsel vm3, $0x3F800000, v0;
	v8 =	vadd.f32 v19, v8  }
0x275: {  	vm1 =	vmand vm1, vm14;
	v9 =	vadd.f32 v60, v59;
	v11 =	vadd.f32 v12, v11  }
0x276: {  	v62 =	vsel vm2, $0x3F800000, v0;
	v61 =	vsel vm1, $0x3F800000, v0;
	v8 =	vadd.f32 v13, v8  }
0x277: {  	vm0 =	vmand vm0, vm15;
	v9 =	vadd.f32 v61, v9;
	v10 =	vadd.f32 v10, v11  }
0x278: {  	v63 =	vsel vm0, $0x3F800000, v0;
	v8 =	vadd.f32 v62, v8  }
0x279: {  	v9 =	vadd.f32 v63, v9;
	v4 =	vadd.f32 v4, v10  }
0x27a: {  	v3 =	vadd.f32 v3, v8  }
0x27b: {  	[tilespmem:$0x4000] =	vst v4;
	v2 =	vadd.f32 v2, v9  }
0x27c: {  	[tilespmem:$0x4080] =	vst v3  }
0x27d: {  	[tilespmem:$0x4100] =	vst v2  }
.LBB2_44:
0x27e: {  	(v2sf) =	vpush v7, $0xA;
	_ =	sdelay $0xe  }
0x27f: {  	s15 =	spop (v2sf)  }
0x280: {  	p1 =	slt.s32 s15, $0x1  }
.Ltmp25:
0x281: {  	_ = 	snop;
	(pc) =	sbr.rel @p1 .LBB2_48-.Ltmp25, $1  }
0x282: {  	_ =	sdelay $0x3  }
0x283: {  	s16 =	simm.s32 $0x3020  }
0x284: {  	v10 =	vld [tilespmem:s16+$0x10]  }
0x285: {  	s15 =	simm.s32 $0x2020;
	v12 =	vld [tilespmem:s16+$0x0]  }
0x286: {  	v13 =	vld [tilespmem:s15+$0x10]  }
0x287: {  	v14 =	vld [tilespmem:s16+$0xFFFFFFF0]  }
0x288: {  	v15 =	vld [tilespmem:s15+$0x0]  }
0x289: {  	v16 =	vld [tilespmem:s16+$0xFFFFFFE0]  }
0x28a: {  	v17 =	vld [tilespmem:s15+$0xFFFFFFF0]  }
0x28b: {  	v8 =	vbroadcast v5, $0xA;
	v19 =	vld [tilespmem:s15+$0xFFFFFFE0]  }
0x28c: {  	v9 =	vbroadcast v6, $0xA  }
0x28d: {  	v11 =	vimm.f32 $0.0e+00;
	vm0 =	vgt.s32 v10, v8  }
0x28e: {  	vm2 =	vlt.f32 v13, v9;
	vm1 =	vgt.s32 v12, v8;
	vm5 =	vlt.f32 v15, v9  }
0x28f: {  	v20 =	vsub.f32 v13, v9;
	vm3 =	vgt.s32 v14, v8;
	vm6 =	vlt.f32 v17, v9  }
0x290: {  	v14 =	vsub.f32 v15, v9;
	vm4 =	vgt.s32 v16, v8;
	vm7 =	vlt.f32 v19, v9  }
0x291: {  	v18 =	vsub.f32 v17, v9;
	v13 =	vsub.f32 v19, v9;
	v10 =	vsel vm0, $0x3F800000, v0  }
0x292: {  	vm2 =	vmand vm0, vm2;
	v17 =	vsel vm3, $0x3F800000, v0;
	v12 =	vsel vm1, $0x3F800000, v0  }
0x293: {  	vm8 =	vmand vm1, vm5;
	v21 =	vsel vm4, $0x3F800000, v0;
	vm5 =	vmand vm4, vm7  }
0x294: {  	vm7 =	vmand vm3, vm6;
	v15 =	vand.u32 $0x7FFFFFFF, v13;
	v13 =	vsel vm8, $0x3F800000, v0  }
0x295: {  	v16 =	vand.u32 $0x7FFFFFFF, v20;
	v19 =	vsel vm7, $0x3F800000, v0;
	v20 =	vand.u32 $0x7FFFFFFF, v14  }
0x296: {  	s17 =	simm.s32 $0x3060;
	s16 =	simm.s32 $0x0;
	v14 =	vimm.f32 $0.0e+00;
	vm6 =	vle.f32 v15, $9.999999930e-09;
	v15 =	vimm.f32 $0.0e+00  }
.LBB2_46:
0x297: {  	v22 =	vld [tilespmem:s17+$0x10];
	v23 =	vsel vm5, $0x3F800000, v0;
	vm4 =	vmand vm4, vm6;
	v18 =	vand.u32 $0x7FFFFFFF, v18  }
0x298: {  	v11 =	vadd.f32 v21, v11;
	s15 =	sadd.s32 $0x40, s15;
	v24 =	vld [tilespmem:s17+$0x0];
	v21 =	vsel vm4, $0x3F800000, v0;
	vm4 =	vle.f32 v18, $9.999999930e-09  }
0x299: {  	v14 =	vadd.f32 v23, v14;
	v18 =	vld [tilespmem:s15+$0x10];
	v15 =	vadd.f32 v21, v15;
	vm3 =	vmand vm3, vm4  }
0x29a: {  	v11 =	vadd.f32 v17, v11;
	v21 =	vld [tilespmem:s17+$0xFFFFFFF0];
	v17 =	vsel vm3, $0x3F800000, v0;
	vm3 =	vle.f32 v20, $9.999999930e-09  }
0x29b: {  	v14 =	vadd.f32 v19, v14;
	v20 =	vld [tilespmem:s15+$0x0];
	v15 =	vadd.f32 v17, v15;
	vm1 =	vmand vm1, vm3  }
0x29c: {  	v11 =	vadd.f32 v12, v11;
	v17 =	vld [tilespmem:s17+$0xFFFFFFE0];
	v12 =	vsel vm1, $0x3F800000, v0;
	vm1 =	vle.f32 v16, $9.999999930e-09  }
0x29d: {  	v13 =	vadd.f32 v13, v14;
	v16 =	vld [tilespmem:s15+$0xFFFFFFF0];
	v12 =	vadd.f32 v12, v15;
	vm0 =	vmand vm0, vm1  }
0x29e: {  	v11 =	vadd.f32 v10, v11;
	v10 =	vsel vm2, $0x3F800000, v0;
	v19 =	vld [tilespmem:s15+$0xFFFFFFE0];
	v15 =	vsel vm0, $0x3F800000, v0  }
0x29f: {  	v14 =	vadd.f32 v10, v13;
	v15 =	vadd.f32 v15, v12  }
0x2a0: {  	s16 =	sadd.s32 $0x4, s16;
	vm0 =	vgt.s32 v22, v8;
	vm2 =	vlt.f32 v18, v9  }
0x2a1: {  	p1 =	slt.u32 s16, $0xFC;
	vm1 =	vgt.s32 v24, v8;
	v22 =	vsub.f32 v18, v9;
	vm5 =	vlt.f32 v20, v9  }
0x2a2: {  	vm3 =	vgt.s32 v21, v8;
	v20 =	vsub.f32 v20, v9;
	vm6 =	vlt.f32 v16, v9  }
0x2a3: {  	vm4 =	vgt.s32 v17, v8;
	v18 =	vsub.f32 v16, v9;
	vm7 =	vlt.f32 v19, v9  }
.Ltmp26:
0x2a4: {  	v10 =	vsel vm0, $0x3F800000, v0;
	vm2 =	vmand vm0, vm2;
	v13 =	vsub.f32 v19, v9;
	(pc) =	sbr.rel @p1 .LBB2_46-.Ltmp26, $4  }
0x2a5: {  	v12 =	vsel vm1, $0x3F800000, v0;
	v17 =	vsel vm3, $0x3F800000, v0;
	vm8 =	vmand vm1, vm5  }
0x2a6: {  	v21 =	vsel vm4, $0x3F800000, v0;
	vm5 =	vmand vm4, vm7;
	vm7 =	vmand vm3, vm6  }
0x2a7: {  	v16 =	vand.u32 $0x7FFFFFFF, v22;
	v19 =	vand.u32 $0x7FFFFFFF, v13;
	v13 =	vsel vm8, $0x3F800000, v0  }
0x2a8: {  	s17 =	sadd.s32 $0x40, s17;
	v20 =	vand.u32 $0x7FFFFFFF, v20;
	vm6 =	vle.f32 v19, $9.999999930e-09;
	v19 =	vsel vm7, $0x3F800000, v0  }
0x2a9: {  	v8 =	vsel vm5, $0x3F800000, v0;
	vm4 =	vmand vm4, vm6  }
0x2aa: {  	v9 =	vand.u32 $0x7FFFFFFF, v18;
	v11 =	vadd.f32 v21, v11;
	vm14 =	vle.f32 v20, $9.999999930e-09  }
0x2ab: {  	v58 =	vsel vm4, $0x3F800000, v0;
	vm13 =	vle.f32 v9, $9.999999930e-09;
	v8 =	vadd.f32 v8, v14  }
0x2ac: {  	v59 =	vadd.f32 v58, v15;
	vm3 =	vmand vm3, vm13;
	v11 =	vadd.f32 v17, v11  }
0x2ad: {  	vm15 =	vle.f32 v16, $9.999999930e-09;
	v60 =	vsel vm3, $0x3F800000, v0;
	v8 =	vadd.f32 v19, v8  }
0x2ae: {  	vm1 =	vmand vm1, vm14;
	v9 =	vadd.f32 v60, v59;
	v11 =	vadd.f32 v12, v11  }
0x2af: {  	v62 =	vsel vm2, $0x3F800000, v0;
	v61 =	vsel vm1, $0x3F800000, v0;
	v8 =	vadd.f32 v13, v8  }
0x2b0: {  	vm0 =	vmand vm0, vm15;
	v9 =	vadd.f32 v61, v9;
	v10 =	vadd.f32 v10, v11  }
0x2b1: {  	v63 =	vsel vm0, $0x3F800000, v0;
	v8 =	vadd.f32 v62, v8  }
0x2b2: {  	v9 =	vadd.f32 v63, v9;
	v4 =	vadd.f32 v4, v10  }
0x2b3: {  	v3 =	vadd.f32 v3, v8  }
0x2b4: {  	[tilespmem:$0x4000] =	vst v4;
	v2 =	vadd.f32 v2, v9  }
0x2b5: {  	[tilespmem:$0x4080] =	vst v3  }
0x2b6: {  	[tilespmem:$0x4100] =	vst v2  }
.LBB2_48:
0x2b7: {  	(v2sf) =	vpush v7, $0xB;
	_ =	sdelay $0xe  }
0x2b8: {  	s15 =	spop (v2sf)  }
0x2b9: {  	p1 =	slt.s32 s15, $0x1  }
.Ltmp27:
0x2ba: {  	_ = 	snop;
	(pc) =	sbr.rel @p1 .LBB2_52-.Ltmp27, $1  }
0x2bb: {  	_ =	sdelay $0x3  }
0x2bc: {  	s16 =	simm.s32 $0x3020  }
0x2bd: {  	v10 =	vld [tilespmem:s16+$0x10]  }
0x2be: {  	s15 =	simm.s32 $0x2020;
	v12 =	vld [tilespmem:s16+$0x0]  }
0x2bf: {  	v13 =	vld [tilespmem:s15+$0x10]  }
0x2c0: {  	v14 =	vld [tilespmem:s16+$0xFFFFFFF0]  }
0x2c1: {  	v15 =	vld [tilespmem:s15+$0x0]  }
0x2c2: {  	v16 =	vld [tilespmem:s16+$0xFFFFFFE0]  }
0x2c3: {  	v17 =	vld [tilespmem:s15+$0xFFFFFFF0]  }
0x2c4: {  	v8 =	vbroadcast v5, $0xB;
	v19 =	vld [tilespmem:s15+$0xFFFFFFE0]  }
0x2c5: {  	v9 =	vbroadcast v6, $0xB  }
0x2c6: {  	v11 =	vimm.f32 $0.0e+00;
	vm0 =	vgt.s32 v10, v8  }
0x2c7: {  	vm2 =	vlt.f32 v13, v9;
	vm1 =	vgt.s32 v12, v8;
	vm5 =	vlt.f32 v15, v9  }
0x2c8: {  	v20 =	vsub.f32 v13, v9;
	vm3 =	vgt.s32 v14, v8;
	vm6 =	vlt.f32 v17, v9  }
0x2c9: {  	v14 =	vsub.f32 v15, v9;
	vm4 =	vgt.s32 v16, v8;
	vm7 =	vlt.f32 v19, v9  }
0x2ca: {  	v18 =	vsub.f32 v17, v9;
	v13 =	vsub.f32 v19, v9;
	v10 =	vsel vm0, $0x3F800000, v0  }
0x2cb: {  	vm2 =	vmand vm0, vm2;
	v17 =	vsel vm3, $0x3F800000, v0;
	v12 =	vsel vm1, $0x3F800000, v0  }
0x2cc: {  	vm8 =	vmand vm1, vm5;
	v21 =	vsel vm4, $0x3F800000, v0;
	vm5 =	vmand vm4, vm7  }
0x2cd: {  	vm7 =	vmand vm3, vm6;
	v15 =	vand.u32 $0x7FFFFFFF, v13;
	v13 =	vsel vm8, $0x3F800000, v0  }
0x2ce: {  	v16 =	vand.u32 $0x7FFFFFFF, v20;
	v19 =	vsel vm7, $0x3F800000, v0;
	v20 =	vand.u32 $0x7FFFFFFF, v14  }
0x2cf: {  	s17 =	simm.s32 $0x3060;
	s16 =	simm.s32 $0x0;
	v14 =	vimm.f32 $0.0e+00;
	vm6 =	vle.f32 v15, $9.999999930e-09;
	v15 =	vimm.f32 $0.0e+00  }
.LBB2_50:
0x2d0: {  	v22 =	vld [tilespmem:s17+$0x10];
	v23 =	vsel vm5, $0x3F800000, v0;
	vm4 =	vmand vm4, vm6;
	v18 =	vand.u32 $0x7FFFFFFF, v18  }
0x2d1: {  	v11 =	vadd.f32 v21, v11;
	s15 =	sadd.s32 $0x40, s15;
	v24 =	vld [tilespmem:s17+$0x0];
	v21 =	vsel vm4, $0x3F800000, v0;
	vm4 =	vle.f32 v18, $9.999999930e-09  }
0x2d2: {  	v14 =	vadd.f32 v23, v14;
	v18 =	vld [tilespmem:s15+$0x10];
	v15 =	vadd.f32 v21, v15;
	vm3 =	vmand vm3, vm4  }
0x2d3: {  	v11 =	vadd.f32 v17, v11;
	v21 =	vld [tilespmem:s17+$0xFFFFFFF0];
	v17 =	vsel vm3, $0x3F800000, v0;
	vm3 =	vle.f32 v20, $9.999999930e-09  }
0x2d4: {  	v14 =	vadd.f32 v19, v14;
	v20 =	vld [tilespmem:s15+$0x0];
	v15 =	vadd.f32 v17, v15;
	vm1 =	vmand vm1, vm3  }
0x2d5: {  	v11 =	vadd.f32 v12, v11;
	v17 =	vld [tilespmem:s17+$0xFFFFFFE0];
	v12 =	vsel vm1, $0x3F800000, v0;
	vm1 =	vle.f32 v16, $9.999999930e-09  }
0x2d6: {  	v13 =	vadd.f32 v13, v14;
	v16 =	vld [tilespmem:s15+$0xFFFFFFF0];
	v12 =	vadd.f32 v12, v15;
	vm0 =	vmand vm0, vm1  }
0x2d7: {  	v11 =	vadd.f32 v10, v11;
	v10 =	vsel vm2, $0x3F800000, v0;
	v19 =	vld [tilespmem:s15+$0xFFFFFFE0];
	v15 =	vsel vm0, $0x3F800000, v0  }
0x2d8: {  	v14 =	vadd.f32 v10, v13;
	v15 =	vadd.f32 v15, v12  }
0x2d9: {  	s16 =	sadd.s32 $0x4, s16;
	vm0 =	vgt.s32 v22, v8;
	vm2 =	vlt.f32 v18, v9  }
0x2da: {  	p1 =	slt.u32 s16, $0xFC;
	vm1 =	vgt.s32 v24, v8;
	v22 =	vsub.f32 v18, v9;
	vm5 =	vlt.f32 v20, v9  }
0x2db: {  	vm3 =	vgt.s32 v21, v8;
	v20 =	vsub.f32 v20, v9;
	vm6 =	vlt.f32 v16, v9  }
0x2dc: {  	vm4 =	vgt.s32 v17, v8;
	v18 =	vsub.f32 v16, v9;
	vm7 =	vlt.f32 v19, v9  }
.Ltmp28:
0x2dd: {  	v10 =	vsel vm0, $0x3F800000, v0;
	vm2 =	vmand vm0, vm2;
	v13 =	vsub.f32 v19, v9;
	(pc) =	sbr.rel @p1 .LBB2_50-.Ltmp28, $4  }
0x2de: {  	v12 =	vsel vm1, $0x3F800000, v0;
	v17 =	vsel vm3, $0x3F800000, v0;
	vm8 =	vmand vm1, vm5  }
0x2df: {  	v21 =	vsel vm4, $0x3F800000, v0;
	vm5 =	vmand vm4, vm7;
	vm7 =	vmand vm3, vm6  }
0x2e0: {  	v16 =	vand.u32 $0x7FFFFFFF, v22;
	v19 =	vand.u32 $0x7FFFFFFF, v13;
	v13 =	vsel vm8, $0x3F800000, v0  }
0x2e1: {  	s17 =	sadd.s32 $0x40, s17;
	v20 =	vand.u32 $0x7FFFFFFF, v20;
	vm6 =	vle.f32 v19, $9.999999930e-09;
	v19 =	vsel vm7, $0x3F800000, v0  }
0x2e2: {  	v8 =	vsel vm5, $0x3F800000, v0;
	vm4 =	vmand vm4, vm6  }
0x2e3: {  	v9 =	vand.u32 $0x7FFFFFFF, v18;
	v11 =	vadd.f32 v21, v11;
	vm14 =	vle.f32 v20, $9.999999930e-09  }
0x2e4: {  	v58 =	vsel vm4, $0x3F800000, v0;
	vm13 =	vle.f32 v9, $9.999999930e-09;
	v8 =	vadd.f32 v8, v14  }
0x2e5: {  	v59 =	vadd.f32 v58, v15;
	vm3 =	vmand vm3, vm13;
	v11 =	vadd.f32 v17, v11  }
0x2e6: {  	vm15 =	vle.f32 v16, $9.999999930e-09;
	v60 =	vsel vm3, $0x3F800000, v0;
	v8 =	vadd.f32 v19, v8  }
0x2e7: {  	vm1 =	vmand vm1, vm14;
	v9 =	vadd.f32 v60, v59;
	v11 =	vadd.f32 v12, v11  }
0x2e8: {  	v62 =	vsel vm2, $0x3F800000, v0;
	v61 =	vsel vm1, $0x3F800000, v0;
	v8 =	vadd.f32 v13, v8  }
0x2e9: {  	vm0 =	vmand vm0, vm15;
	v9 =	vadd.f32 v61, v9;
	v10 =	vadd.f32 v10, v11  }
0x2ea: {  	v63 =	vsel vm0, $0x3F800000, v0;
	v8 =	vadd.f32 v62, v8  }
0x2eb: {  	v9 =	vadd.f32 v63, v9;
	v4 =	vadd.f32 v4, v10  }
0x2ec: {  	v3 =	vadd.f32 v3, v8  }
0x2ed: {  	[tilespmem:$0x4000] =	vst v4;
	v2 =	vadd.f32 v2, v9  }
0x2ee: {  	[tilespmem:$0x4080] =	vst v3  }
0x2ef: {  	[tilespmem:$0x4100] =	vst v2  }
.LBB2_52:
0x2f0: {  	(v2sf) =	vpush v7, $0xC;
	_ =	sdelay $0xe  }
0x2f1: {  	s15 =	spop (v2sf)  }
0x2f2: {  	p1 =	slt.s32 s15, $0x1  }
.Ltmp29:
0x2f3: {  	_ = 	snop;
	(pc) =	sbr.rel @p1 .LBB2_56-.Ltmp29, $1  }
0x2f4: {  	_ =	sdelay $0x3  }
0x2f5: {  	s16 =	simm.s32 $0x3020  }
0x2f6: {  	v10 =	vld [tilespmem:s16+$0x10]  }
0x2f7: {  	s15 =	simm.s32 $0x2020;
	v12 =	vld [tilespmem:s16+$0x0]  }
0x2f8: {  	v13 =	vld [tilespmem:s15+$0x10]  }
0x2f9: {  	v14 =	vld [tilespmem:s16+$0xFFFFFFF0]  }
0x2fa: {  	v15 =	vld [tilespmem:s15+$0x0]  }
0x2fb: {  	v16 =	vld [tilespmem:s16+$0xFFFFFFE0]  }
0x2fc: {  	v17 =	vld [tilespmem:s15+$0xFFFFFFF0]  }
0x2fd: {  	v8 =	vbroadcast v5, $0xC;
	v19 =	vld [tilespmem:s15+$0xFFFFFFE0]  }
0x2fe: {  	v9 =	vbroadcast v6, $0xC  }
0x2ff: {  	v11 =	vimm.f32 $0.0e+00;
	vm0 =	vgt.s32 v10, v8  }
0x300: {  	vm2 =	vlt.f32 v13, v9;
	vm1 =	vgt.s32 v12, v8;
	vm5 =	vlt.f32 v15, v9  }
0x301: {  	v20 =	vsub.f32 v13, v9;
	vm3 =	vgt.s32 v14, v8;
	vm6 =	vlt.f32 v17, v9  }
0x302: {  	v14 =	vsub.f32 v15, v9;
	vm4 =	vgt.s32 v16, v8;
	vm7 =	vlt.f32 v19, v9  }
0x303: {  	v18 =	vsub.f32 v17, v9;
	v13 =	vsub.f32 v19, v9;
	v10 =	vsel vm0, $0x3F800000, v0  }
0x304: {  	vm2 =	vmand vm0, vm2;
	v17 =	vsel vm3, $0x3F800000, v0;
	v12 =	vsel vm1, $0x3F800000, v0  }
0x305: {  	vm8 =	vmand vm1, vm5;
	v21 =	vsel vm4, $0x3F800000, v0;
	vm5 =	vmand vm4, vm7  }
0x306: {  	vm7 =	vmand vm3, vm6;
	v15 =	vand.u32 $0x7FFFFFFF, v13;
	v13 =	vsel vm8, $0x3F800000, v0  }
0x307: {  	v16 =	vand.u32 $0x7FFFFFFF, v20;
	v19 =	vsel vm7, $0x3F800000, v0;
	v20 =	vand.u32 $0x7FFFFFFF, v14  }
0x308: {  	s17 =	simm.s32 $0x3060;
	s16 =	simm.s32 $0x0;
	v14 =	vimm.f32 $0.0e+00;
	vm6 =	vle.f32 v15, $9.999999930e-09;
	v15 =	vimm.f32 $0.0e+00  }
.LBB2_54:
0x309: {  	v22 =	vld [tilespmem:s17+$0x10];
	v23 =	vsel vm5, $0x3F800000, v0;
	vm4 =	vmand vm4, vm6;
	v18 =	vand.u32 $0x7FFFFFFF, v18  }
0x30a: {  	v11 =	vadd.f32 v21, v11;
	s15 =	sadd.s32 $0x40, s15;
	v24 =	vld [tilespmem:s17+$0x0];
	v21 =	vsel vm4, $0x3F800000, v0;
	vm4 =	vle.f32 v18, $9.999999930e-09  }
0x30b: {  	v14 =	vadd.f32 v23, v14;
	v18 =	vld [tilespmem:s15+$0x10];
	v15 =	vadd.f32 v21, v15;
	vm3 =	vmand vm3, vm4  }
0x30c: {  	v11 =	vadd.f32 v17, v11;
	v21 =	vld [tilespmem:s17+$0xFFFFFFF0];
	v17 =	vsel vm3, $0x3F800000, v0;
	vm3 =	vle.f32 v20, $9.999999930e-09  }
0x30d: {  	v14 =	vadd.f32 v19, v14;
	v20 =	vld [tilespmem:s15+$0x0];
	v15 =	vadd.f32 v17, v15;
	vm1 =	vmand vm1, vm3  }
0x30e: {  	v11 =	vadd.f32 v12, v11;
	v17 =	vld [tilespmem:s17+$0xFFFFFFE0];
	v12 =	vsel vm1, $0x3F800000, v0;
	vm1 =	vle.f32 v16, $9.999999930e-09  }
0x30f: {  	v13 =	vadd.f32 v13, v14;
	v16 =	vld [tilespmem:s15+$0xFFFFFFF0];
	v12 =	vadd.f32 v12, v15;
	vm0 =	vmand vm0, vm1  }
0x310: {  	v11 =	vadd.f32 v10, v11;
	v10 =	vsel vm2, $0x3F800000, v0;
	v19 =	vld [tilespmem:s15+$0xFFFFFFE0];
	v15 =	vsel vm0, $0x3F800000, v0  }
0x311: {  	v14 =	vadd.f32 v10, v13;
	v15 =	vadd.f32 v15, v12  }
0x312: {  	s16 =	sadd.s32 $0x4, s16;
	vm0 =	vgt.s32 v22, v8;
	vm2 =	vlt.f32 v18, v9  }
0x313: {  	p1 =	slt.u32 s16, $0xFC;
	vm1 =	vgt.s32 v24, v8;
	v22 =	vsub.f32 v18, v9;
	vm5 =	vlt.f32 v20, v9  }
0x314: {  	vm3 =	vgt.s32 v21, v8;
	v20 =	vsub.f32 v20, v9;
	vm6 =	vlt.f32 v16, v9  }
0x315: {  	vm4 =	vgt.s32 v17, v8;
	v18 =	vsub.f32 v16, v9;
	vm7 =	vlt.f32 v19, v9  }
.Ltmp30:
0x316: {  	v10 =	vsel vm0, $0x3F800000, v0;
	vm2 =	vmand vm0, vm2;
	v13 =	vsub.f32 v19, v9;
	(pc) =	sbr.rel @p1 .LBB2_54-.Ltmp30, $4  }
0x317: {  	v12 =	vsel vm1, $0x3F800000, v0;
	v17 =	vsel vm3, $0x3F800000, v0;
	vm8 =	vmand vm1, vm5  }
0x318: {  	v21 =	vsel vm4, $0x3F800000, v0;
	vm5 =	vmand vm4, vm7;
	vm7 =	vmand vm3, vm6  }
0x319: {  	v16 =	vand.u32 $0x7FFFFFFF, v22;
	v19 =	vand.u32 $0x7FFFFFFF, v13;
	v13 =	vsel vm8, $0x3F800000, v0  }
0x31a: {  	s17 =	sadd.s32 $0x40, s17;
	v20 =	vand.u32 $0x7FFFFFFF, v20;
	vm6 =	vle.f32 v19, $9.999999930e-09;
	v19 =	vsel vm7, $0x3F800000, v0  }
0x31b: {  	v8 =	vsel vm5, $0x3F800000, v0;
	vm4 =	vmand vm4, vm6  }
0x31c: {  	v9 =	vand.u32 $0x7FFFFFFF, v18;
	v11 =	vadd.f32 v21, v11;
	vm14 =	vle.f32 v20, $9.999999930e-09  }
0x31d: {  	v58 =	vsel vm4, $0x3F800000, v0;
	vm13 =	vle.f32 v9, $9.999999930e-09;
	v8 =	vadd.f32 v8, v14  }
0x31e: {  	v59 =	vadd.f32 v58, v15;
	vm3 =	vmand vm3, vm13;
	v11 =	vadd.f32 v17, v11  }
0x31f: {  	vm15 =	vle.f32 v16, $9.999999930e-09;
	v60 =	vsel vm3, $0x3F800000, v0;
	v8 =	vadd.f32 v19, v8  }
0x320: {  	vm1 =	vmand vm1, vm14;
	v9 =	vadd.f32 v60, v59;
	v11 =	vadd.f32 v12, v11  }
0x321: {  	v62 =	vsel vm2, $0x3F800000, v0;
	v61 =	vsel vm1, $0x3F800000, v0;
	v8 =	vadd.f32 v13, v8  }
0x322: {  	vm0 =	vmand vm0, vm15;
	v9 =	vadd.f32 v61, v9;
	v10 =	vadd.f32 v10, v11  }
0x323: {  	v63 =	vsel vm0, $0x3F800000, v0;
	v8 =	vadd.f32 v62, v8  }
0x324: {  	v9 =	vadd.f32 v63, v9;
	v4 =	vadd.f32 v4, v10  }
0x325: {  	v3 =	vadd.f32 v3, v8  }
0x326: {  	[tilespmem:$0x4000] =	vst v4;
	v2 =	vadd.f32 v2, v9  }
0x327: {  	[tilespmem:$0x4080] =	vst v3  }
0x328: {  	[tilespmem:$0x4100] =	vst v2  }
.LBB2_56:
0x329: {  	(v2sf) =	vpush v7, $0xD;
	_ =	sdelay $0xe  }
0x32a: {  	s15 =	spop (v2sf)  }
0x32b: {  	p1 =	slt.s32 s15, $0x1  }
.Ltmp31:
0x32c: {  	_ = 	snop;
	(pc) =	sbr.rel @p1 .LBB2_60-.Ltmp31, $1  }
0x32d: {  	_ =	sdelay $0x3  }
0x32e: {  	s16 =	simm.s32 $0x3020  }
0x32f: {  	v10 =	vld [tilespmem:s16+$0x10]  }
0x330: {  	s15 =	simm.s32 $0x2020;
	v12 =	vld [tilespmem:s16+$0x0]  }
0x331: {  	v13 =	vld [tilespmem:s15+$0x10]  }
0x332: {  	v14 =	vld [tilespmem:s16+$0xFFFFFFF0]  }
0x333: {  	v15 =	vld [tilespmem:s15+$0x0]  }
0x334: {  	v16 =	vld [tilespmem:s16+$0xFFFFFFE0]  }
0x335: {  	v17 =	vld [tilespmem:s15+$0xFFFFFFF0]  }
0x336: {  	v8 =	vbroadcast v5, $0xD;
	v19 =	vld [tilespmem:s15+$0xFFFFFFE0]  }
0x337: {  	v9 =	vbroadcast v6, $0xD  }
0x338: {  	v11 =	vimm.f32 $0.0e+00;
	vm0 =	vgt.s32 v10, v8  }
0x339: {  	vm2 =	vlt.f32 v13, v9;
	vm1 =	vgt.s32 v12, v8;
	vm5 =	vlt.f32 v15, v9  }
0x33a: {  	v20 =	vsub.f32 v13, v9;
	vm3 =	vgt.s32 v14, v8;
	vm6 =	vlt.f32 v17, v9  }
0x33b: {  	v14 =	vsub.f32 v15, v9;
	vm4 =	vgt.s32 v16, v8;
	vm7 =	vlt.f32 v19, v9  }
0x33c: {  	v18 =	vsub.f32 v17, v9;
	v13 =	vsub.f32 v19, v9;
	v10 =	vsel vm0, $0x3F800000, v0  }
0x33d: {  	vm2 =	vmand vm0, vm2;
	v17 =	vsel vm3, $0x3F800000, v0;
	v12 =	vsel vm1, $0x3F800000, v0  }
0x33e: {  	vm8 =	vmand vm1, vm5;
	v21 =	vsel vm4, $0x3F800000, v0;
	vm5 =	vmand vm4, vm7  }
0x33f: {  	vm7 =	vmand vm3, vm6;
	v15 =	vand.u32 $0x7FFFFFFF, v13;
	v13 =	vsel vm8, $0x3F800000, v0  }
0x340: {  	v16 =	vand.u32 $0x7FFFFFFF, v20;
	v19 =	vsel vm7, $0x3F800000, v0;
	v20 =	vand.u32 $0x7FFFFFFF, v14  }
0x341: {  	s17 =	simm.s32 $0x3060;
	s16 =	simm.s32 $0x0;
	v14 =	vimm.f32 $0.0e+00;
	vm6 =	vle.f32 v15, $9.999999930e-09;
	v15 =	vimm.f32 $0.0e+00  }
.LBB2_58:
0x342: {  	v22 =	vld [tilespmem:s17+$0x10];
	v23 =	vsel vm5, $0x3F800000, v0;
	vm4 =	vmand vm4, vm6;
	v18 =	vand.u32 $0x7FFFFFFF, v18  }
0x343: {  	v11 =	vadd.f32 v21, v11;
	s15 =	sadd.s32 $0x40, s15;
	v24 =	vld [tilespmem:s17+$0x0];
	v21 =	vsel vm4, $0x3F800000, v0;
	vm4 =	vle.f32 v18, $9.999999930e-09  }
0x344: {  	v14 =	vadd.f32 v23, v14;
	v18 =	vld [tilespmem:s15+$0x10];
	v15 =	vadd.f32 v21, v15;
	vm3 =	vmand vm3, vm4  }
0x345: {  	v11 =	vadd.f32 v17, v11;
	v21 =	vld [tilespmem:s17+$0xFFFFFFF0];
	v17 =	vsel vm3, $0x3F800000, v0;
	vm3 =	vle.f32 v20, $9.999999930e-09  }
0x346: {  	v14 =	vadd.f32 v19, v14;
	v20 =	vld [tilespmem:s15+$0x0];
	v15 =	vadd.f32 v17, v15;
	vm1 =	vmand vm1, vm3  }
0x347: {  	v11 =	vadd.f32 v12, v11;
	v17 =	vld [tilespmem:s17+$0xFFFFFFE0];
	v12 =	vsel vm1, $0x3F800000, v0;
	vm1 =	vle.f32 v16, $9.999999930e-09  }
0x348: {  	v13 =	vadd.f32 v13, v14;
	v16 =	vld [tilespmem:s15+$0xFFFFFFF0];
	v12 =	vadd.f32 v12, v15;
	vm0 =	vmand vm0, vm1  }
0x349: {  	v11 =	vadd.f32 v10, v11;
	v10 =	vsel vm2, $0x3F800000, v0;
	v19 =	vld [tilespmem:s15+$0xFFFFFFE0];
	v15 =	vsel vm0, $0x3F800000, v0  }
0x34a: {  	v14 =	vadd.f32 v10, v13;
	v15 =	vadd.f32 v15, v12  }
0x34b: {  	s16 =	sadd.s32 $0x4, s16;
	vm0 =	vgt.s32 v22, v8;
	vm2 =	vlt.f32 v18, v9  }
0x34c: {  	p1 =	slt.u32 s16, $0xFC;
	vm1 =	vgt.s32 v24, v8;
	v22 =	vsub.f32 v18, v9;
	vm5 =	vlt.f32 v20, v9  }
0x34d: {  	vm3 =	vgt.s32 v21, v8;
	v20 =	vsub.f32 v20, v9;
	vm6 =	vlt.f32 v16, v9  }
0x34e: {  	vm4 =	vgt.s32 v17, v8;
	v18 =	vsub.f32 v16, v9;
	vm7 =	vlt.f32 v19, v9  }
.Ltmp32:
0x34f: {  	v10 =	vsel vm0, $0x3F800000, v0;
	vm2 =	vmand vm0, vm2;
	v13 =	vsub.f32 v19, v9;
	(pc) =	sbr.rel @p1 .LBB2_58-.Ltmp32, $4  }
0x350: {  	v12 =	vsel vm1, $0x3F800000, v0;
	v17 =	vsel vm3, $0x3F800000, v0;
	vm8 =	vmand vm1, vm5  }
0x351: {  	v21 =	vsel vm4, $0x3F800000, v0;
	vm5 =	vmand vm4, vm7;
	vm7 =	vmand vm3, vm6  }
0x352: {  	v16 =	vand.u32 $0x7FFFFFFF, v22;
	v19 =	vand.u32 $0x7FFFFFFF, v13;
	v13 =	vsel vm8, $0x3F800000, v0  }
0x353: {  	s17 =	sadd.s32 $0x40, s17;
	v20 =	vand.u32 $0x7FFFFFFF, v20;
	vm6 =	vle.f32 v19, $9.999999930e-09;
	v19 =	vsel vm7, $0x3F800000, v0  }
0x354: {  	v8 =	vsel vm5, $0x3F800000, v0;
	vm4 =	vmand vm4, vm6  }
0x355: {  	v9 =	vand.u32 $0x7FFFFFFF, v18;
	v11 =	vadd.f32 v21, v11;
	vm14 =	vle.f32 v20, $9.999999930e-09  }
0x356: {  	v58 =	vsel vm4, $0x3F800000, v0;
	vm13 =	vle.f32 v9, $9.999999930e-09;
	v8 =	vadd.f32 v8, v14  }
0x357: {  	v59 =	vadd.f32 v58, v15;
	vm3 =	vmand vm3, vm13;
	v11 =	vadd.f32 v17, v11  }
0x358: {  	vm15 =	vle.f32 v16, $9.999999930e-09;
	v60 =	vsel vm3, $0x3F800000, v0;
	v8 =	vadd.f32 v19, v8  }
0x359: {  	vm1 =	vmand vm1, vm14;
	v9 =	vadd.f32 v60, v59;
	v11 =	vadd.f32 v12, v11  }
0x35a: {  	v62 =	vsel vm2, $0x3F800000, v0;
	v61 =	vsel vm1, $0x3F800000, v0;
	v8 =	vadd.f32 v13, v8  }
0x35b: {  	vm0 =	vmand vm0, vm15;
	v9 =	vadd.f32 v61, v9;
	v10 =	vadd.f32 v10, v11  }
0x35c: {  	v63 =	vsel vm0, $0x3F800000, v0;
	v8 =	vadd.f32 v62, v8  }
0x35d: {  	v9 =	vadd.f32 v63, v9;
	v4 =	vadd.f32 v4, v10  }
0x35e: {  	v3 =	vadd.f32 v3, v8  }
0x35f: {  	[tilespmem:$0x4000] =	vst v4;
	v2 =	vadd.f32 v2, v9  }
0x360: {  	[tilespmem:$0x4080] =	vst v3  }
0x361: {  	[tilespmem:$0x4100] =	vst v2  }
.LBB2_60:
0x362: {  	(v2sf) =	vpush v7, $0xE;
	_ =	sdelay $0xe  }
0x363: {  	s15 =	spop (v2sf)  }
0x364: {  	p1 =	slt.s32 s15, $0x1  }
.Ltmp33:
0x365: {  	_ = 	snop;
	(pc) =	sbr.rel @p1 .LBB2_64-.Ltmp33, $1  }
0x366: {  	_ =	sdelay $0x3  }
0x367: {  	s16 =	simm.s32 $0x3020  }
0x368: {  	v10 =	vld [tilespmem:s16+$0x10]  }
0x369: {  	s15 =	simm.s32 $0x2020;
	v12 =	vld [tilespmem:s16+$0x0]  }
0x36a: {  	v13 =	vld [tilespmem:s15+$0x10]  }
0x36b: {  	v14 =	vld [tilespmem:s16+$0xFFFFFFF0]  }
0x36c: {  	v15 =	vld [tilespmem:s15+$0x0]  }
0x36d: {  	v16 =	vld [tilespmem:s16+$0xFFFFFFE0]  }
0x36e: {  	v17 =	vld [tilespmem:s15+$0xFFFFFFF0]  }
0x36f: {  	v8 =	vbroadcast v5, $0xE;
	v19 =	vld [tilespmem:s15+$0xFFFFFFE0]  }
0x370: {  	v9 =	vbroadcast v6, $0xE  }
0x371: {  	v11 =	vimm.f32 $0.0e+00;
	vm0 =	vgt.s32 v10, v8  }
0x372: {  	vm2 =	vlt.f32 v13, v9;
	vm1 =	vgt.s32 v12, v8;
	vm5 =	vlt.f32 v15, v9  }
0x373: {  	v20 =	vsub.f32 v13, v9;
	vm3 =	vgt.s32 v14, v8;
	vm6 =	vlt.f32 v17, v9  }
0x374: {  	v14 =	vsub.f32 v15, v9;
	vm4 =	vgt.s32 v16, v8;
	vm7 =	vlt.f32 v19, v9  }
0x375: {  	v18 =	vsub.f32 v17, v9;
	v13 =	vsub.f32 v19, v9;
	v10 =	vsel vm0, $0x3F800000, v0  }
0x376: {  	vm2 =	vmand vm0, vm2;
	v17 =	vsel vm3, $0x3F800000, v0;
	v12 =	vsel vm1, $0x3F800000, v0  }
0x377: {  	vm8 =	vmand vm1, vm5;
	v21 =	vsel vm4, $0x3F800000, v0;
	vm5 =	vmand vm4, vm7  }
0x378: {  	vm7 =	vmand vm3, vm6;
	v15 =	vand.u32 $0x7FFFFFFF, v13;
	v13 =	vsel vm8, $0x3F800000, v0  }
0x379: {  	v16 =	vand.u32 $0x7FFFFFFF, v20;
	v19 =	vsel vm7, $0x3F800000, v0;
	v20 =	vand.u32 $0x7FFFFFFF, v14  }
0x37a: {  	s17 =	simm.s32 $0x3060;
	s16 =	simm.s32 $0x0;
	v14 =	vimm.f32 $0.0e+00;
	vm6 =	vle.f32 v15, $9.999999930e-09;
	v15 =	vimm.f32 $0.0e+00  }
.LBB2_62:
0x37b: {  	v22 =	vld [tilespmem:s17+$0x10];
	v23 =	vsel vm5, $0x3F800000, v0;
	vm4 =	vmand vm4, vm6;
	v18 =	vand.u32 $0x7FFFFFFF, v18  }
0x37c: {  	v11 =	vadd.f32 v21, v11;
	s15 =	sadd.s32 $0x40, s15;
	v24 =	vld [tilespmem:s17+$0x0];
	v21 =	vsel vm4, $0x3F800000, v0;
	vm4 =	vle.f32 v18, $9.999999930e-09  }
0x37d: {  	v14 =	vadd.f32 v23, v14;
	v18 =	vld [tilespmem:s15+$0x10];
	v15 =	vadd.f32 v21, v15;
	vm3 =	vmand vm3, vm4  }
0x37e: {  	v11 =	vadd.f32 v17, v11;
	v21 =	vld [tilespmem:s17+$0xFFFFFFF0];
	v17 =	vsel vm3, $0x3F800000, v0;
	vm3 =	vle.f32 v20, $9.999999930e-09  }
0x37f: {  	v14 =	vadd.f32 v19, v14;
	v20 =	vld [tilespmem:s15+$0x0];
	v15 =	vadd.f32 v17, v15;
	vm1 =	vmand vm1, vm3  }
0x380: {  	v11 =	vadd.f32 v12, v11;
	v17 =	vld [tilespmem:s17+$0xFFFFFFE0];
	v12 =	vsel vm1, $0x3F800000, v0;
	vm1 =	vle.f32 v16, $9.999999930e-09  }
0x381: {  	v13 =	vadd.f32 v13, v14;
	v16 =	vld [tilespmem:s15+$0xFFFFFFF0];
	v12 =	vadd.f32 v12, v15;
	vm0 =	vmand vm0, vm1  }
0x382: {  	v11 =	vadd.f32 v10, v11;
	v10 =	vsel vm2, $0x3F800000, v0;
	v19 =	vld [tilespmem:s15+$0xFFFFFFE0];
	v15 =	vsel vm0, $0x3F800000, v0  }
0x383: {  	v14 =	vadd.f32 v10, v13;
	v15 =	vadd.f32 v15, v12  }
0x384: {  	s16 =	sadd.s32 $0x4, s16;
	vm0 =	vgt.s32 v22, v8;
	vm2 =	vlt.f32 v18, v9  }
0x385: {  	p1 =	slt.u32 s16, $0xFC;
	vm1 =	vgt.s32 v24, v8;
	v22 =	vsub.f32 v18, v9;
	vm5 =	vlt.f32 v20, v9  }
0x386: {  	vm3 =	vgt.s32 v21, v8;
	v20 =	vsub.f32 v20, v9;
	vm6 =	vlt.f32 v16, v9  }
0x387: {  	vm4 =	vgt.s32 v17, v8;
	v18 =	vsub.f32 v16, v9;
	vm7 =	vlt.f32 v19, v9  }
.Ltmp34:
0x388: {  	v10 =	vsel vm0, $0x3F800000, v0;
	vm2 =	vmand vm0, vm2;
	v13 =	vsub.f32 v19, v9;
	(pc) =	sbr.rel @p1 .LBB2_62-.Ltmp34, $4  }
0x389: {  	v12 =	vsel vm1, $0x3F800000, v0;
	v17 =	vsel vm3, $0x3F800000, v0;
	vm8 =	vmand vm1, vm5  }
0x38a: {  	v21 =	vsel vm4, $0x3F800000, v0;
	vm5 =	vmand vm4, vm7;
	vm7 =	vmand vm3, vm6  }
0x38b: {  	v16 =	vand.u32 $0x7FFFFFFF, v22;
	v19 =	vand.u32 $0x7FFFFFFF, v13;
	v13 =	vsel vm8, $0x3F800000, v0  }
0x38c: {  	s17 =	sadd.s32 $0x40, s17;
	v20 =	vand.u32 $0x7FFFFFFF, v20;
	vm6 =	vle.f32 v19, $9.999999930e-09;
	v19 =	vsel vm7, $0x3F800000, v0  }
0x38d: {  	v8 =	vsel vm5, $0x3F800000, v0;
	vm4 =	vmand vm4, vm6  }
0x38e: {  	v9 =	vand.u32 $0x7FFFFFFF, v18;
	v11 =	vadd.f32 v21, v11;
	vm14 =	vle.f32 v20, $9.999999930e-09  }
0x38f: {  	v58 =	vsel vm4, $0x3F800000, v0;
	vm13 =	vle.f32 v9, $9.999999930e-09;
	v8 =	vadd.f32 v8, v14  }
0x390: {  	v59 =	vadd.f32 v58, v15;
	vm3 =	vmand vm3, vm13;
	v11 =	vadd.f32 v17, v11  }
0x391: {  	vm15 =	vle.f32 v16, $9.999999930e-09;
	v60 =	vsel vm3, $0x3F800000, v0;
	v8 =	vadd.f32 v19, v8  }
0x392: {  	vm1 =	vmand vm1, vm14;
	v9 =	vadd.f32 v60, v59;
	v11 =	vadd.f32 v12, v11  }
0x393: {  	v62 =	vsel vm2, $0x3F800000, v0;
	v61 =	vsel vm1, $0x3F800000, v0;
	v8 =	vadd.f32 v13, v8  }
0x394: {  	vm0 =	vmand vm0, vm15;
	v9 =	vadd.f32 v61, v9;
	v10 =	vadd.f32 v10, v11  }
0x395: {  	v63 =	vsel vm0, $0x3F800000, v0;
	v8 =	vadd.f32 v62, v8  }
0x396: {  	v9 =	vadd.f32 v63, v9;
	v4 =	vadd.f32 v4, v10  }
0x397: {  	v3 =	vadd.f32 v3, v8  }
0x398: {  	[tilespmem:$0x4000] =	vst v4;
	v2 =	vadd.f32 v2, v9  }
0x399: {  	[tilespmem:$0x4080] =	vst v3  }
0x39a: {  	[tilespmem:$0x4100] =	vst v2  }
.LBB2_64:
0x39b: {  	(v2sf) =	vpush v7, $0xF;
	_ =	sdelay $0xe  }
0x39c: {  	s15 =	spop (v2sf)  }
0x39d: {  	p1 =	slt.s32 s15, $0x1  }
.Ltmp35:
0x39e: {  	_ = 	snop;
	(pc) =	sbr.rel @p1 .LBB2_68-.Ltmp35, $1  }
0x39f: {  	_ =	sdelay $0x3  }
0x3a0: {  	s16 =	simm.s32 $0x3020  }
0x3a1: {  	v7 =	vld [tilespmem:s16+$0x10]  }
0x3a2: {  	s15 =	simm.s32 $0x2020;
	v9 =	vld [tilespmem:s16+$0x0]  }
0x3a3: {  	v10 =	vld [tilespmem:s15+$0x10]  }
0x3a4: {  	v11 =	vld [tilespmem:s16+$0xFFFFFFF0]  }
0x3a5: {  	v12 =	vld [tilespmem:s15+$0x0]  }
0x3a6: {  	v13 =	vld [tilespmem:s16+$0xFFFFFFE0]  }
0x3a7: {  	v14 =	vld [tilespmem:s15+$0xFFFFFFF0]  }
0x3a8: {  	v5 =	vbroadcast v5, $0xF;
	v16 =	vld [tilespmem:s15+$0xFFFFFFE0]  }
0x3a9: {  	v6 =	vbroadcast v6, $0xF  }
0x3aa: {  	v8 =	vimm.f32 $0.0e+00;
	vm0 =	vgt.s32 v7, v5  }
0x3ab: {  	vm2 =	vlt.f32 v10, v6;
	vm1 =	vgt.s32 v9, v5;
	vm5 =	vlt.f32 v12, v6  }
0x3ac: {  	v17 =	vsub.f32 v10, v6;
	vm3 =	vgt.s32 v11, v5;
	vm6 =	vlt.f32 v14, v6  }
0x3ad: {  	v11 =	vsub.f32 v12, v6;
	vm4 =	vgt.s32 v13, v5;
	vm7 =	vlt.f32 v16, v6  }
0x3ae: {  	v15 =	vsub.f32 v14, v6;
	v10 =	vsub.f32 v16, v6;
	v7 =	vsel vm0, $0x3F800000, v0  }
0x3af: {  	vm2 =	vmand vm0, vm2;
	v14 =	vsel vm3, $0x3F800000, v0;
	v9 =	vsel vm1, $0x3F800000, v0  }
0x3b0: {  	vm8 =	vmand vm1, vm5;
	v18 =	vsel vm4, $0x3F800000, v0;
	vm5 =	vmand vm4, vm7  }
0x3b1: {  	vm7 =	vmand vm3, vm6;
	v12 =	vand.u32 $0x7FFFFFFF, v10;
	v10 =	vsel vm8, $0x3F800000, v0  }
0x3b2: {  	v13 =	vand.u32 $0x7FFFFFFF, v17;
	v16 =	vsel vm7, $0x3F800000, v0;
	v17 =	vand.u32 $0x7FFFFFFF, v11  }
0x3b3: {  	s17 =	simm.s32 $0x3060;
	s16 =	simm.s32 $0x0;
	v11 =	vimm.f32 $0.0e+00;
	vm6 =	vle.f32 v12, $9.999999930e-09;
	v12 =	vimm.f32 $0.0e+00  }
.LBB2_66:
0x3b4: {  	v19 =	vld [tilespmem:s17+$0x10];
	v20 =	vsel vm5, $0x3F800000, v0;
	vm4 =	vmand vm4, vm6;
	v15 =	vand.u32 $0x7FFFFFFF, v15  }
0x3b5: {  	v8 =	vadd.f32 v18, v8;
	s15 =	sadd.s32 $0x40, s15;
	v21 =	vld [tilespmem:s17+$0x0];
	v18 =	vsel vm4, $0x3F800000, v0;
	vm4 =	vle.f32 v15, $9.999999930e-09  }
0x3b6: {  	v11 =	vadd.f32 v20, v11;
	v15 =	vld [tilespmem:s15+$0x10];
	v12 =	vadd.f32 v18, v12;
	vm3 =	vmand vm3, vm4  }
0x3b7: {  	v8 =	vadd.f32 v14, v8;
	v18 =	vld [tilespmem:s17+$0xFFFFFFF0];
	v14 =	vsel vm3, $0x3F800000, v0;
	vm3 =	vle.f32 v17, $9.999999930e-09  }
0x3b8: {  	v11 =	vadd.f32 v16, v11;
	v17 =	vld [tilespmem:s15+$0x0];
	v12 =	vadd.f32 v14, v12;
	vm1 =	vmand vm1, vm3  }
0x3b9: {  	v8 =	vadd.f32 v9, v8;
	v14 =	vld [tilespmem:s17+$0xFFFFFFE0];
	v9 =	vsel vm1, $0x3F800000, v0;
	vm1 =	vle.f32 v13, $9.999999930e-09  }
0x3ba: {  	v10 =	vadd.f32 v10, v11;
	v13 =	vld [tilespmem:s15+$0xFFFFFFF0];
	v9 =	vadd.f32 v9, v12;
	vm0 =	vmand vm0, vm1  }
0x3bb: {  	v8 =	vadd.f32 v7, v8;
	v7 =	vsel vm2, $0x3F800000, v0;
	v16 =	vld [tilespmem:s15+$0xFFFFFFE0];
	v12 =	vsel vm0, $0x3F800000, v0  }
0x3bc: {  	v11 =	vadd.f32 v7, v10;
	v12 =	vadd.f32 v12, v9  }
0x3bd: {  	s16 =	sadd.s32 $0x4, s16;
	vm0 =	vgt.s32 v19, v5;
	vm2 =	vlt.f32 v15, v6  }
0x3be: {  	p1 =	slt.u32 s16, $0xFC;
	vm1 =	vgt.s32 v21, v5;
	v19 =	vsub.f32 v15, v6;
	vm5 =	vlt.f32 v17, v6  }
0x3bf: {  	vm3 =	vgt.s32 v18, v5;
	v17 =	vsub.f32 v17, v6;
	vm6 =	vlt.f32 v13, v6  }
0x3c0: {  	vm4 =	vgt.s32 v14, v5;
	v15 =	vsub.f32 v13, v6;
	vm7 =	vlt.f32 v16, v6  }
.Ltmp36:
0x3c1: {  	v7 =	vsel vm0, $0x3F800000, v0;
	vm2 =	vmand vm0, vm2;
	v10 =	vsub.f32 v16, v6;
	(pc) =	sbr.rel @p1 .LBB2_66-.Ltmp36, $4  }
0x3c2: {  	v9 =	vsel vm1, $0x3F800000, v0;
	v14 =	vsel vm3, $0x3F800000, v0;
	vm8 =	vmand vm1, vm5  }
0x3c3: {  	v18 =	vsel vm4, $0x3F800000, v0;
	vm5 =	vmand vm4, vm7;
	vm7 =	vmand vm3, vm6  }
0x3c4: {  	v13 =	vand.u32 $0x7FFFFFFF, v19;
	v16 =	vand.u32 $0x7FFFFFFF, v10;
	v10 =	vsel vm8, $0x3F800000, v0  }
0x3c5: {  	s17 =	sadd.s32 $0x40, s17;
	v17 =	vand.u32 $0x7FFFFFFF, v17;
	vm6 =	vle.f32 v16, $9.999999930e-09;
	v16 =	vsel vm7, $0x3F800000, v0  }
0x3c6: {  	v5 =	vsel vm5, $0x3F800000, v0;
	vm4 =	vmand vm4, vm6  }
0x3c7: {  	v6 =	vand.u32 $0x7FFFFFFF, v15;
	v8 =	vadd.f32 v18, v8;
	vm14 =	vle.f32 v17, $9.999999930e-09  }
0x3c8: {  	v59 =	vsel vm4, $0x3F800000, v0;
	vm13 =	vle.f32 v6, $9.999999930e-09;
	v5 =	vadd.f32 v5, v11  }
0x3c9: {  	v6 =	vadd.f32 v59, v12;
	vm3 =	vmand vm3, vm13;
	v8 =	vadd.f32 v14, v8  }
0x3ca: {  	vm15 =	vle.f32 v13, $9.999999930e-09;
	v60 =	vsel vm3, $0x3F800000, v0;
	v5 =	vadd.f32 v16, v5  }
0x3cb: {  	vm1 =	vmand vm1, vm14;
	v6 =	vadd.f32 v60, v6;
	v8 =	vadd.f32 v9, v8  }
0x3cc: {  	v62 =	vsel vm2, $0x3F800000, v0;
	v61 =	vsel vm1, $0x3F800000, v0;
	v5 =	vadd.f32 v10, v5  }
0x3cd: {  	vm0 =	vmand vm0, vm15;
	v6 =	vadd.f32 v61, v6;
	v7 =	vadd.f32 v7, v8  }
0x3ce: {  	v63 =	vsel vm0, $0x3F800000, v0;
	v5 =	vadd.f32 v62, v5  }
.Ltmp37:
0x3cf: {  	v6 =	vadd.f32 v63, v6;
	v4 =	vadd.f32 v4, v7;
	(pc) =	sbr.rel .LBB2_68-.Ltmp37, $4  }
0x3d0: {  	v3 =	vadd.f32 v3, v5  }
0x3d1: {  	[tilespmem:$0x4000] =	vst v4;
	v2 =	vadd.f32 v2, v6  }
0x3d2: {  	[tilespmem:$0x4080] =	vst v3  }
0x3d3: {  	[tilespmem:$0x4100] =	vst v2  }
.LBB2_69:
0x3d4: {  	v7 =	vld [tilespmem:s6+$0x20];
	_ =	sdelay $0x4  }
0x3d5: {  	(v2sf) =	vpush v7, $0x0;
	_ =	sdelay $0xe  }
0x3d6: {  	s15 =	spop (v2sf)  }
0x3d7: {  	p0 =	slt.s32 s15, $0x1  }
.Ltmp38:
0x3d8: {  	_ = 	snop;
	(pc) =	sbr.rel @p0 .LBB2_73-.Ltmp38, $3  }
0x3d9: {  	_ =	sdelay $0x1  }
0x3da: {  	v5 =	vld [tilespmem:s7+$0x3000]  }
0x3db: {  	v6 =	vld [tilespmem:s7+$0x2000]  }
0x3dc: {  	s16 =	simm.s32 $0x3020  }
0x3dd: {  	v10 =	vld [tilespmem:s16+$0x10]  }
0x3de: {  	s15 =	simm.s32 $0x2020;
	v12 =	vld [tilespmem:s16+$0x0]  }
0x3df: {  	v13 =	vld [tilespmem:s15+$0x10]  }
0x3e0: {  	v14 =	vld [tilespmem:s16+$0xFFFFFFF0]  }
0x3e1: {  	v15 =	vld [tilespmem:s15+$0x0]  }
0x3e2: {  	v16 =	vld [tilespmem:s16+$0xFFFFFFE0]  }
0x3e3: {  	v17 =	vld [tilespmem:s15+$0xFFFFFFF0]  }
0x3e4: {  	v19 =	vld [tilespmem:s15+$0xFFFFFFE0];
	v8 =	vbroadcast v5, $0x0  }
0x3e5: {  	v9 =	vbroadcast v6, $0x0  }
0x3e6: {  	v11 =	vimm.f32 $0.0e+00;
	vm0 =	vgt.s32 v10, v8  }
0x3e7: {  	vm2 =	vlt.f32 v13, v9;
	vm1 =	vgt.s32 v12, v8;
	vm5 =	vlt.f32 v15, v9  }
0x3e8: {  	v20 =	vsub.f32 v13, v9;
	vm3 =	vgt.s32 v14, v8;
	vm6 =	vlt.f32 v17, v9  }
0x3e9: {  	v14 =	vsub.f32 v15, v9;
	vm4 =	vgt.s32 v16, v8;
	vm7 =	vlt.f32 v19, v9  }
0x3ea: {  	v18 =	vsub.f32 v17, v9;
	v13 =	vsub.f32 v19, v9;
	v10 =	vsel vm0, $0x3F800000, v0  }
0x3eb: {  	vm2 =	vmand vm0, vm2;
	v17 =	vsel vm3, $0x3F800000, v0;
	v12 =	vsel vm1, $0x3F800000, v0  }
0x3ec: {  	vm8 =	vmand vm1, vm5;
	v21 =	vsel vm4, $0x3F800000, v0;
	vm5 =	vmand vm4, vm7  }
0x3ed: {  	vm7 =	vmand vm3, vm6;
	v15 =	vand.u32 $0x7FFFFFFF, v13;
	v13 =	vsel vm8, $0x3F800000, v0  }
0x3ee: {  	v16 =	vand.u32 $0x7FFFFFFF, v20;
	v19 =	vsel vm7, $0x3F800000, v0;
	v20 =	vand.u32 $0x7FFFFFFF, v14  }
0x3ef: {  	s17 =	simm.s32 $0x3060;
	s16 =	simm.s32 $0x0;
	v14 =	vimm.f32 $0.0e+00;
	vm6 =	vle.f32 v15, $9.999999930e-09;
	v15 =	vimm.f32 $0.0e+00  }
.LBB2_71:
0x3f0: {  	v22 =	vld [tilespmem:s17+$0x10];
	v23 =	vsel vm5, $0x3F800000, v0;
	vm4 =	vmand vm4, vm6;
	v18 =	vand.u32 $0x7FFFFFFF, v18  }
0x3f1: {  	v11 =	vadd.f32 v21, v11;
	s15 =	sadd.s32 $0x40, s15;
	v24 =	vld [tilespmem:s17+$0x0];
	v21 =	vsel vm4, $0x3F800000, v0;
	vm4 =	vle.f32 v18, $9.999999930e-09  }
0x3f2: {  	v14 =	vadd.f32 v23, v14;
	v18 =	vld [tilespmem:s15+$0x10];
	v15 =	vadd.f32 v21, v15;
	vm3 =	vmand vm3, vm4  }
0x3f3: {  	v11 =	vadd.f32 v17, v11;
	v21 =	vld [tilespmem:s17+$0xFFFFFFF0];
	v17 =	vsel vm3, $0x3F800000, v0;
	vm3 =	vle.f32 v20, $9.999999930e-09  }
0x3f4: {  	v14 =	vadd.f32 v19, v14;
	v20 =	vld [tilespmem:s15+$0x0];
	v15 =	vadd.f32 v17, v15;
	vm1 =	vmand vm1, vm3  }
0x3f5: {  	v11 =	vadd.f32 v12, v11;
	v17 =	vld [tilespmem:s17+$0xFFFFFFE0];
	v12 =	vsel vm1, $0x3F800000, v0;
	vm1 =	vle.f32 v16, $9.999999930e-09  }
0x3f6: {  	v13 =	vadd.f32 v13, v14;
	v16 =	vld [tilespmem:s15+$0xFFFFFFF0];
	v12 =	vadd.f32 v12, v15;
	vm0 =	vmand vm0, vm1  }
0x3f7: {  	v11 =	vadd.f32 v10, v11;
	v10 =	vsel vm2, $0x3F800000, v0;
	v19 =	vld [tilespmem:s15+$0xFFFFFFE0];
	v15 =	vsel vm0, $0x3F800000, v0  }
0x3f8: {  	v14 =	vadd.f32 v10, v13;
	v15 =	vadd.f32 v15, v12  }
0x3f9: {  	s16 =	sadd.s32 $0x4, s16;
	vm0 =	vgt.s32 v22, v8;
	vm2 =	vlt.f32 v18, v9  }
0x3fa: {  	p0 =	slt.u32 s16, $0xFC;
	vm1 =	vgt.s32 v24, v8;
	v22 =	vsub.f32 v18, v9;
	vm5 =	vlt.f32 v20, v9  }
0x3fb: {  	vm3 =	vgt.s32 v21, v8;
	v20 =	vsub.f32 v20, v9;
	vm6 =	vlt.f32 v16, v9  }
0x3fc: {  	vm4 =	vgt.s32 v17, v8;
	v18 =	vsub.f32 v16, v9;
	vm7 =	vlt.f32 v19, v9  }
.Ltmp39:
0x3fd: {  	v10 =	vsel vm0, $0x3F800000, v0;
	vm2 =	vmand vm0, vm2;
	v13 =	vsub.f32 v19, v9;
	(pc) =	sbr.rel @p0 .LBB2_71-.Ltmp39, $4  }
0x3fe: {  	v12 =	vsel vm1, $0x3F800000, v0;
	v17 =	vsel vm3, $0x3F800000, v0;
	vm8 =	vmand vm1, vm5  }
0x3ff: {  	v21 =	vsel vm4, $0x3F800000, v0;
	vm5 =	vmand vm4, vm7;
	vm7 =	vmand vm3, vm6  }
0x400: {  	v16 =	vand.u32 $0x7FFFFFFF, v22;
	v19 =	vand.u32 $0x7FFFFFFF, v13;
	v13 =	vsel vm8, $0x3F800000, v0  }
0x401: {  	s17 =	sadd.s32 $0x40, s17;
	v20 =	vand.u32 $0x7FFFFFFF, v20;
	vm6 =	vle.f32 v19, $9.999999930e-09;
	v19 =	vsel vm7, $0x3F800000, v0  }
0x402: {  	v8 =	vsel vm5, $0x3F800000, v0;
	vm4 =	vmand vm4, vm6  }
0x403: {  	v9 =	vand.u32 $0x7FFFFFFF, v18;
	v11 =	vadd.f32 v21, v11;
	vm14 =	vle.f32 v20, $9.999999930e-09  }
0x404: {  	v58 =	vsel vm4, $0x3F800000, v0;
	vm13 =	vle.f32 v9, $9.999999930e-09;
	v8 =	vadd.f32 v8, v14  }
0x405: {  	v59 =	vadd.f32 v58, v15;
	vm3 =	vmand vm3, vm13;
	v11 =	vadd.f32 v17, v11  }
0x406: {  	vm15 =	vle.f32 v16, $9.999999930e-09;
	v60 =	vsel vm3, $0x3F800000, v0;
	v8 =	vadd.f32 v19, v8  }
0x407: {  	vm1 =	vmand vm1, vm14;
	v9 =	vadd.f32 v60, v59;
	v11 =	vadd.f32 v12, v11  }
0x408: {  	v62 =	vsel vm2, $0x3F800000, v0;
	v61 =	vsel vm1, $0x3F800000, v0;
	v8 =	vadd.f32 v13, v8  }
0x409: {  	vm0 =	vmand vm0, vm15;
	v9 =	vadd.f32 v61, v9;
	v10 =	vadd.f32 v10, v11  }
0x40a: {  	v63 =	vsel vm0, $0x3F800000, v0;
	v8 =	vadd.f32 v62, v8  }
0x40b: {  	v9 =	vadd.f32 v63, v9;
	v4 =	vadd.f32 v4, v10  }
0x40c: {  	v3 =	vadd.f32 v3, v8  }
0x40d: {  	[tilespmem:$0x4000] =	vst v4;
	v2 =	vadd.f32 v2, v9  }
0x40e: {  	[tilespmem:$0x4080] =	vst v3  }
0x40f: {  	[tilespmem:$0x4100] =	vst v2  }
.LBB2_73:
0x410: {  	(v2sf) =	vpush v7, $0x1;
	_ =	sdelay $0xe  }
0x411: {  	s15 =	spop (v2sf)  }
0x412: {  	p0 =	slt.s32 s15, $0x1  }
.Ltmp40:
0x413: {  	_ = 	snop;
	(pc) =	sbr.rel @p0 .LBB2_77-.Ltmp40, $1  }
0x414: {  	_ =	sdelay $0x3  }
0x415: {  	s16 =	simm.s32 $0x3020  }
0x416: {  	v10 =	vld [tilespmem:s16+$0x10]  }
0x417: {  	s15 =	simm.s32 $0x2020;
	v12 =	vld [tilespmem:s16+$0x0]  }
0x418: {  	v13 =	vld [tilespmem:s15+$0x10]  }
0x419: {  	v14 =	vld [tilespmem:s16+$0xFFFFFFF0]  }
0x41a: {  	v15 =	vld [tilespmem:s15+$0x0]  }
0x41b: {  	v16 =	vld [tilespmem:s16+$0xFFFFFFE0]  }
0x41c: {  	v17 =	vld [tilespmem:s15+$0xFFFFFFF0]  }
0x41d: {  	v8 =	vbroadcast v5, $0x1;
	v19 =	vld [tilespmem:s15+$0xFFFFFFE0]  }
0x41e: {  	v9 =	vbroadcast v6, $0x1  }
0x41f: {  	v11 =	vimm.f32 $0.0e+00;
	vm0 =	vgt.s32 v10, v8  }
0x420: {  	vm2 =	vlt.f32 v13, v9;
	vm1 =	vgt.s32 v12, v8;
	vm5 =	vlt.f32 v15, v9  }
0x421: {  	v20 =	vsub.f32 v13, v9;
	vm3 =	vgt.s32 v14, v8;
	vm6 =	vlt.f32 v17, v9  }
0x422: {  	v14 =	vsub.f32 v15, v9;
	vm4 =	vgt.s32 v16, v8;
	vm7 =	vlt.f32 v19, v9  }
0x423: {  	v18 =	vsub.f32 v17, v9;
	v13 =	vsub.f32 v19, v9;
	v10 =	vsel vm0, $0x3F800000, v0  }
0x424: {  	vm2 =	vmand vm0, vm2;
	v17 =	vsel vm3, $0x3F800000, v0;
	v12 =	vsel vm1, $0x3F800000, v0  }
0x425: {  	vm8 =	vmand vm1, vm5;
	v21 =	vsel vm4, $0x3F800000, v0;
	vm5 =	vmand vm4, vm7  }
0x426: {  	vm7 =	vmand vm3, vm6;
	v15 =	vand.u32 $0x7FFFFFFF, v13;
	v13 =	vsel vm8, $0x3F800000, v0  }
0x427: {  	v16 =	vand.u32 $0x7FFFFFFF, v20;
	v19 =	vsel vm7, $0x3F800000, v0;
	v20 =	vand.u32 $0x7FFFFFFF, v14  }
0x428: {  	s17 =	simm.s32 $0x3060;
	s16 =	simm.s32 $0x0;
	v14 =	vimm.f32 $0.0e+00;
	vm6 =	vle.f32 v15, $9.999999930e-09;
	v15 =	vimm.f32 $0.0e+00  }
.LBB2_75:
0x429: {  	v22 =	vld [tilespmem:s17+$0x10];
	v23 =	vsel vm5, $0x3F800000, v0;
	vm4 =	vmand vm4, vm6;
	v18 =	vand.u32 $0x7FFFFFFF, v18  }
0x42a: {  	v11 =	vadd.f32 v21, v11;
	s15 =	sadd.s32 $0x40, s15;
	v24 =	vld [tilespmem:s17+$0x0];
	v21 =	vsel vm4, $0x3F800000, v0;
	vm4 =	vle.f32 v18, $9.999999930e-09  }
0x42b: {  	v14 =	vadd.f32 v23, v14;
	v18 =	vld [tilespmem:s15+$0x10];
	v15 =	vadd.f32 v21, v15;
	vm3 =	vmand vm3, vm4  }
0x42c: {  	v11 =	vadd.f32 v17, v11;
	v21 =	vld [tilespmem:s17+$0xFFFFFFF0];
	v17 =	vsel vm3, $0x3F800000, v0;
	vm3 =	vle.f32 v20, $9.999999930e-09  }
0x42d: {  	v14 =	vadd.f32 v19, v14;
	v20 =	vld [tilespmem:s15+$0x0];
	v15 =	vadd.f32 v17, v15;
	vm1 =	vmand vm1, vm3  }
0x42e: {  	v11 =	vadd.f32 v12, v11;
	v17 =	vld [tilespmem:s17+$0xFFFFFFE0];
	v12 =	vsel vm1, $0x3F800000, v0;
	vm1 =	vle.f32 v16, $9.999999930e-09  }
0x42f: {  	v13 =	vadd.f32 v13, v14;
	v16 =	vld [tilespmem:s15+$0xFFFFFFF0];
	v12 =	vadd.f32 v12, v15;
	vm0 =	vmand vm0, vm1  }
0x430: {  	v11 =	vadd.f32 v10, v11;
	v10 =	vsel vm2, $0x3F800000, v0;
	v19 =	vld [tilespmem:s15+$0xFFFFFFE0];
	v15 =	vsel vm0, $0x3F800000, v0  }
0x431: {  	v14 =	vadd.f32 v10, v13;
	v15 =	vadd.f32 v15, v12  }
0x432: {  	s16 =	sadd.s32 $0x4, s16;
	vm0 =	vgt.s32 v22, v8;
	vm2 =	vlt.f32 v18, v9  }
0x433: {  	p0 =	slt.u32 s16, $0xFC;
	vm1 =	vgt.s32 v24, v8;
	v22 =	vsub.f32 v18, v9;
	vm5 =	vlt.f32 v20, v9  }
0x434: {  	vm3 =	vgt.s32 v21, v8;
	v20 =	vsub.f32 v20, v9;
	vm6 =	vlt.f32 v16, v9  }
0x435: {  	vm4 =	vgt.s32 v17, v8;
	v18 =	vsub.f32 v16, v9;
	vm7 =	vlt.f32 v19, v9  }
.Ltmp41:
0x436: {  	v10 =	vsel vm0, $0x3F800000, v0;
	vm2 =	vmand vm0, vm2;
	v13 =	vsub.f32 v19, v9;
	(pc) =	sbr.rel @p0 .LBB2_75-.Ltmp41, $4  }
0x437: {  	v12 =	vsel vm1, $0x3F800000, v0;
	v17 =	vsel vm3, $0x3F800000, v0;
	vm8 =	vmand vm1, vm5  }
0x438: {  	v21 =	vsel vm4, $0x3F800000, v0;
	vm5 =	vmand vm4, vm7;
	vm7 =	vmand vm3, vm6  }
0x439: {  	v16 =	vand.u32 $0x7FFFFFFF, v22;
	v19 =	vand.u32 $0x7FFFFFFF, v13;
	v13 =	vsel vm8, $0x3F800000, v0  }
0x43a: {  	s17 =	sadd.s32 $0x40, s17;
	v20 =	vand.u32 $0x7FFFFFFF, v20;
	vm6 =	vle.f32 v19, $9.999999930e-09;
	v19 =	vsel vm7, $0x3F800000, v0  }
0x43b: {  	v8 =	vsel vm5, $0x3F800000, v0;
	vm4 =	vmand vm4, vm6  }
0x43c: {  	v9 =	vand.u32 $0x7FFFFFFF, v18;
	v11 =	vadd.f32 v21, v11;
	vm14 =	vle.f32 v20, $9.999999930e-09  }
0x43d: {  	v58 =	vsel vm4, $0x3F800000, v0;
	vm13 =	vle.f32 v9, $9.999999930e-09;
	v8 =	vadd.f32 v8, v14  }
0x43e: {  	v59 =	vadd.f32 v58, v15;
	vm3 =	vmand vm3, vm13;
	v11 =	vadd.f32 v17, v11  }
0x43f: {  	vm15 =	vle.f32 v16, $9.999999930e-09;
	v60 =	vsel vm3, $0x3F800000, v0;
	v8 =	vadd.f32 v19, v8  }
0x440: {  	vm1 =	vmand vm1, vm14;
	v9 =	vadd.f32 v60, v59;
	v11 =	vadd.f32 v12, v11  }
0x441: {  	v62 =	vsel vm2, $0x3F800000, v0;
	v61 =	vsel vm1, $0x3F800000, v0;
	v8 =	vadd.f32 v13, v8  }
0x442: {  	vm0 =	vmand vm0, vm15;
	v9 =	vadd.f32 v61, v9;
	v10 =	vadd.f32 v10, v11  }
0x443: {  	v63 =	vsel vm0, $0x3F800000, v0;
	v8 =	vadd.f32 v62, v8  }
0x444: {  	v9 =	vadd.f32 v63, v9;
	v4 =	vadd.f32 v4, v10  }
0x445: {  	v3 =	vadd.f32 v3, v8  }
0x446: {  	[tilespmem:$0x4000] =	vst v4;
	v2 =	vadd.f32 v2, v9  }
0x447: {  	[tilespmem:$0x4080] =	vst v3  }
0x448: {  	[tilespmem:$0x4100] =	vst v2  }
.LBB2_77:
0x449: {  	(v2sf) =	vpush v7, $0x2;
	_ =	sdelay $0xe  }
0x44a: {  	s15 =	spop (v2sf)  }
0x44b: {  	p0 =	slt.s32 s15, $0x1  }
.Ltmp42:
0x44c: {  	_ = 	snop;
	(pc) =	sbr.rel @p0 .LBB2_81-.Ltmp42, $1  }
0x44d: {  	_ =	sdelay $0x3  }
0x44e: {  	s16 =	simm.s32 $0x3020  }
0x44f: {  	v10 =	vld [tilespmem:s16+$0x10]  }
0x450: {  	s15 =	simm.s32 $0x2020;
	v12 =	vld [tilespmem:s16+$0x0]  }
0x451: {  	v13 =	vld [tilespmem:s15+$0x10]  }
0x452: {  	v14 =	vld [tilespmem:s16+$0xFFFFFFF0]  }
0x453: {  	v15 =	vld [tilespmem:s15+$0x0]  }
0x454: {  	v16 =	vld [tilespmem:s16+$0xFFFFFFE0]  }
0x455: {  	v17 =	vld [tilespmem:s15+$0xFFFFFFF0]  }
0x456: {  	v8 =	vbroadcast v5, $0x2;
	v19 =	vld [tilespmem:s15+$0xFFFFFFE0]  }
0x457: {  	v9 =	vbroadcast v6, $0x2  }
0x458: {  	v11 =	vimm.f32 $0.0e+00;
	vm0 =	vgt.s32 v10, v8  }
0x459: {  	vm2 =	vlt.f32 v13, v9;
	vm1 =	vgt.s32 v12, v8;
	vm5 =	vlt.f32 v15, v9  }
0x45a: {  	v20 =	vsub.f32 v13, v9;
	vm3 =	vgt.s32 v14, v8;
	vm6 =	vlt.f32 v17, v9  }
0x45b: {  	v14 =	vsub.f32 v15, v9;
	vm4 =	vgt.s32 v16, v8;
	vm7 =	vlt.f32 v19, v9  }
0x45c: {  	v18 =	vsub.f32 v17, v9;
	v13 =	vsub.f32 v19, v9;
	v10 =	vsel vm0, $0x3F800000, v0  }
0x45d: {  	vm2 =	vmand vm0, vm2;
	v17 =	vsel vm3, $0x3F800000, v0;
	v12 =	vsel vm1, $0x3F800000, v0  }
0x45e: {  	vm8 =	vmand vm1, vm5;
	v21 =	vsel vm4, $0x3F800000, v0;
	vm5 =	vmand vm4, vm7  }
0x45f: {  	vm7 =	vmand vm3, vm6;
	v15 =	vand.u32 $0x7FFFFFFF, v13;
	v13 =	vsel vm8, $0x3F800000, v0  }
0x460: {  	v16 =	vand.u32 $0x7FFFFFFF, v20;
	v19 =	vsel vm7, $0x3F800000, v0;
	v20 =	vand.u32 $0x7FFFFFFF, v14  }
0x461: {  	s17 =	simm.s32 $0x3060;
	s16 =	simm.s32 $0x0;
	v14 =	vimm.f32 $0.0e+00;
	vm6 =	vle.f32 v15, $9.999999930e-09;
	v15 =	vimm.f32 $0.0e+00  }
.LBB2_79:
0x462: {  	v22 =	vld [tilespmem:s17+$0x10];
	v23 =	vsel vm5, $0x3F800000, v0;
	vm4 =	vmand vm4, vm6;
	v18 =	vand.u32 $0x7FFFFFFF, v18  }
0x463: {  	v11 =	vadd.f32 v21, v11;
	s15 =	sadd.s32 $0x40, s15;
	v24 =	vld [tilespmem:s17+$0x0];
	v21 =	vsel vm4, $0x3F800000, v0;
	vm4 =	vle.f32 v18, $9.999999930e-09  }
0x464: {  	v14 =	vadd.f32 v23, v14;
	v18 =	vld [tilespmem:s15+$0x10];
	v15 =	vadd.f32 v21, v15;
	vm3 =	vmand vm3, vm4  }
0x465: {  	v11 =	vadd.f32 v17, v11;
	v21 =	vld [tilespmem:s17+$0xFFFFFFF0];
	v17 =	vsel vm3, $0x3F800000, v0;
	vm3 =	vle.f32 v20, $9.999999930e-09  }
0x466: {  	v14 =	vadd.f32 v19, v14;
	v20 =	vld [tilespmem:s15+$0x0];
	v15 =	vadd.f32 v17, v15;
	vm1 =	vmand vm1, vm3  }
0x467: {  	v11 =	vadd.f32 v12, v11;
	v17 =	vld [tilespmem:s17+$0xFFFFFFE0];
	v12 =	vsel vm1, $0x3F800000, v0;
	vm1 =	vle.f32 v16, $9.999999930e-09  }
0x468: {  	v13 =	vadd.f32 v13, v14;
	v16 =	vld [tilespmem:s15+$0xFFFFFFF0];
	v12 =	vadd.f32 v12, v15;
	vm0 =	vmand vm0, vm1  }
0x469: {  	v11 =	vadd.f32 v10, v11;
	v10 =	vsel vm2, $0x3F800000, v0;
	v19 =	vld [tilespmem:s15+$0xFFFFFFE0];
	v15 =	vsel vm0, $0x3F800000, v0  }
0x46a: {  	v14 =	vadd.f32 v10, v13;
	v15 =	vadd.f32 v15, v12  }
0x46b: {  	s16 =	sadd.s32 $0x4, s16;
	vm0 =	vgt.s32 v22, v8;
	vm2 =	vlt.f32 v18, v9  }
0x46c: {  	p0 =	slt.u32 s16, $0xFC;
	vm1 =	vgt.s32 v24, v8;
	v22 =	vsub.f32 v18, v9;
	vm5 =	vlt.f32 v20, v9  }
0x46d: {  	vm3 =	vgt.s32 v21, v8;
	v20 =	vsub.f32 v20, v9;
	vm6 =	vlt.f32 v16, v9  }
0x46e: {  	vm4 =	vgt.s32 v17, v8;
	v18 =	vsub.f32 v16, v9;
	vm7 =	vlt.f32 v19, v9  }
.Ltmp43:
0x46f: {  	v10 =	vsel vm0, $0x3F800000, v0;
	vm2 =	vmand vm0, vm2;
	v13 =	vsub.f32 v19, v9;
	(pc) =	sbr.rel @p0 .LBB2_79-.Ltmp43, $4  }
0x470: {  	v12 =	vsel vm1, $0x3F800000, v0;
	v17 =	vsel vm3, $0x3F800000, v0;
	vm8 =	vmand vm1, vm5  }
0x471: {  	v21 =	vsel vm4, $0x3F800000, v0;
	vm5 =	vmand vm4, vm7;
	vm7 =	vmand vm3, vm6  }
0x472: {  	v16 =	vand.u32 $0x7FFFFFFF, v22;
	v19 =	vand.u32 $0x7FFFFFFF, v13;
	v13 =	vsel vm8, $0x3F800000, v0  }
0x473: {  	s17 =	sadd.s32 $0x40, s17;
	v20 =	vand.u32 $0x7FFFFFFF, v20;
	vm6 =	vle.f32 v19, $9.999999930e-09;
	v19 =	vsel vm7, $0x3F800000, v0  }
0x474: {  	v8 =	vsel vm5, $0x3F800000, v0;
	vm4 =	vmand vm4, vm6  }
0x475: {  	v9 =	vand.u32 $0x7FFFFFFF, v18;
	v11 =	vadd.f32 v21, v11;
	vm14 =	vle.f32 v20, $9.999999930e-09  }
0x476: {  	v58 =	vsel vm4, $0x3F800000, v0;
	vm13 =	vle.f32 v9, $9.999999930e-09;
	v8 =	vadd.f32 v8, v14  }
0x477: {  	v59 =	vadd.f32 v58, v15;
	vm3 =	vmand vm3, vm13;
	v11 =	vadd.f32 v17, v11  }
0x478: {  	vm15 =	vle.f32 v16, $9.999999930e-09;
	v60 =	vsel vm3, $0x3F800000, v0;
	v8 =	vadd.f32 v19, v8  }
0x479: {  	vm1 =	vmand vm1, vm14;
	v9 =	vadd.f32 v60, v59;
	v11 =	vadd.f32 v12, v11  }
0x47a: {  	v62 =	vsel vm2, $0x3F800000, v0;
	v61 =	vsel vm1, $0x3F800000, v0;
	v8 =	vadd.f32 v13, v8  }
0x47b: {  	vm0 =	vmand vm0, vm15;
	v9 =	vadd.f32 v61, v9;
	v10 =	vadd.f32 v10, v11  }
0x47c: {  	v63 =	vsel vm0, $0x3F800000, v0;
	v8 =	vadd.f32 v62, v8  }
0x47d: {  	v9 =	vadd.f32 v63, v9;
	v4 =	vadd.f32 v4, v10  }
0x47e: {  	v3 =	vadd.f32 v3, v8  }
0x47f: {  	[tilespmem:$0x4000] =	vst v4;
	v2 =	vadd.f32 v2, v9  }
0x480: {  	[tilespmem:$0x4080] =	vst v3  }
0x481: {  	[tilespmem:$0x4100] =	vst v2  }
.LBB2_81:
0x482: {  	(v2sf) =	vpush v7, $0x3;
	_ =	sdelay $0xe  }
0x483: {  	s15 =	spop (v2sf)  }
0x484: {  	p0 =	slt.s32 s15, $0x1  }
.Ltmp44:
0x485: {  	_ = 	snop;
	(pc) =	sbr.rel @p0 .LBB2_85-.Ltmp44, $1  }
0x486: {  	_ =	sdelay $0x3  }
0x487: {  	s16 =	simm.s32 $0x3020  }
0x488: {  	v10 =	vld [tilespmem:s16+$0x10]  }
0x489: {  	s15 =	simm.s32 $0x2020;
	v12 =	vld [tilespmem:s16+$0x0]  }
0x48a: {  	v13 =	vld [tilespmem:s15+$0x10]  }
0x48b: {  	v14 =	vld [tilespmem:s16+$0xFFFFFFF0]  }
0x48c: {  	v15 =	vld [tilespmem:s15+$0x0]  }
0x48d: {  	v16 =	vld [tilespmem:s16+$0xFFFFFFE0]  }
0x48e: {  	v17 =	vld [tilespmem:s15+$0xFFFFFFF0]  }
0x48f: {  	v8 =	vbroadcast v5, $0x3;
	v19 =	vld [tilespmem:s15+$0xFFFFFFE0]  }
0x490: {  	v9 =	vbroadcast v6, $0x3  }
0x491: {  	v11 =	vimm.f32 $0.0e+00;
	vm0 =	vgt.s32 v10, v8  }
0x492: {  	vm2 =	vlt.f32 v13, v9;
	vm1 =	vgt.s32 v12, v8;
	vm5 =	vlt.f32 v15, v9  }
0x493: {  	v20 =	vsub.f32 v13, v9;
	vm3 =	vgt.s32 v14, v8;
	vm6 =	vlt.f32 v17, v9  }
0x494: {  	v14 =	vsub.f32 v15, v9;
	vm4 =	vgt.s32 v16, v8;
	vm7 =	vlt.f32 v19, v9  }
0x495: {  	v18 =	vsub.f32 v17, v9;
	v13 =	vsub.f32 v19, v9;
	v10 =	vsel vm0, $0x3F800000, v0  }
0x496: {  	vm2 =	vmand vm0, vm2;
	v17 =	vsel vm3, $0x3F800000, v0;
	v12 =	vsel vm1, $0x3F800000, v0  }
0x497: {  	vm8 =	vmand vm1, vm5;
	v21 =	vsel vm4, $0x3F800000, v0;
	vm5 =	vmand vm4, vm7  }
0x498: {  	vm7 =	vmand vm3, vm6;
	v15 =	vand.u32 $0x7FFFFFFF, v13;
	v13 =	vsel vm8, $0x3F800000, v0  }
0x499: {  	v16 =	vand.u32 $0x7FFFFFFF, v20;
	v19 =	vsel vm7, $0x3F800000, v0;
	v20 =	vand.u32 $0x7FFFFFFF, v14  }
0x49a: {  	s17 =	simm.s32 $0x3060;
	s16 =	simm.s32 $0x0;
	v14 =	vimm.f32 $0.0e+00;
	vm6 =	vle.f32 v15, $9.999999930e-09;
	v15 =	vimm.f32 $0.0e+00  }
.LBB2_83:
0x49b: {  	v22 =	vld [tilespmem:s17+$0x10];
	v23 =	vsel vm5, $0x3F800000, v0;
	vm4 =	vmand vm4, vm6;
	v18 =	vand.u32 $0x7FFFFFFF, v18  }
0x49c: {  	v11 =	vadd.f32 v21, v11;
	s15 =	sadd.s32 $0x40, s15;
	v24 =	vld [tilespmem:s17+$0x0];
	v21 =	vsel vm4, $0x3F800000, v0;
	vm4 =	vle.f32 v18, $9.999999930e-09  }
0x49d: {  	v14 =	vadd.f32 v23, v14;
	v18 =	vld [tilespmem:s15+$0x10];
	v15 =	vadd.f32 v21, v15;
	vm3 =	vmand vm3, vm4  }
0x49e: {  	v11 =	vadd.f32 v17, v11;
	v21 =	vld [tilespmem:s17+$0xFFFFFFF0];
	v17 =	vsel vm3, $0x3F800000, v0;
	vm3 =	vle.f32 v20, $9.999999930e-09  }
0x49f: {  	v14 =	vadd.f32 v19, v14;
	v20 =	vld [tilespmem:s15+$0x0];
	v15 =	vadd.f32 v17, v15;
	vm1 =	vmand vm1, vm3  }
0x4a0: {  	v11 =	vadd.f32 v12, v11;
	v17 =	vld [tilespmem:s17+$0xFFFFFFE0];
	v12 =	vsel vm1, $0x3F800000, v0;
	vm1 =	vle.f32 v16, $9.999999930e-09  }
0x4a1: {  	v13 =	vadd.f32 v13, v14;
	v16 =	vld [tilespmem:s15+$0xFFFFFFF0];
	v12 =	vadd.f32 v12, v15;
	vm0 =	vmand vm0, vm1  }
0x4a2: {  	v11 =	vadd.f32 v10, v11;
	v10 =	vsel vm2, $0x3F800000, v0;
	v19 =	vld [tilespmem:s15+$0xFFFFFFE0];
	v15 =	vsel vm0, $0x3F800000, v0  }
0x4a3: {  	v14 =	vadd.f32 v10, v13;
	v15 =	vadd.f32 v15, v12  }
0x4a4: {  	s16 =	sadd.s32 $0x4, s16;
	vm0 =	vgt.s32 v22, v8;
	vm2 =	vlt.f32 v18, v9  }
0x4a5: {  	p0 =	slt.u32 s16, $0xFC;
	vm1 =	vgt.s32 v24, v8;
	v22 =	vsub.f32 v18, v9;
	vm5 =	vlt.f32 v20, v9  }
0x4a6: {  	vm3 =	vgt.s32 v21, v8;
	v20 =	vsub.f32 v20, v9;
	vm6 =	vlt.f32 v16, v9  }
0x4a7: {  	vm4 =	vgt.s32 v17, v8;
	v18 =	vsub.f32 v16, v9;
	vm7 =	vlt.f32 v19, v9  }
.Ltmp45:
0x4a8: {  	v10 =	vsel vm0, $0x3F800000, v0;
	vm2 =	vmand vm0, vm2;
	v13 =	vsub.f32 v19, v9;
	(pc) =	sbr.rel @p0 .LBB2_83-.Ltmp45, $4  }
0x4a9: {  	v12 =	vsel vm1, $0x3F800000, v0;
	v17 =	vsel vm3, $0x3F800000, v0;
	vm8 =	vmand vm1, vm5  }
0x4aa: {  	v21 =	vsel vm4, $0x3F800000, v0;
	vm5 =	vmand vm4, vm7;
	vm7 =	vmand vm3, vm6  }
0x4ab: {  	v16 =	vand.u32 $0x7FFFFFFF, v22;
	v19 =	vand.u32 $0x7FFFFFFF, v13;
	v13 =	vsel vm8, $0x3F800000, v0  }
0x4ac: {  	s17 =	sadd.s32 $0x40, s17;
	v20 =	vand.u32 $0x7FFFFFFF, v20;
	vm6 =	vle.f32 v19, $9.999999930e-09;
	v19 =	vsel vm7, $0x3F800000, v0  }
0x4ad: {  	v8 =	vsel vm5, $0x3F800000, v0;
	vm4 =	vmand vm4, vm6  }
0x4ae: {  	v9 =	vand.u32 $0x7FFFFFFF, v18;
	v11 =	vadd.f32 v21, v11;
	vm14 =	vle.f32 v20, $9.999999930e-09  }
0x4af: {  	v58 =	vsel vm4, $0x3F800000, v0;
	vm13 =	vle.f32 v9, $9.999999930e-09;
	v8 =	vadd.f32 v8, v14  }
0x4b0: {  	v59 =	vadd.f32 v58, v15;
	vm3 =	vmand vm3, vm13;
	v11 =	vadd.f32 v17, v11  }
0x4b1: {  	vm15 =	vle.f32 v16, $9.999999930e-09;
	v60 =	vsel vm3, $0x3F800000, v0;
	v8 =	vadd.f32 v19, v8  }
0x4b2: {  	vm1 =	vmand vm1, vm14;
	v9 =	vadd.f32 v60, v59;
	v11 =	vadd.f32 v12, v11  }
0x4b3: {  	v62 =	vsel vm2, $0x3F800000, v0;
	v61 =	vsel vm1, $0x3F800000, v0;
	v8 =	vadd.f32 v13, v8  }
0x4b4: {  	vm0 =	vmand vm0, vm15;
	v9 =	vadd.f32 v61, v9;
	v10 =	vadd.f32 v10, v11  }
0x4b5: {  	v63 =	vsel vm0, $0x3F800000, v0;
	v8 =	vadd.f32 v62, v8  }
0x4b6: {  	v9 =	vadd.f32 v63, v9;
	v4 =	vadd.f32 v4, v10  }
0x4b7: {  	v3 =	vadd.f32 v3, v8  }
0x4b8: {  	[tilespmem:$0x4000] =	vst v4;
	v2 =	vadd.f32 v2, v9  }
0x4b9: {  	[tilespmem:$0x4080] =	vst v3  }
0x4ba: {  	[tilespmem:$0x4100] =	vst v2  }
.LBB2_85:
0x4bb: {  	(v2sf) =	vpush v7, $0x4;
	_ =	sdelay $0xe  }
0x4bc: {  	s15 =	spop (v2sf)  }
0x4bd: {  	p0 =	slt.s32 s15, $0x1  }
.Ltmp46:
0x4be: {  	_ = 	snop;
	(pc) =	sbr.rel @p0 .LBB2_89-.Ltmp46, $1  }
0x4bf: {  	_ =	sdelay $0x3  }
0x4c0: {  	s16 =	simm.s32 $0x3020  }
0x4c1: {  	v10 =	vld [tilespmem:s16+$0x10]  }
0x4c2: {  	s15 =	simm.s32 $0x2020;
	v12 =	vld [tilespmem:s16+$0x0]  }
0x4c3: {  	v13 =	vld [tilespmem:s15+$0x10]  }
0x4c4: {  	v14 =	vld [tilespmem:s16+$0xFFFFFFF0]  }
0x4c5: {  	v15 =	vld [tilespmem:s15+$0x0]  }
0x4c6: {  	v16 =	vld [tilespmem:s16+$0xFFFFFFE0]  }
0x4c7: {  	v17 =	vld [tilespmem:s15+$0xFFFFFFF0]  }
0x4c8: {  	v8 =	vbroadcast v5, $0x4;
	v19 =	vld [tilespmem:s15+$0xFFFFFFE0]  }
0x4c9: {  	v9 =	vbroadcast v6, $0x4  }
0x4ca: {  	v11 =	vimm.f32 $0.0e+00;
	vm0 =	vgt.s32 v10, v8  }
0x4cb: {  	vm2 =	vlt.f32 v13, v9;
	vm1 =	vgt.s32 v12, v8;
	vm5 =	vlt.f32 v15, v9  }
0x4cc: {  	v20 =	vsub.f32 v13, v9;
	vm3 =	vgt.s32 v14, v8;
	vm6 =	vlt.f32 v17, v9  }
0x4cd: {  	v14 =	vsub.f32 v15, v9;
	vm4 =	vgt.s32 v16, v8;
	vm7 =	vlt.f32 v19, v9  }
0x4ce: {  	v18 =	vsub.f32 v17, v9;
	v13 =	vsub.f32 v19, v9;
	v10 =	vsel vm0, $0x3F800000, v0  }
0x4cf: {  	vm2 =	vmand vm0, vm2;
	v17 =	vsel vm3, $0x3F800000, v0;
	v12 =	vsel vm1, $0x3F800000, v0  }
0x4d0: {  	vm8 =	vmand vm1, vm5;
	v21 =	vsel vm4, $0x3F800000, v0;
	vm5 =	vmand vm4, vm7  }
0x4d1: {  	vm7 =	vmand vm3, vm6;
	v15 =	vand.u32 $0x7FFFFFFF, v13;
	v13 =	vsel vm8, $0x3F800000, v0  }
0x4d2: {  	v16 =	vand.u32 $0x7FFFFFFF, v20;
	v19 =	vsel vm7, $0x3F800000, v0;
	v20 =	vand.u32 $0x7FFFFFFF, v14  }
0x4d3: {  	s17 =	simm.s32 $0x3060;
	s16 =	simm.s32 $0x0;
	v14 =	vimm.f32 $0.0e+00;
	vm6 =	vle.f32 v15, $9.999999930e-09;
	v15 =	vimm.f32 $0.0e+00  }
.LBB2_87:
0x4d4: {  	v22 =	vld [tilespmem:s17+$0x10];
	v23 =	vsel vm5, $0x3F800000, v0;
	vm4 =	vmand vm4, vm6;
	v18 =	vand.u32 $0x7FFFFFFF, v18  }
0x4d5: {  	v11 =	vadd.f32 v21, v11;
	s15 =	sadd.s32 $0x40, s15;
	v24 =	vld [tilespmem:s17+$0x0];
	v21 =	vsel vm4, $0x3F800000, v0;
	vm4 =	vle.f32 v18, $9.999999930e-09  }
0x4d6: {  	v14 =	vadd.f32 v23, v14;
	v18 =	vld [tilespmem:s15+$0x10];
	v15 =	vadd.f32 v21, v15;
	vm3 =	vmand vm3, vm4  }
0x4d7: {  	v11 =	vadd.f32 v17, v11;
	v21 =	vld [tilespmem:s17+$0xFFFFFFF0];
	v17 =	vsel vm3, $0x3F800000, v0;
	vm3 =	vle.f32 v20, $9.999999930e-09  }
0x4d8: {  	v14 =	vadd.f32 v19, v14;
	v20 =	vld [tilespmem:s15+$0x0];
	v15 =	vadd.f32 v17, v15;
	vm1 =	vmand vm1, vm3  }
0x4d9: {  	v11 =	vadd.f32 v12, v11;
	v17 =	vld [tilespmem:s17+$0xFFFFFFE0];
	v12 =	vsel vm1, $0x3F800000, v0;
	vm1 =	vle.f32 v16, $9.999999930e-09  }
0x4da: {  	v13 =	vadd.f32 v13, v14;
	v16 =	vld [tilespmem:s15+$0xFFFFFFF0];
	v12 =	vadd.f32 v12, v15;
	vm0 =	vmand vm0, vm1  }
0x4db: {  	v11 =	vadd.f32 v10, v11;
	v10 =	vsel vm2, $0x3F800000, v0;
	v19 =	vld [tilespmem:s15+$0xFFFFFFE0];
	v15 =	vsel vm0, $0x3F800000, v0  }
0x4dc: {  	v14 =	vadd.f32 v10, v13;
	v15 =	vadd.f32 v15, v12  }
0x4dd: {  	s16 =	sadd.s32 $0x4, s16;
	vm0 =	vgt.s32 v22, v8;
	vm2 =	vlt.f32 v18, v9  }
0x4de: {  	p0 =	slt.u32 s16, $0xFC;
	vm1 =	vgt.s32 v24, v8;
	v22 =	vsub.f32 v18, v9;
	vm5 =	vlt.f32 v20, v9  }
0x4df: {  	vm3 =	vgt.s32 v21, v8;
	v20 =	vsub.f32 v20, v9;
	vm6 =	vlt.f32 v16, v9  }
0x4e0: {  	vm4 =	vgt.s32 v17, v8;
	v18 =	vsub.f32 v16, v9;
	vm7 =	vlt.f32 v19, v9  }
.Ltmp47:
0x4e1: {  	v10 =	vsel vm0, $0x3F800000, v0;
	vm2 =	vmand vm0, vm2;
	v13 =	vsub.f32 v19, v9;
	(pc) =	sbr.rel @p0 .LBB2_87-.Ltmp47, $4  }
0x4e2: {  	v12 =	vsel vm1, $0x3F800000, v0;
	v17 =	vsel vm3, $0x3F800000, v0;
	vm8 =	vmand vm1, vm5  }
0x4e3: {  	v21 =	vsel vm4, $0x3F800000, v0;
	vm5 =	vmand vm4, vm7;
	vm7 =	vmand vm3, vm6  }
0x4e4: {  	v16 =	vand.u32 $0x7FFFFFFF, v22;
	v19 =	vand.u32 $0x7FFFFFFF, v13;
	v13 =	vsel vm8, $0x3F800000, v0  }
0x4e5: {  	s17 =	sadd.s32 $0x40, s17;
	v20 =	vand.u32 $0x7FFFFFFF, v20;
	vm6 =	vle.f32 v19, $9.999999930e-09;
	v19 =	vsel vm7, $0x3F800000, v0  }
0x4e6: {  	v8 =	vsel vm5, $0x3F800000, v0;
	vm4 =	vmand vm4, vm6  }
0x4e7: {  	v9 =	vand.u32 $0x7FFFFFFF, v18;
	v11 =	vadd.f32 v21, v11;
	vm14 =	vle.f32 v20, $9.999999930e-09  }
0x4e8: {  	v58 =	vsel vm4, $0x3F800000, v0;
	vm13 =	vle.f32 v9, $9.999999930e-09;
	v8 =	vadd.f32 v8, v14  }
0x4e9: {  	v59 =	vadd.f32 v58, v15;
	vm3 =	vmand vm3, vm13;
	v11 =	vadd.f32 v17, v11  }
0x4ea: {  	vm15 =	vle.f32 v16, $9.999999930e-09;
	v60 =	vsel vm3, $0x3F800000, v0;
	v8 =	vadd.f32 v19, v8  }
0x4eb: {  	vm1 =	vmand vm1, vm14;
	v9 =	vadd.f32 v60, v59;
	v11 =	vadd.f32 v12, v11  }
0x4ec: {  	v62 =	vsel vm2, $0x3F800000, v0;
	v61 =	vsel vm1, $0x3F800000, v0;
	v8 =	vadd.f32 v13, v8  }
0x4ed: {  	vm0 =	vmand vm0, vm15;
	v9 =	vadd.f32 v61, v9;
	v10 =	vadd.f32 v10, v11  }
0x4ee: {  	v63 =	vsel vm0, $0x3F800000, v0;
	v8 =	vadd.f32 v62, v8  }
0x4ef: {  	v9 =	vadd.f32 v63, v9;
	v4 =	vadd.f32 v4, v10  }
0x4f0: {  	v3 =	vadd.f32 v3, v8  }
0x4f1: {  	[tilespmem:$0x4000] =	vst v4;
	v2 =	vadd.f32 v2, v9  }
0x4f2: {  	[tilespmem:$0x4080] =	vst v3  }
0x4f3: {  	[tilespmem:$0x4100] =	vst v2  }
.LBB2_89:
0x4f4: {  	(v2sf) =	vpush v7, $0x5;
	_ =	sdelay $0xe  }
0x4f5: {  	s15 =	spop (v2sf)  }
0x4f6: {  	p0 =	slt.s32 s15, $0x1  }
.Ltmp48:
0x4f7: {  	_ = 	snop;
	(pc) =	sbr.rel @p0 .LBB2_93-.Ltmp48, $1  }
0x4f8: {  	_ =	sdelay $0x3  }
0x4f9: {  	s16 =	simm.s32 $0x3020  }
0x4fa: {  	v10 =	vld [tilespmem:s16+$0x10]  }
0x4fb: {  	s15 =	simm.s32 $0x2020;
	v12 =	vld [tilespmem:s16+$0x0]  }
0x4fc: {  	v13 =	vld [tilespmem:s15+$0x10]  }
0x4fd: {  	v14 =	vld [tilespmem:s16+$0xFFFFFFF0]  }
0x4fe: {  	v15 =	vld [tilespmem:s15+$0x0]  }
0x4ff: {  	v16 =	vld [tilespmem:s16+$0xFFFFFFE0]  }
0x500: {  	v17 =	vld [tilespmem:s15+$0xFFFFFFF0]  }
0x501: {  	v8 =	vbroadcast v5, $0x5;
	v19 =	vld [tilespmem:s15+$0xFFFFFFE0]  }
0x502: {  	v9 =	vbroadcast v6, $0x5  }
0x503: {  	v11 =	vimm.f32 $0.0e+00;
	vm0 =	vgt.s32 v10, v8  }
0x504: {  	vm2 =	vlt.f32 v13, v9;
	vm1 =	vgt.s32 v12, v8;
	vm5 =	vlt.f32 v15, v9  }
0x505: {  	v20 =	vsub.f32 v13, v9;
	vm3 =	vgt.s32 v14, v8;
	vm6 =	vlt.f32 v17, v9  }
0x506: {  	v14 =	vsub.f32 v15, v9;
	vm4 =	vgt.s32 v16, v8;
	vm7 =	vlt.f32 v19, v9  }
0x507: {  	v18 =	vsub.f32 v17, v9;
	v13 =	vsub.f32 v19, v9;
	v10 =	vsel vm0, $0x3F800000, v0  }
0x508: {  	vm2 =	vmand vm0, vm2;
	v17 =	vsel vm3, $0x3F800000, v0;
	v12 =	vsel vm1, $0x3F800000, v0  }
0x509: {  	vm8 =	vmand vm1, vm5;
	v21 =	vsel vm4, $0x3F800000, v0;
	vm5 =	vmand vm4, vm7  }
0x50a: {  	vm7 =	vmand vm3, vm6;
	v15 =	vand.u32 $0x7FFFFFFF, v13;
	v13 =	vsel vm8, $0x3F800000, v0  }
0x50b: {  	v16 =	vand.u32 $0x7FFFFFFF, v20;
	v19 =	vsel vm7, $0x3F800000, v0;
	v20 =	vand.u32 $0x7FFFFFFF, v14  }
0x50c: {  	s17 =	simm.s32 $0x3060;
	s16 =	simm.s32 $0x0;
	v14 =	vimm.f32 $0.0e+00;
	vm6 =	vle.f32 v15, $9.999999930e-09;
	v15 =	vimm.f32 $0.0e+00  }
.LBB2_91:
0x50d: {  	v22 =	vld [tilespmem:s17+$0x10];
	v23 =	vsel vm5, $0x3F800000, v0;
	vm4 =	vmand vm4, vm6;
	v18 =	vand.u32 $0x7FFFFFFF, v18  }
0x50e: {  	v11 =	vadd.f32 v21, v11;
	s15 =	sadd.s32 $0x40, s15;
	v24 =	vld [tilespmem:s17+$0x0];
	v21 =	vsel vm4, $0x3F800000, v0;
	vm4 =	vle.f32 v18, $9.999999930e-09  }
0x50f: {  	v14 =	vadd.f32 v23, v14;
	v18 =	vld [tilespmem:s15+$0x10];
	v15 =	vadd.f32 v21, v15;
	vm3 =	vmand vm3, vm4  }
0x510: {  	v11 =	vadd.f32 v17, v11;
	v21 =	vld [tilespmem:s17+$0xFFFFFFF0];
	v17 =	vsel vm3, $0x3F800000, v0;
	vm3 =	vle.f32 v20, $9.999999930e-09  }
0x511: {  	v14 =	vadd.f32 v19, v14;
	v20 =	vld [tilespmem:s15+$0x0];
	v15 =	vadd.f32 v17, v15;
	vm1 =	vmand vm1, vm3  }
0x512: {  	v11 =	vadd.f32 v12, v11;
	v17 =	vld [tilespmem:s17+$0xFFFFFFE0];
	v12 =	vsel vm1, $0x3F800000, v0;
	vm1 =	vle.f32 v16, $9.999999930e-09  }
0x513: {  	v13 =	vadd.f32 v13, v14;
	v16 =	vld [tilespmem:s15+$0xFFFFFFF0];
	v12 =	vadd.f32 v12, v15;
	vm0 =	vmand vm0, vm1  }
0x514: {  	v11 =	vadd.f32 v10, v11;
	v10 =	vsel vm2, $0x3F800000, v0;
	v19 =	vld [tilespmem:s15+$0xFFFFFFE0];
	v15 =	vsel vm0, $0x3F800000, v0  }
0x515: {  	v14 =	vadd.f32 v10, v13;
	v15 =	vadd.f32 v15, v12  }
0x516: {  	s16 =	sadd.s32 $0x4, s16;
	vm0 =	vgt.s32 v22, v8;
	vm2 =	vlt.f32 v18, v9  }
0x517: {  	p0 =	slt.u32 s16, $0xFC;
	vm1 =	vgt.s32 v24, v8;
	v22 =	vsub.f32 v18, v9;
	vm5 =	vlt.f32 v20, v9  }
0x518: {  	vm3 =	vgt.s32 v21, v8;
	v20 =	vsub.f32 v20, v9;
	vm6 =	vlt.f32 v16, v9  }
0x519: {  	vm4 =	vgt.s32 v17, v8;
	v18 =	vsub.f32 v16, v9;
	vm7 =	vlt.f32 v19, v9  }
.Ltmp49:
0x51a: {  	v10 =	vsel vm0, $0x3F800000, v0;
	vm2 =	vmand vm0, vm2;
	v13 =	vsub.f32 v19, v9;
	(pc) =	sbr.rel @p0 .LBB2_91-.Ltmp49, $4  }
0x51b: {  	v12 =	vsel vm1, $0x3F800000, v0;
	v17 =	vsel vm3, $0x3F800000, v0;
	vm8 =	vmand vm1, vm5  }
0x51c: {  	v21 =	vsel vm4, $0x3F800000, v0;
	vm5 =	vmand vm4, vm7;
	vm7 =	vmand vm3, vm6  }
0x51d: {  	v16 =	vand.u32 $0x7FFFFFFF, v22;
	v19 =	vand.u32 $0x7FFFFFFF, v13;
	v13 =	vsel vm8, $0x3F800000, v0  }
0x51e: {  	s17 =	sadd.s32 $0x40, s17;
	v20 =	vand.u32 $0x7FFFFFFF, v20;
	vm6 =	vle.f32 v19, $9.999999930e-09;
	v19 =	vsel vm7, $0x3F800000, v0  }
0x51f: {  	v8 =	vsel vm5, $0x3F800000, v0;
	vm4 =	vmand vm4, vm6  }
0x520: {  	v9 =	vand.u32 $0x7FFFFFFF, v18;
	v11 =	vadd.f32 v21, v11;
	vm14 =	vle.f32 v20, $9.999999930e-09  }
0x521: {  	v58 =	vsel vm4, $0x3F800000, v0;
	vm13 =	vle.f32 v9, $9.999999930e-09;
	v8 =	vadd.f32 v8, v14  }
0x522: {  	v59 =	vadd.f32 v58, v15;
	vm3 =	vmand vm3, vm13;
	v11 =	vadd.f32 v17, v11  }
0x523: {  	vm15 =	vle.f32 v16, $9.999999930e-09;
	v60 =	vsel vm3, $0x3F800000, v0;
	v8 =	vadd.f32 v19, v8  }
0x524: {  	vm1 =	vmand vm1, vm14;
	v9 =	vadd.f32 v60, v59;
	v11 =	vadd.f32 v12, v11  }
0x525: {  	v62 =	vsel vm2, $0x3F800000, v0;
	v61 =	vsel vm1, $0x3F800000, v0;
	v8 =	vadd.f32 v13, v8  }
0x526: {  	vm0 =	vmand vm0, vm15;
	v9 =	vadd.f32 v61, v9;
	v10 =	vadd.f32 v10, v11  }
0x527: {  	v63 =	vsel vm0, $0x3F800000, v0;
	v8 =	vadd.f32 v62, v8  }
0x528: {  	v9 =	vadd.f32 v63, v9;
	v4 =	vadd.f32 v4, v10  }
0x529: {  	v3 =	vadd.f32 v3, v8  }
0x52a: {  	[tilespmem:$0x4000] =	vst v4;
	v2 =	vadd.f32 v2, v9  }
0x52b: {  	[tilespmem:$0x4080] =	vst v3  }
0x52c: {  	[tilespmem:$0x4100] =	vst v2  }
.LBB2_93:
0x52d: {  	(v2sf) =	vpush v7, $0x6;
	_ =	sdelay $0xe  }
0x52e: {  	s15 =	spop (v2sf)  }
0x52f: {  	p0 =	slt.s32 s15, $0x1  }
.Ltmp50:
0x530: {  	_ = 	snop;
	(pc) =	sbr.rel @p0 .LBB2_97-.Ltmp50, $1  }
0x531: {  	_ =	sdelay $0x3  }
0x532: {  	s16 =	simm.s32 $0x3020  }
0x533: {  	v10 =	vld [tilespmem:s16+$0x10]  }
0x534: {  	s15 =	simm.s32 $0x2020;
	v12 =	vld [tilespmem:s16+$0x0]  }
0x535: {  	v13 =	vld [tilespmem:s15+$0x10]  }
0x536: {  	v14 =	vld [tilespmem:s16+$0xFFFFFFF0]  }
0x537: {  	v15 =	vld [tilespmem:s15+$0x0]  }
0x538: {  	v16 =	vld [tilespmem:s16+$0xFFFFFFE0]  }
0x539: {  	v17 =	vld [tilespmem:s15+$0xFFFFFFF0]  }
0x53a: {  	v8 =	vbroadcast v5, $0x6;
	v19 =	vld [tilespmem:s15+$0xFFFFFFE0]  }
0x53b: {  	v9 =	vbroadcast v6, $0x6  }
0x53c: {  	v11 =	vimm.f32 $0.0e+00;
	vm0 =	vgt.s32 v10, v8  }
0x53d: {  	vm2 =	vlt.f32 v13, v9;
	vm1 =	vgt.s32 v12, v8;
	vm5 =	vlt.f32 v15, v9  }
0x53e: {  	v20 =	vsub.f32 v13, v9;
	vm3 =	vgt.s32 v14, v8;
	vm6 =	vlt.f32 v17, v9  }
0x53f: {  	v14 =	vsub.f32 v15, v9;
	vm4 =	vgt.s32 v16, v8;
	vm7 =	vlt.f32 v19, v9  }
0x540: {  	v18 =	vsub.f32 v17, v9;
	v13 =	vsub.f32 v19, v9;
	v10 =	vsel vm0, $0x3F800000, v0  }
0x541: {  	vm2 =	vmand vm0, vm2;
	v17 =	vsel vm3, $0x3F800000, v0;
	v12 =	vsel vm1, $0x3F800000, v0  }
0x542: {  	vm8 =	vmand vm1, vm5;
	v21 =	vsel vm4, $0x3F800000, v0;
	vm5 =	vmand vm4, vm7  }
0x543: {  	vm7 =	vmand vm3, vm6;
	v15 =	vand.u32 $0x7FFFFFFF, v13;
	v13 =	vsel vm8, $0x3F800000, v0  }
0x544: {  	v16 =	vand.u32 $0x7FFFFFFF, v20;
	v19 =	vsel vm7, $0x3F800000, v0;
	v20 =	vand.u32 $0x7FFFFFFF, v14  }
0x545: {  	s17 =	simm.s32 $0x3060;
	s16 =	simm.s32 $0x0;
	v14 =	vimm.f32 $0.0e+00;
	vm6 =	vle.f32 v15, $9.999999930e-09;
	v15 =	vimm.f32 $0.0e+00  }
.LBB2_95:
0x546: {  	v22 =	vld [tilespmem:s17+$0x10];
	v23 =	vsel vm5, $0x3F800000, v0;
	vm4 =	vmand vm4, vm6;
	v18 =	vand.u32 $0x7FFFFFFF, v18  }
0x547: {  	v11 =	vadd.f32 v21, v11;
	s15 =	sadd.s32 $0x40, s15;
	v24 =	vld [tilespmem:s17+$0x0];
	v21 =	vsel vm4, $0x3F800000, v0;
	vm4 =	vle.f32 v18, $9.999999930e-09  }
0x548: {  	v14 =	vadd.f32 v23, v14;
	v18 =	vld [tilespmem:s15+$0x10];
	v15 =	vadd.f32 v21, v15;
	vm3 =	vmand vm3, vm4  }
0x549: {  	v11 =	vadd.f32 v17, v11;
	v21 =	vld [tilespmem:s17+$0xFFFFFFF0];
	v17 =	vsel vm3, $0x3F800000, v0;
	vm3 =	vle.f32 v20, $9.999999930e-09  }
0x54a: {  	v14 =	vadd.f32 v19, v14;
	v20 =	vld [tilespmem:s15+$0x0];
	v15 =	vadd.f32 v17, v15;
	vm1 =	vmand vm1, vm3  }
0x54b: {  	v11 =	vadd.f32 v12, v11;
	v17 =	vld [tilespmem:s17+$0xFFFFFFE0];
	v12 =	vsel vm1, $0x3F800000, v0;
	vm1 =	vle.f32 v16, $9.999999930e-09  }
0x54c: {  	v13 =	vadd.f32 v13, v14;
	v16 =	vld [tilespmem:s15+$0xFFFFFFF0];
	v12 =	vadd.f32 v12, v15;
	vm0 =	vmand vm0, vm1  }
0x54d: {  	v11 =	vadd.f32 v10, v11;
	v10 =	vsel vm2, $0x3F800000, v0;
	v19 =	vld [tilespmem:s15+$0xFFFFFFE0];
	v15 =	vsel vm0, $0x3F800000, v0  }
0x54e: {  	v14 =	vadd.f32 v10, v13;
	v15 =	vadd.f32 v15, v12  }
0x54f: {  	s16 =	sadd.s32 $0x4, s16;
	vm0 =	vgt.s32 v22, v8;
	vm2 =	vlt.f32 v18, v9  }
0x550: {  	p0 =	slt.u32 s16, $0xFC;
	vm1 =	vgt.s32 v24, v8;
	v22 =	vsub.f32 v18, v9;
	vm5 =	vlt.f32 v20, v9  }
0x551: {  	vm3 =	vgt.s32 v21, v8;
	v20 =	vsub.f32 v20, v9;
	vm6 =	vlt.f32 v16, v9  }
0x552: {  	vm4 =	vgt.s32 v17, v8;
	v18 =	vsub.f32 v16, v9;
	vm7 =	vlt.f32 v19, v9  }
.Ltmp51:
0x553: {  	v10 =	vsel vm0, $0x3F800000, v0;
	vm2 =	vmand vm0, vm2;
	v13 =	vsub.f32 v19, v9;
	(pc) =	sbr.rel @p0 .LBB2_95-.Ltmp51, $4  }
0x554: {  	v12 =	vsel vm1, $0x3F800000, v0;
	v17 =	vsel vm3, $0x3F800000, v0;
	vm8 =	vmand vm1, vm5  }
0x555: {  	v21 =	vsel vm4, $0x3F800000, v0;
	vm5 =	vmand vm4, vm7;
	vm7 =	vmand vm3, vm6  }
0x556: {  	v16 =	vand.u32 $0x7FFFFFFF, v22;
	v19 =	vand.u32 $0x7FFFFFFF, v13;
	v13 =	vsel vm8, $0x3F800000, v0  }
0x557: {  	s17 =	sadd.s32 $0x40, s17;
	v20 =	vand.u32 $0x7FFFFFFF, v20;
	vm6 =	vle.f32 v19, $9.999999930e-09;
	v19 =	vsel vm7, $0x3F800000, v0  }
0x558: {  	v8 =	vsel vm5, $0x3F800000, v0;
	vm4 =	vmand vm4, vm6  }
0x559: {  	v9 =	vand.u32 $0x7FFFFFFF, v18;
	v11 =	vadd.f32 v21, v11;
	vm14 =	vle.f32 v20, $9.999999930e-09  }
0x55a: {  	v58 =	vsel vm4, $0x3F800000, v0;
	vm13 =	vle.f32 v9, $9.999999930e-09;
	v8 =	vadd.f32 v8, v14  }
0x55b: {  	v59 =	vadd.f32 v58, v15;
	vm3 =	vmand vm3, vm13;
	v11 =	vadd.f32 v17, v11  }
0x55c: {  	vm15 =	vle.f32 v16, $9.999999930e-09;
	v60 =	vsel vm3, $0x3F800000, v0;
	v8 =	vadd.f32 v19, v8  }
0x55d: {  	vm1 =	vmand vm1, vm14;
	v9 =	vadd.f32 v60, v59;
	v11 =	vadd.f32 v12, v11  }
0x55e: {  	v62 =	vsel vm2, $0x3F800000, v0;
	v61 =	vsel vm1, $0x3F800000, v0;
	v8 =	vadd.f32 v13, v8  }
0x55f: {  	vm0 =	vmand vm0, vm15;
	v9 =	vadd.f32 v61, v9;
	v10 =	vadd.f32 v10, v11  }
0x560: {  	v63 =	vsel vm0, $0x3F800000, v0;
	v8 =	vadd.f32 v62, v8  }
0x561: {  	v9 =	vadd.f32 v63, v9;
	v4 =	vadd.f32 v4, v10  }
0x562: {  	v3 =	vadd.f32 v3, v8  }
0x563: {  	[tilespmem:$0x4000] =	vst v4;
	v2 =	vadd.f32 v2, v9  }
0x564: {  	[tilespmem:$0x4080] =	vst v3  }
0x565: {  	[tilespmem:$0x4100] =	vst v2  }
.LBB2_97:
0x566: {  	(v2sf) =	vpush v7, $0x7;
	_ =	sdelay $0xe  }
0x567: {  	s15 =	spop (v2sf)  }
0x568: {  	p0 =	slt.s32 s15, $0x1  }
.Ltmp52:
0x569: {  	_ = 	snop;
	(pc) =	sbr.rel @p0 .LBB2_101-.Ltmp52, $1  }
0x56a: {  	_ =	sdelay $0x3  }
0x56b: {  	s16 =	simm.s32 $0x3020  }
0x56c: {  	v7 =	vld [tilespmem:s16+$0x10]  }
0x56d: {  	s15 =	simm.s32 $0x2020;
	v9 =	vld [tilespmem:s16+$0x0]  }
0x56e: {  	v10 =	vld [tilespmem:s15+$0x10]  }
0x56f: {  	v11 =	vld [tilespmem:s16+$0xFFFFFFF0]  }
0x570: {  	v12 =	vld [tilespmem:s15+$0x0]  }
0x571: {  	v13 =	vld [tilespmem:s16+$0xFFFFFFE0]  }
0x572: {  	v14 =	vld [tilespmem:s15+$0xFFFFFFF0]  }
0x573: {  	v5 =	vbroadcast v5, $0x7;
	v16 =	vld [tilespmem:s15+$0xFFFFFFE0]  }
0x574: {  	v6 =	vbroadcast v6, $0x7  }
0x575: {  	v8 =	vimm.f32 $0.0e+00;
	vm0 =	vgt.s32 v7, v5  }
0x576: {  	vm2 =	vlt.f32 v10, v6;
	vm1 =	vgt.s32 v9, v5;
	vm5 =	vlt.f32 v12, v6  }
0x577: {  	v17 =	vsub.f32 v10, v6;
	vm3 =	vgt.s32 v11, v5;
	vm6 =	vlt.f32 v14, v6  }
0x578: {  	v11 =	vsub.f32 v12, v6;
	vm4 =	vgt.s32 v13, v5;
	vm7 =	vlt.f32 v16, v6  }
0x579: {  	v15 =	vsub.f32 v14, v6;
	v10 =	vsub.f32 v16, v6;
	v7 =	vsel vm0, $0x3F800000, v0  }
0x57a: {  	vm2 =	vmand vm0, vm2;
	v14 =	vsel vm3, $0x3F800000, v0;
	v9 =	vsel vm1, $0x3F800000, v0  }
0x57b: {  	vm8 =	vmand vm1, vm5;
	v18 =	vsel vm4, $0x3F800000, v0;
	vm5 =	vmand vm4, vm7  }
0x57c: {  	vm7 =	vmand vm3, vm6;
	v12 =	vand.u32 $0x7FFFFFFF, v10;
	v10 =	vsel vm8, $0x3F800000, v0  }
0x57d: {  	v13 =	vand.u32 $0x7FFFFFFF, v17;
	v16 =	vsel vm7, $0x3F800000, v0;
	v17 =	vand.u32 $0x7FFFFFFF, v11  }
0x57e: {  	s17 =	simm.s32 $0x3060;
	s16 =	simm.s32 $0x0;
	v11 =	vimm.f32 $0.0e+00;
	vm6 =	vle.f32 v12, $9.999999930e-09;
	v12 =	vimm.f32 $0.0e+00  }
.LBB2_99:
0x57f: {  	v19 =	vld [tilespmem:s17+$0x10];
	v20 =	vsel vm5, $0x3F800000, v0;
	vm4 =	vmand vm4, vm6;
	v15 =	vand.u32 $0x7FFFFFFF, v15  }
0x580: {  	v8 =	vadd.f32 v18, v8;
	s15 =	sadd.s32 $0x40, s15;
	v21 =	vld [tilespmem:s17+$0x0];
	v18 =	vsel vm4, $0x3F800000, v0;
	vm4 =	vle.f32 v15, $9.999999930e-09  }
0x581: {  	v11 =	vadd.f32 v20, v11;
	v15 =	vld [tilespmem:s15+$0x10];
	v12 =	vadd.f32 v18, v12;
	vm3 =	vmand vm3, vm4  }
0x582: {  	v8 =	vadd.f32 v14, v8;
	v18 =	vld [tilespmem:s17+$0xFFFFFFF0];
	v14 =	vsel vm3, $0x3F800000, v0;
	vm3 =	vle.f32 v17, $9.999999930e-09  }
0x583: {  	v11 =	vadd.f32 v16, v11;
	v17 =	vld [tilespmem:s15+$0x0];
	v12 =	vadd.f32 v14, v12;
	vm1 =	vmand vm1, vm3  }
0x584: {  	v8 =	vadd.f32 v9, v8;
	v14 =	vld [tilespmem:s17+$0xFFFFFFE0];
	v9 =	vsel vm1, $0x3F800000, v0;
	vm1 =	vle.f32 v13, $9.999999930e-09  }
0x585: {  	v10 =	vadd.f32 v10, v11;
	v13 =	vld [tilespmem:s15+$0xFFFFFFF0];
	v9 =	vadd.f32 v9, v12;
	vm0 =	vmand vm0, vm1  }
0x586: {  	v8 =	vadd.f32 v7, v8;
	v7 =	vsel vm2, $0x3F800000, v0;
	v16 =	vld [tilespmem:s15+$0xFFFFFFE0];
	v12 =	vsel vm0, $0x3F800000, v0  }
0x587: {  	v11 =	vadd.f32 v7, v10;
	v12 =	vadd.f32 v12, v9  }
0x588: {  	s16 =	sadd.s32 $0x4, s16;
	vm0 =	vgt.s32 v19, v5;
	vm2 =	vlt.f32 v15, v6  }
0x589: {  	p0 =	slt.u32 s16, $0xFC;
	vm1 =	vgt.s32 v21, v5;
	v19 =	vsub.f32 v15, v6;
	vm5 =	vlt.f32 v17, v6  }
0x58a: {  	vm3 =	vgt.s32 v18, v5;
	v17 =	vsub.f32 v17, v6;
	vm6 =	vlt.f32 v13, v6  }
0x58b: {  	vm4 =	vgt.s32 v14, v5;
	v15 =	vsub.f32 v13, v6;
	vm7 =	vlt.f32 v16, v6  }
.Ltmp53:
0x58c: {  	v7 =	vsel vm0, $0x3F800000, v0;
	vm2 =	vmand vm0, vm2;
	v10 =	vsub.f32 v16, v6;
	(pc) =	sbr.rel @p0 .LBB2_99-.Ltmp53, $4  }
0x58d: {  	v9 =	vsel vm1, $0x3F800000, v0;
	v14 =	vsel vm3, $0x3F800000, v0;
	vm8 =	vmand vm1, vm5  }
0x58e: {  	v18 =	vsel vm4, $0x3F800000, v0;
	vm5 =	vmand vm4, vm7;
	vm7 =	vmand vm3, vm6  }
0x58f: {  	v13 =	vand.u32 $0x7FFFFFFF, v19;
	v16 =	vand.u32 $0x7FFFFFFF, v10;
	v10 =	vsel vm8, $0x3F800000, v0  }
0x590: {  	s17 =	sadd.s32 $0x40, s17;
	v17 =	vand.u32 $0x7FFFFFFF, v17;
	vm6 =	vle.f32 v16, $9.999999930e-09;
	v16 =	vsel vm7, $0x3F800000, v0  }
0x591: {  	v5 =	vsel vm5, $0x3F800000, v0;
	vm4 =	vmand vm4, vm6  }
0x592: {  	v6 =	vand.u32 $0x7FFFFFFF, v15;
	v8 =	vadd.f32 v18, v8;
	vm14 =	vle.f32 v17, $9.999999930e-09  }
0x593: {  	v58 =	vsel vm4, $0x3F800000, v0;
	vm13 =	vle.f32 v6, $9.999999930e-09;
	v5 =	vadd.f32 v5, v11  }
0x594: {  	v59 =	vadd.f32 v58, v12;
	vm3 =	vmand vm3, vm13;
	v8 =	vadd.f32 v14, v8  }
0x595: {  	vm15 =	vle.f32 v13, $9.999999930e-09;
	v60 =	vsel vm3, $0x3F800000, v0;
	v5 =	vadd.f32 v16, v5  }
0x596: {  	vm1 =	vmand vm1, vm14;
	v6 =	vadd.f32 v60, v59;
	v8 =	vadd.f32 v9, v8  }
0x597: {  	v62 =	vsel vm2, $0x3F800000, v0;
	v61 =	vsel vm1, $0x3F800000, v0;
	v5 =	vadd.f32 v10, v5  }
0x598: {  	vm0 =	vmand vm0, vm15;
	v6 =	vadd.f32 v61, v6;
	v7 =	vadd.f32 v7, v8  }
0x599: {  	v63 =	vsel vm0, $0x3F800000, v0;
	v5 =	vadd.f32 v62, v5  }
.Ltmp54:
0x59a: {  	v6 =	vadd.f32 v63, v6;
	v4 =	vadd.f32 v4, v7;
	(pc) =	sbr.rel .LBB2_101-.Ltmp54, $4  }
0x59b: {  	v3 =	vadd.f32 v3, v5  }
0x59c: {  	[tilespmem:$0x4000] =	vst v4;
	v2 =	vadd.f32 v2, v6  }
0x59d: {  	[tilespmem:$0x4080] =	vst v3  }
0x59e: {  	[tilespmem:$0x4100] =	vst v2  }
.LBB2_102:
0x59f: {  	_ =	sfence.sel $0x180000  }
0x5a0: {  	[bflag:$0x0] =	sbarrier.arrive $0xFFFF  }
0x5a1: {  	p0 =	sne.s32 s3, $0x0;
	_ =	strace $0x90000047  }
0x5a2: {  	s0 =	sadd.s32 @!p0 $0x100000, s0;
	[bflag:$0x2] =	sbarrier.arrive $0xFFFF  }
0x5a3: {  	[sflag:s0] =	ssyncadd.tile.s32 @!p0 $0x1;
	_ =	shalt  }
.Lfunc_end2:
_tile_overlayer_lowered:
.L_overlay_start_2:
0x5a4: {  	(tag) =	ssettag $0x2  }
0x5a5: {  	s0 =	rddreg [dreg:$0x0];
	s2 =	stileid.u32  }
0x5a6: {  	s1 =	rddreg [dreg:$0x1];
	p0 =	sne.s32 s2, $0x0  }
0x5a7: {  	s3 =	rddreg [dreg:$0x2];
	[bflag:$0x3] =	sbarrier.arrive $0xFFFF;
	s2 =	simm.s32 @!p0 $0x1C01  }
0x5a8: {  	[timem:s3], [sflag:s2] =	dma.local @!p0 [hbm:s0], s1  }
0x5a9: {  	s0 =	simm.s32 @!p0 $0x1  }
0x5aa: {  	_ =	swait.ge @!p0 [sflag:s0], s1  }
0x5ab: {  	s1 =	ssub.s32 @!p0 $0x0, s1;
	[sflag:s0] =	ssyncset.done @!p0 $0x0  }
0x5ac: {  	[sflag:s0] =	ssyncadd.s32 @!p0 s1  }
0x5ad: {  	[bflag:$0x3] =	sbarrier.arrive $0xFFFF  }
0x5ae: {  	_ =	shalt  }

</sc_bundles>
